<compile_context>
chip_gen: v7x
topology: tpu7x:2x2x1
jax: 0.10.2.dev20260603
libtpu: 0.0.44.dev20260713+nightly
codegen_flags: <defaults>
</compile_context>

<pallas_src>
import functools

import jax
import jax.numpy as jnp
from jax import lax
from jax.experimental import pallas as pl
from jax.experimental.pallas import tpu as pltpu
from jax.experimental.pallas import tpu_sc as plsc

_N = 10000
_E = 320000
_D = 128
_HD = 64
_EPS = 1e-5

_NC = 2
_NS = 16
_NW = _NC * _NS
_EPW = _E // _NW
_CH = 80
_NCHUNK = _EPW // _CH
_NP = 10240
_RPT = _NP // _NS

_NB = 10
_BLK = _N // _NB

_SC_PARAMS = pltpu.CompilerParams(use_tc_tiling_on_sc=False)



def _sc_edge_film(xlA, xlB, gbA, gbB, src3, dst3, zeros64, zeros16,
                  with_count):
    mesh = plsc.VectorSubcoreMesh(core_axis_name="c", subcore_axis_name="s")
    outs = [jax.ShapeDtypeStruct((_NC, _NP, _HD), jnp.float32),
            jax.ShapeDtypeStruct((_NC, _NP, _HD), jnp.float32)]
    scratch = [
        pltpu.VMEM((_NCHUNK, _CH), jnp.int32),
        pltpu.VMEM((_NCHUNK, _CH), jnp.int32),
        pltpu.VMEM((2, _CH, _HD), jnp.float32),
        pltpu.VMEM((2, _CH, 2 * _HD), jnp.float32),
        pltpu.VMEM((2, _CH, _HD), jnp.float32),
        pltpu.VMEM_SHARED((_NP, _HD), jnp.float32),
        pltpu.SemaphoreType.DMA,
        pltpu.SemaphoreType.DMA,
        pltpu.SemaphoreType.DMA,
        pltpu.SemaphoreType.DMA,
        pltpu.SemaphoreType.DMA,
        pltpu.SemaphoreType.DMA,
    ]
    args = [xlA, xlB, gbA, gbB, src3, dst3, zeros64]
    if with_count:
        outs.append(jax.ShapeDtypeStruct((_NC, _NP, 16), jnp.float32))
        scratch += [
            pltpu.VMEM((_CH, 16), jnp.float32),
            pltpu.VMEM_SHARED((_NP, 16), jnp.float32),
            pltpu.SemaphoreType.DMA,
            pltpu.SemaphoreType.DMA,
        ]
        args.append(zeros16)

    @functools.partial(
        pl.kernel,
        out_type=tuple(outs),
        mesh=mesh,
        compiler_params=_SC_PARAMS,
        scratch_types=scratch,
    )
    def k(*refs):
        if with_count:
            (xlA_hbm, xlB_hbm, gbA_hbm, gbB_hbm, src_hbm, dst_hbm,
             zeros_hbm, zeros16_hbm, outA_hbm, outB_hbm, cnt_hbm,
             src_v, dst_v, xs_v, gb_v, msg_v, acc_sh,
             sx0, sx1, sg0, sg1, ss0, ss1, ones_v, cnt_sh, sc0, sc1) = refs
            sem_cnt = (sc0, sc1)
        else:
            (xlA_hbm, xlB_hbm, gbA_hbm, gbB_hbm, src_hbm, dst_hbm,
             zeros_hbm, outA_hbm, outB_hbm,
             src_v, dst_v, xs_v, gb_v, msg_v, acc_sh,
             sx0, sx1, sg0, sg1, ss0, ss1) = refs
        sem_xs = (sx0, sx1)
        sem_gb = (sg0, sg1)
        sem_sc = (ss0, ss1)
        c = lax.axis_index("c")
        s = lax.axis_index("s")
        wid = c * _NS + s
        pltpu.sync_copy(src_hbm.at[wid], src_v)
        pltpu.sync_copy(dst_hbm.at[wid], dst_v)
        if with_count:
            pltpu.sync_copy(zeros16_hbm, cnt_sh.at[pl.ds(s * _RPT, _RPT)])
            one0 = jnp.maximum(
                1.0 - lax.iota(jnp.int32, 16).astype(jnp.float32), 0.0)

            def fill(e, carry):
                ones_v[e, pl.ds(0, 16)] = one0
                return carry

            lax.fori_loop(0, _CH, fill, 0)

        for half, xl_hbm, gb_hbm, out_hbm in (
                (0, xlA_hbm, gbA_hbm, outA_hbm),
                (1, xlB_hbm, gbB_hbm, outB_hbm)):
            count = with_count and half == 0
            pltpu.sync_copy(zeros_hbm, acc_sh.at[pl.ds(s * _RPT, _RPT)])
            plsc.subcore_barrier()

            def issue_gathers(j, b):
                pltpu.async_copy(xl_hbm.at[src_v.at[j]], xs_v.at[b],
                                 sem_xs[b])
                pltpu.async_copy(gb_hbm.at[dst_v.at[j]], gb_v.at[b],
                                 sem_gb[b])

            issue_gathers(0, 0)
            issue_gathers(1, 1)
            n_grp = (_NCHUNK + 1) // 2

            def group(jj, carry):
                for b in range(2):
                    j = jj * 2 + b

                    @pl.when(j < _NCHUNK)
                    def _():
                        pltpu.make_async_copy(
                            xl_hbm.at[src_v.at[j]], xs_v.at[b],
                            sem_xs[b]).wait()
                        pltpu.make_async_copy(
                            gb_hbm.at[dst_v.at[j]], gb_v.at[b],
                            sem_gb[b]).wait()

                        @pl.when(j >= 2)
                        def _():
                            pltpu.make_async_copy(
                                msg_v.at[b], acc_sh.at[dst_v.at[j - 2]],
                                sem_sc[b]).wait()
                            if count:
                                pltpu.make_async_copy(
                                    ones_v, cnt_sh.at[dst_v.at[j - 2]],
                                    sem_cnt[b]).wait()

                        @plsc.parallel_loop(0, _CH, 1, unroll=4)
                        def _edge(e):
                            for cc in range(_HD // 16):
                                g = gb_v[b, e, pl.ds(cc * 16, 16)]
                                bb = gb_v[b, e, pl.ds(_HD + cc * 16, 16)]
                                xv = xs_v[b, e, pl.ds(cc * 16, 16)]
                                msg_v[b, e, pl.ds(cc * 16, 16)] = jnp.maximum(
                                    g * xv + bb, 0.0)

                        @pl.when(j + 2 < _NCHUNK)
                        def _():
                            issue_gathers(j + 2, b)

                        pltpu.async_copy(msg_v.at[b], acc_sh.at[dst_v.at[j]],
                                         sem_sc[b], add=True)
                        if count:
                            pltpu.async_copy(ones_v, cnt_sh.at[dst_v.at[j]],
                                             sem_cnt[b], add=True)
                return carry

            lax.fori_loop(0, n_grp, group, 0)
            pltpu.make_async_copy(
                msg_v.at[0], acc_sh.at[dst_v.at[_NCHUNK - 1]],
                sem_sc[0]).wait()
            pltpu.make_async_copy(
                msg_v.at[1], acc_sh.at[dst_v.at[_NCHUNK - 2]],
                sem_sc[1]).wait()
            if count:
                pltpu.make_async_copy(
                    ones_v, cnt_sh.at[dst_v.at[_NCHUNK - 1]],
                    sem_cnt[0]).wait()
                pltpu.make_async_copy(
                    ones_v, cnt_sh.at[dst_v.at[_NCHUNK - 2]],
                    sem_cnt[1]).wait()
            plsc.subcore_barrier()
            pltpu.sync_copy(acc_sh.at[pl.ds(s * _RPT, _RPT)],
                            out_hbm.at[c, pl.ds(s * _RPT, _RPT)])
            if count:
                pltpu.sync_copy(cnt_sh.at[pl.ds(s * _RPT, _RPT)],
                                cnt_hbm.at[c, pl.ds(s * _RPT, _RPT)])

    return k(*args)


def _sc_edge_sum(xl, src3, dst3, zeros):
    mesh = plsc.VectorSubcoreMesh(core_axis_name="c", subcore_axis_name="s")

    @functools.partial(
        pl.kernel,
        out_type=jax.ShapeDtypeStruct((_NC, _NP, _D), jnp.float32),
        mesh=mesh,
        compiler_params=_SC_PARAMS,
        scratch_types=[
            pltpu.VMEM((_NCHUNK, _CH), jnp.int32),
            pltpu.VMEM((_NCHUNK, _CH), jnp.int32),
            pltpu.VMEM((2, _CH, _D), jnp.float32),
            pltpu.VMEM_SHARED((_NP, _D), jnp.float32),
            pltpu.SemaphoreType.DMA,
            pltpu.SemaphoreType.DMA,
            pltpu.SemaphoreType.DMA,
            pltpu.SemaphoreType.DMA,
        ],
    )
    def k(xl_hbm, src_hbm, dst_hbm, zeros_hbm, out_hbm,
          src_v, dst_v, xs_v, acc_sh, sg0, sg1, ss0, ss1):
        sem_g = (sg0, sg1)
        sem_s = (ss0, ss1)
        c = lax.axis_index("c")
        s = lax.axis_index("s")
        wid = c * _NS + s
        pltpu.sync_copy(zeros_hbm, acc_sh.at[pl.ds(s * _RPT, _RPT)])
        pltpu.sync_copy(src_hbm.at[wid], src_v)
        pltpu.sync_copy(dst_hbm.at[wid], dst_v)
        plsc.subcore_barrier()

        pltpu.async_copy(xl_hbm.at[src_v.at[0]], xs_v.at[0], sem_g[0])
        n_grp = (_NCHUNK + 1) // 2

        def group(jj, carry):
            for b in range(2):
                j = jj * 2 + b

                @pl.when(j < _NCHUNK)
                def _():
                    pltpu.make_async_copy(
                        xl_hbm.at[src_v.at[j]], xs_v.at[b], sem_g[b]).wait()
                    pltpu.async_copy(xs_v.at[b], acc_sh.at[dst_v.at[j]],
                                     sem_s[b], add=True)

                    @pl.when(j + 1 < _NCHUNK)
                    def _():
                        @pl.when(j >= 1)
                        def _():
                            pltpu.make_async_copy(
                                xs_v.at[1 - b], acc_sh.at[dst_v.at[j - 1]],
                                sem_s[1 - b]).wait()

                        pltpu.async_copy(xl_hbm.at[src_v.at[j + 1]],
                                         xs_v.at[1 - b], sem_g[1 - b])
            return carry

        lax.fori_loop(0, n_grp, group, 0)
        pltpu.make_async_copy(
            xs_v.at[0], acc_sh.at[dst_v.at[_NCHUNK - 1]], sem_s[0]).wait()
        pltpu.make_async_copy(
            xs_v.at[1], acc_sh.at[dst_v.at[_NCHUNK - 2]], sem_s[1]).wait()
        plsc.subcore_barrier()
        pltpu.sync_copy(acc_sh.at[pl.ds(s * _RPT, _RPT)],
                        out_hbm.at[c, pl.ds(s * _RPT, _RPT)])

    return k(xl, src3, dst3, zeros)



def _dense(h, Wcat, bfilm, stats, bn_g, bn_b, act, split):
    with_bn = stats is not None
    args = [h, Wcat, bfilm.reshape(1, 2 * _D)]
    in_specs = [
        pl.BlockSpec((_BLK, _D), lambda i: (i, 0)),
        pl.BlockSpec((_D, 6 * _D), lambda i: (0, 0)),
        pl.BlockSpec((1, 2 * _D), lambda i: (0, 0)),
    ]
    if with_bn:
        args += [stats, bn_g.reshape(1, _D), bn_b.reshape(1, _D)]
        in_specs += [
            pl.BlockSpec((8, _D), lambda i: (0, 0)),
            pl.BlockSpec((1, _D), lambda i: (0, 0)),
            pl.BlockSpec((1, _D), lambda i: (0, 0)),
        ]

    def body(*refs):
        if with_bn:
            h_ref, w_ref, bf_ref, st_ref, g_ref, b_ref = refs[:6]
            o_refs = refs[6:]
            m = st_ref[0, :] * (1.0 / _N)
            ex2 = st_ref[1, :] * (1.0 / _N)
            rstd = lax.rsqrt(jnp.maximum(ex2 - m * m, 0.0) + _EPS)
            sc = rstd * g_ref[0, :]
            hb = (h_ref[...] - m[None, :]) * sc[None, :] + b_ref[0, :][None, :]
        else:
            h_ref, w_ref, bf_ref = refs[:3]
            o_refs = refs[3:]
            hb = h_ref[...]
        z = jnp.dot(hb, w_ref[...], preferred_element_type=jnp.float32)
        beta = z[:, _D:2 * _D] + bf_ref[0, :_D][None, :]
        gamma = z[:, 2 * _D:3 * _D] + bf_ref[0, _D:][None, :]
        sk = z[:, 5 * _D:6 * _D] * z[:, 3 * _D:4 * _D] + z[:, 4 * _D:5 * _D]
        if act:
            sk = jnp.maximum(sk, 0.0)
        if split:
            xla_ref, xlb_ref, gba_ref, gbb_ref, sk_ref = o_refs
            xla_ref[...] = z[:, :_HD]
            xlb_ref[...] = z[:, _HD:_D]
            gba_ref[...] = jnp.concatenate(
                [gamma[:, :_HD], beta[:, :_HD]], axis=1)
            gbb_ref[...] = jnp.concatenate(
                [gamma[:, _HD:], beta[:, _HD:]], axis=1)
        else:
            xl_ref, gb_ref, sk_ref = o_refs
            xl_ref[...] = z[:, :_D]
            gb_ref[...] = jnp.concatenate([gamma, beta], axis=1)
        sk_ref[...] = sk

    if split:
        out_specs = [
            pl.BlockSpec((_BLK, _HD), lambda i: (i, 0)),
            pl.BlockSpec((_BLK, _HD), lambda i: (i, 0)),
            pl.BlockSpec((_BLK, 2 * _HD), lambda i: (i, 0)),
            pl.BlockSpec((_BLK, 2 * _HD), lambda i: (i, 0)),
            pl.BlockSpec((_BLK, _D), lambda i: (i, 0)),
        ]
        out_shape = [
            jax.ShapeDtypeStruct((_N, _HD), jnp.float32),
            jax.ShapeDtypeStruct((_N, _HD), jnp.float32),
            jax.ShapeDtypeStruct((_N, 2 * _HD), jnp.float32),
            jax.ShapeDtypeStruct((_N, 2 * _HD), jnp.float32),
            jax.ShapeDtypeStruct((_N, _D), jnp.float32),
        ]
    else:
        out_specs = [
            pl.BlockSpec((_BLK, _D), lambda i: (i, 0)),
            pl.BlockSpec((_BLK, 2 * _D), lambda i: (i, 0)),
            pl.BlockSpec((_BLK, _D), lambda i: (i, 0)),
        ]
        out_shape = [
            jax.ShapeDtypeStruct((_N, _D), jnp.float32),
            jax.ShapeDtypeStruct((_N, 2 * _D), jnp.float32),
            jax.ShapeDtypeStruct((_N, _D), jnp.float32),
        ]

    return pl.pallas_call(
        body,
        grid=(_NB,),
        in_specs=in_specs,
        out_specs=out_specs,
        out_shape=out_shape,
        compiler_params=pltpu.CompilerParams(
            dimension_semantics=("arbitrary",)),
    )(*args)


def _combine(skip, scA, scB, cnt_sc, cnt2):
    first = cnt2 is None
    args = [skip, scA, scB, cnt_sc] if first else [skip, scA, scB, cnt2]
    in_specs = [
        pl.BlockSpec((_BLK, _D), lambda i: (i, 0)),
        pl.BlockSpec((2, _BLK, _HD), lambda i: (0, i, 0)),
        pl.BlockSpec((2, _BLK, _HD), lambda i: (0, i, 0)),
    ]
    if first:
        in_specs.append(pl.BlockSpec((2, _BLK, 16), lambda i: (0, i, 0)))
    else:
        in_specs.append(pl.BlockSpec((_BLK, _D), lambda i: (i, 0)))

    def body(*refs):
        if first:
            sk_ref, sa_ref, sb_ref, csc_ref, y_ref, cnt_ref, st_ref, acc = refs
        else:
            sk_ref, sa_ref, sb_ref, cin_ref, y_ref, st_ref, acc = refs
        i = pl.program_id(0)
        msum = jnp.concatenate(
            [sa_ref[0, :, :] + sa_ref[1, :, :],
             sb_ref[0, :, :] + sb_ref[1, :, :]], axis=1)
        if first:
            cnt = csc_ref[0, :, 0] + csc_ref[1, :, 0]
            cnt2b = jnp.broadcast_to(cnt[:, None], (_BLK, _D))
            cnt_ref[...] = cnt2b
        else:
            cnt2b = cin_ref[...]
        y = sk_ref[...] + msum / jnp.maximum(cnt2b, 1.0)
        y_ref[...] = y

        @pl.when(i == 0)
        def _():
            acc[...] = jnp.zeros_like(acc)

        acc[0:1, :] += jnp.sum(y, axis=0)[None, :]
        acc[1:2, :] += jnp.sum(y * y, axis=0)[None, :]

        @pl.when(i == _NB - 1)
        def _():
            st_ref[...] = acc[...]

    out_specs = [pl.BlockSpec((_BLK, _D), lambda i: (i, 0))]
    out_shape = [jax.ShapeDtypeStruct((_N, _D), jnp.float32)]
    if first:
        out_specs.append(pl.BlockSpec((_BLK, _D), lambda i: (i, 0)))
        out_shape.append(jax.ShapeDtypeStruct((_N, _D), jnp.float32))
    out_specs.append(pl.BlockSpec((8, _D), lambda i: (0, 0)))
    out_shape.append(jax.ShapeDtypeStruct((8, _D), jnp.float32))

    return pl.pallas_call(
        body,
        grid=(_NB,),
        in_specs=in_specs,
        out_specs=out_specs,
        out_shape=out_shape,
        scratch_shapes=[pltpu.VMEM((8, _D), jnp.float32)],
        compiler_params=pltpu.CompilerParams(
            dimension_semantics=("arbitrary",)),
    )(*args)


def _final(skip, sc_acc, gb, cnt2):

    def body(sk_ref, sc_ref, gb_ref, cnt_ref, o_ref):
        S = sc_ref[0, :, :] + sc_ref[1, :, :]
        cnt = cnt_ref[...]
        gamma = gb_ref[:, :_D]
        beta = gb_ref[:, _D:]
        o_ref[...] = (sk_ref[...] + gamma * S / jnp.maximum(cnt, 1.0)
                      + beta * (cnt > 0.0).astype(jnp.float32))

    return pl.pallas_call(
        body,
        grid=(_NB,),
        in_specs=[
            pl.BlockSpec((_BLK, _D), lambda i: (i, 0)),
            pl.BlockSpec((2, _BLK, _D), lambda i: (0, i, 0)),
            pl.BlockSpec((_BLK, 2 * _D), lambda i: (i, 0)),
            pl.BlockSpec((_BLK, _D), lambda i: (i, 0)),
        ],
        out_specs=pl.BlockSpec((_BLK, _D), lambda i: (i, 0)),
        out_shape=jax.ShapeDtypeStruct((_N, _D), jnp.float32),
        compiler_params=pltpu.CompilerParams(
            dimension_semantics=("arbitrary",)),
    )(skip, sc_acc, gb, cnt2)



def _film_edges(xlA, xlB, gbA, gbB, src3, dst3, z64, z16, with_count):
    return _sc_edge_film(xlA, xlB, gbA, gbB, src3, dst3, z64, z16,
                         with_count)


def kernel(x, edge_index, W0_lin, W0_film, b0_film, W0_skip, W0_fskip,
           W1_lin, W1_film, b1_film, W1_skip, W1_fskip,
           W2_lin, W2_film, b2_film, W2_skip, W2_fskip,
           bn0_g, bn0_b, bn1_g, bn1_b):
    src3 = edge_index[0].reshape(_NW, _NCHUNK, _CH)
    dst3 = edge_index[1].reshape(_NW, _NCHUNK, _CH)
    z128 = jnp.zeros((_RPT, _D), jnp.float32)
    z64 = jnp.zeros((_RPT, _HD), jnp.float32)
    z16 = jnp.zeros((_RPT, 16), jnp.float32)
    Wcat0 = jnp.concatenate([W0_lin, W0_film, W0_skip, W0_fskip], axis=1)
    Wcat1 = jnp.concatenate([W1_lin, W1_film, W1_skip, W1_fskip], axis=1)
    Wcat2 = jnp.concatenate([W2_lin, W2_film, W2_skip, W2_fskip], axis=1)

    xlA0, xlB0, gbA0, gbB0, skip0 = _dense(
        x, Wcat0, b0_film, None, None, None, act=True, split=True)
    scA0, scB0, cnt_sc = _film_edges(
        xlA0, xlB0, gbA0, gbB0, src3, dst3, z64, z16, with_count=True)
    y0, cnt2, stats0 = _combine(skip0, scA0, scB0, cnt_sc, None)
    xlA1, xlB1, gbA1, gbB1, skip1 = _dense(
        y0, Wcat1, b1_film, stats0, bn0_g, bn0_b, act=True, split=True)

    scA1, scB1 = _film_edges(
        xlA1, xlB1, gbA1, gbB1, src3, dst3, z64, None, with_count=False)
    y1, stats1 = _combine(skip1, scA1, scB1, None, cnt2)
    xl2, gb2, skip2 = _dense(
        y1, Wcat2, b2_film, stats1, bn1_g, bn1_b, act=False, split=False)

    sc2 = _sc_edge_sum(xl2, src3, dst3, z128)
    return _final(skip2, sc2, gb2, cnt2)

# --- scband reference (transcript-rebuilt; emitter-appended) ---
"""Pipeline reference for scband-net-9929964388375 (READ-ONLY COPY).

The authoritative reference and input builder live on the scoring server;
editing this copy changes nothing except your own understanding.
"""

import jax, jax.numpy as jnp
import numpy as np

N = 10000
E = 320000
D_IN = 128
D_H = 128
D_OUT = 128
EPS = 1e-5


def _film_conv(x, Wlin, Wfilm, bfilm, Wskip, Wfskip, src, dst, act):
    n = x.shape[0]
    # skip connection: beta, gamma = film_skip(x).split(out_channels)
    beta_s, gamma_s = jnp.split(x @ Wfskip, 2, axis=-1)
    out = gamma_s * (x @ Wskip) + beta_s
    if act:
        out = jax.nn.relu(out)
    # relation 0 FiLM conditioning computed on destination nodes
    beta, gamma = jnp.split(x @ Wfilm + bfilm, 2, axis=-1)
    xl = x @ Wlin
    msg = gamma[dst] * xl[src] + beta[dst]
    if act:
        msg = jax.nn.relu(msg)
    # mean aggregation at destination nodes
    s = jax.ops.segment_sum(msg, dst, num_segments=n)
    cnt = jax.ops.segment_sum(jnp.ones((dst.shape[0],), msg.dtype), dst, num_segments=n)
    return out + s / jnp.clip(cnt, 1.0)[:, None]


def _bn(x, g, b):
    # BatchNorm1d in training mode (fresh torch module default): batch stats, biased var
    m = x.mean(axis=0)
    v = x.var(axis=0)
    return (x - m) / jnp.sqrt(v + EPS) * g + b


def setup_inputs(seed: int = 0):
    key = jax.random.key(seed)
    ks = jax.random.split(key, 32)
    inp = {}
    inp["x"] = jax.random.normal(ks[0], (N, D_IN), dtype=jnp.float32)
    inp["edge_index"] = jax.random.randint(ks[1], (2, E), 0, N, dtype=jnp.int32)
    dims = [(D_IN, D_H), (D_H, D_H), (D_H, D_OUT)]
    ki = 2
    for l, (di, do) in enumerate(dims):
        sc = 1.0 / np.sqrt(di)
        inp[f"W{l}_lin"] = jax.random.uniform(ks[ki], (di, do), jnp.float32, -sc, sc); ki += 1
        inp[f"W{l}_film"] = jax.random.uniform(ks[ki], (di, 2 * do), jnp.float32, -sc, sc); ki += 1
        inp[f"b{l}_film"] = jax.random.uniform(ks[ki], (2 * do,), jnp.float32, -sc, sc); ki += 1
        inp[f"W{l}_skip"] = jax.random.uniform(ks[ki], (di, do), jnp.float32, -sc, sc); ki += 1
        inp[f"W{l}_fskip"] = jax.random.uniform(ks[ki], (di, 2 * do), jnp.float32, -sc, sc); ki += 1
    for l in range(2):
        inp[f"bn{l}_g"] = jnp.ones((D_H,), jnp.float32)
        inp[f"bn{l}_b"] = jnp.zeros((D_H,), jnp.float32)
    return inp


def reference(x, edge_index, W0_lin, W0_film, b0_film, W0_skip, W0_fskip,
              W1_lin, W1_film, b1_film, W1_skip, W1_fskip,
              W2_lin, W2_film, b2_film, W2_skip, W2_fskip,
              bn0_g, bn0_b, bn1_g, bn1_b):
    src = edge_index[0]
    dst = edge_index[1]
    h = _film_conv(x, W0_lin, W0_film, b0_film, W0_skip, W0_fskip, src, dst, True)
    h = _bn(h, bn0_g, bn0_b)
    # dropout p=0.0 -> identity
    h = _film_conv(h, W1_lin, W1_film, b1_film, W1_skip, W1_fskip, src, dst, True)
    h = _bn(h, bn1_g, bn1_b)
    h = _film_conv(h, W2_lin, W2_film, b2_film, W2_skip, W2_fskip, src, dst, False)
    return h

if __name__ == "__main__":
    import jax
    _d = setup_inputs()
    print(jax.jit(kernel)(*tuple(_d.values())))

</pallas_src>

<mosaic_0001>
#map = affine_map<(d0, d1) -> (0, 0)>
#map1 = affine_map<(d0, d1) -> (0, 0, 0)>
module attributes {stable_mosaic.version = 14 : i64} {
  func.func @k(%arg0: i32, %arg1: i32, %arg2: memref<10000x64xf32, #tpu.memory_space<hbm>>, %arg3: memref<10000x64xf32, #tpu.memory_space<hbm>>, %arg4: memref<10000x128xf32, #tpu.memory_space<hbm>>, %arg5: memref<10000x128xf32, #tpu.memory_space<hbm>>, %arg6: memref<32x125x80xi32, #tpu.memory_space<hbm>>, %arg7: memref<32x125x80xi32, #tpu.memory_space<hbm>>, %arg8: memref<640x64xf32, #tpu.memory_space<hbm>>, %arg9: memref<640x16xf32, #tpu.memory_space<hbm>>, %arg10: memref<2x10240x64xf32, #tpu.memory_space<hbm>>, %arg11: memref<2x10240x64xf32, #tpu.memory_space<hbm>>, %arg12: memref<2x10240x16xf32, #tpu.memory_space<hbm>>, %arg13: memref<125x80xi32, #tpu.memory_space<vmem>>, %arg14: memref<125x80xi32, #tpu.memory_space<vmem>>, %arg15: memref<2x80x64xf32, #tpu.memory_space<vmem>>, %arg16: memref<2x80x128xf32, #tpu.memory_space<vmem>>, %arg17: memref<2x80x64xf32, #tpu.memory_space<vmem>>, %arg18: memref<10240x64xf32, #tpu.memory_space<vmem_shared>>, %arg19: memref<!tpu.dma_semaphore, #tpu.memory_space<semaphore_mem>>, %arg20: memref<!tpu.dma_semaphore, #tpu.memory_space<semaphore_mem>>, %arg21: memref<!tpu.dma_semaphore, #tpu.memory_space<semaphore_mem>>, %arg22: memref<!tpu.dma_semaphore, #tpu.memory_space<semaphore_mem>>, %arg23: memref<!tpu.dma_semaphore, #tpu.memory_space<semaphore_mem>>, %arg24: memref<!tpu.dma_semaphore, #tpu.memory_space<semaphore_mem>>, %arg25: memref<80x16xf32, #tpu.memory_space<vmem>>, %arg26: memref<10240x16xf32, #tpu.memory_space<vmem_shared>>, %arg27: memref<!tpu.dma_semaphore, #tpu.memory_space<semaphore_mem>>, %arg28: memref<!tpu.dma_semaphore, #tpu.memory_space<semaphore_mem>>) attributes {dimension_semantics = [#tpu.dimension_semantics<core_parallel>, #tpu.dimension_semantics<subcore_parallel>], iteration_bounds = array<i64: 2, 16>, scalar_prefetch = 0 : i64, scratch_operands = 16 : i64, tpu.core_type = #tpu.core_type<sc_vector_subcore>, window_params = [{transform_indices = #map}, {transform_indices = #map}, {transform_indices = #map}, {transform_indices = #map}, {transform_indices = #map1}, {transform_indices = #map1}, {transform_indices = #map}, {transform_indices = #map}, {transform_indices = #map1}, {transform_indices = #map1}, {transform_indices = #map1}]} {
    %mul3A = arith.constant 16 : i32
    %mul3A_0 = arith.muli %arg0, %mul3A : i32
    %add3A = arith.addi %mul3A_0, %arg1 : i32
    "tpu.region"() ({
      %run_scoped3A = tpu.sem_alloc : memref<!tpu.dma_semaphore, #tpu.memory_space<semaphore_mem>>
      %dma_start3A_199 = arith.constant 0 : i32
      %dma_start3A_200 = arith.constant 0 : i32
      %dma_start3A_201 = tpu.memref_slice %arg6[%add3A, %dma_start3A_199, %dma_start3A_200] : memref<32x125x80xi32, #tpu.memory_space<hbm>> -> memref<1x125x80xi32, #tpu.memory_space<hbm>>
      %dma_start3A_202 = tpu.memref_squeeze %dma_start3A_201 : memref<1x125x80xi32, #tpu.memory_space<hbm>> -> memref<125x80xi32, #tpu.memory_space<hbm>>
      %dma_start3A_203 = arith.constant 0 : i32
      %dma_start3A_204 = arith.constant 0 : i32
      %dma_start3A_205 = tpu.memref_slice %arg6[%add3A, %dma_start3A_203, %dma_start3A_204] : memref<32x125x80xi32, #tpu.memory_space<hbm>> -> memref<1x125x80xi32, #tpu.memory_space<hbm>>
      %dma_start3A_206 = tpu.memref_squeeze %dma_start3A_205 : memref<1x125x80xi32, #tpu.memory_space<hbm>> -> memref<125x80xi32, #tpu.memory_space<hbm>>
      tpu.enqueue_dma source(%dma_start3A_206 : memref<125x80xi32, #tpu.memory_space<hbm>>) target(%arg13 : memref<125x80xi32, #tpu.memory_space<vmem>>) target_semaphore(%run_scoped3A : memref<!tpu.dma_semaphore, #tpu.memory_space<semaphore_mem>>)
      %dma_wait3A_207 = arith.constant 0 : i32
      %dma_wait3A_208 = arith.constant 0 : i32
      %dma_wait3A_209 = tpu.memref_slice %arg6[%add3A, %dma_wait3A_207, %dma_wait3A_208] : memref<32x125x80xi32, #tpu.memory_space<hbm>> -> memref<1x125x80xi32, #tpu.memory_space<hbm>>
      %dma_wait3A_210 = tpu.memref_squeeze %dma_wait3A_209 : memref<1x125x80xi32, #tpu.memory_space<hbm>> -> memref<125x80xi32, #tpu.memory_space<hbm>>
      %dma_wait3A_211 = arith.constant 0 : i32
      %dma_wait3A_212 = arith.constant 0 : i32
      %dma_wait3A_213 = tpu.memref_slice %arg6[%add3A, %dma_wait3A_211, %dma_wait3A_212] : memref<32x125x80xi32, #tpu.memory_space<hbm>> -> memref<1x125x80xi32, #tpu.memory_space<hbm>>
      %dma_wait3A_214 = tpu.memref_squeeze %dma_wait3A_213 : memref<1x125x80xi32, #tpu.memory_space<hbm>> -> memref<125x80xi32, #tpu.memory_space<hbm>>
      tpu.wait_dma2 semaphore(%run_scoped3A : memref<!tpu.dma_semaphore, #tpu.memory_space<semaphore_mem>>) src(%dma_wait3A_214 : memref<125x80xi32, #tpu.memory_space<hbm>>) dst(%arg13 : memref<125x80xi32, #tpu.memory_space<vmem>>)
      tpu.yield
    }) : () -> ()
    "tpu.region"() ({
      %run_scoped3A = tpu.sem_alloc : memref<!tpu.dma_semaphore, #tpu.memory_space<semaphore_mem>>
      %dma_start3A_199 = arith.constant 0 : i32
      %dma_start3A_200 = arith.constant 0 : i32
      %dma_start3A_201 = tpu.memref_slice %arg7[%add3A, %dma_start3A_199, %dma_start3A_200] : memref<32x125x80xi32, #tpu.memory_space<hbm>> -> memref<1x125x80xi32, #tpu.memory_space<hbm>>
      %dma_start3A_202 = tpu.memref_squeeze %dma_start3A_201 : memref<1x125x80xi32, #tpu.memory_space<hbm>> -> memref<125x80xi32, #tpu.memory_space<hbm>>
      %dma_start3A_203 = arith.constant 0 : i32
      %dma_start3A_204 = arith.constant 0 : i32
      %dma_start3A_205 = tpu.memref_slice %arg7[%add3A, %dma_start3A_203, %dma_start3A_204] : memref<32x125x80xi32, #tpu.memory_space<hbm>> -> memref<1x125x80xi32, #tpu.memory_space<hbm>>
      %dma_start3A_206 = tpu.memref_squeeze %dma_start3A_205 : memref<1x125x80xi32, #tpu.memory_space<hbm>> -> memref<125x80xi32, #tpu.memory_space<hbm>>
      tpu.enqueue_dma source(%dma_start3A_206 : memref<125x80xi32, #tpu.memory_space<hbm>>) target(%arg14 : memref<125x80xi32, #tpu.memory_space<vmem>>) target_semaphore(%run_scoped3A : memref<!tpu.dma_semaphore, #tpu.memory_space<semaphore_mem>>)
      %dma_wait3A_207 = arith.constant 0 : i32
      %dma_wait3A_208 = arith.constant 0 : i32
      %dma_wait3A_209 = tpu.memref_slice %arg7[%add3A, %dma_wait3A_207, %dma_wait3A_208] : memref<32x125x80xi32, #tpu.memory_space<hbm>> -> memref<1x125x80xi32, #tpu.memory_space<hbm>>
      %dma_wait3A_210 = tpu.memref_squeeze %dma_wait3A_209 : memref<1x125x80xi32, #tpu.memory_space<hbm>> -> memref<125x80xi32, #tpu.memory_space<hbm>>
      %dma_wait3A_211 = arith.constant 0 : i32
      %dma_wait3A_212 = arith.constant 0 : i32
      %dma_wait3A_213 = tpu.memref_slice %arg7[%add3A, %dma_wait3A_211, %dma_wait3A_212] : memref<32x125x80xi32, #tpu.memory_space<hbm>> -> memref<1x125x80xi32, #tpu.memory_space<hbm>>
      %dma_wait3A_214 = tpu.memref_squeeze %dma_wait3A_213 : memref<1x125x80xi32, #tpu.memory_space<hbm>> -> memref<125x80xi32, #tpu.memory_space<hbm>>
      tpu.wait_dma2 semaphore(%run_scoped3A : memref<!tpu.dma_semaphore, #tpu.memory_space<semaphore_mem>>) src(%dma_wait3A_214 : memref<125x80xi32, #tpu.memory_space<hbm>>) dst(%arg14 : memref<125x80xi32, #tpu.memory_space<vmem>>)
      tpu.yield
    }) : () -> ()
    %mul3A_1 = arith.constant 640 : i32
    %mul3A_2 = arith.muli %arg1, %mul3A_1 : i32
    "tpu.region"() ({
      %run_scoped3A = tpu.sem_alloc : memref<!tpu.dma_semaphore, #tpu.memory_space<semaphore_mem>>
      %dma_start3A_199 = arith.constant 0 : i32
      %dma_start3A_200 = tpu.memref_slice %arg26[%mul3A_2, %dma_start3A_199] : memref<10240x16xf32, #tpu.memory_space<vmem_shared>> -> memref<640x16xf32, #tpu.memory_space<vmem_shared>>
      tpu.enqueue_dma source(%arg9 : memref<640x16xf32, #tpu.memory_space<hbm>>) target(%dma_start3A_200 : memref<640x16xf32, #tpu.memory_space<vmem_shared>>) target_semaphore(%run_scoped3A : memref<!tpu.dma_semaphore, #tpu.memory_space<semaphore_mem>>)
      %dma_wait3A_201 = arith.constant 0 : i32
      %dma_wait3A_202 = tpu.memref_slice %arg26[%mul3A_2, %dma_wait3A_201] : memref<10240x16xf32, #tpu.memory_space<vmem_shared>> -> memref<640x16xf32, #tpu.memory_space<vmem_shared>>
      tpu.wait_dma2 semaphore(%run_scoped3A : memref<!tpu.dma_semaphore, #tpu.memory_space<semaphore_mem>>) src(%arg9 : memref<640x16xf32, #tpu.memory_space<hbm>>) dst(%dma_wait3A_202 : memref<640x16xf32, #tpu.memory_space<vmem_shared>>)
      tpu.yield
    }) : () -> ()
    %iota3A = tpu.iota {dimensions = array<i32: 0>} : vector<16xi32>
    %convert_element_type3A = arith.sitofp %iota3A : vector<16xi32> to vector<16xf32>
    %sub3A = arith.constant 1.000000e+00 : f32
    %sub3A_3 = vector.broadcast %sub3A : f32 to vector<16xf32>
    %sub3A_4 = arith.subf %sub3A_3, %convert_element_type3A : vector<16xf32>
    %max3A = arith.constant 0.000000e+00 : f32
    %max3A_5 = vector.broadcast %max3A : f32 to vector<16xf32>
    %max3A_6 = arith.maximumf %sub3A_4, %max3A_5 : vector<16xf32>
    %scan3A = arith.constant 0 : i32
    %scan3A_7 = arith.constant 0 : i32
    %scan3A_8 = arith.constant 80 : i32
    %scan3A_9 = arith.addi %scan3A_7, %scan3A_8 : i32
    %scan3A_10 = arith.constant 1 : i32
    scf.for %scan3A_199 = %scan3A_7 to %scan3A_9 step %scan3A_10  : i32 {
      %swap3A = arith.index_cast %scan3A_199 : i32 to index
      %swap3A_200 = arith.constant 0 : index
      %swap3A_201 = tpu.vector_load %arg25[%swap3A, %swap3A_200] {strides = array<i32>} : memref<80x16xf32, #tpu.memory_space<vmem>>, vector<1x16xf32>,
      %swap3A_202 = vector.shape_cast %swap3A_201 : vector<1x16xf32> to vector<16xf32>
      %swap3A_203 = vector.shape_cast %max3A_6 : vector<16xf32> to vector<1x16xf32>
      tpu.vector_store %arg25[%swap3A, %swap3A_200], %swap3A_203 {strides = array<i32>} : memref<80x16xf32, #tpu.memory_space<vmem>>, vector<1x16xf32>,
    }
    %scan3A_11 = arith.constant 80 : i32
    %mul3A_12 = arith.constant 640 : i32
    %mul3A_13 = arith.muli %arg1, %mul3A_12 : i32
    "tpu.region"() ({
      %run_scoped3A = tpu.sem_alloc : memref<!tpu.dma_semaphore, #tpu.memory_space<semaphore_mem>>
      %dma_start3A_199 = arith.constant 0 : i32
      %dma_start3A_200 = tpu.memref_slice %arg18[%mul3A_13, %dma_start3A_199] : memref<10240x64xf32, #tpu.memory_space<vmem_shared>> -> memref<640x64xf32, #tpu.memory_space<vmem_shared>>
      tpu.enqueue_dma source(%arg8 : memref<640x64xf32, #tpu.memory_space<hbm>>) target(%dma_start3A_200 : memref<640x64xf32, #tpu.memory_space<vmem_shared>>) target_semaphore(%run_scoped3A : memref<!tpu.dma_semaphore, #tpu.memory_space<semaphore_mem>>)
      %dma_wait3A_201 = arith.constant 0 : i32
      %dma_wait3A_202 = tpu.memref_slice %arg18[%mul3A_13, %dma_wait3A_201] : memref<10240x64xf32, #tpu.memory_space<vmem_shared>> -> memref<640x64xf32, #tpu.memory_space<vmem_shared>>
      tpu.wait_dma2 semaphore(%run_scoped3A : memref<!tpu.dma_semaphore, #tpu.memory_space<semaphore_mem>>) src(%arg8 : memref<640x64xf32, #tpu.memory_space<hbm>>) dst(%dma_wait3A_202 : memref<640x64xf32, #tpu.memory_space<vmem_shared>>)
      tpu.yield
    }) : () -> ()
    %barrier3A = arith.constant 0 : index
    tpu.barrier barrier_id(%barrier3A)
    %dma_start3A = arith.constant 0 : i32
    %dma_start3A_14 = arith.constant 0 : i32
    %dma_start3A_15 = arith.constant 0 : i32
    %dma_start3A_16 = arith.constant 0 : i32
    %dma_start3A_17 = tpu.memref_slice %arg15[%dma_start3A_14, %dma_start3A_15, %dma_start3A_16] : memref<2x80x64xf32, #tpu.memory_space<vmem>> -> memref<1x80x64xf32, #tpu.memory_space<vmem>>
    %dma_start3A_18 = tpu.memref_squeeze %dma_start3A_17 : memref<1x80x64xf32, #tpu.memory_space<vmem>> -> memref<80x64xf32, #tpu.memory_space<vmem>>
    %dma_start3A_19 = arith.constant 0 : i32
    %dma_start3A_20 = tpu.memref_slice %arg13[%dma_start3A, %dma_start3A_19] : memref<125x80xi32, #tpu.memory_space<vmem>> -> memref<1x80xi32, #tpu.memory_space<vmem>>
    %dma_start3A_21 = tpu.memref_squeeze %dma_start3A_20 : memref<1x80xi32, #tpu.memory_space<vmem>> -> memref<80xi32, #tpu.memory_space<vmem>>
    %dma_start3A_22 = arith.constant 0 : i32
    %dma_start3A_23 = arith.constant 0 : i32
    %dma_start3A_24 = tpu.memref_slice %arg2[%dma_start3A_22, %dma_start3A_23] : memref<10000x64xf32, #tpu.memory_space<hbm>> -> memref<10000x64xf32, #tpu.memory_space<hbm>>
    tpu.enqueue_indirect_dma source(%dma_start3A_24 : memref<10000x64xf32, #tpu.memory_space<hbm>>) target(%dma_start3A_18 : memref<80x64xf32, #tpu.memory_space<vmem>>) offsets(%dma_start3A_21 : memref<80xi32, #tpu.memory_space<vmem>>) semaphore(%arg19 : memref<!tpu.dma_semaphore, #tpu.memory_space<semaphore_mem>>)
    %dma_start3A_25 = arith.constant 0 : i32
    %dma_start3A_26 = arith.constant 0 : i32
    %dma_start3A_27 = arith.constant 0 : i32
    %dma_start3A_28 = arith.constant 0 : i32
    %dma_start3A_29 = tpu.memref_slice %arg16[%dma_start3A_26, %dma_start3A_27, %dma_start3A_28] : memref<2x80x128xf32, #tpu.memory_space<vmem>> -> memref<1x80x128xf32, #tpu.memory_space<vmem>>
    %dma_start3A_30 = tpu.memref_squeeze %dma_start3A_29 : memref<1x80x128xf32, #tpu.memory_space<vmem>> -> memref<80x128xf32, #tpu.memory_space<vmem>>
    %dma_start3A_31 = arith.constant 0 : i32
    %dma_start3A_32 = tpu.memref_slice %arg14[%dma_start3A_25, %dma_start3A_31] : memref<125x80xi32, #tpu.memory_space<vmem>> -> memref<1x80xi32, #tpu.memory_space<vmem>>
    %dma_start3A_33 = tpu.memref_squeeze %dma_start3A_32 : memref<1x80xi32, #tpu.memory_space<vmem>> -> memref<80xi32, #tpu.memory_space<vmem>>
    %dma_start3A_34 = arith.constant 0 : i32
    %dma_start3A_35 = arith.constant 0 : i32
    %dma_start3A_36 = tpu.memref_slice %arg4[%dma_start3A_34, %dma_start3A_35] : memref<10000x128xf32, #tpu.memory_space<hbm>> -> memref<10000x128xf32, #tpu.memory_space<hbm>>
    tpu.enqueue_indirect_dma source(%dma_start3A_36 : memref<10000x128xf32, #tpu.memory_space<hbm>>) target(%dma_start3A_30 : memref<80x128xf32, #tpu.memory_space<vmem>>) offsets(%dma_start3A_33 : memref<80xi32, #tpu.memory_space<vmem>>) semaphore(%arg21 : memref<!tpu.dma_semaphore, #tpu.memory_space<semaphore_mem>>)
    %dma_start3A_37 = arith.constant 1 : i32
    %dma_start3A_38 = arith.constant 1 : i32
    %dma_start3A_39 = arith.constant 0 : i32
    %dma_start3A_40 = arith.constant 0 : i32
    %dma_start3A_41 = tpu.memref_slice %arg15[%dma_start3A_38, %dma_start3A_39, %dma_start3A_40] : memref<2x80x64xf32, #tpu.memory_space<vmem>> -> memref<1x80x64xf32, #tpu.memory_space<vmem>>
    %dma_start3A_42 = tpu.memref_squeeze %dma_start3A_41 : memref<1x80x64xf32, #tpu.memory_space<vmem>> -> memref<80x64xf32, #tpu.memory_space<vmem>>
    %dma_start3A_43 = arith.constant 0 : i32
    %dma_start3A_44 = tpu.memref_slice %arg13[%dma_start3A_37, %dma_start3A_43] : memref<125x80xi32, #tpu.memory_space<vmem>> -> memref<1x80xi32, #tpu.memory_space<vmem>>
    %dma_start3A_45 = tpu.memref_squeeze %dma_start3A_44 : memref<1x80xi32, #tpu.memory_space<vmem>> -> memref<80xi32, #tpu.memory_space<vmem>>
    %dma_start3A_46 = arith.constant 0 : i32
    %dma_start3A_47 = arith.constant 0 : i32
    %dma_start3A_48 = tpu.memref_slice %arg2[%dma_start3A_46, %dma_start3A_47] : memref<10000x64xf32, #tpu.memory_space<hbm>> -> memref<10000x64xf32, #tpu.memory_space<hbm>>
    tpu.enqueue_indirect_dma source(%dma_start3A_48 : memref<10000x64xf32, #tpu.memory_space<hbm>>) target(%dma_start3A_42 : memref<80x64xf32, #tpu.memory_space<vmem>>) offsets(%dma_start3A_45 : memref<80xi32, #tpu.memory_space<vmem>>) semaphore(%arg20 : memref<!tpu.dma_semaphore, #tpu.memory_space<semaphore_mem>>)
    %dma_start3A_49 = arith.constant 1 : i32
    %dma_start3A_50 = arith.constant 1 : i32
    %dma_start3A_51 = arith.constant 0 : i32
    %dma_start3A_52 = arith.constant 0 : i32
    %dma_start3A_53 = tpu.memref_slice %arg16[%dma_start3A_50, %dma_start3A_51, %dma_start3A_52] : memref<2x80x128xf32, #tpu.memory_space<vmem>> -> memref<1x80x128xf32, #tpu.memory_space<vmem>>
    %dma_start3A_54 = tpu.memref_squeeze %dma_start3A_53 : memref<1x80x128xf32, #tpu.memory_space<vmem>> -> memref<80x128xf32, #tpu.memory_space<vmem>>
    %dma_start3A_55 = arith.constant 0 : i32
    %dma_start3A_56 = tpu.memref_slice %arg14[%dma_start3A_49, %dma_start3A_55] : memref<125x80xi32, #tpu.memory_space<vmem>> -> memref<1x80xi32, #tpu.memory_space<vmem>>
    %dma_start3A_57 = tpu.memref_squeeze %dma_start3A_56 : memref<1x80xi32, #tpu.memory_space<vmem>> -> memref<80xi32, #tpu.memory_space<vmem>>
    %dma_start3A_58 = arith.constant 0 : i32
    %dma_start3A_59 = arith.constant 0 : i32
    %dma_start3A_60 = tpu.memref_slice %arg4[%dma_start3A_58, %dma_start3A_59] : memref<10000x128xf32, #tpu.memory_space<hbm>> -> memref<10000x128xf32, #tpu.memory_space<hbm>>
    tpu.enqueue_indirect_dma source(%dma_start3A_60 : memref<10000x128xf32, #tpu.memory_space<hbm>>) target(%dma_start3A_54 : memref<80x128xf32, #tpu.memory_space<vmem>>) offsets(%dma_start3A_57 : memref<80xi32, #tpu.memory_space<vmem>>) semaphore(%arg22 : memref<!tpu.dma_semaphore, #tpu.memory_space<semaphore_mem>>)
    %scan3A_61 = arith.constant 0 : i32
    %scan3A_62 = arith.constant 0 : i32
    %scan3A_63 = arith.constant 63 : i32
    %scan3A_64 = arith.addi %scan3A_62, %scan3A_63 : i32
    %scan3A_65 = arith.constant 1 : i32
    scf.for %scan3A_199 = %scan3A_62 to %scan3A_64 step %scan3A_65  : i32 {
      %mul3A_200 = arith.constant 2 : i32
      %mul3A_201 = arith.muli %scan3A_199, %mul3A_200 : i32
      %add3A_202 = arith.constant 0 : i32
      %add3A_203 = arith.addi %mul3A_201, %add3A_202 : i32
      %lt3A = arith.constant 125 : i32
      %lt3A_204 = arith.cmpi slt, %add3A_203, %lt3A : i32
      %convert_element_type3A_205 = arith.extui %lt3A_204 : i1 to i32
      %cond3A = arith.constant 0 : i32
      %cond3A_206 = arith.cmpi ne, %convert_element_type3A_205, %cond3A : i32
      scf.if %cond3A_206 {
        %dma_wait3A_216 = arith.constant 0 : i32
        %dma_wait3A_217 = arith.constant 0 : i32
        %dma_wait3A_218 = arith.constant 0 : i32
        %dma_wait3A_219 = tpu.memref_slice %arg15[%dma_wait3A_216, %dma_wait3A_217, %dma_wait3A_218] : memref<2x80x64xf32, #tpu.memory_space<vmem>> -> memref<1x80x64xf32, #tpu.memory_space<vmem>>
        %dma_wait3A_220 = tpu.memref_squeeze %dma_wait3A_219 : memref<1x80x64xf32, #tpu.memory_space<vmem>> -> memref<80x64xf32, #tpu.memory_space<vmem>>
        %dma_wait3A_221 = arith.constant 0 : i32
        %dma_wait3A_222 = tpu.memref_slice %arg13[%add3A_203, %dma_wait3A_221] : memref<125x80xi32, #tpu.memory_space<vmem>> -> memref<1x80xi32, #tpu.memory_space<vmem>>
        %dma_wait3A_223 = tpu.memref_squeeze %dma_wait3A_222 : memref<1x80xi32, #tpu.memory_space<vmem>> -> memref<80xi32, #tpu.memory_space<vmem>>
        %dma_wait3A_224 = arith.constant 0 : i32
        %dma_wait3A_225 = arith.constant 0 : i32
        %dma_wait3A_226 = tpu.memref_slice %arg2[%dma_wait3A_224, %dma_wait3A_225] : memref<10000x64xf32, #tpu.memory_space<hbm>> -> memref<10000x64xf32, #tpu.memory_space<hbm>>
        tpu.wait_indirect_dma semaphore(%arg19 : memref<!tpu.dma_semaphore, #tpu.memory_space<semaphore_mem>>) src(%dma_wait3A_226 : memref<10000x64xf32, #tpu.memory_space<hbm>>) dst(%dma_wait3A_220 : memref<80x64xf32, #tpu.memory_space<vmem>>)
        %dma_wait3A_227 = arith.constant 0 : i32
        %dma_wait3A_228 = arith.constant 0 : i32
        %dma_wait3A_229 = arith.constant 0 : i32
        %dma_wait3A_230 = tpu.memref_slice %arg16[%dma_wait3A_227, %dma_wait3A_228, %dma_wait3A_229] : memref<2x80x128xf32, #tpu.memory_space<vmem>> -> memref<1x80x128xf32, #tpu.memory_space<vmem>>
        %dma_wait3A_231 = tpu.memref_squeeze %dma_wait3A_230 : memref<1x80x128xf32, #tpu.memory_space<vmem>> -> memref<80x128xf32, #tpu.memory_space<vmem>>
        %dma_wait3A_232 = arith.constant 0 : i32
        %dma_wait3A_233 = tpu.memref_slice %arg14[%add3A_203, %dma_wait3A_232] : memref<125x80xi32, #tpu.memory_space<vmem>> -> memref<1x80xi32, #tpu.memory_space<vmem>>
        %dma_wait3A_234 = tpu.memref_squeeze %dma_wait3A_233 : memref<1x80xi32, #tpu.memory_space<vmem>> -> memref<80xi32, #tpu.memory_space<vmem>>
        %dma_wait3A_235 = arith.constant 0 : i32
        %dma_wait3A_236 = arith.constant 0 : i32
        %dma_wait3A_237 = tpu.memref_slice %arg4[%dma_wait3A_235, %dma_wait3A_236] : memref<10000x128xf32, #tpu.memory_space<hbm>> -> memref<10000x128xf32, #tpu.memory_space<hbm>>
        tpu.wait_indirect_dma semaphore(%arg21 : memref<!tpu.dma_semaphore, #tpu.memory_space<semaphore_mem>>) src(%dma_wait3A_237 : memref<10000x128xf32, #tpu.memory_space<hbm>>) dst(%dma_wait3A_231 : memref<80x128xf32, #tpu.memory_space<vmem>>)
        %ge3A = arith.constant 2 : i32
        %ge3A_238 = arith.cmpi sge, %add3A_203, %ge3A : i32
        %convert_element_type3A_239 = arith.extui %ge3A_238 : i1 to i32
        %cond3A_240 = arith.constant 0 : i32
        %cond3A_241 = arith.cmpi ne, %convert_element_type3A_239, %cond3A_240 : i32
        scf.if %cond3A_241 {
          %sub3A_268 = arith.constant 2 : i32
          %sub3A_269 = arith.subi %add3A_203, %sub3A_268 : i32
          %dma_wait3A_270 = arith.constant 0 : i32
          %dma_wait3A_271 = arith.constant 0 : i32
          %dma_wait3A_272 = arith.constant 0 : i32
          %dma_wait3A_273 = tpu.memref_slice %arg17[%dma_wait3A_270, %dma_wait3A_271, %dma_wait3A_272] : memref<2x80x64xf32, #tpu.memory_space<vmem>> -> memref<1x80x64xf32, #tpu.memory_space<vmem>>
          %dma_wait3A_274 = tpu.memref_squeeze %dma_wait3A_273 : memref<1x80x64xf32, #tpu.memory_space<vmem>> -> memref<80x64xf32, #tpu.memory_space<vmem>>
          %dma_wait3A_275 = arith.constant 0 : i32
          %dma_wait3A_276 = tpu.memref_slice %arg14[%sub3A_269, %dma_wait3A_275] : memref<125x80xi32, #tpu.memory_space<vmem>> -> memref<1x80xi32, #tpu.memory_space<vmem>>
          %dma_wait3A_277 = tpu.memref_squeeze %dma_wait3A_276 : memref<1x80xi32, #tpu.memory_space<vmem>> -> memref<80xi32, #tpu.memory_space<vmem>>
          %dma_wait3A_278 = arith.constant 0 : i32
          %dma_wait3A_279 = arith.constant 0 : i32
          %dma_wait3A_280 = tpu.memref_slice %arg18[%dma_wait3A_278, %dma_wait3A_279] : memref<10240x64xf32, #tpu.memory_space<vmem_shared>> -> memref<10240x64xf32, #tpu.memory_space<vmem_shared>>
          tpu.wait_indirect_dma semaphore(%arg23 : memref<!tpu.dma_semaphore, #tpu.memory_space<semaphore_mem>>) src(%dma_wait3A_274 : memref<80x64xf32, #tpu.memory_space<vmem>>) dst(%dma_wait3A_280 : memref<10240x64xf32, #tpu.memory_space<vmem_shared>>)
          %sub3A_281 = arith.constant 2 : i32
          %sub3A_282 = arith.subi %add3A_203, %sub3A_281 : i32
          %dma_wait3A_283 = arith.constant 0 : i32
          %dma_wait3A_284 = tpu.memref_slice %arg14[%sub3A_282, %dma_wait3A_283] : memref<125x80xi32, #tpu.memory_space<vmem>> -> memref<1x80xi32, #tpu.memory_space<vmem>>
          %dma_wait3A_285 = tpu.memref_squeeze %dma_wait3A_284 : memref<1x80xi32, #tpu.memory_space<vmem>> -> memref<80xi32, #tpu.memory_space<vmem>>
          %dma_wait3A_286 = arith.constant 0 : i32
          %dma_wait3A_287 = arith.constant 0 : i32
          %dma_wait3A_288 = tpu.memref_slice %arg26[%dma_wait3A_286, %dma_wait3A_287] : memref<10240x16xf32, #tpu.memory_space<vmem_shared>> -> memref<10240x16xf32, #tpu.memory_space<vmem_shared>>
          tpu.wait_indirect_dma semaphore(%arg27 : memref<!tpu.dma_semaphore, #tpu.memory_space<semaphore_mem>>) src(%arg25 : memref<80x16xf32, #tpu.memory_space<vmem>>) dst(%dma_wait3A_288 : memref<10240x16xf32, #tpu.memory_space<vmem_shared>>)
        } else {
        }
        %parallel_loop3A = arith.constant 0 : i32
        %parallel_loop3A_242 = arith.constant 80 : i32
        %parallel_loop3A_243 = arith.constant 1 : i32
        scf.for %parallel_loop3A_268 = %parallel_loop3A to %parallel_loop3A_242 step %parallel_loop3A_243  : i32 {
          %parallel_loop3A_269 = arith.constant 0 : i32
          %parallel_loop3A_270 = arith.index_cast %parallel_loop3A_269 : i32 to index
          %parallel_loop3A_271 = arith.index_cast %parallel_loop3A_268 : i32 to index
          %parallel_loop3A_272 = arith.constant 0 : index
          %parallel_loop3A_273 = tpu.vector_load %arg16[%parallel_loop3A_270, %parallel_loop3A_271, %parallel_loop3A_272] {strides = array<i32>} : memref<2x80x128xf32, #tpu.memory_space<vmem>>, vector<1x1x16xf32>,
          %parallel_loop3A_274 = vector.shape_cast %parallel_loop3A_273 : vector<1x1x16xf32> to vector<16xf32>
          %parallel_loop3A_275 = arith.constant 0 : i32
          %parallel_loop3A_276 = arith.index_cast %parallel_loop3A_275 : i32 to index
          %parallel_loop3A_277 = arith.index_cast %parallel_loop3A_268 : i32 to index
          %parallel_loop3A_278 = arith.constant 64 : index
          %parallel_loop3A_279 = tpu.vector_load %arg16[%parallel_loop3A_276, %parallel_loop3A_277, %parallel_loop3A_278] {strides = array<i32>} : memref<2x80x128xf32, #tpu.memory_space<vmem>>, vector<1x1x16xf32>,
          %parallel_loop3A_280 = vector.shape_cast %parallel_loop3A_279 : vector<1x1x16xf32> to vector<16xf32>
          %parallel_loop3A_281 = arith.constant 0 : i32
          %parallel_loop3A_282 = arith.index_cast %parallel_loop3A_281 : i32 to index
          %parallel_loop3A_283 = arith.index_cast %parallel_loop3A_268 : i32 to index
          %parallel_loop3A_284 = arith.constant 0 : index
          %parallel_loop3A_285 = tpu.vector_load %arg15[%parallel_loop3A_282, %parallel_loop3A_283, %parallel_loop3A_284] {strides = array<i32>} : memref<2x80x64xf32, #tpu.memory_space<vmem>>, vector<1x1x16xf32>,
          %parallel_loop3A_286 = vector.shape_cast %parallel_loop3A_285 : vector<1x1x16xf32> to vector<16xf32>
          %parallel_loop3A_287 = arith.mulf %parallel_loop3A_274, %parallel_loop3A_286 : vector<16xf32>
          %parallel_loop3A_288 = arith.addf %parallel_loop3A_287, %parallel_loop3A_280 : vector<16xf32>
          %parallel_loop3A_289 = arith.constant 0.000000e+00 : f32
          %parallel_loop3A_290 = vector.broadcast %parallel_loop3A_289 : f32 to vector<16xf32>
          %parallel_loop3A_291 = arith.maximumf %parallel_loop3A_288, %parallel_loop3A_290 : vector<16xf32>
          %parallel_loop3A_292 = arith.constant 0 : i32
          %parallel_loop3A_293 = arith.index_cast %parallel_loop3A_292 : i32 to index
          %parallel_loop3A_294 = arith.index_cast %parallel_loop3A_268 : i32 to index
          %parallel_loop3A_295 = arith.constant 0 : index
          %parallel_loop3A_296 = tpu.vector_load %arg17[%parallel_loop3A_293, %parallel_loop3A_294, %parallel_loop3A_295] {strides = array<i32>} : memref<2x80x64xf32, #tpu.memory_space<vmem>>, vector<1x1x16xf32>,
          %parallel_loop3A_297 = vector.shape_cast %parallel_loop3A_296 : vector<1x1x16xf32> to vector<16xf32>
          %parallel_loop3A_298 = vector.shape_cast %parallel_loop3A_291 : vector<16xf32> to vector<1x1x16xf32>
          tpu.vector_store %arg17[%parallel_loop3A_293, %parallel_loop3A_294, %parallel_loop3A_295], %parallel_loop3A_298 {strides = array<i32>} : memref<2x80x64xf32, #tpu.memory_space<vmem>>, vector<1x1x16xf32>,
          %parallel_loop3A_299 = arith.constant 0 : i32
          %parallel_loop3A_300 = arith.index_cast %parallel_loop3A_299 : i32 to index
          %parallel_loop3A_301 = arith.index_cast %parallel_loop3A_268 : i32 to index
          %parallel_loop3A_302 = arith.constant 16 : index
          %parallel_loop3A_303 = tpu.vector_load %arg16[%parallel_loop3A_300, %parallel_loop3A_301, %parallel_loop3A_302] {strides = array<i32>} : memref<2x80x128xf32, #tpu.memory_space<vmem>>, vector<1x1x16xf32>,
          %parallel_loop3A_304 = vector.shape_cast %parallel_loop3A_303 : vector<1x1x16xf32> to vector<16xf32>
          %parallel_loop3A_305 = arith.constant 0 : i32
          %parallel_loop3A_306 = arith.index_cast %parallel_loop3A_305 : i32 to index
          %parallel_loop3A_307 = arith.index_cast %parallel_loop3A_268 : i32 to index
          %parallel_loop3A_308 = arith.constant 80 : index
          %parallel_loop3A_309 = tpu.vector_load %arg16[%parallel_loop3A_306, %parallel_loop3A_307, %parallel_loop3A_308] {strides = array<i32>} : memref<2x80x128xf32, #tpu.memory_space<vmem>>, vector<1x1x16xf32>,
          %parallel_loop3A_310 = vector.shape_cast %parallel_loop3A_309 : vector<1x1x16xf32> to vector<16xf32>
          %parallel_loop3A_311 = arith.constant 0 : i32
          %parallel_loop3A_312 = arith.index_cast %parallel_loop3A_311 : i32 to index
          %parallel_loop3A_313 = arith.index_cast %parallel_loop3A_268 : i32 to index
          %parallel_loop3A_314 = arith.constant 16 : index
          %parallel_loop3A_315 = tpu.vector_load %arg15[%parallel_loop3A_312, %parallel_loop3A_313, %parallel_loop3A_314] {strides = array<i32>} : memref<2x80x64xf32, #tpu.memory_space<vmem>>, vector<1x1x16xf32>,
          %parallel_loop3A_316 = vector.shape_cast %parallel_loop3A_315 : vector<1x1x16xf32> to vector<16xf32>
          %parallel_loop3A_317 = arith.mulf %parallel_loop3A_304, %parallel_loop3A_316 : vector<16xf32>
          %parallel_loop3A_318 = arith.addf %parallel_loop3A_317, %parallel_loop3A_310 : vector<16xf32>
          %parallel_loop3A_319 = arith.constant 0.000000e+00 : f32
          %parallel_loop3A_320 = vector.broadcast %parallel_loop3A_319 : f32 to vector<16xf32>
          %parallel_loop3A_321 = arith.maximumf %parallel_loop3A_318, %parallel_loop3A_320 : vector<16xf32>
          %parallel_loop3A_322 = arith.constant 0 : i32
          %parallel_loop3A_323 = arith.index_cast %parallel_loop3A_322 : i32 to index
          %parallel_loop3A_324 = arith.index_cast %parallel_loop3A_268 : i32 to index
          %parallel_loop3A_325 = arith.constant 16 : index
          %parallel_loop3A_326 = tpu.vector_load %arg17[%parallel_loop3A_323, %parallel_loop3A_324, %parallel_loop3A_325] {strides = array<i32>} : memref<2x80x64xf32, #tpu.memory_space<vmem>>, vector<1x1x16xf32>,
          %parallel_loop3A_327 = vector.shape_cast %parallel_loop3A_326 : vector<1x1x16xf32> to vector<16xf32>
          %parallel_loop3A_328 = vector.shape_cast %parallel_loop3A_321 : vector<16xf32> to vector<1x1x16xf32>
          tpu.vector_store %arg17[%parallel_loop3A_323, %parallel_loop3A_324, %parallel_loop3A_325], %parallel_loop3A_328 {strides = array<i32>} : memref<2x80x64xf32, #tpu.memory_space<vmem>>, vector<1x1x16xf32>,
          %parallel_loop3A_329 = arith.constant 0 : i32
          %parallel_loop3A_330 = arith.index_cast %parallel_loop3A_329 : i32 to index
          %parallel_loop3A_331 = arith.index_cast %parallel_loop3A_268 : i32 to index
          %parallel_loop3A_332 = arith.constant 32 : index
          %parallel_loop3A_333 = tpu.vector_load %arg16[%parallel_loop3A_330, %parallel_loop3A_331, %parallel_loop3A_332] {strides = array<i32>} : memref<2x80x128xf32, #tpu.memory_space<vmem>>, vector<1x1x16xf32>,
          %parallel_loop3A_334 = vector.shape_cast %parallel_loop3A_333 : vector<1x1x16xf32> to vector<16xf32>
          %parallel_loop3A_335 = arith.constant 0 : i32
          %parallel_loop3A_336 = arith.index_cast %parallel_loop3A_335 : i32 to index
          %parallel_loop3A_337 = arith.index_cast %parallel_loop3A_268 : i32 to index
          %parallel_loop3A_338 = arith.constant 96 : index
          %parallel_loop3A_339 = tpu.vector_load %arg16[%parallel_loop3A_336, %parallel_loop3A_337, %parallel_loop3A_338] {strides = array<i32>} : memref<2x80x128xf32, #tpu.memory_space<vmem>>, vector<1x1x16xf32>,
          %parallel_loop3A_340 = vector.shape_cast %parallel_loop3A_339 : vector<1x1x16xf32> to vector<16xf32>
          %parallel_loop3A_341 = arith.constant 0 : i32
          %parallel_loop3A_342 = arith.index_cast %parallel_loop3A_341 : i32 to index
          %parallel_loop3A_343 = arith.index_cast %parallel_loop3A_268 : i32 to index
          %parallel_loop3A_344 = arith.constant 32 : index
          %parallel_loop3A_345 = tpu.vector_load %arg15[%parallel_loop3A_342, %parallel_loop3A_343, %parallel_loop3A_344] {strides = array<i32>} : memref<2x80x64xf32, #tpu.memory_space<vmem>>, vector<1x1x16xf32>,
          %parallel_loop3A_346 = vector.shape_cast %parallel_loop3A_345 : vector<1x1x16xf32> to vector<16xf32>
          %parallel_loop3A_347 = arith.mulf %parallel_loop3A_334, %parallel_loop3A_346 : vector<16xf32>
          %parallel_loop3A_348 = arith.addf %parallel_loop3A_347, %parallel_loop3A_340 : vector<16xf32>
          %parallel_loop3A_349 = arith.constant 0.000000e+00 : f32
          %parallel_loop3A_350 = vector.broadcast %parallel_loop3A_349 : f32 to vector<16xf32>
          %parallel_loop3A_351 = arith.maximumf %parallel_loop3A_348, %parallel_loop3A_350 : vector<16xf32>
          %parallel_loop3A_352 = arith.constant 0 : i32
          %parallel_loop3A_353 = arith.index_cast %parallel_loop3A_352 : i32 to index
          %parallel_loop3A_354 = arith.index_cast %parallel_loop3A_268 : i32 to index
          %parallel_loop3A_355 = arith.constant 32 : index
          %parallel_loop3A_356 = tpu.vector_load %arg17[%parallel_loop3A_353, %parallel_loop3A_354, %parallel_loop3A_355] {strides = array<i32>} : memref<2x80x64xf32, #tpu.memory_space<vmem>>, vector<1x1x16xf32>,
          %parallel_loop3A_357 = vector.shape_cast %parallel_loop3A_356 : vector<1x1x16xf32> to vector<16xf32>
          %parallel_loop3A_358 = vector.shape_cast %parallel_loop3A_351 : vector<16xf32> to vector<1x1x16xf32>
          tpu.vector_store %arg17[%parallel_loop3A_353, %parallel_loop3A_354, %parallel_loop3A_355], %parallel_loop3A_358 {strides = array<i32>} : memref<2x80x64xf32, #tpu.memory_space<vmem>>, vector<1x1x16xf32>,
          %parallel_loop3A_359 = arith.constant 0 : i32
          %parallel_loop3A_360 = arith.index_cast %parallel_loop3A_359 : i32 to index
          %parallel_loop3A_361 = arith.index_cast %parallel_loop3A_268 : i32 to index
          %parallel_loop3A_362 = arith.constant 48 : index
          %parallel_loop3A_363 = tpu.vector_load %arg16[%parallel_loop3A_360, %parallel_loop3A_361, %parallel_loop3A_362] {strides = array<i32>} : memref<2x80x128xf32, #tpu.memory_space<vmem>>, vector<1x1x16xf32>,
          %parallel_loop3A_364 = vector.shape_cast %parallel_loop3A_363 : vector<1x1x16xf32> to vector<16xf32>
          %parallel_loop3A_365 = arith.constant 0 : i32
          %parallel_loop3A_366 = arith.index_cast %parallel_loop3A_365 : i32 to index
          %parallel_loop3A_367 = arith.index_cast %parallel_loop3A_268 : i32 to index
          %parallel_loop3A_368 = arith.constant 112 : index
          %parallel_loop3A_369 = tpu.vector_load %arg16[%parallel_loop3A_366, %parallel_loop3A_367, %parallel_loop3A_368] {strides = array<i32>} : memref<2x80x128xf32, #tpu.memory_space<vmem>>, vector<1x1x16xf32>,
          %parallel_loop3A_370 = vector.shape_cast %parallel_loop3A_369 : vector<1x1x16xf32> to vector<16xf32>
          %parallel_loop3A_371 = arith.constant 0 : i32
          %parallel_loop3A_372 = arith.index_cast %parallel_loop3A_371 : i32 to index
          %parallel_loop3A_373 = arith.index_cast %parallel_loop3A_268 : i32 to index
          %parallel_loop3A_374 = arith.constant 48 : index
          %parallel_loop3A_375 = tpu.vector_load %arg15[%parallel_loop3A_372, %parallel_loop3A_373, %parallel_loop3A_374] {strides = array<i32>} : memref<2x80x64xf32, #tpu.memory_space<vmem>>, vector<1x1x16xf32>,
          %parallel_loop3A_376 = vector.shape_cast %parallel_loop3A_375 : vector<1x1x16xf32> to vector<16xf32>
          %parallel_loop3A_377 = arith.mulf %parallel_loop3A_364, %parallel_loop3A_376 : vector<16xf32>
          %parallel_loop3A_378 = arith.addf %parallel_loop3A_377, %parallel_loop3A_370 : vector<16xf32>
          %parallel_loop3A_379 = arith.constant 0.000000e+00 : f32
          %parallel_loop3A_380 = vector.broadcast %parallel_loop3A_379 : f32 to vector<16xf32>
          %parallel_loop3A_381 = arith.maximumf %parallel_loop3A_378, %parallel_loop3A_380 : vector<16xf32>
          %parallel_loop3A_382 = arith.constant 0 : i32
          %parallel_loop3A_383 = arith.index_cast %parallel_loop3A_382 : i32 to index
          %parallel_loop3A_384 = arith.index_cast %parallel_loop3A_268 : i32 to index
          %parallel_loop3A_385 = arith.constant 48 : index
          %parallel_loop3A_386 = tpu.vector_load %arg17[%parallel_loop3A_383, %parallel_loop3A_384, %parallel_loop3A_385] {strides = array<i32>} : memref<2x80x64xf32, #tpu.memory_space<vmem>>, vector<1x1x16xf32>,
          %parallel_loop3A_387 = vector.shape_cast %parallel_loop3A_386 : vector<1x1x16xf32> to vector<16xf32>
          %parallel_loop3A_388 = vector.shape_cast %parallel_loop3A_381 : vector<16xf32> to vector<1x1x16xf32>
          tpu.vector_store %arg17[%parallel_loop3A_383, %parallel_loop3A_384, %parallel_loop3A_385], %parallel_loop3A_388 {strides = array<i32>} : memref<2x80x64xf32, #tpu.memory_space<vmem>>, vector<1x1x16xf32>,
        } {sc.loop_unroll_factor = 4 : i64, sc.parallel_access}
        %add3A_244 = arith.constant 2 : i32
        %add3A_245 = arith.addi %add3A_203, %add3A_244 : i32
        %lt3A_246 = arith.constant 125 : i32
        %lt3A_247 = arith.cmpi slt, %add3A_245, %lt3A_246 : i32
        %convert_element_type3A_248 = arith.extui %lt3A_247 : i1 to i32
        %cond3A_249 = arith.constant 0 : i32
        %cond3A_250 = arith.cmpi ne, %convert_element_type3A_248, %cond3A_249 : i32
        scf.if %cond3A_250 {
          %add3A_268 = arith.constant 2 : i32
          %add3A_269 = arith.addi %add3A_203, %add3A_268 : i32
          %dma_start3A_270 = arith.constant 0 : i32
          %dma_start3A_271 = arith.constant 0 : i32
          %dma_start3A_272 = arith.constant 0 : i32
          %dma_start3A_273 = tpu.memref_slice %arg15[%dma_start3A_270, %dma_start3A_271, %dma_start3A_272] : memref<2x80x64xf32, #tpu.memory_space<vmem>> -> memref<1x80x64xf32, #tpu.memory_space<vmem>>
          %dma_start3A_274 = tpu.memref_squeeze %dma_start3A_273 : memref<1x80x64xf32, #tpu.memory_space<vmem>> -> memref<80x64xf32, #tpu.memory_space<vmem>>
          %dma_start3A_275 = arith.constant 0 : i32
          %dma_start3A_276 = tpu.memref_slice %arg13[%add3A_269, %dma_start3A_275] : memref<125x80xi32, #tpu.memory_space<vmem>> -> memref<1x80xi32, #tpu.memory_space<vmem>>
          %dma_start3A_277 = tpu.memref_squeeze %dma_start3A_276 : memref<1x80xi32, #tpu.memory_space<vmem>> -> memref<80xi32, #tpu.memory_space<vmem>>
          %dma_start3A_278 = arith.constant 0 : i32
          %dma_start3A_279 = arith.constant 0 : i32
          %dma_start3A_280 = tpu.memref_slice %arg2[%dma_start3A_278, %dma_start3A_279] : memref<10000x64xf32, #tpu.memory_space<hbm>> -> memref<10000x64xf32, #tpu.memory_space<hbm>>
          tpu.enqueue_indirect_dma source(%dma_start3A_280 : memref<10000x64xf32, #tpu.memory_space<hbm>>) target(%dma_start3A_274 : memref<80x64xf32, #tpu.memory_space<vmem>>) offsets(%dma_start3A_277 : memref<80xi32, #tpu.memory_space<vmem>>) semaphore(%arg19 : memref<!tpu.dma_semaphore, #tpu.memory_space<semaphore_mem>>)
          %dma_start3A_281 = arith.constant 0 : i32
          %dma_start3A_282 = arith.constant 0 : i32
          %dma_start3A_283 = arith.constant 0 : i32
          %dma_start3A_284 = tpu.memref_slice %arg16[%dma_start3A_281, %dma_start3A_282, %dma_start3A_283] : memref<2x80x128xf32, #tpu.memory_space<vmem>> -> memref<1x80x128xf32, #tpu.memory_space<vmem>>
          %dma_start3A_285 = tpu.memref_squeeze %dma_start3A_284 : memref<1x80x128xf32, #tpu.memory_space<vmem>> -> memref<80x128xf32, #tpu.memory_space<vmem>>
          %dma_start3A_286 = arith.constant 0 : i32
          %dma_start3A_287 = tpu.memref_slice %arg14[%add3A_269, %dma_start3A_286] : memref<125x80xi32, #tpu.memory_space<vmem>> -> memref<1x80xi32, #tpu.memory_space<vmem>>
          %dma_start3A_288 = tpu.memref_squeeze %dma_start3A_287 : memref<1x80xi32, #tpu.memory_space<vmem>> -> memref<80xi32, #tpu.memory_space<vmem>>
          %dma_start3A_289 = arith.constant 0 : i32
          %dma_start3A_290 = arith.constant 0 : i32
          %dma_start3A_291 = tpu.memref_slice %arg4[%dma_start3A_289, %dma_start3A_290] : memref<10000x128xf32, #tpu.memory_space<hbm>> -> memref<10000x128xf32, #tpu.memory_space<hbm>>
          tpu.enqueue_indirect_dma source(%dma_start3A_291 : memref<10000x128xf32, #tpu.memory_space<hbm>>) target(%dma_start3A_285 : memref<80x128xf32, #tpu.memory_space<vmem>>) offsets(%dma_start3A_288 : memref<80xi32, #tpu.memory_space<vmem>>) semaphore(%arg21 : memref<!tpu.dma_semaphore, #tpu.memory_space<semaphore_mem>>)
        } else {
        }
        %dma_start3A_251 = arith.constant 0 : i32
        %dma_start3A_252 = arith.constant 0 : i32
        %dma_start3A_253 = arith.constant 0 : i32
        %dma_start3A_254 = tpu.memref_slice %arg17[%dma_start3A_251, %dma_start3A_252, %dma_start3A_253] : memref<2x80x64xf32, #tpu.memory_space<vmem>> -> memref<1x80x64xf32, #tpu.memory_space<vmem>>
        %dma_start3A_255 = tpu.memref_squeeze %dma_start3A_254 : memref<1x80x64xf32, #tpu.memory_space<vmem>> -> memref<80x64xf32, #tpu.memory_space<vmem>>
        %dma_start3A_256 = arith.constant 0 : i32
        %dma_start3A_257 = tpu.memref_slice %arg14[%add3A_203, %dma_start3A_256] : memref<125x80xi32, #tpu.memory_space<vmem>> -> memref<1x80xi32, #tpu.memory_space<vmem>>
        %dma_start3A_258 = tpu.memref_squeeze %dma_start3A_257 : memref<1x80xi32, #tpu.memory_space<vmem>> -> memref<80xi32, #tpu.memory_space<vmem>>
        %dma_start3A_259 = arith.constant 0 : i32
        %dma_start3A_260 = arith.constant 0 : i32
        %dma_start3A_261 = tpu.memref_slice %arg18[%dma_start3A_259, %dma_start3A_260] : memref<10240x64xf32, #tpu.memory_space<vmem_shared>> -> memref<10240x64xf32, #tpu.memory_space<vmem_shared>>
        tpu.enqueue_indirect_dma source(%dma_start3A_255 : memref<80x64xf32, #tpu.memory_space<vmem>>) target(%dma_start3A_261 : memref<10240x64xf32, #tpu.memory_space<vmem_shared>>) offsets(%dma_start3A_258 : memref<80xi32, #tpu.memory_space<vmem>>) semaphore(%arg23 : memref<!tpu.dma_semaphore, #tpu.memory_space<semaphore_mem>>) {add = true}
        %dma_start3A_262 = arith.constant 0 : i32
        %dma_start3A_263 = tpu.memref_slice %arg14[%add3A_203, %dma_start3A_262] : memref<125x80xi32, #tpu.memory_space<vmem>> -> memref<1x80xi32, #tpu.memory_space<vmem>>
        %dma_start3A_264 = tpu.memref_squeeze %dma_start3A_263 : memref<1x80xi32, #tpu.memory_space<vmem>> -> memref<80xi32, #tpu.memory_space<vmem>>
        %dma_start3A_265 = arith.constant 0 : i32
        %dma_start3A_266 = arith.constant 0 : i32
        %dma_start3A_267 = tpu.memref_slice %arg26[%dma_start3A_265, %dma_start3A_266] : memref<10240x16xf32, #tpu.memory_space<vmem_shared>> -> memref<10240x16xf32, #tpu.memory_space<vmem_shared>>
        tpu.enqueue_indirect_dma source(%arg25 : memref<80x16xf32, #tpu.memory_space<vmem>>) target(%dma_start3A_267 : memref<10240x16xf32, #tpu.memory_space<vmem_shared>>) offsets(%dma_start3A_264 : memref<80xi32, #tpu.memory_space<vmem>>) semaphore(%arg27 : memref<!tpu.dma_semaphore, #tpu.memory_space<semaphore_mem>>) {add = true}
      } else {
      }
      %mul3A_207 = arith.constant 2 : i32
      %mul3A_208 = arith.muli %scan3A_199, %mul3A_207 : i32
      %add3A_209 = arith.constant 1 : i32
      %add3A_210 = arith.addi %mul3A_208, %add3A_209 : i32
      %lt3A_211 = arith.constant 125 : i32
      %lt3A_212 = arith.cmpi slt, %add3A_210, %lt3A_211 : i32
      %convert_element_type3A_213 = arith.extui %lt3A_212 : i1 to i32
      %cond3A_214 = arith.constant 0 : i32
      %cond3A_215 = arith.cmpi ne, %convert_element_type3A_213, %cond3A_214 : i32
      scf.if %cond3A_215 {
        %dma_wait3A_216 = arith.constant 1 : i32
        %dma_wait3A_217 = arith.constant 0 : i32
        %dma_wait3A_218 = arith.constant 0 : i32
        %dma_wait3A_219 = tpu.memref_slice %arg15[%dma_wait3A_216, %dma_wait3A_217, %dma_wait3A_218] : memref<2x80x64xf32, #tpu.memory_space<vmem>> -> memref<1x80x64xf32, #tpu.memory_space<vmem>>
        %dma_wait3A_220 = tpu.memref_squeeze %dma_wait3A_219 : memref<1x80x64xf32, #tpu.memory_space<vmem>> -> memref<80x64xf32, #tpu.memory_space<vmem>>
        %dma_wait3A_221 = arith.constant 0 : i32
        %dma_wait3A_222 = tpu.memref_slice %arg13[%add3A_210, %dma_wait3A_221] : memref<125x80xi32, #tpu.memory_space<vmem>> -> memref<1x80xi32, #tpu.memory_space<vmem>>
        %dma_wait3A_223 = tpu.memref_squeeze %dma_wait3A_222 : memref<1x80xi32, #tpu.memory_space<vmem>> -> memref<80xi32, #tpu.memory_space<vmem>>
        %dma_wait3A_224 = arith.constant 0 : i32
        %dma_wait3A_225 = arith.constant 0 : i32
        %dma_wait3A_226 = tpu.memref_slice %arg2[%dma_wait3A_224, %dma_wait3A_225] : memref<10000x64xf32, #tpu.memory_space<hbm>> -> memref<10000x64xf32, #tpu.memory_space<hbm>>
        tpu.wait_indirect_dma semaphore(%arg20 : memref<!tpu.dma_semaphore, #tpu.memory_space<semaphore_mem>>) src(%dma_wait3A_226 : memref<10000x64xf32, #tpu.memory_space<hbm>>) dst(%dma_wait3A_220 : memref<80x64xf32, #tpu.memory_space<vmem>>)
        %dma_wait3A_227 = arith.constant 1 : i32
        %dma_wait3A_228 = arith.constant 0 : i32
        %dma_wait3A_229 = arith.constant 0 : i32
        %dma_wait3A_230 = tpu.memref_slice %arg16[%dma_wait3A_227, %dma_wait3A_228, %dma_wait3A_229] : memref<2x80x128xf32, #tpu.memory_space<vmem>> -> memref<1x80x128xf32, #tpu.memory_space<vmem>>
        %dma_wait3A_231 = tpu.memref_squeeze %dma_wait3A_230 : memref<1x80x128xf32, #tpu.memory_space<vmem>> -> memref<80x128xf32, #tpu.memory_space<vmem>>
        %dma_wait3A_232 = arith.constant 0 : i32
        %dma_wait3A_233 = tpu.memref_slice %arg14[%add3A_210, %dma_wait3A_232] : memref<125x80xi32, #tpu.memory_space<vmem>> -> memref<1x80xi32, #tpu.memory_space<vmem>>
        %dma_wait3A_234 = tpu.memref_squeeze %dma_wait3A_233 : memref<1x80xi32, #tpu.memory_space<vmem>> -> memref<80xi32, #tpu.memory_space<vmem>>
        %dma_wait3A_235 = arith.constant 0 : i32
        %dma_wait3A_236 = arith.constant 0 : i32
        %dma_wait3A_237 = tpu.memref_slice %arg4[%dma_wait3A_235, %dma_wait3A_236] : memref<10000x128xf32, #tpu.memory_space<hbm>> -> memref<10000x128xf32, #tpu.memory_space<hbm>>
        tpu.wait_indirect_dma semaphore(%arg22 : memref<!tpu.dma_semaphore, #tpu.memory_space<semaphore_mem>>) src(%dma_wait3A_237 : memref<10000x128xf32, #tpu.memory_space<hbm>>) dst(%dma_wait3A_231 : memref<80x128xf32, #tpu.memory_space<vmem>>)
        %ge3A = arith.constant 2 : i32
        %ge3A_238 = arith.cmpi sge, %add3A_210, %ge3A : i32
        %convert_element_type3A_239 = arith.extui %ge3A_238 : i1 to i32
        %cond3A_240 = arith.constant 0 : i32
        %cond3A_241 = arith.cmpi ne, %convert_element_type3A_239, %cond3A_240 : i32
        scf.if %cond3A_241 {
          %sub3A_268 = arith.constant 2 : i32
          %sub3A_269 = arith.subi %add3A_210, %sub3A_268 : i32
          %dma_wait3A_270 = arith.constant 1 : i32
          %dma_wait3A_271 = arith.constant 0 : i32
          %dma_wait3A_272 = arith.constant 0 : i32
          %dma_wait3A_273 = tpu.memref_slice %arg17[%dma_wait3A_270, %dma_wait3A_271, %dma_wait3A_272] : memref<2x80x64xf32, #tpu.memory_space<vmem>> -> memref<1x80x64xf32, #tpu.memory_space<vmem>>
          %dma_wait3A_274 = tpu.memref_squeeze %dma_wait3A_273 : memref<1x80x64xf32, #tpu.memory_space<vmem>> -> memref<80x64xf32, #tpu.memory_space<vmem>>
          %dma_wait3A_275 = arith.constant 0 : i32
          %dma_wait3A_276 = tpu.memref_slice %arg14[%sub3A_269, %dma_wait3A_275] : memref<125x80xi32, #tpu.memory_space<vmem>> -> memref<1x80xi32, #tpu.memory_space<vmem>>
          %dma_wait3A_277 = tpu.memref_squeeze %dma_wait3A_276 : memref<1x80xi32, #tpu.memory_space<vmem>> -> memref<80xi32, #tpu.memory_space<vmem>>
          %dma_wait3A_278 = arith.constant 0 : i32
          %dma_wait3A_279 = arith.constant 0 : i32
          %dma_wait3A_280 = tpu.memref_slice %arg18[%dma_wait3A_278, %dma_wait3A_279] : memref<10240x64xf32, #tpu.memory_space<vmem_shared>> -> memref<10240x64xf32, #tpu.memory_space<vmem_shared>>
          tpu.wait_indirect_dma semaphore(%arg24 : memref<!tpu.dma_semaphore, #tpu.memory_space<semaphore_mem>>) src(%dma_wait3A_274 : memref<80x64xf32, #tpu.memory_space<vmem>>) dst(%dma_wait3A_280 : memref<10240x64xf32, #tpu.memory_space<vmem_shared>>)
          %sub3A_281 = arith.constant 2 : i32
          %sub3A_282 = arith.subi %add3A_210, %sub3A_281 : i32
          %dma_wait3A_283 = arith.constant 0 : i32
          %dma_wait3A_284 = tpu.memref_slice %arg14[%sub3A_282, %dma_wait3A_283] : memref<125x80xi32, #tpu.memory_space<vmem>> -> memref<1x80xi32, #tpu.memory_space<vmem>>
          %dma_wait3A_285 = tpu.memref_squeeze %dma_wait3A_284 : memref<1x80xi32, #tpu.memory_space<vmem>> -> memref<80xi32, #tpu.memory_space<vmem>>
          %dma_wait3A_286 = arith.constant 0 : i32
          %dma_wait3A_287 = arith.constant 0 : i32
          %dma_wait3A_288 = tpu.memref_slice %arg26[%dma_wait3A_286, %dma_wait3A_287] : memref<10240x16xf32, #tpu.memory_space<vmem_shared>> -> memref<10240x16xf32, #tpu.memory_space<vmem_shared>>
          tpu.wait_indirect_dma semaphore(%arg28 : memref<!tpu.dma_semaphore, #tpu.memory_space<semaphore_mem>>) src(%arg25 : memref<80x16xf32, #tpu.memory_space<vmem>>) dst(%dma_wait3A_288 : memref<10240x16xf32, #tpu.memory_space<vmem_shared>>)
        } else {
        }
        %parallel_loop3A = arith.constant 0 : i32
        %parallel_loop3A_242 = arith.constant 80 : i32
        %parallel_loop3A_243 = arith.constant 1 : i32
        scf.for %parallel_loop3A_268 = %parallel_loop3A to %parallel_loop3A_242 step %parallel_loop3A_243  : i32 {
          %parallel_loop3A_269 = arith.constant 1 : i32
          %parallel_loop3A_270 = arith.index_cast %parallel_loop3A_269 : i32 to index
          %parallel_loop3A_271 = arith.index_cast %parallel_loop3A_268 : i32 to index
          %parallel_loop3A_272 = arith.constant 0 : index
          %parallel_loop3A_273 = tpu.vector_load %arg16[%parallel_loop3A_270, %parallel_loop3A_271, %parallel_loop3A_272] {strides = array<i32>} : memref<2x80x128xf32, #tpu.memory_space<vmem>>, vector<1x1x16xf32>,
          %parallel_loop3A_274 = vector.shape_cast %parallel_loop3A_273 : vector<1x1x16xf32> to vector<16xf32>
          %parallel_loop3A_275 = arith.constant 1 : i32
          %parallel_loop3A_276 = arith.index_cast %parallel_loop3A_275 : i32 to index
          %parallel_loop3A_277 = arith.index_cast %parallel_loop3A_268 : i32 to index
          %parallel_loop3A_278 = arith.constant 64 : index
          %parallel_loop3A_279 = tpu.vector_load %arg16[%parallel_loop3A_276, %parallel_loop3A_277, %parallel_loop3A_278] {strides = array<i32>} : memref<2x80x128xf32, #tpu.memory_space<vmem>>, vector<1x1x16xf32>,
          %parallel_loop3A_280 = vector.shape_cast %parallel_loop3A_279 : vector<1x1x16xf32> to vector<16xf32>
          %parallel_loop3A_281 = arith.constant 1 : i32
          %parallel_loop3A_282 = arith.index_cast %parallel_loop3A_281 : i32 to index
          %parallel_loop3A_283 = arith.index_cast %parallel_loop3A_268 : i32 to index
          %parallel_loop3A_284 = arith.constant 0 : index
          %parallel_loop3A_285 = tpu.vector_load %arg15[%parallel_loop3A_282, %parallel_loop3A_283, %parallel_loop3A_284] {strides = array<i32>} : memref<2x80x64xf32, #tpu.memory_space<vmem>>, vector<1x1x16xf32>,
          %parallel_loop3A_286 = vector.shape_cast %parallel_loop3A_285 : vector<1x1x16xf32> to vector<16xf32>
          %parallel_loop3A_287 = arith.mulf %parallel_loop3A_274, %parallel_loop3A_286 : vector<16xf32>
          %parallel_loop3A_288 = arith.addf %parallel_loop3A_287, %parallel_loop3A_280 : vector<16xf32>
          %parallel_loop3A_289 = arith.constant 0.000000e+00 : f32
          %parallel_loop3A_290 = vector.broadcast %parallel_loop3A_289 : f32 to vector<16xf32>
          %parallel_loop3A_291 = arith.maximumf %parallel_loop3A_288, %parallel_loop3A_290 : vector<16xf32>
          %parallel_loop3A_292 = arith.constant 1 : i32
          %parallel_loop3A_293 = arith.index_cast %parallel_loop3A_292 : i32 to index
          %parallel_loop3A_294 = arith.index_cast %parallel_loop3A_268 : i32 to index
          %parallel_loop3A_295 = arith.constant 0 : index
          %parallel_loop3A_296 = tpu.vector_load %arg17[%parallel_loop3A_293, %parallel_loop3A_294, %parallel_loop3A_295] {strides = array<i32>} : memref<2x80x64xf32, #tpu.memory_space<vmem>>, vector<1x1x16xf32>,
          %parallel_loop3A_297 = vector.shape_cast %parallel_loop3A_296 : vector<1x1x16xf32> to vector<16xf32>
          %parallel_loop3A_298 = vector.shape_cast %parallel_loop3A_291 : vector<16xf32> to vector<1x1x16xf32>
          tpu.vector_store %arg17[%parallel_loop3A_293, %parallel_loop3A_294, %parallel_loop3A_295], %parallel_loop3A_298 {strides = array<i32>} : memref<2x80x64xf32, #tpu.memory_space<vmem>>, vector<1x1x16xf32>,
          %parallel_loop3A_299 = arith.constant 1 : i32
          %parallel_loop3A_300 = arith.index_cast %parallel_loop3A_299 : i32 to index
          %parallel_loop3A_301 = arith.index_cast %parallel_loop3A_268 : i32 to index
          %parallel_loop3A_302 = arith.constant 16 : index
          %parallel_loop3A_303 = tpu.vector_load %arg16[%parallel_loop3A_300, %parallel_loop3A_301, %parallel_loop3A_302] {strides = array<i32>} : memref<2x80x128xf32, #tpu.memory_space<vmem>>, vector<1x1x16xf32>,
          %parallel_loop3A_304 = vector.shape_cast %parallel_loop3A_303 : vector<1x1x16xf32> to vector<16xf32>
          %parallel_loop3A_305 = arith.constant 1 : i32
          %parallel_loop3A_306 = arith.index_cast %parallel_loop3A_305 : i32 to index
          %parallel_loop3A_307 = arith.index_cast %parallel_loop3A_268 : i32 to index
          %parallel_loop3A_308 = arith.constant 80 : index
          %parallel_loop3A_309 = tpu.vector_load %arg16[%parallel_loop3A_306, %parallel_loop3A_307, %parallel_loop3A_308] {strides = array<i32>} : memref<2x80x128xf32, #tpu.memory_space<vmem>>, vector<1x1x16xf32>,
          %parallel_loop3A_310 = vector.shape_cast %parallel_loop3A_309 : vector<1x1x16xf32> to vector<16xf32>
          %parallel_loop3A_311 = arith.constant 1 : i32
          %parallel_loop3A_312 = arith.index_cast %parallel_loop3A_311 : i32 to index
          %parallel_loop3A_313 = arith.index_cast %parallel_loop3A_268 : i32 to index
          %parallel_loop3A_314 = arith.constant 16 : index
          %parallel_loop3A_315 = tpu.vector_load %arg15[%parallel_loop3A_312, %parallel_loop3A_313, %parallel_loop3A_314] {strides = array<i32>} : memref<2x80x64xf32, #tpu.memory_space<vmem>>, vector<1x1x16xf32>,
          %parallel_loop3A_316 = vector.shape_cast %parallel_loop3A_315 : vector<1x1x16xf32> to vector<16xf32>
          %parallel_loop3A_317 = arith.mulf %parallel_loop3A_304, %parallel_loop3A_316 : vector<16xf32>
          %parallel_loop3A_318 = arith.addf %parallel_loop3A_317, %parallel_loop3A_310 : vector<16xf32>
          %parallel_loop3A_319 = arith.constant 0.000000e+00 : f32
          %parallel_loop3A_320 = vector.broadcast %parallel_loop3A_319 : f32 to vector<16xf32>
          %parallel_loop3A_321 = arith.maximumf %parallel_loop3A_318, %parallel_loop3A_320 : vector<16xf32>
          %parallel_loop3A_322 = arith.constant 1 : i32
          %parallel_loop3A_323 = arith.index_cast %parallel_loop3A_322 : i32 to index
          %parallel_loop3A_324 = arith.index_cast %parallel_loop3A_268 : i32 to index
          %parallel_loop3A_325 = arith.constant 16 : index
          %parallel_loop3A_326 = tpu.vector_load %arg17[%parallel_loop3A_323, %parallel_loop3A_324, %parallel_loop3A_325] {strides = array<i32>} : memref<2x80x64xf32, #tpu.memory_space<vmem>>, vector<1x1x16xf32>,
          %parallel_loop3A_327 = vector.shape_cast %parallel_loop3A_326 : vector<1x1x16xf32> to vector<16xf32>
          %parallel_loop3A_328 = vector.shape_cast %parallel_loop3A_321 : vector<16xf32> to vector<1x1x16xf32>
          tpu.vector_store %arg17[%parallel_loop3A_323, %parallel_loop3A_324, %parallel_loop3A_325], %parallel_loop3A_328 {strides = array<i32>} : memref<2x80x64xf32, #tpu.memory_space<vmem>>, vector<1x1x16xf32>,
          %parallel_loop3A_329 = arith.constant 1 : i32
          %parallel_loop3A_330 = arith.index_cast %parallel_loop3A_329 : i32 to index
          %parallel_loop3A_331 = arith.index_cast %parallel_loop3A_268 : i32 to index
          %parallel_loop3A_332 = arith.constant 32 : index
          %parallel_loop3A_333 = tpu.vector_load %arg16[%parallel_loop3A_330, %parallel_loop3A_331, %parallel_loop3A_332] {strides = array<i32>} : memref<2x80x128xf32, #tpu.memory_space<vmem>>, vector<1x1x16xf32>,
          %parallel_loop3A_334 = vector.shape_cast %parallel_loop3A_333 : vector<1x1x16xf32> to vector<16xf32>
          %parallel_loop3A_335 = arith.constant 1 : i32
          %parallel_loop3A_336 = arith.index_cast %parallel_loop3A_335 : i32 to index
          %parallel_loop3A_337 = arith.index_cast %parallel_loop3A_268 : i32 to index
          %parallel_loop3A_338 = arith.constant 96 : index
          %parallel_loop3A_339 = tpu.vector_load %arg16[%parallel_loop3A_336, %parallel_loop3A_337, %parallel_loop3A_338] {strides = array<i32>} : memref<2x80x128xf32, #tpu.memory_space<vmem>>, vector<1x1x16xf32>,
          %parallel_loop3A_340 = vector.shape_cast %parallel_loop3A_339 : vector<1x1x16xf32> to vector<16xf32>
          %parallel_loop3A_341 = arith.constant 1 : i32
          %parallel_loop3A_342 = arith.index_cast %parallel_loop3A_341 : i32 to index
          %parallel_loop3A_343 = arith.index_cast %parallel_loop3A_268 : i32 to index
          %parallel_loop3A_344 = arith.constant 32 : index
          %parallel_loop3A_345 = tpu.vector_load %arg15[%parallel_loop3A_342, %parallel_loop3A_343, %parallel_loop3A_344] {strides = array<i32>} : memref<2x80x64xf32, #tpu.memory_space<vmem>>, vector<1x1x16xf32>,
          %parallel_loop3A_346 = vector.shape_cast %parallel_loop3A_345 : vector<1x1x16xf32> to vector<16xf32>
          %parallel_loop3A_347 = arith.mulf %parallel_loop3A_334, %parallel_loop3A_346 : vector<16xf32>
          %parallel_loop3A_348 = arith.addf %parallel_loop3A_347, %parallel_loop3A_340 : vector<16xf32>
          %parallel_loop3A_349 = arith.constant 0.000000e+00 : f32
          %parallel_loop3A_350 = vector.broadcast %parallel_loop3A_349 : f32 to vector<16xf32>
          %parallel_loop3A_351 = arith.maximumf %parallel_loop3A_348, %parallel_loop3A_350 : vector<16xf32>
          %parallel_loop3A_352 = arith.constant 1 : i32
          %parallel_loop3A_353 = arith.index_cast %parallel_loop3A_352 : i32 to index
          %parallel_loop3A_354 = arith.index_cast %parallel_loop3A_268 : i32 to index
          %parallel_loop3A_355 = arith.constant 32 : index
          %parallel_loop3A_356 = tpu.vector_load %arg17[%parallel_loop3A_353, %parallel_loop3A_354, %parallel_loop3A_355] {strides = array<i32>} : memref<2x80x64xf32, #tpu.memory_space<vmem>>, vector<1x1x16xf32>,
          %parallel_loop3A_357 = vector.shape_cast %parallel_loop3A_356 : vector<1x1x16xf32> to vector<16xf32>
          %parallel_loop3A_358 = vector.shape_cast %parallel_loop3A_351 : vector<16xf32> to vector<1x1x16xf32>
          tpu.vector_store %arg17[%parallel_loop3A_353, %parallel_loop3A_354, %parallel_loop3A_355], %parallel_loop3A_358 {strides = array<i32>} : memref<2x80x64xf32, #tpu.memory_space<vmem>>, vector<1x1x16xf32>,
          %parallel_loop3A_359 = arith.constant 1 : i32
          %parallel_loop3A_360 = arith.index_cast %parallel_loop3A_359 : i32 to index
          %parallel_loop3A_361 = arith.index_cast %parallel_loop3A_268 : i32 to index
          %parallel_loop3A_362 = arith.constant 48 : index
          %parallel_loop3A_363 = tpu.vector_load %arg16[%parallel_loop3A_360, %parallel_loop3A_361, %parallel_loop3A_362] {strides = array<i32>} : memref<2x80x128xf32, #tpu.memory_space<vmem>>, vector<1x1x16xf32>,
          %parallel_loop3A_364 = vector.shape_cast %parallel_loop3A_363 : vector<1x1x16xf32> to vector<16xf32>
          %parallel_loop3A_365 = arith.constant 1 : i32
          %parallel_loop3A_366 = arith.index_cast %parallel_loop3A_365 : i32 to index
          %parallel_loop3A_367 = arith.index_cast %parallel_loop3A_268 : i32 to index
          %parallel_loop3A_368 = arith.constant 112 : index
          %parallel_loop3A_369 = tpu.vector_load %arg16[%parallel_loop3A_366, %parallel_loop3A_367, %parallel_loop3A_368] {strides = array<i32>} : memref<2x80x128xf32, #tpu.memory_space<vmem>>, vector<1x1x16xf32>,
          %parallel_loop3A_370 = vector.shape_cast %parallel_loop3A_369 : vector<1x1x16xf32> to vector<16xf32>
          %parallel_loop3A_371 = arith.constant 1 : i32
          %parallel_loop3A_372 = arith.index_cast %parallel_loop3A_371 : i32 to index
          %parallel_loop3A_373 = arith.index_cast %parallel_loop3A_268 : i32 to index
          %parallel_loop3A_374 = arith.constant 48 : index
          %parallel_loop3A_375 = tpu.vector_load %arg15[%parallel_loop3A_372, %parallel_loop3A_373, %parallel_loop3A_374] {strides = array<i32>} : memref<2x80x64xf32, #tpu.memory_space<vmem>>, vector<1x1x16xf32>,
          %parallel_loop3A_376 = vector.shape_cast %parallel_loop3A_375 : vector<1x1x16xf32> to vector<16xf32>
          %parallel_loop3A_377 = arith.mulf %parallel_loop3A_364, %parallel_loop3A_376 : vector<16xf32>
          %parallel_loop3A_378 = arith.addf %parallel_loop3A_377, %parallel_loop3A_370 : vector<16xf32>
          %parallel_loop3A_379 = arith.constant 0.000000e+00 : f32
          %parallel_loop3A_380 = vector.broadcast %parallel_loop3A_379 : f32 to vector<16xf32>
          %parallel_loop3A_381 = arith.maximumf %parallel_loop3A_378, %parallel_loop3A_380 : vector<16xf32>
          %parallel_loop3A_382 = arith.constant 1 : i32
          %parallel_loop3A_383 = arith.index_cast %parallel_loop3A_382 : i32 to index
          %parallel_loop3A_384 = arith.index_cast %parallel_loop3A_268 : i32 to index
          %parallel_loop3A_385 = arith.constant 48 : index
          %parallel_loop3A_386 = tpu.vector_load %arg17[%parallel_loop3A_383, %parallel_loop3A_384, %parallel_loop3A_385] {strides = array<i32>} : memref<2x80x64xf32, #tpu.memory_space<vmem>>, vector<1x1x16xf32>,
          %parallel_loop3A_387 = vector.shape_cast %parallel_loop3A_386 : vector<1x1x16xf32> to vector<16xf32>
          %parallel_loop3A_388 = vector.shape_cast %parallel_loop3A_381 : vector<16xf32> to vector<1x1x16xf32>
          tpu.vector_store %arg17[%parallel_loop3A_383, %parallel_loop3A_384, %parallel_loop3A_385], %parallel_loop3A_388 {strides = array<i32>} : memref<2x80x64xf32, #tpu.memory_space<vmem>>, vector<1x1x16xf32>,
        } {sc.loop_unroll_factor = 4 : i64, sc.parallel_access}
        %add3A_244 = arith.constant 2 : i32
        %add3A_245 = arith.addi %add3A_210, %add3A_244 : i32
        %lt3A_246 = arith.constant 125 : i32
        %lt3A_247 = arith.cmpi slt, %add3A_245, %lt3A_246 : i32
        %convert_element_type3A_248 = arith.extui %lt3A_247 : i1 to i32
        %cond3A_249 = arith.constant 0 : i32
        %cond3A_250 = arith.cmpi ne, %convert_element_type3A_248, %cond3A_249 : i32
        scf.if %cond3A_250 {
          %add3A_268 = arith.constant 2 : i32
          %add3A_269 = arith.addi %add3A_210, %add3A_268 : i32
          %dma_start3A_270 = arith.constant 1 : i32
          %dma_start3A_271 = arith.constant 0 : i32
          %dma_start3A_272 = arith.constant 0 : i32
          %dma_start3A_273 = tpu.memref_slice %arg15[%dma_start3A_270, %dma_start3A_271, %dma_start3A_272] : memref<2x80x64xf32, #tpu.memory_space<vmem>> -> memref<1x80x64xf32, #tpu.memory_space<vmem>>
          %dma_start3A_274 = tpu.memref_squeeze %dma_start3A_273 : memref<1x80x64xf32, #tpu.memory_space<vmem>> -> memref<80x64xf32, #tpu.memory_space<vmem>>
          %dma_start3A_275 = arith.constant 0 : i32
          %dma_start3A_276 = tpu.memref_slice %arg13[%add3A_269, %dma_start3A_275] : memref<125x80xi32, #tpu.memory_space<vmem>> -> memref<1x80xi32, #tpu.memory_space<vmem>>
          %dma_start3A_277 = tpu.memref_squeeze %dma_start3A_276 : memref<1x80xi32, #tpu.memory_space<vmem>> -> memref<80xi32, #tpu.memory_space<vmem>>
          %dma_start3A_278 = arith.constant 0 : i32
          %dma_start3A_279 = arith.constant 0 : i32
          %dma_start3A_280 = tpu.memref_slice %arg2[%dma_start3A_278, %dma_start3A_279] : memref<10000x64xf32, #tpu.memory_space<hbm>> -> memref<10000x64xf32, #tpu.memory_space<hbm>>
          tpu.enqueue_indirect_dma source(%dma_start3A_280 : memref<10000x64xf32, #tpu.memory_space<hbm>>) target(%dma_start3A_274 : memref<80x64xf32, #tpu.memory_space<vmem>>) offsets(%dma_start3A_277 : memref<80xi32, #tpu.memory_space<vmem>>) semaphore(%arg20 : memref<!tpu.dma_semaphore, #tpu.memory_space<semaphore_mem>>)
          %dma_start3A_281 = arith.constant 1 : i32
          %dma_start3A_282 = arith.constant 0 : i32
          %dma_start3A_283 = arith.constant 0 : i32
          %dma_start3A_284 = tpu.memref_slice %arg16[%dma_start3A_281, %dma_start3A_282, %dma_start3A_283] : memref<2x80x128xf32, #tpu.memory_space<vmem>> -> memref<1x80x128xf32, #tpu.memory_space<vmem>>
          %dma_start3A_285 = tpu.memref_squeeze %dma_start3A_284 : memref<1x80x128xf32, #tpu.memory_space<vmem>> -> memref<80x128xf32, #tpu.memory_space<vmem>>
          %dma_start3A_286 = arith.constant 0 : i32
          %dma_start3A_287 = tpu.memref_slice %arg14[%add3A_269, %dma_start3A_286] : memref<125x80xi32, #tpu.memory_space<vmem>> -> memref<1x80xi32, #tpu.memory_space<vmem>>
          %dma_start3A_288 = tpu.memref_squeeze %dma_start3A_287 : memref<1x80xi32, #tpu.memory_space<vmem>> -> memref<80xi32, #tpu.memory_space<vmem>>
          %dma_start3A_289 = arith.constant 0 : i32
          %dma_start3A_290 = arith.constant 0 : i32
          %dma_start3A_291 = tpu.memref_slice %arg4[%dma_start3A_289, %dma_start3A_290] : memref<10000x128xf32, #tpu.memory_space<hbm>> -> memref<10000x128xf32, #tpu.memory_space<hbm>>
          tpu.enqueue_indirect_dma source(%dma_start3A_291 : memref<10000x128xf32, #tpu.memory_space<hbm>>) target(%dma_start3A_285 : memref<80x128xf32, #tpu.memory_space<vmem>>) offsets(%dma_start3A_288 : memref<80xi32, #tpu.memory_space<vmem>>) semaphore(%arg22 : memref<!tpu.dma_semaphore, #tpu.memory_space<semaphore_mem>>)
        } else {
        }
        %dma_start3A_251 = arith.constant 1 : i32
        %dma_start3A_252 = arith.constant 0 : i32
        %dma_start3A_253 = arith.constant 0 : i32
        %dma_start3A_254 = tpu.memref_slice %arg17[%dma_start3A_251, %dma_start3A_252, %dma_start3A_253] : memref<2x80x64xf32, #tpu.memory_space<vmem>> -> memref<1x80x64xf32, #tpu.memory_space<vmem>>
        %dma_start3A_255 = tpu.memref_squeeze %dma_start3A_254 : memref<1x80x64xf32, #tpu.memory_space<vmem>> -> memref<80x64xf32, #tpu.memory_space<vmem>>
        %dma_start3A_256 = arith.constant 0 : i32
        %dma_start3A_257 = tpu.memref_slice %arg14[%add3A_210, %dma_start3A_256] : memref<125x80xi32, #tpu.memory_space<vmem>> -> memref<1x80xi32, #tpu.memory_space<vmem>>
        %dma_start3A_258 = tpu.memref_squeeze %dma_start3A_257 : memref<1x80xi32, #tpu.memory_space<vmem>> -> memref<80xi32, #tpu.memory_space<vmem>>
        %dma_start3A_259 = arith.constant 0 : i32
        %dma_start3A_260 = arith.constant 0 : i32
        %dma_start3A_261 = tpu.memref_slice %arg18[%dma_start3A_259, %dma_start3A_260] : memref<10240x64xf32, #tpu.memory_space<vmem_shared>> -> memref<10240x64xf32, #tpu.memory_space<vmem_shared>>
        tpu.enqueue_indirect_dma source(%dma_start3A_255 : memref<80x64xf32, #tpu.memory_space<vmem>>) target(%dma_start3A_261 : memref<10240x64xf32, #tpu.memory_space<vmem_shared>>) offsets(%dma_start3A_258 : memref<80xi32, #tpu.memory_space<vmem>>) semaphore(%arg24 : memref<!tpu.dma_semaphore, #tpu.memory_space<semaphore_mem>>) {add = true}
        %dma_start3A_262 = arith.constant 0 : i32
        %dma_start3A_263 = tpu.memref_slice %arg14[%add3A_210, %dma_start3A_262] : memref<125x80xi32, #tpu.memory_space<vmem>> -> memref<1x80xi32, #tpu.memory_space<vmem>>
        %dma_start3A_264 = tpu.memref_squeeze %dma_start3A_263 : memref<1x80xi32, #tpu.memory_space<vmem>> -> memref<80xi32, #tpu.memory_space<vmem>>
        %dma_start3A_265 = arith.constant 0 : i32
        %dma_start3A_266 = arith.constant 0 : i32
        %dma_start3A_267 = tpu.memref_slice %arg26[%dma_start3A_265, %dma_start3A_266] : memref<10240x16xf32, #tpu.memory_space<vmem_shared>> -> memref<10240x16xf32, #tpu.memory_space<vmem_shared>>
        tpu.enqueue_indirect_dma source(%arg25 : memref<80x16xf32, #tpu.memory_space<vmem>>) target(%dma_start3A_267 : memref<10240x16xf32, #tpu.memory_space<vmem_shared>>) offsets(%dma_start3A_264 : memref<80xi32, #tpu.memory_space<vmem>>) semaphore(%arg28 : memref<!tpu.dma_semaphore, #tpu.memory_space<semaphore_mem>>) {add = true}
      } else {
      }
    }
    %scan3A_66 = arith.constant 63 : i32
    %dma_wait3A = arith.constant 0 : i32
    %dma_wait3A_67 = arith.constant 124 : i32
    %dma_wait3A_68 = arith.constant 0 : i32
    %dma_wait3A_69 = arith.constant 0 : i32
    %dma_wait3A_70 = tpu.memref_slice %arg17[%dma_wait3A, %dma_wait3A_68, %dma_wait3A_69] : memref<2x80x64xf32, #tpu.memory_space<vmem>> -> memref<1x80x64xf32, #tpu.memory_space<vmem>>
    %dma_wait3A_71 = tpu.memref_squeeze %dma_wait3A_70 : memref<1x80x64xf32, #tpu.memory_space<vmem>> -> memref<80x64xf32, #tpu.memory_space<vmem>>
    %dma_wait3A_72 = arith.constant 0 : i32
    %dma_wait3A_73 = tpu.memref_slice %arg14[%dma_wait3A_67, %dma_wait3A_72] : memref<125x80xi32, #tpu.memory_space<vmem>> -> memref<1x80xi32, #tpu.memory_space<vmem>>
    %dma_wait3A_74 = tpu.memref_squeeze %dma_wait3A_73 : memref<1x80xi32, #tpu.memory_space<vmem>> -> memref<80xi32, #tpu.memory_space<vmem>>
    %dma_wait3A_75 = arith.constant 0 : i32
    %dma_wait3A_76 = arith.constant 0 : i32
    %dma_wait3A_77 = tpu.memref_slice %arg18[%dma_wait3A_75, %dma_wait3A_76] : memref<10240x64xf32, #tpu.memory_space<vmem_shared>> -> memref<10240x64xf32, #tpu.memory_space<vmem_shared>>
    tpu.wait_indirect_dma semaphore(%arg23 : memref<!tpu.dma_semaphore, #tpu.memory_space<semaphore_mem>>) src(%dma_wait3A_71 : memref<80x64xf32, #tpu.memory_space<vmem>>) dst(%dma_wait3A_77 : memref<10240x64xf32, #tpu.memory_space<vmem_shared>>)
    %dma_wait3A_78 = arith.constant 1 : i32
    %dma_wait3A_79 = arith.constant 123 : i32
    %dma_wait3A_80 = arith.constant 0 : i32
    %dma_wait3A_81 = arith.constant 0 : i32
    %dma_wait3A_82 = tpu.memref_slice %arg17[%dma_wait3A_78, %dma_wait3A_80, %dma_wait3A_81] : memref<2x80x64xf32, #tpu.memory_space<vmem>> -> memref<1x80x64xf32, #tpu.memory_space<vmem>>
    %dma_wait3A_83 = tpu.memref_squeeze %dma_wait3A_82 : memref<1x80x64xf32, #tpu.memory_space<vmem>> -> memref<80x64xf32, #tpu.memory_space<vmem>>
    %dma_wait3A_84 = arith.constant 0 : i32
    %dma_wait3A_85 = tpu.memref_slice %arg14[%dma_wait3A_79, %dma_wait3A_84] : memref<125x80xi32, #tpu.memory_space<vmem>> -> memref<1x80xi32, #tpu.memory_space<vmem>>
    %dma_wait3A_86 = tpu.memref_squeeze %dma_wait3A_85 : memref<1x80xi32, #tpu.memory_space<vmem>> -> memref<80xi32, #tpu.memory_space<vmem>>
    %dma_wait3A_87 = arith.constant 0 : i32
    %dma_wait3A_88 = arith.constant 0 : i32
    %dma_wait3A_89 = tpu.memref_slice %arg18[%dma_wait3A_87, %dma_wait3A_88] : memref<10240x64xf32, #tpu.memory_space<vmem_shared>> -> memref<10240x64xf32, #tpu.memory_space<vmem_shared>>
    tpu.wait_indirect_dma semaphore(%arg24 : memref<!tpu.dma_semaphore, #tpu.memory_space<semaphore_mem>>) src(%dma_wait3A_83 : memref<80x64xf32, #tpu.memory_space<vmem>>) dst(%dma_wait3A_89 : memref<10240x64xf32, #tpu.memory_space<vmem_shared>>)
    %dma_wait3A_90 = arith.constant 124 : i32
    %dma_wait3A_91 = arith.constant 0 : i32
    %dma_wait3A_92 = tpu.memref_slice %arg14[%dma_wait3A_90, %dma_wait3A_91] : memref<125x80xi32, #tpu.memory_space<vmem>> -> memref<1x80xi32, #tpu.memory_space<vmem>>
    %dma_wait3A_93 = tpu.memref_squeeze %dma_wait3A_92 : memref<1x80xi32, #tpu.memory_space<vmem>> -> memref<80xi32, #tpu.memory_space<vmem>>
    %dma_wait3A_94 = arith.constant 0 : i32
    %dma_wait3A_95 = arith.constant 0 : i32
    %dma_wait3A_96 = tpu.memref_slice %arg26[%dma_wait3A_94, %dma_wait3A_95] : memref<10240x16xf32, #tpu.memory_space<vmem_shared>> -> memref<10240x16xf32, #tpu.memory_space<vmem_shared>>
    tpu.wait_indirect_dma semaphore(%arg27 : memref<!tpu.dma_semaphore, #tpu.memory_space<semaphore_mem>>) src(%arg25 : memref<80x16xf32, #tpu.memory_space<vmem>>) dst(%dma_wait3A_96 : memref<10240x16xf32, #tpu.memory_space<vmem_shared>>)
    %dma_wait3A_97 = arith.constant 123 : i32
    %dma_wait3A_98 = arith.constant 0 : i32
    %dma_wait3A_99 = tpu.memref_slice %arg14[%dma_wait3A_97, %dma_wait3A_98] : memref<125x80xi32, #tpu.memory_space<vmem>> -> memref<1x80xi32, #tpu.memory_space<vmem>>
    %dma_wait3A_100 = tpu.memref_squeeze %dma_wait3A_99 : memref<1x80xi32, #tpu.memory_space<vmem>> -> memref<80xi32, #tpu.memory_space<vmem>>
    %dma_wait3A_101 = arith.constant 0 : i32
    %dma_wait3A_102 = arith.constant 0 : i32
    %dma_wait3A_103 = tpu.memref_slice %arg26[%dma_wait3A_101, %dma_wait3A_102] : memref<10240x16xf32, #tpu.memory_space<vmem_shared>> -> memref<10240x16xf32, #tpu.memory_space<vmem_shared>>
    tpu.wait_indirect_dma semaphore(%arg28 : memref<!tpu.dma_semaphore, #tpu.memory_space<semaphore_mem>>) src(%arg25 : memref<80x16xf32, #tpu.memory_space<vmem>>) dst(%dma_wait3A_103 : memref<10240x16xf32, #tpu.memory_space<vmem_shared>>)
    %barrier3A_104 = arith.constant 0 : index
    tpu.barrier barrier_id(%barrier3A_104)
    %mul3A_105 = arith.constant 640 : i32
    %mul3A_106 = arith.muli %arg1, %mul3A_105 : i32
    %mul3A_107 = arith.constant 640 : i32
    %mul3A_108 = arith.muli %arg1, %mul3A_107 : i32
    "tpu.region"() ({
      %run_scoped3A = tpu.sem_alloc : memref<!tpu.dma_semaphore, #tpu.memory_space<semaphore_mem>>
      %dma_start3A_199 = arith.constant 0 : i32
      %dma_start3A_200 = tpu.memref_slice %arg10[%arg0, %mul3A_108, %dma_start3A_199] : memref<2x10240x64xf32, #tpu.memory_space<hbm>> -> memref<1x640x64xf32, #tpu.memory_space<hbm>>
      %dma_start3A_201 = tpu.memref_squeeze %dma_start3A_200 : memref<1x640x64xf32, #tpu.memory_space<hbm>> -> memref<640x64xf32, #tpu.memory_space<hbm>>
      %dma_start3A_202 = arith.constant 0 : i32
      %dma_start3A_203 = tpu.memref_slice %arg18[%mul3A_106, %dma_start3A_202] : memref<10240x64xf32, #tpu.memory_space<vmem_shared>> -> memref<640x64xf32, #tpu.memory_space<vmem_shared>>
      tpu.enqueue_dma source(%dma_start3A_203 : memref<640x64xf32, #tpu.memory_space<vmem_shared>>) target(%dma_start3A_201 : memref<640x64xf32, #tpu.memory_space<hbm>>) target_semaphore(%run_scoped3A : memref<!tpu.dma_semaphore, #tpu.memory_space<semaphore_mem>>)
      %dma_wait3A_204 = arith.constant 0 : i32
      %dma_wait3A_205 = tpu.memref_slice %arg10[%arg0, %mul3A_108, %dma_wait3A_204] : memref<2x10240x64xf32, #tpu.memory_space<hbm>> -> memref<1x640x64xf32, #tpu.memory_space<hbm>>
      %dma_wait3A_206 = tpu.memref_squeeze %dma_wait3A_205 : memref<1x640x64xf32, #tpu.memory_space<hbm>> -> memref<640x64xf32, #tpu.memory_space<hbm>>
      %dma_wait3A_207 = arith.constant 0 : i32
      %dma_wait3A_208 = tpu.memref_slice %arg18[%mul3A_106, %dma_wait3A_207] : memref<10240x64xf32, #tpu.memory_space<vmem_shared>> -> memref<640x64xf32, #tpu.memory_space<vmem_shared>>
      tpu.wait_dma2 semaphore(%run_scoped3A : memref<!tpu.dma_semaphore, #tpu.memory_space<semaphore_mem>>) src(%dma_wait3A_208 : memref<640x64xf32, #tpu.memory_space<vmem_shared>>) dst(%dma_wait3A_206 : memref<640x64xf32, #tpu.memory_space<hbm>>)
      tpu.yield
    }) : () -> ()
    %mul3A_109 = arith.constant 640 : i32
    %mul3A_110 = arith.muli %arg1, %mul3A_109 : i32
    %mul3A_111 = arith.constant 640 : i32
    %mul3A_112 = arith.muli %arg1, %mul3A_111 : i32
    "tpu.region"() ({
      %run_scoped3A = tpu.sem_alloc : memref<!tpu.dma_semaphore, #tpu.memory_space<semaphore_mem>>
      %dma_start3A_199 = arith.constant 0 : i32
      %dma_start3A_200 = tpu.memref_slice %arg12[%arg0, %mul3A_112, %dma_start3A_199] : memref<2x10240x16xf32, #tpu.memory_space<hbm>> -> memref<1x640x16xf32, #tpu.memory_space<hbm>>
      %dma_start3A_201 = tpu.memref_squeeze %dma_start3A_200 : memref<1x640x16xf32, #tpu.memory_space<hbm>> -> memref<640x16xf32, #tpu.memory_space<hbm>>
      %dma_start3A_202 = arith.constant 0 : i32
      %dma_start3A_203 = tpu.memref_slice %arg26[%mul3A_110, %dma_start3A_202] : memref<10240x16xf32, #tpu.memory_space<vmem_shared>> -> memref<640x16xf32, #tpu.memory_space<vmem_shared>>
      tpu.enqueue_dma source(%dma_start3A_203 : memref<640x16xf32, #tpu.memory_space<vmem_shared>>) target(%dma_start3A_201 : memref<640x16xf32, #tpu.memory_space<hbm>>) target_semaphore(%run_scoped3A : memref<!tpu.dma_semaphore, #tpu.memory_space<semaphore_mem>>)
      %dma_wait3A_204 = arith.constant 0 : i32
      %dma_wait3A_205 = tpu.memref_slice %arg12[%arg0, %mul3A_112, %dma_wait3A_204] : memref<2x10240x16xf32, #tpu.memory_space<hbm>> -> memref<1x640x16xf32, #tpu.memory_space<hbm>>
      %dma_wait3A_206 = tpu.memref_squeeze %dma_wait3A_205 : memref<1x640x16xf32, #tpu.memory_space<hbm>> -> memref<640x16xf32, #tpu.memory_space<hbm>>
      %dma_wait3A_207 = arith.constant 0 : i32
      %dma_wait3A_208 = tpu.memref_slice %arg26[%mul3A_110, %dma_wait3A_207] : memref<10240x16xf32, #tpu.memory_space<vmem_shared>> -> memref<640x16xf32, #tpu.memory_space<vmem_shared>>
      tpu.wait_dma2 semaphore(%run_scoped3A : memref<!tpu.dma_semaphore, #tpu.memory_space<semaphore_mem>>) src(%dma_wait3A_208 : memref<640x16xf32, #tpu.memory_space<vmem_shared>>) dst(%dma_wait3A_206 : memref<640x16xf32, #tpu.memory_space<hbm>>)
      tpu.yield
    }) : () -> ()
    %mul3A_113 = arith.constant 640 : i32
    %mul3A_114 = arith.muli %arg1, %mul3A_113 : i32
    "tpu.region"() ({
      %run_scoped3A = tpu.sem_alloc : memref<!tpu.dma_semaphore, #tpu.memory_space<semaphore_mem>>
      %dma_start3A_199 = arith.constant 0 : i32
      %dma_start3A_200 = tpu.memref_slice %arg18[%mul3A_114, %dma_start3A_199] : memref<10240x64xf32, #tpu.memory_space<vmem_shared>> -> memref<640x64xf32, #tpu.memory_space<vmem_shared>>
      tpu.enqueue_dma source(%arg8 : memref<640x64xf32, #tpu.memory_space<hbm>>) target(%dma_start3A_200 : memref<640x64xf32, #tpu.memory_space<vmem_shared>>) target_semaphore(%run_scoped3A : memref<!tpu.dma_semaphore, #tpu.memory_space<semaphore_mem>>)
      %dma_wait3A_201 = arith.constant 0 : i32
      %dma_wait3A_202 = tpu.memref_slice %arg18[%mul3A_114, %dma_wait3A_201] : memref<10240x64xf32, #tpu.memory_space<vmem_shared>> -> memref<640x64xf32, #tpu.memory_space<vmem_shared>>
      tpu.wait_dma2 semaphore(%run_scoped3A : memref<!tpu.dma_semaphore, #tpu.memory_space<semaphore_mem>>) src(%arg8 : memref<640x64xf32, #tpu.memory_space<hbm>>) dst(%dma_wait3A_202 : memref<640x64xf32, #tpu.memory_space<vmem_shared>>)
      tpu.yield
    }) : () -> ()
    %barrier3A_115 = arith.constant 0 : index
    tpu.barrier barrier_id(%barrier3A_115)
    %dma_start3A_116 = arith.constant 0 : i32
    %dma_start3A_117 = arith.constant 0 : i32
    %dma_start3A_118 = arith.constant 0 : i32
    %dma_start3A_119 = arith.constant 0 : i32
    %dma_start3A_120 = tpu.memref_slice %arg15[%dma_start3A_117, %dma_start3A_118, %dma_start3A_119] : memref<2x80x64xf32, #tpu.memory_space<vmem>> -> memref<1x80x64xf32, #tpu.memory_space<vmem>>
    %dma_start3A_121 = tpu.memref_squeeze %dma_start3A_120 : memref<1x80x64xf32, #tpu.memory_space<vmem>> -> memref<80x64xf32, #tpu.memory_space<vmem>>
    %dma_start3A_122 = arith.constant 0 : i32
    %dma_start3A_123 = tpu.memref_slice %arg13[%dma_start3A_116, %dma_start3A_122] : memref<125x80xi32, #tpu.memory_space<vmem>> -> memref<1x80xi32, #tpu.memory_space<vmem>>
    %dma_start3A_124 = tpu.memref_squeeze %dma_start3A_123 : memref<1x80xi32, #tpu.memory_space<vmem>> -> memref<80xi32, #tpu.memory_space<vmem>>
    %dma_start3A_125 = arith.constant 0 : i32
    %dma_start3A_126 = arith.constant 0 : i32
    %dma_start3A_127 = tpu.memref_slice %arg3[%dma_start3A_125, %dma_start3A_126] : memref<10000x64xf32, #tpu.memory_space<hbm>> -> memref<10000x64xf32, #tpu.memory_space<hbm>>
    tpu.enqueue_indirect_dma source(%dma_start3A_127 : memref<10000x64xf32, #tpu.memory_space<hbm>>) target(%dma_start3A_121 : memref<80x64xf32, #tpu.memory_space<vmem>>) offsets(%dma_start3A_124 : memref<80xi32, #tpu.memory_space<vmem>>) semaphore(%arg19 : memref<!tpu.dma_semaphore, #tpu.memory_space<semaphore_mem>>)
    %dma_start3A_128 = arith.constant 0 : i32
    %dma_start3A_129 = arith.constant 0 : i32
    %dma_start3A_130 = arith.constant 0 : i32
    %dma_start3A_131 = arith.constant 0 : i32
    %dma_start3A_132 = tpu.memref_slice %arg16[%dma_start3A_129, %dma_start3A_130, %dma_start3A_131] : memref<2x80x128xf32, #tpu.memory_space<vmem>> -> memref<1x80x128xf32, #tpu.memory_space<vmem>>
    %dma_start3A_133 = tpu.memref_squeeze %dma_start3A_132 : memref<1x80x128xf32, #tpu.memory_space<vmem>> -> memref<80x128xf32, #tpu.memory_space<vmem>>
    %dma_start3A_134 = arith.constant 0 : i32
    %dma_start3A_135 = tpu.memref_slice %arg14[%dma_start3A_128, %dma_start3A_134] : memref<125x80xi32, #tpu.memory_space<vmem>> -> memref<1x80xi32, #tpu.memory_space<vmem>>
    %dma_start3A_136 = tpu.memref_squeeze %dma_start3A_135 : memref<1x80xi32, #tpu.memory_space<vmem>> -> memref<80xi32, #tpu.memory_space<vmem>>
    %dma_start3A_137 = arith.constant 0 : i32
    %dma_start3A_138 = arith.constant 0 : i32
    %dma_start3A_139 = tpu.memref_slice %arg5[%dma_start3A_137, %dma_start3A_138] : memref<10000x128xf32, #tpu.memory_space<hbm>> -> memref<10000x128xf32, #tpu.memory_space<hbm>>
    tpu.enqueue_indirect_dma source(%dma_start3A_139 : memref<10000x128xf32, #tpu.memory_space<hbm>>) target(%dma_start3A_133 : memref<80x128xf32, #tpu.memory_space<vmem>>) offsets(%dma_start3A_136 : memref<80xi32, #tpu.memory_space<vmem>>) semaphore(%arg21 : memref<!tpu.dma_semaphore, #tpu.memory_space<semaphore_mem>>)
    %dma_start3A_140 = arith.constant 1 : i32
    %dma_start3A_141 = arith.constant 1 : i32
    %dma_start3A_142 = arith.constant 0 : i32
    %dma_start3A_143 = arith.constant 0 : i32
    %dma_start3A_144 = tpu.memref_slice %arg15[%dma_start3A_141, %dma_start3A_142, %dma_start3A_143] : memref<2x80x64xf32, #tpu.memory_space<vmem>> -> memref<1x80x64xf32, #tpu.memory_space<vmem>>
    %dma_start3A_145 = tpu.memref_squeeze %dma_start3A_144 : memref<1x80x64xf32, #tpu.memory_space<vmem>> -> memref<80x64xf32, #tpu.memory_space<vmem>>
    %dma_start3A_146 = arith.constant 0 : i32
    %dma_start3A_147 = tpu.memref_slice %arg13[%dma_start3A_140, %dma_start3A_146] : memref<125x80xi32, #tpu.memory_space<vmem>> -> memref<1x80xi32, #tpu.memory_space<vmem>>
    %dma_start3A_148 = tpu.memref_squeeze %dma_start3A_147 : memref<1x80xi32, #tpu.memory_space<vmem>> -> memref<80xi32, #tpu.memory_space<vmem>>
    %dma_start3A_149 = arith.constant 0 : i32
    %dma_start3A_150 = arith.constant 0 : i32
    %dma_start3A_151 = tpu.memref_slice %arg3[%dma_start3A_149, %dma_start3A_150] : memref<10000x64xf32, #tpu.memory_space<hbm>> -> memref<10000x64xf32, #tpu.memory_space<hbm>>
    tpu.enqueue_indirect_dma source(%dma_start3A_151 : memref<10000x64xf32, #tpu.memory_space<hbm>>) target(%dma_start3A_145 : memref<80x64xf32, #tpu.memory_space<vmem>>) offsets(%dma_start3A_148 : memref<80xi32, #tpu.memory_space<vmem>>) semaphore(%arg20 : memref<!tpu.dma_semaphore, #tpu.memory_space<semaphore_mem>>)
    %dma_start3A_152 = arith.constant 1 : i32
    %dma_start3A_153 = arith.constant 1 : i32
    %dma_start3A_154 = arith.constant 0 : i32
    %dma_start3A_155 = arith.constant 0 : i32
    %dma_start3A_156 = tpu.memref_slice %arg16[%dma_start3A_153, %dma_start3A_154, %dma_start3A_155] : memref<2x80x128xf32, #tpu.memory_space<vmem>> -> memref<1x80x128xf32, #tpu.memory_space<vmem>>
    %dma_start3A_157 = tpu.memref_squeeze %dma_start3A_156 : memref<1x80x128xf32, #tpu.memory_space<vmem>> -> memref<80x128xf32, #tpu.memory_space<vmem>>
    %dma_start3A_158 = arith.constant 0 : i32
    %dma_start3A_159 = tpu.memref_slice %arg14[%dma_start3A_152, %dma_start3A_158] : memref<125x80xi32, #tpu.memory_space<vmem>> -> memref<1x80xi32, #tpu.memory_space<vmem>>
    %dma_start3A_160 = tpu.memref_squeeze %dma_start3A_159 : memref<1x80xi32, #tpu.memory_space<vmem>> -> memref<80xi32, #tpu.memory_space<vmem>>
    %dma_start3A_161 = arith.constant 0 : i32
    %dma_start3A_162 = arith.constant 0 : i32
    %dma_start3A_163 = tpu.memref_slice %arg5[%dma_start3A_161, %dma_start3A_162] : memref<10000x128xf32, #tpu.memory_space<hbm>> -> memref<10000x128xf32, #tpu.memory_space<hbm>>
    tpu.enqueue_indirect_dma source(%dma_start3A_163 : memref<10000x128xf32, #tpu.memory_space<hbm>>) target(%dma_start3A_157 : memref<80x128xf32, #tpu.memory_space<vmem>>) offsets(%dma_start3A_160 : memref<80xi32, #tpu.memory_space<vmem>>) semaphore(%arg22 : memref<!tpu.dma_semaphore, #tpu.memory_space<semaphore_mem>>)
    %scan3A_164 = arith.constant 0 : i32
    %scan3A_165 = arith.constant 0 : i32
    %scan3A_166 = arith.constant 63 : i32
    %scan3A_167 = arith.addi %scan3A_165, %scan3A_166 : i32
    %scan3A_168 = arith.constant 1 : i32
    scf.for %scan3A_199 = %scan3A_165 to %scan3A_167 step %scan3A_168  : i32 {
      %mul3A_200 = arith.constant 2 : i32
      %mul3A_201 = arith.muli %scan3A_199, %mul3A_200 : i32
      %add3A_202 = arith.constant 0 : i32
      %add3A_203 = arith.addi %mul3A_201, %add3A_202 : i32
      %lt3A = arith.constant 125 : i32
      %lt3A_204 = arith.cmpi slt, %add3A_203, %lt3A : i32
      %convert_element_type3A_205 = arith.extui %lt3A_204 : i1 to i32
      %cond3A = arith.constant 0 : i32
      %cond3A_206 = arith.cmpi ne, %convert_element_type3A_205, %cond3A : i32
      scf.if %cond3A_206 {
        %dma_wait3A_216 = arith.constant 0 : i32
        %dma_wait3A_217 = arith.constant 0 : i32
        %dma_wait3A_218 = arith.constant 0 : i32
        %dma_wait3A_219 = tpu.memref_slice %arg15[%dma_wait3A_216, %dma_wait3A_217, %dma_wait3A_218] : memref<2x80x64xf32, #tpu.memory_space<vmem>> -> memref<1x80x64xf32, #tpu.memory_space<vmem>>
        %dma_wait3A_220 = tpu.memref_squeeze %dma_wait3A_219 : memref<1x80x64xf32, #tpu.memory_space<vmem>> -> memref<80x64xf32, #tpu.memory_space<vmem>>
        %dma_wait3A_221 = arith.constant 0 : i32
        %dma_wait3A_222 = tpu.memref_slice %arg13[%add3A_203, %dma_wait3A_221] : memref<125x80xi32, #tpu.memory_space<vmem>> -> memref<1x80xi32, #tpu.memory_space<vmem>>
        %dma_wait3A_223 = tpu.memref_squeeze %dma_wait3A_222 : memref<1x80xi32, #tpu.memory_space<vmem>> -> memref<80xi32, #tpu.memory_space<vmem>>
        %dma_wait3A_224 = arith.constant 0 : i32
        %dma_wait3A_225 = arith.constant 0 : i32
        %dma_wait3A_226 = tpu.memref_slice %arg3[%dma_wait3A_224, %dma_wait3A_225] : memref<10000x64xf32, #tpu.memory_space<hbm>> -> memref<10000x64xf32, #tpu.memory_space<hbm>>
        tpu.wait_indirect_dma semaphore(%arg19 : memref<!tpu.dma_semaphore, #tpu.memory_space<semaphore_mem>>) src(%dma_wait3A_226 : memref<10000x64xf32, #tpu.memory_space<hbm>>) dst(%dma_wait3A_220 : memref<80x64xf32, #tpu.memory_space<vmem>>)
        %dma_wait3A_227 = arith.constant 0 : i32
        %dma_wait3A_228 = arith.constant 0 : i32
        %dma_wait3A_229 = arith.constant 0 : i32
        %dma_wait3A_230 = tpu.memref_slice %arg16[%dma_wait3A_227, %dma_wait3A_228, %dma_wait3A_229] : memref<2x80x128xf32, #tpu.memory_space<vmem>> -> memref<1x80x128xf32, #tpu.memory_space<vmem>>
        %dma_wait3A_231 = tpu.memref_squeeze %dma_wait3A_230 : memref<1x80x128xf32, #tpu.memory_space<vmem>> -> memref<80x128xf32, #tpu.memory_space<vmem>>
        %dma_wait3A_232 = arith.constant 0 : i32
        %dma_wait3A_233 = tpu.memref_slice %arg14[%add3A_203, %dma_wait3A_232] : memref<125x80xi32, #tpu.memory_space<vmem>> -> memref<1x80xi32, #tpu.memory_space<vmem>>
        %dma_wait3A_234 = tpu.memref_squeeze %dma_wait3A_233 : memref<1x80xi32, #tpu.memory_space<vmem>> -> memref<80xi32, #tpu.memory_space<vmem>>
        %dma_wait3A_235 = arith.constant 0 : i32
        %dma_wait3A_236 = arith.constant 0 : i32
        %dma_wait3A_237 = tpu.memref_slice %arg5[%dma_wait3A_235, %dma_wait3A_236] : memref<10000x128xf32, #tpu.memory_space<hbm>> -> memref<10000x128xf32, #tpu.memory_space<hbm>>
        tpu.wait_indirect_dma semaphore(%arg21 : memref<!tpu.dma_semaphore, #tpu.memory_space<semaphore_mem>>) src(%dma_wait3A_237 : memref<10000x128xf32, #tpu.memory_space<hbm>>) dst(%dma_wait3A_231 : memref<80x128xf32, #tpu.memory_space<vmem>>)
        %ge3A = arith.constant 2 : i32
        %ge3A_238 = arith.cmpi sge, %add3A_203, %ge3A : i32
        %convert_element_type3A_239 = arith.extui %ge3A_238 : i1 to i32
        %cond3A_240 = arith.constant 0 : i32
        %cond3A_241 = arith.cmpi ne, %convert_element_type3A_239, %cond3A_240 : i32
        scf.if %cond3A_241 {
          %sub3A_262 = arith.constant 2 : i32
          %sub3A_263 = arith.subi %add3A_203, %sub3A_262 : i32
          %dma_wait3A_264 = arith.constant 0 : i32
          %dma_wait3A_265 = arith.constant 0 : i32
          %dma_wait3A_266 = arith.constant 0 : i32
          %dma_wait3A_267 = tpu.memref_slice %arg17[%dma_wait3A_264, %dma_wait3A_265, %dma_wait3A_266] : memref<2x80x64xf32, #tpu.memory_space<vmem>> -> memref<1x80x64xf32, #tpu.memory_space<vmem>>
          %dma_wait3A_268 = tpu.memref_squeeze %dma_wait3A_267 : memref<1x80x64xf32, #tpu.memory_space<vmem>> -> memref<80x64xf32, #tpu.memory_space<vmem>>
          %dma_wait3A_269 = arith.constant 0 : i32
          %dma_wait3A_270 = tpu.memref_slice %arg14[%sub3A_263, %dma_wait3A_269] : memref<125x80xi32, #tpu.memory_space<vmem>> -> memref<1x80xi32, #tpu.memory_space<vmem>>
          %dma_wait3A_271 = tpu.memref_squeeze %dma_wait3A_270 : memref<1x80xi32, #tpu.memory_space<vmem>> -> memref<80xi32, #tpu.memory_space<vmem>>
          %dma_wait3A_272 = arith.constant 0 : i32
          %dma_wait3A_273 = arith.constant 0 : i32
          %dma_wait3A_274 = tpu.memref_slice %arg18[%dma_wait3A_272, %dma_wait3A_273] : memref<10240x64xf32, #tpu.memory_space<vmem_shared>> -> memref<10240x64xf32, #tpu.memory_space<vmem_shared>>
          tpu.wait_indirect_dma semaphore(%arg23 : memref<!tpu.dma_semaphore, #tpu.memory_space<semaphore_mem>>) src(%dma_wait3A_268 : memref<80x64xf32, #tpu.memory_space<vmem>>) dst(%dma_wait3A_274 : memref<10240x64xf32, #tpu.memory_space<vmem_shared>>)
        } else {
        }
        %parallel_loop3A = arith.constant 0 : i32
        %parallel_loop3A_242 = arith.constant 80 : i32
        %parallel_loop3A_243 = arith.constant 1 : i32
        scf.for %parallel_loop3A_262 = %parallel_loop3A to %parallel_loop3A_242 step %parallel_loop3A_243  : i32 {
          %parallel_loop3A_263 = arith.constant 0 : i32
          %parallel_loop3A_264 = arith.index_cast %parallel_loop3A_263 : i32 to index
          %parallel_loop3A_265 = arith.index_cast %parallel_loop3A_262 : i32 to index
          %parallel_loop3A_266 = arith.constant 0 : index
          %parallel_loop3A_267 = tpu.vector_load %arg16[%parallel_loop3A_264, %parallel_loop3A_265, %parallel_loop3A_266] {strides = array<i32>} : memref<2x80x128xf32, #tpu.memory_space<vmem>>, vector<1x1x16xf32>,
          %parallel_loop3A_268 = vector.shape_cast %parallel_loop3A_267 : vector<1x1x16xf32> to vector<16xf32>
          %parallel_loop3A_269 = arith.constant 0 : i32
          %parallel_loop3A_270 = arith.index_cast %parallel_loop3A_269 : i32 to index
          %parallel_loop3A_271 = arith.index_cast %parallel_loop3A_262 : i32 to index
          %parallel_loop3A_272 = arith.constant 64 : index
          %parallel_loop3A_273 = tpu.vector_load %arg16[%parallel_loop3A_270, %parallel_loop3A_271, %parallel_loop3A_272] {strides = array<i32>} : memref<2x80x128xf32, #tpu.memory_space<vmem>>, vector<1x1x16xf32>,
          %parallel_loop3A_274 = vector.shape_cast %parallel_loop3A_273 : vector<1x1x16xf32> to vector<16xf32>
          %parallel_loop3A_275 = arith.constant 0 : i32
          %parallel_loop3A_276 = arith.index_cast %parallel_loop3A_275 : i32 to index
          %parallel_loop3A_277 = arith.index_cast %parallel_loop3A_262 : i32 to index
          %parallel_loop3A_278 = arith.constant 0 : index
          %parallel_loop3A_279 = tpu.vector_load %arg15[%parallel_loop3A_276, %parallel_loop3A_277, %parallel_loop3A_278] {strides = array<i32>} : memref<2x80x64xf32, #tpu.memory_space<vmem>>, vector<1x1x16xf32>,
          %parallel_loop3A_280 = vector.shape_cast %parallel_loop3A_279 : vector<1x1x16xf32> to vector<16xf32>
          %parallel_loop3A_281 = arith.mulf %parallel_loop3A_268, %parallel_loop3A_280 : vector<16xf32>
          %parallel_loop3A_282 = arith.addf %parallel_loop3A_281, %parallel_loop3A_274 : vector<16xf32>
          %parallel_loop3A_283 = arith.constant 0.000000e+00 : f32
          %parallel_loop3A_284 = vector.broadcast %parallel_loop3A_283 : f32 to vector<16xf32>
          %parallel_loop3A_285 = arith.maximumf %parallel_loop3A_282, %parallel_loop3A_284 : vector<16xf32>
          %parallel_loop3A_286 = arith.constant 0 : i32
          %parallel_loop3A_287 = arith.index_cast %parallel_loop3A_286 : i32 to index
          %parallel_loop3A_288 = arith.index_cast %parallel_loop3A_262 : i32 to index
          %parallel_loop3A_289 = arith.constant 0 : index
          %parallel_loop3A_290 = tpu.vector_load %arg17[%parallel_loop3A_287, %parallel_loop3A_288, %parallel_loop3A_289] {strides = array<i32>} : memref<2x80x64xf32, #tpu.memory_space<vmem>>, vector<1x1x16xf32>,
          %parallel_loop3A_291 = vector.shape_cast %parallel_loop3A_290 : vector<1x1x16xf32> to vector<16xf32>
          %parallel_loop3A_292 = vector.shape_cast %parallel_loop3A_285 : vector<16xf32> to vector<1x1x16xf32>
          tpu.vector_store %arg17[%parallel_loop3A_287, %parallel_loop3A_288, %parallel_loop3A_289], %parallel_loop3A_292 {strides = array<i32>} : memref<2x80x64xf32, #tpu.memory_space<vmem>>, vector<1x1x16xf32>,
          %parallel_loop3A_293 = arith.constant 0 : i32
          %parallel_loop3A_294 = arith.index_cast %parallel_loop3A_293 : i32 to index
          %parallel_loop3A_295 = arith.index_cast %parallel_loop3A_262 : i32 to index
          %parallel_loop3A_296 = arith.constant 16 : index
          %parallel_loop3A_297 = tpu.vector_load %arg16[%parallel_loop3A_294, %parallel_loop3A_295, %parallel_loop3A_296] {strides = array<i32>} : memref<2x80x128xf32, #tpu.memory_space<vmem>>, vector<1x1x16xf32>,
          %parallel_loop3A_298 = vector.shape_cast %parallel_loop3A_297 : vector<1x1x16xf32> to vector<16xf32>
          %parallel_loop3A_299 = arith.constant 0 : i32
          %parallel_loop3A_300 = arith.index_cast %parallel_loop3A_299 : i32 to index
          %parallel_loop3A_301 = arith.index_cast %parallel_loop3A_262 : i32 to index
          %parallel_loop3A_302 = arith.constant 80 : index
          %parallel_loop3A_303 = tpu.vector_load %arg16[%parallel_loop3A_300, %parallel_loop3A_301, %parallel_loop3A_302] {strides = array<i32>} : memref<2x80x128xf32, #tpu.memory_space<vmem>>, vector<1x1x16xf32>,
          %parallel_loop3A_304 = vector.shape_cast %parallel_loop3A_303 : vector<1x1x16xf32> to vector<16xf32>
          %parallel_loop3A_305 = arith.constant 0 : i32
          %parallel_loop3A_306 = arith.index_cast %parallel_loop3A_305 : i32 to index
          %parallel_loop3A_307 = arith.index_cast %parallel_loop3A_262 : i32 to index
          %parallel_loop3A_308 = arith.constant 16 : index
          %parallel_loop3A_309 = tpu.vector_load %arg15[%parallel_loop3A_306, %parallel_loop3A_307, %parallel_loop3A_308] {strides = array<i32>} : memref<2x80x64xf32, #tpu.memory_space<vmem>>, vector<1x1x16xf32>,
          %parallel_loop3A_310 = vector.shape_cast %parallel_loop3A_309 : vector<1x1x16xf32> to vector<16xf32>
          %parallel_loop3A_311 = arith.mulf %parallel_loop3A_298, %parallel_loop3A_310 : vector<16xf32>
          %parallel_loop3A_312 = arith.addf %parallel_loop3A_311, %parallel_loop3A_304 : vector<16xf32>
          %parallel_loop3A_313 = arith.constant 0.000000e+00 : f32
          %parallel_loop3A_314 = vector.broadcast %parallel_loop3A_313 : f32 to vector<16xf32>
          %parallel_loop3A_315 = arith.maximumf %parallel_loop3A_312, %parallel_loop3A_314 : vector<16xf32>
          %parallel_loop3A_316 = arith.constant 0 : i32
          %parallel_loop3A_317 = arith.index_cast %parallel_loop3A_316 : i32 to index
          %parallel_loop3A_318 = arith.index_cast %parallel_loop3A_262 : i32 to index
          %parallel_loop3A_319 = arith.constant 16 : index
          %parallel_loop3A_320 = tpu.vector_load %arg17[%parallel_loop3A_317, %parallel_loop3A_318, %parallel_loop3A_319] {strides = array<i32>} : memref<2x80x64xf32, #tpu.memory_space<vmem>>, vector<1x1x16xf32>,
          %parallel_loop3A_321 = vector.shape_cast %parallel_loop3A_320 : vector<1x1x16xf32> to vector<16xf32>
          %parallel_loop3A_322 = vector.shape_cast %parallel_loop3A_315 : vector<16xf32> to vector<1x1x16xf32>
          tpu.vector_store %arg17[%parallel_loop3A_317, %parallel_loop3A_318, %parallel_loop3A_319], %parallel_loop3A_322 {strides = array<i32>} : memref<2x80x64xf32, #tpu.memory_space<vmem>>, vector<1x1x16xf32>,
          %parallel_loop3A_323 = arith.constant 0 : i32
          %parallel_loop3A_324 = arith.index_cast %parallel_loop3A_323 : i32 to index
          %parallel_loop3A_325 = arith.index_cast %parallel_loop3A_262 : i32 to index
          %parallel_loop3A_326 = arith.constant 32 : index
          %parallel_loop3A_327 = tpu.vector_load %arg16[%parallel_loop3A_324, %parallel_loop3A_325, %parallel_loop3A_326] {strides = array<i32>} : memref<2x80x128xf32, #tpu.memory_space<vmem>>, vector<1x1x16xf32>,
          %parallel_loop3A_328 = vector.shape_cast %parallel_loop3A_327 : vector<1x1x16xf32> to vector<16xf32>
          %parallel_loop3A_329 = arith.constant 0 : i32
          %parallel_loop3A_330 = arith.index_cast %parallel_loop3A_329 : i32 to index
          %parallel_loop3A_331 = arith.index_cast %parallel_loop3A_262 : i32 to index
          %parallel_loop3A_332 = arith.constant 96 : index
          %parallel_loop3A_333 = tpu.vector_load %arg16[%parallel_loop3A_330, %parallel_loop3A_331, %parallel_loop3A_332] {strides = array<i32>} : memref<2x80x128xf32, #tpu.memory_space<vmem>>, vector<1x1x16xf32>,
          %parallel_loop3A_334 = vector.shape_cast %parallel_loop3A_333 : vector<1x1x16xf32> to vector<16xf32>
          %parallel_loop3A_335 = arith.constant 0 : i32
          %parallel_loop3A_336 = arith.index_cast %parallel_loop3A_335 : i32 to index
          %parallel_loop3A_337 = arith.index_cast %parallel_loop3A_262 : i32 to index
          %parallel_loop3A_338 = arith.constant 32 : index
          %parallel_loop3A_339 = tpu.vector_load %arg15[%parallel_loop3A_336, %parallel_loop3A_337, %parallel_loop3A_338] {strides = array<i32>} : memref<2x80x64xf32, #tpu.memory_space<vmem>>, vector<1x1x16xf32>,
          %parallel_loop3A_340 = vector.shape_cast %parallel_loop3A_339 : vector<1x1x16xf32> to vector<16xf32>
          %parallel_loop3A_341 = arith.mulf %parallel_loop3A_328, %parallel_loop3A_340 : vector<16xf32>
          %parallel_loop3A_342 = arith.addf %parallel_loop3A_341, %parallel_loop3A_334 : vector<16xf32>
          %parallel_loop3A_343 = arith.constant 0.000000e+00 : f32
          %parallel_loop3A_344 = vector.broadcast %parallel_loop3A_343 : f32 to vector<16xf32>
          %parallel_loop3A_345 = arith.maximumf %parallel_loop3A_342, %parallel_loop3A_344 : vector<16xf32>
          %parallel_loop3A_346 = arith.constant 0 : i32
          %parallel_loop3A_347 = arith.index_cast %parallel_loop3A_346 : i32 to index
          %parallel_loop3A_348 = arith.index_cast %parallel_loop3A_262 : i32 to index
          %parallel_loop3A_349 = arith.constant 32 : index
          %parallel_loop3A_350 = tpu.vector_load %arg17[%parallel_loop3A_347, %parallel_loop3A_348, %parallel_loop3A_349] {strides = array<i32>} : memref<2x80x64xf32, #tpu.memory_space<vmem>>, vector<1x1x16xf32>,
          %parallel_loop3A_351 = vector.shape_cast %parallel_loop3A_350 : vector<1x1x16xf32> to vector<16xf32>
          %parallel_loop3A_352 = vector.shape_cast %parallel_loop3A_345 : vector<16xf32> to vector<1x1x16xf32>
          tpu.vector_store %arg17[%parallel_loop3A_347, %parallel_loop3A_348, %parallel_loop3A_349], %parallel_loop3A_352 {strides = array<i32>} : memref<2x80x64xf32, #tpu.memory_space<vmem>>, vector<1x1x16xf32>,
          %parallel_loop3A_353 = arith.constant 0 : i32
          %parallel_loop3A_354 = arith.index_cast %parallel_loop3A_353 : i32 to index
          %parallel_loop3A_355 = arith.index_cast %parallel_loop3A_262 : i32 to index
          %parallel_loop3A_356 = arith.constant 48 : index
          %parallel_loop3A_357 = tpu.vector_load %arg16[%parallel_loop3A_354, %parallel_loop3A_355, %parallel_loop3A_356] {strides = array<i32>} : memref<2x80x128xf32, #tpu.memory_space<vmem>>, vector<1x1x16xf32>,
          %parallel_loop3A_358 = vector.shape_cast %parallel_loop3A_357 : vector<1x1x16xf32> to vector<16xf32>
          %parallel_loop3A_359 = arith.constant 0 : i32
          %parallel_loop3A_360 = arith.index_cast %parallel_loop3A_359 : i32 to index
          %parallel_loop3A_361 = arith.index_cast %parallel_loop3A_262 : i32 to index
          %parallel_loop3A_362 = arith.constant 112 : index
          %parallel_loop3A_363 = tpu.vector_load %arg16[%parallel_loop3A_360, %parallel_loop3A_361, %parallel_loop3A_362] {strides = array<i32>} : memref<2x80x128xf32, #tpu.memory_space<vmem>>, vector<1x1x16xf32>,
          %parallel_loop3A_364 = vector.shape_cast %parallel_loop3A_363 : vector<1x1x16xf32> to vector<16xf32>
          %parallel_loop3A_365 = arith.constant 0 : i32
          %parallel_loop3A_366 = arith.index_cast %parallel_loop3A_365 : i32 to index
          %parallel_loop3A_367 = arith.index_cast %parallel_loop3A_262 : i32 to index
          %parallel_loop3A_368 = arith.constant 48 : index
          %parallel_loop3A_369 = tpu.vector_load %arg15[%parallel_loop3A_366, %parallel_loop3A_367, %parallel_loop3A_368] {strides = array<i32>} : memref<2x80x64xf32, #tpu.memory_space<vmem>>, vector<1x1x16xf32>,
          %parallel_loop3A_370 = vector.shape_cast %parallel_loop3A_369 : vector<1x1x16xf32> to vector<16xf32>
          %parallel_loop3A_371 = arith.mulf %parallel_loop3A_358, %parallel_loop3A_370 : vector<16xf32>
          %parallel_loop3A_372 = arith.addf %parallel_loop3A_371, %parallel_loop3A_364 : vector<16xf32>
          %parallel_loop3A_373 = arith.constant 0.000000e+00 : f32
          %parallel_loop3A_374 = vector.broadcast %parallel_loop3A_373 : f32 to vector<16xf32>
          %parallel_loop3A_375 = arith.maximumf %parallel_loop3A_372, %parallel_loop3A_374 : vector<16xf32>
          %parallel_loop3A_376 = arith.constant 0 : i32
          %parallel_loop3A_377 = arith.index_cast %parallel_loop3A_376 : i32 to index
          %parallel_loop3A_378 = arith.index_cast %parallel_loop3A_262 : i32 to index
          %parallel_loop3A_379 = arith.constant 48 : index
          %parallel_loop3A_380 = tpu.vector_load %arg17[%parallel_loop3A_377, %parallel_loop3A_378, %parallel_loop3A_379] {strides = array<i32>} : memref<2x80x64xf32, #tpu.memory_space<vmem>>, vector<1x1x16xf32>,
          %parallel_loop3A_381 = vector.shape_cast %parallel_loop3A_380 : vector<1x1x16xf32> to vector<16xf32>
          %parallel_loop3A_382 = vector.shape_cast %parallel_loop3A_375 : vector<16xf32> to vector<1x1x16xf32>
          tpu.vector_store %arg17[%parallel_loop3A_377, %parallel_loop3A_378, %parallel_loop3A_379], %parallel_loop3A_382 {strides = array<i32>} : memref<2x80x64xf32, #tpu.memory_space<vmem>>, vector<1x1x16xf32>,
        } {sc.loop_unroll_factor = 4 : i64, sc.parallel_access}
        %add3A_244 = arith.constant 2 : i32
        %add3A_245 = arith.addi %add3A_203, %add3A_244 : i32
        %lt3A_246 = arith.constant 125 : i32
        %lt3A_247 = arith.cmpi slt, %add3A_245, %lt3A_246 : i32
        %convert_element_type3A_248 = arith.extui %lt3A_247 : i1 to i32
        %cond3A_249 = arith.constant 0 : i32
        %cond3A_250 = arith.cmpi ne, %convert_element_type3A_248, %cond3A_249 : i32
        scf.if %cond3A_250 {
          %add3A_262 = arith.constant 2 : i32
          %add3A_263 = arith.addi %add3A_203, %add3A_262 : i32
          %dma_start3A_264 = arith.constant 0 : i32
          %dma_start3A_265 = arith.constant 0 : i32
          %dma_start3A_266 = arith.constant 0 : i32
          %dma_start3A_267 = tpu.memref_slice %arg15[%dma_start3A_264, %dma_start3A_265, %dma_start3A_266] : memref<2x80x64xf32, #tpu.memory_space<vmem>> -> memref<1x80x64xf32, #tpu.memory_space<vmem>>
          %dma_start3A_268 = tpu.memref_squeeze %dma_start3A_267 : memref<1x80x64xf32, #tpu.memory_space<vmem>> -> memref<80x64xf32, #tpu.memory_space<vmem>>
          %dma_start3A_269 = arith.constant 0 : i32
          %dma_start3A_270 = tpu.memref_slice %arg13[%add3A_263, %dma_start3A_269] : memref<125x80xi32, #tpu.memory_space<vmem>> -> memref<1x80xi32, #tpu.memory_space<vmem>>
          %dma_start3A_271 = tpu.memref_squeeze %dma_start3A_270 : memref<1x80xi32, #tpu.memory_space<vmem>> -> memref<80xi32, #tpu.memory_space<vmem>>
          %dma_start3A_272 = arith.constant 0 : i32
          %dma_start3A_273 = arith.constant 0 : i32
          %dma_start3A_274 = tpu.memref_slice %arg3[%dma_start3A_272, %dma_start3A_273] : memref<10000x64xf32, #tpu.memory_space<hbm>> -> memref<10000x64xf32, #tpu.memory_space<hbm>>
          tpu.enqueue_indirect_dma source(%dma_start3A_274 : memref<10000x64xf32, #tpu.memory_space<hbm>>) target(%dma_start3A_268 : memref<80x64xf32, #tpu.memory_space<vmem>>) offsets(%dma_start3A_271 : memref<80xi32, #tpu.memory_space<vmem>>) semaphore(%arg19 : memref<!tpu.dma_semaphore, #tpu.memory_space<semaphore_mem>>)
          %dma_start3A_275 = arith.constant 0 : i32
          %dma_start3A_276 = arith.constant 0 : i32
          %dma_start3A_277 = arith.constant 0 : i32
          %dma_start3A_278 = tpu.memref_slice %arg16[%dma_start3A_275, %dma_start3A_276, %dma_start3A_277] : memref<2x80x128xf32, #tpu.memory_space<vmem>> -> memref<1x80x128xf32, #tpu.memory_space<vmem>>
          %dma_start3A_279 = tpu.memref_squeeze %dma_start3A_278 : memref<1x80x128xf32, #tpu.memory_space<vmem>> -> memref<80x128xf32, #tpu.memory_space<vmem>>
          %dma_start3A_280 = arith.constant 0 : i32
          %dma_start3A_281 = tpu.memref_slice %arg14[%add3A_263, %dma_start3A_280] : memref<125x80xi32, #tpu.memory_space<vmem>> -> memref<1x80xi32, #tpu.memory_space<vmem>>
          %dma_start3A_282 = tpu.memref_squeeze %dma_start3A_281 : memref<1x80xi32, #tpu.memory_space<vmem>> -> memref<80xi32, #tpu.memory_space<vmem>>
          %dma_start3A_283 = arith.constant 0 : i32
          %dma_start3A_284 = arith.constant 0 : i32
          %dma_start3A_285 = tpu.memref_slice %arg5[%dma_start3A_283, %dma_start3A_284] : memref<10000x128xf32, #tpu.memory_space<hbm>> -> memref<10000x128xf32, #tpu.memory_space<hbm>>
          tpu.enqueue_indirect_dma source(%dma_start3A_285 : memref<10000x128xf32, #tpu.memory_space<hbm>>) target(%dma_start3A_279 : memref<80x128xf32, #tpu.memory_space<vmem>>) offsets(%dma_start3A_282 : memref<80xi32, #tpu.memory_space<vmem>>) semaphore(%arg21 : memref<!tpu.dma_semaphore, #tpu.memory_space<semaphore_mem>>)
        } else {
        }
        %dma_start3A_251 = arith.constant 0 : i32
        %dma_start3A_252 = arith.constant 0 : i32
        %dma_start3A_253 = arith.constant 0 : i32
        %dma_start3A_254 = tpu.memref_slice %arg17[%dma_start3A_251, %dma_start3A_252, %dma_start3A_253] : memref<2x80x64xf32, #tpu.memory_space<vmem>> -> memref<1x80x64xf32, #tpu.memory_space<vmem>>
        %dma_start3A_255 = tpu.memref_squeeze %dma_start3A_254 : memref<1x80x64xf32, #tpu.memory_space<vmem>> -> memref<80x64xf32, #tpu.memory_space<vmem>>
        %dma_start3A_256 = arith.constant 0 : i32
        %dma_start3A_257 = tpu.memref_slice %arg14[%add3A_203, %dma_start3A_256] : memref<125x80xi32, #tpu.memory_space<vmem>> -> memref<1x80xi32, #tpu.memory_space<vmem>>
        %dma_start3A_258 = tpu.memref_squeeze %dma_start3A_257 : memref<1x80xi32, #tpu.memory_space<vmem>> -> memref<80xi32, #tpu.memory_space<vmem>>
        %dma_start3A_259 = arith.constant 0 : i32
        %dma_start3A_260 = arith.constant 0 : i32
        %dma_start3A_261 = tpu.memref_slice %arg18[%dma_start3A_259, %dma_start3A_260] : memref<10240x64xf32, #tpu.memory_space<vmem_shared>> -> memref<10240x64xf32, #tpu.memory_space<vmem_shared>>
        tpu.enqueue_indirect_dma source(%dma_start3A_255 : memref<80x64xf32, #tpu.memory_space<vmem>>) target(%dma_start3A_261 : memref<10240x64xf32, #tpu.memory_space<vmem_shared>>) offsets(%dma_start3A_258 : memref<80xi32, #tpu.memory_space<vmem>>) semaphore(%arg23 : memref<!tpu.dma_semaphore, #tpu.memory_space<semaphore_mem>>) {add = true}
      } else {
      }
      %mul3A_207 = arith.constant 2 : i32
      %mul3A_208 = arith.muli %scan3A_199, %mul3A_207 : i32
      %add3A_209 = arith.constant 1 : i32
      %add3A_210 = arith.addi %mul3A_208, %add3A_209 : i32
      %lt3A_211 = arith.constant 125 : i32
      %lt3A_212 = arith.cmpi slt, %add3A_210, %lt3A_211 : i32
      %convert_element_type3A_213 = arith.extui %lt3A_212 : i1 to i32
      %cond3A_214 = arith.constant 0 : i32
      %cond3A_215 = arith.cmpi ne, %convert_element_type3A_213, %cond3A_214 : i32
      scf.if %cond3A_215 {
        %dma_wait3A_216 = arith.constant 1 : i32
        %dma_wait3A_217 = arith.constant 0 : i32
        %dma_wait3A_218 = arith.constant 0 : i32
        %dma_wait3A_219 = tpu.memref_slice %arg15[%dma_wait3A_216, %dma_wait3A_217, %dma_wait3A_218] : memref<2x80x64xf32, #tpu.memory_space<vmem>> -> memref<1x80x64xf32, #tpu.memory_space<vmem>>
        %dma_wait3A_220 = tpu.memref_squeeze %dma_wait3A_219 : memref<1x80x64xf32, #tpu.memory_space<vmem>> -> memref<80x64xf32, #tpu.memory_space<vmem>>
        %dma_wait3A_221 = arith.constant 0 : i32
        %dma_wait3A_222 = tpu.memref_slice %arg13[%add3A_210, %dma_wait3A_221] : memref<125x80xi32, #tpu.memory_space<vmem>> -> memref<1x80xi32, #tpu.memory_space<vmem>>
        %dma_wait3A_223 = tpu.memref_squeeze %dma_wait3A_222 : memref<1x80xi32, #tpu.memory_space<vmem>> -> memref<80xi32, #tpu.memory_space<vmem>>
        %dma_wait3A_224 = arith.constant 0 : i32
        %dma_wait3A_225 = arith.constant 0 : i32
        %dma_wait3A_226 = tpu.memref_slice %arg3[%dma_wait3A_224, %dma_wait3A_225] : memref<10000x64xf32, #tpu.memory_space<hbm>> -> memref<10000x64xf32, #tpu.memory_space<hbm>>
        tpu.wait_indirect_dma semaphore(%arg20 : memref<!tpu.dma_semaphore, #tpu.memory_space<semaphore_mem>>) src(%dma_wait3A_226 : memref<10000x64xf32, #tpu.memory_space<hbm>>) dst(%dma_wait3A_220 : memref<80x64xf32, #tpu.memory_space<vmem>>)
        %dma_wait3A_227 = arith.constant 1 : i32
        %dma_wait3A_228 = arith.constant 0 : i32
        %dma_wait3A_229 = arith.constant 0 : i32
        %dma_wait3A_230 = tpu.memref_slice %arg16[%dma_wait3A_227, %dma_wait3A_228, %dma_wait3A_229] : memref<2x80x128xf32, #tpu.memory_space<vmem>> -> memref<1x80x128xf32, #tpu.memory_space<vmem>>
        %dma_wait3A_231 = tpu.memref_squeeze %dma_wait3A_230 : memref<1x80x128xf32, #tpu.memory_space<vmem>> -> memref<80x128xf32, #tpu.memory_space<vmem>>
        %dma_wait3A_232 = arith.constant 0 : i32
        %dma_wait3A_233 = tpu.memref_slice %arg14[%add3A_210, %dma_wait3A_232] : memref<125x80xi32, #tpu.memory_space<vmem>> -> memref<1x80xi32, #tpu.memory_space<vmem>>
        %dma_wait3A_234 = tpu.memref_squeeze %dma_wait3A_233 : memref<1x80xi32, #tpu.memory_space<vmem>> -> memref<80xi32, #tpu.memory_space<vmem>>
        %dma_wait3A_235 = arith.constant 0 : i32
        %dma_wait3A_236 = arith.constant 0 : i32
        %dma_wait3A_237 = tpu.memref_slice %arg5[%dma_wait3A_235, %dma_wait3A_236] : memref<10000x128xf32, #tpu.memory_space<hbm>> -> memref<10000x128xf32, #tpu.memory_space<hbm>>
        tpu.wait_indirect_dma semaphore(%arg22 : memref<!tpu.dma_semaphore, #tpu.memory_space<semaphore_mem>>) src(%dma_wait3A_237 : memref<10000x128xf32, #tpu.memory_space<hbm>>) dst(%dma_wait3A_231 : memref<80x128xf32, #tpu.memory_space<vmem>>)
        %ge3A = arith.constant 2 : i32
        %ge3A_238 = arith.cmpi sge, %add3A_210, %ge3A : i32
        %convert_element_type3A_239 = arith.extui %ge3A_238 : i1 to i32
        %cond3A_240 = arith.constant 0 : i32
        %cond3A_241 = arith.cmpi ne, %convert_element_type3A_239, %cond3A_240 : i32
        scf.if %cond3A_241 {
          %sub3A_262 = arith.constant 2 : i32
          %sub3A_263 = arith.subi %add3A_210, %sub3A_262 : i32
          %dma_wait3A_264 = arith.constant 1 : i32
          %dma_wait3A_265 = arith.constant 0 : i32
          %dma_wait3A_266 = arith.constant 0 : i32
          %dma_wait3A_267 = tpu.memref_slice %arg17[%dma_wait3A_264, %dma_wait3A_265, %dma_wait3A_266] : memref<2x80x64xf32, #tpu.memory_space<vmem>> -> memref<1x80x64xf32, #tpu.memory_space<vmem>>
          %dma_wait3A_268 = tpu.memref_squeeze %dma_wait3A_267 : memref<1x80x64xf32, #tpu.memory_space<vmem>> -> memref<80x64xf32, #tpu.memory_space<vmem>>
          %dma_wait3A_269 = arith.constant 0 : i32
          %dma_wait3A_270 = tpu.memref_slice %arg14[%sub3A_263, %dma_wait3A_269] : memref<125x80xi32, #tpu.memory_space<vmem>> -> memref<1x80xi32, #tpu.memory_space<vmem>>
          %dma_wait3A_271 = tpu.memref_squeeze %dma_wait3A_270 : memref<1x80xi32, #tpu.memory_space<vmem>> -> memref<80xi32, #tpu.memory_space<vmem>>
          %dma_wait3A_272 = arith.constant 0 : i32
          %dma_wait3A_273 = arith.constant 0 : i32
          %dma_wait3A_274 = tpu.memref_slice %arg18[%dma_wait3A_272, %dma_wait3A_273] : memref<10240x64xf32, #tpu.memory_space<vmem_shared>> -> memref<10240x64xf32, #tpu.memory_space<vmem_shared>>
          tpu.wait_indirect_dma semaphore(%arg24 : memref<!tpu.dma_semaphore, #tpu.memory_space<semaphore_mem>>) src(%dma_wait3A_268 : memref<80x64xf32, #tpu.memory_space<vmem>>) dst(%dma_wait3A_274 : memref<10240x64xf32, #tpu.memory_space<vmem_shared>>)
        } else {
        }
        %parallel_loop3A = arith.constant 0 : i32
        %parallel_loop3A_242 = arith.constant 80 : i32
        %parallel_loop3A_243 = arith.constant 1 : i32
        scf.for %parallel_loop3A_262 = %parallel_loop3A to %parallel_loop3A_242 step %parallel_loop3A_243  : i32 {
          %parallel_loop3A_263 = arith.constant 1 : i32
          %parallel_loop3A_264 = arith.index_cast %parallel_loop3A_263 : i32 to index
          %parallel_loop3A_265 = arith.index_cast %parallel_loop3A_262 : i32 to index
          %parallel_loop3A_266 = arith.constant 0 : index
          %parallel_loop3A_267 = tpu.vector_load %arg16[%parallel_loop3A_264, %parallel_loop3A_265, %parallel_loop3A_266] {strides = array<i32>} : memref<2x80x128xf32, #tpu.memory_space<vmem>>, vector<1x1x16xf32>,
          %parallel_loop3A_268 = vector.shape_cast %parallel_loop3A_267 : vector<1x1x16xf32> to vector<16xf32>
          %parallel_loop3A_269 = arith.constant 1 : i32
          %parallel_loop3A_270 = arith.index_cast %parallel_loop3A_269 : i32 to index
          %parallel_loop3A_271 = arith.index_cast %parallel_loop3A_262 : i32 to index
          %parallel_loop3A_272 = arith.constant 64 : index
          %parallel_loop3A_273 = tpu.vector_load %arg16[%parallel_loop3A_270, %parallel_loop3A_271, %parallel_loop3A_272] {strides = array<i32>} : memref<2x80x128xf32, #tpu.memory_space<vmem>>, vector<1x1x16xf32>,
          %parallel_loop3A_274 = vector.shape_cast %parallel_loop3A_273 : vector<1x1x16xf32> to vector<16xf32>
          %parallel_loop3A_275 = arith.constant 1 : i32
          %parallel_loop3A_276 = arith.index_cast %parallel_loop3A_275 : i32 to index
          %parallel_loop3A_277 = arith.index_cast %parallel_loop3A_262 : i32 to index
          %parallel_loop3A_278 = arith.constant 0 : index
          %parallel_loop3A_279 = tpu.vector_load %arg15[%parallel_loop3A_276, %parallel_loop3A_277, %parallel_loop3A_278] {strides = array<i32>} : memref<2x80x64xf32, #tpu.memory_space<vmem>>, vector<1x1x16xf32>,
          %parallel_loop3A_280 = vector.shape_cast %parallel_loop3A_279 : vector<1x1x16xf32> to vector<16xf32>
          %parallel_loop3A_281 = arith.mulf %parallel_loop3A_268, %parallel_loop3A_280 : vector<16xf32>
          %parallel_loop3A_282 = arith.addf %parallel_loop3A_281, %parallel_loop3A_274 : vector<16xf32>
          %parallel_loop3A_283 = arith.constant 0.000000e+00 : f32
          %parallel_loop3A_284 = vector.broadcast %parallel_loop3A_283 : f32 to vector<16xf32>
          %parallel_loop3A_285 = arith.maximumf %parallel_loop3A_282, %parallel_loop3A_284 : vector<16xf32>
          %parallel_loop3A_286 = arith.constant 1 : i32
          %parallel_loop3A_287 = arith.index_cast %parallel_loop3A_286 : i32 to index
          %parallel_loop3A_288 = arith.index_cast %parallel_loop3A_262 : i32 to index
          %parallel_loop3A_289 = arith.constant 0 : index
          %parallel_loop3A_290 = tpu.vector_load %arg17[%parallel_loop3A_287, %parallel_loop3A_288, %parallel_loop3A_289] {strides = array<i32>} : memref<2x80x64xf32, #tpu.memory_space<vmem>>, vector<1x1x16xf32>,
          %parallel_loop3A_291 = vector.shape_cast %parallel_loop3A_290 : vector<1x1x16xf32> to vector<16xf32>
          %parallel_loop3A_292 = vector.shape_cast %parallel_loop3A_285 : vector<16xf32> to vector<1x1x16xf32>
          tpu.vector_store %arg17[%parallel_loop3A_287, %parallel_loop3A_288, %parallel_loop3A_289], %parallel_loop3A_292 {strides = array<i32>} : memref<2x80x64xf32, #tpu.memory_space<vmem>>, vector<1x1x16xf32>,
          %parallel_loop3A_293 = arith.constant 1 : i32
          %parallel_loop3A_294 = arith.index_cast %parallel_loop3A_293 : i32 to index
          %parallel_loop3A_295 = arith.index_cast %parallel_loop3A_262 : i32 to index
          %parallel_loop3A_296 = arith.constant 16 : index
          %parallel_loop3A_297 = tpu.vector_load %arg16[%parallel_loop3A_294, %parallel_loop3A_295, %parallel_loop3A_296] {strides = array<i32>} : memref<2x80x128xf32, #tpu.memory_space<vmem>>, vector<1x1x16xf32>,
          %parallel_loop3A_298 = vector.shape_cast %parallel_loop3A_297 : vector<1x1x16xf32> to vector<16xf32>
          %parallel_loop3A_299 = arith.constant 1 : i32
          %parallel_loop3A_300 = arith.index_cast %parallel_loop3A_299 : i32 to index
          %parallel_loop3A_301 = arith.index_cast %parallel_loop3A_262 : i32 to index
          %parallel_loop3A_302 = arith.constant 80 : index
          %parallel_loop3A_303 = tpu.vector_load %arg16[%parallel_loop3A_300, %parallel_loop3A_301, %parallel_loop3A_302] {strides = array<i32>} : memref<2x80x128xf32, #tpu.memory_space<vmem>>, vector<1x1x16xf32>,
          %parallel_loop3A_304 = vector.shape_cast %parallel_loop3A_303 : vector<1x1x16xf32> to vector<16xf32>
          %parallel_loop3A_305 = arith.constant 1 : i32
          %parallel_loop3A_306 = arith.index_cast %parallel_loop3A_305 : i32 to index
          %parallel_loop3A_307 = arith.index_cast %parallel_loop3A_262 : i32 to index
          %parallel_loop3A_308 = arith.constant 16 : index
          %parallel_loop3A_309 = tpu.vector_load %arg15[%parallel_loop3A_306, %parallel_loop3A_307, %parallel_loop3A_308] {strides = array<i32>} : memref<2x80x64xf32, #tpu.memory_space<vmem>>, vector<1x1x16xf32>,
          %parallel_loop3A_310 = vector.shape_cast %parallel_loop3A_309 : vector<1x1x16xf32> to vector<16xf32>
          %parallel_loop3A_311 = arith.mulf %parallel_loop3A_298, %parallel_loop3A_310 : vector<16xf32>
          %parallel_loop3A_312 = arith.addf %parallel_loop3A_311, %parallel_loop3A_304 : vector<16xf32>
          %parallel_loop3A_313 = arith.constant 0.000000e+00 : f32
          %parallel_loop3A_314 = vector.broadcast %parallel_loop3A_313 : f32 to vector<16xf32>
          %parallel_loop3A_315 = arith.maximumf %parallel_loop3A_312, %parallel_loop3A_314 : vector<16xf32>
          %parallel_loop3A_316 = arith.constant 1 : i32
          %parallel_loop3A_317 = arith.index_cast %parallel_loop3A_316 : i32 to index
          %parallel_loop3A_318 = arith.index_cast %parallel_loop3A_262 : i32 to index
          %parallel_loop3A_319 = arith.constant 16 : index
          %parallel_loop3A_320 = tpu.vector_load %arg17[%parallel_loop3A_317, %parallel_loop3A_318, %parallel_loop3A_319] {strides = array<i32>} : memref<2x80x64xf32, #tpu.memory_space<vmem>>, vector<1x1x16xf32>,
          %parallel_loop3A_321 = vector.shape_cast %parallel_loop3A_320 : vector<1x1x16xf32> to vector<16xf32>
          %parallel_loop3A_322 = vector.shape_cast %parallel_loop3A_315 : vector<16xf32> to vector<1x1x16xf32>
          tpu.vector_store %arg17[%parallel_loop3A_317, %parallel_loop3A_318, %parallel_loop3A_319], %parallel_loop3A_322 {strides = array<i32>} : memref<2x80x64xf32, #tpu.memory_space<vmem>>, vector<1x1x16xf32>,
          %parallel_loop3A_323 = arith.constant 1 : i32
          %parallel_loop3A_324 = arith.index_cast %parallel_loop3A_323 : i32 to index
          %parallel_loop3A_325 = arith.index_cast %parallel_loop3A_262 : i32 to index
          %parallel_loop3A_326 = arith.constant 32 : index
          %parallel_loop3A_327 = tpu.vector_load %arg16[%parallel_loop3A_324, %parallel_loop3A_325, %parallel_loop3A_326] {strides = array<i32>} : memref<2x80x128xf32, #tpu.memory_space<vmem>>, vector<1x1x16xf32>,
          %parallel_loop3A_328 = vector.shape_cast %parallel_loop3A_327 : vector<1x1x16xf32> to vector<16xf32>
          %parallel_loop3A_329 = arith.constant 1 : i32
          %parallel_loop3A_330 = arith.index_cast %parallel_loop3A_329 : i32 to index
          %parallel_loop3A_331 = arith.index_cast %parallel_loop3A_262 : i32 to index
          %parallel_loop3A_332 = arith.constant 96 : index
          %parallel_loop3A_333 = tpu.vector_load %arg16[%parallel_loop3A_330, %parallel_loop3A_331, %parallel_loop3A_332] {strides = array<i32>} : memref<2x80x128xf32, #tpu.memory_space<vmem>>, vector<1x1x16xf32>,
          %parallel_loop3A_334 = vector.shape_cast %parallel_loop3A_333 : vector<1x1x16xf32> to vector<16xf32>
          %parallel_loop3A_335 = arith.constant 1 : i32
          %parallel_loop3A_336 = arith.index_cast %parallel_loop3A_335 : i32 to index
          %parallel_loop3A_337 = arith.index_cast %parallel_loop3A_262 : i32 to index
          %parallel_loop3A_338 = arith.constant 32 : index
          %parallel_loop3A_339 = tpu.vector_load %arg15[%parallel_loop3A_336, %parallel_loop3A_337, %parallel_loop3A_338] {strides = array<i32>} : memref<2x80x64xf32, #tpu.memory_space<vmem>>, vector<1x1x16xf32>,
          %parallel_loop3A_340 = vector.shape_cast %parallel_loop3A_339 : vector<1x1x16xf32> to vector<16xf32>
          %parallel_loop3A_341 = arith.mulf %parallel_loop3A_328, %parallel_loop3A_340 : vector<16xf32>
          %parallel_loop3A_342 = arith.addf %parallel_loop3A_341, %parallel_loop3A_334 : vector<16xf32>
          %parallel_loop3A_343 = arith.constant 0.000000e+00 : f32
          %parallel_loop3A_344 = vector.broadcast %parallel_loop3A_343 : f32 to vector<16xf32>
          %parallel_loop3A_345 = arith.maximumf %parallel_loop3A_342, %parallel_loop3A_344 : vector<16xf32>
          %parallel_loop3A_346 = arith.constant 1 : i32
          %parallel_loop3A_347 = arith.index_cast %parallel_loop3A_346 : i32 to index
          %parallel_loop3A_348 = arith.index_cast %parallel_loop3A_262 : i32 to index
          %parallel_loop3A_349 = arith.constant 32 : index
          %parallel_loop3A_350 = tpu.vector_load %arg17[%parallel_loop3A_347, %parallel_loop3A_348, %parallel_loop3A_349] {strides = array<i32>} : memref<2x80x64xf32, #tpu.memory_space<vmem>>, vector<1x1x16xf32>,
          %parallel_loop3A_351 = vector.shape_cast %parallel_loop3A_350 : vector<1x1x16xf32> to vector<16xf32>
          %parallel_loop3A_352 = vector.shape_cast %parallel_loop3A_345 : vector<16xf32> to vector<1x1x16xf32>
          tpu.vector_store %arg17[%parallel_loop3A_347, %parallel_loop3A_348, %parallel_loop3A_349], %parallel_loop3A_352 {strides = array<i32>} : memref<2x80x64xf32, #tpu.memory_space<vmem>>, vector<1x1x16xf32>,
          %parallel_loop3A_353 = arith.constant 1 : i32
          %parallel_loop3A_354 = arith.index_cast %parallel_loop3A_353 : i32 to index
          %parallel_loop3A_355 = arith.index_cast %parallel_loop3A_262 : i32 to index
          %parallel_loop3A_356 = arith.constant 48 : index
          %parallel_loop3A_357 = tpu.vector_load %arg16[%parallel_loop3A_354, %parallel_loop3A_355, %parallel_loop3A_356] {strides = array<i32>} : memref<2x80x128xf32, #tpu.memory_space<vmem>>, vector<1x1x16xf32>,
          %parallel_loop3A_358 = vector.shape_cast %parallel_loop3A_357 : vector<1x1x16xf32> to vector<16xf32>
          %parallel_loop3A_359 = arith.constant 1 : i32
          %parallel_loop3A_360 = arith.index_cast %parallel_loop3A_359 : i32 to index
          %parallel_loop3A_361 = arith.index_cast %parallel_loop3A_262 : i32 to index
          %parallel_loop3A_362 = arith.constant 112 : index
          %parallel_loop3A_363 = tpu.vector_load %arg16[%parallel_loop3A_360, %parallel_loop3A_361, %parallel_loop3A_362] {strides = array<i32>} : memref<2x80x128xf32, #tpu.memory_space<vmem>>, vector<1x1x16xf32>,
          %parallel_loop3A_364 = vector.shape_cast %parallel_loop3A_363 : vector<1x1x16xf32> to vector<16xf32>
          %parallel_loop3A_365 = arith.constant 1 : i32
          %parallel_loop3A_366 = arith.index_cast %parallel_loop3A_365 : i32 to index
          %parallel_loop3A_367 = arith.index_cast %parallel_loop3A_262 : i32 to index
          %parallel_loop3A_368 = arith.constant 48 : index
          %parallel_loop3A_369 = tpu.vector_load %arg15[%parallel_loop3A_366, %parallel_loop3A_367, %parallel_loop3A_368] {strides = array<i32>} : memref<2x80x64xf32, #tpu.memory_space<vmem>>, vector<1x1x16xf32>,
          %parallel_loop3A_370 = vector.shape_cast %parallel_loop3A_369 : vector<1x1x16xf32> to vector<16xf32>
          %parallel_loop3A_371 = arith.mulf %parallel_loop3A_358, %parallel_loop3A_370 : vector<16xf32>
          %parallel_loop3A_372 = arith.addf %parallel_loop3A_371, %parallel_loop3A_364 : vector<16xf32>
          %parallel_loop3A_373 = arith.constant 0.000000e+00 : f32
          %parallel_loop3A_374 = vector.broadcast %parallel_loop3A_373 : f32 to vector<16xf32>
          %parallel_loop3A_375 = arith.maximumf %parallel_loop3A_372, %parallel_loop3A_374 : vector<16xf32>
          %parallel_loop3A_376 = arith.constant 1 : i32
          %parallel_loop3A_377 = arith.index_cast %parallel_loop3A_376 : i32 to index
          %parallel_loop3A_378 = arith.index_cast %parallel_loop3A_262 : i32 to index
          %parallel_loop3A_379 = arith.constant 48 : index
          %parallel_loop3A_380 = tpu.vector_load %arg17[%parallel_loop3A_377, %parallel_loop3A_378, %parallel_loop3A_379] {strides = array<i32>} : memref<2x80x64xf32, #tpu.memory_space<vmem>>, vector<1x1x16xf32>,
          %parallel_loop3A_381 = vector.shape_cast %parallel_loop3A_380 : vector<1x1x16xf32> to vector<16xf32>
          %parallel_loop3A_382 = vector.shape_cast %parallel_loop3A_375 : vector<16xf32> to vector<1x1x16xf32>
          tpu.vector_store %arg17[%parallel_loop3A_377, %parallel_loop3A_378, %parallel_loop3A_379], %parallel_loop3A_382 {strides = array<i32>} : memref<2x80x64xf32, #tpu.memory_space<vmem>>, vector<1x1x16xf32>,
        } {sc.loop_unroll_factor = 4 : i64, sc.parallel_access}
        %add3A_244 = arith.constant 2 : i32
        %add3A_245 = arith.addi %add3A_210, %add3A_244 : i32
        %lt3A_246 = arith.constant 125 : i32
        %lt3A_247 = arith.cmpi slt, %add3A_245, %lt3A_246 : i32
        %convert_element_type3A_248 = arith.extui %lt3A_247 : i1 to i32
        %cond3A_249 = arith.constant 0 : i32
        %cond3A_250 = arith.cmpi ne, %convert_element_type3A_248, %cond3A_249 : i32
        scf.if %cond3A_250 {
          %add3A_262 = arith.constant 2 : i32
          %add3A_263 = arith.addi %add3A_210, %add3A_262 : i32
          %dma_start3A_264 = arith.constant 1 : i32
          %dma_start3A_265 = arith.constant 0 : i32
          %dma_start3A_266 = arith.constant 0 : i32
          %dma_start3A_267 = tpu.memref_slice %arg15[%dma_start3A_264, %dma_start3A_265, %dma_start3A_266] : memref<2x80x64xf32, #tpu.memory_space<vmem>> -> memref<1x80x64xf32, #tpu.memory_space<vmem>>
          %dma_start3A_268 = tpu.memref_squeeze %dma_start3A_267 : memref<1x80x64xf32, #tpu.memory_space<vmem>> -> memref<80x64xf32, #tpu.memory_space<vmem>>
          %dma_start3A_269 = arith.constant 0 : i32
          %dma_start3A_270 = tpu.memref_slice %arg13[%add3A_263, %dma_start3A_269] : memref<125x80xi32, #tpu.memory_space<vmem>> -> memref<1x80xi32, #tpu.memory_space<vmem>>
          %dma_start3A_271 = tpu.memref_squeeze %dma_start3A_270 : memref<1x80xi32, #tpu.memory_space<vmem>> -> memref<80xi32, #tpu.memory_space<vmem>>
          %dma_start3A_272 = arith.constant 0 : i32
          %dma_start3A_273 = arith.constant 0 : i32
          %dma_start3A_274 = tpu.memref_slice %arg3[%dma_start3A_272, %dma_start3A_273] : memref<10000x64xf32, #tpu.memory_space<hbm>> -> memref<10000x64xf32, #tpu.memory_space<hbm>>
          tpu.enqueue_indirect_dma source(%dma_start3A_274 : memref<10000x64xf32, #tpu.memory_space<hbm>>) target(%dma_start3A_268 : memref<80x64xf32, #tpu.memory_space<vmem>>) offsets(%dma_start3A_271 : memref<80xi32, #tpu.memory_space<vmem>>) semaphore(%arg20 : memref<!tpu.dma_semaphore, #tpu.memory_space<semaphore_mem>>)
          %dma_start3A_275 = arith.constant 1 : i32
          %dma_start3A_276 = arith.constant 0 : i32
          %dma_start3A_277 = arith.constant 0 : i32
          %dma_start3A_278 = tpu.memref_slice %arg16[%dma_start3A_275, %dma_start3A_276, %dma_start3A_277] : memref<2x80x128xf32, #tpu.memory_space<vmem>> -> memref<1x80x128xf32, #tpu.memory_space<vmem>>
          %dma_start3A_279 = tpu.memref_squeeze %dma_start3A_278 : memref<1x80x128xf32, #tpu.memory_space<vmem>> -> memref<80x128xf32, #tpu.memory_space<vmem>>
          %dma_start3A_280 = arith.constant 0 : i32
          %dma_start3A_281 = tpu.memref_slice %arg14[%add3A_263, %dma_start3A_280] : memref<125x80xi32, #tpu.memory_space<vmem>> -> memref<1x80xi32, #tpu.memory_space<vmem>>
          %dma_start3A_282 = tpu.memref_squeeze %dma_start3A_281 : memref<1x80xi32, #tpu.memory_space<vmem>> -> memref<80xi32, #tpu.memory_space<vmem>>
          %dma_start3A_283 = arith.constant 0 : i32
          %dma_start3A_284 = arith.constant 0 : i32
          %dma_start3A_285 = tpu.memref_slice %arg5[%dma_start3A_283, %dma_start3A_284] : memref<10000x128xf32, #tpu.memory_space<hbm>> -> memref<10000x128xf32, #tpu.memory_space<hbm>>
          tpu.enqueue_indirect_dma source(%dma_start3A_285 : memref<10000x128xf32, #tpu.memory_space<hbm>>) target(%dma_start3A_279 : memref<80x128xf32, #tpu.memory_space<vmem>>) offsets(%dma_start3A_282 : memref<80xi32, #tpu.memory_space<vmem>>) semaphore(%arg22 : memref<!tpu.dma_semaphore, #tpu.memory_space<semaphore_mem>>)
        } else {
        }
        %dma_start3A_251 = arith.constant 1 : i32
        %dma_start3A_252 = arith.constant 0 : i32
        %dma_start3A_253 = arith.constant 0 : i32
        %dma_start3A_254 = tpu.memref_slice %arg17[%dma_start3A_251, %dma_start3A_252, %dma_start3A_253] : memref<2x80x64xf32, #tpu.memory_space<vmem>> -> memref<1x80x64xf32, #tpu.memory_space<vmem>>
        %dma_start3A_255 = tpu.memref_squeeze %dma_start3A_254 : memref<1x80x64xf32, #tpu.memory_space<vmem>> -> memref<80x64xf32, #tpu.memory_space<vmem>>
        %dma_start3A_256 = arith.constant 0 : i32
        %dma_start3A_257 = tpu.memref_slice %arg14[%add3A_210, %dma_start3A_256] : memref<125x80xi32, #tpu.memory_space<vmem>> -> memref<1x80xi32, #tpu.memory_space<vmem>>
        %dma_start3A_258 = tpu.memref_squeeze %dma_start3A_257 : memref<1x80xi32, #tpu.memory_space<vmem>> -> memref<80xi32, #tpu.memory_space<vmem>>
        %dma_start3A_259 = arith.constant 0 : i32
        %dma_start3A_260 = arith.constant 0 : i32
        %dma_start3A_261 = tpu.memref_slice %arg18[%dma_start3A_259, %dma_start3A_260] : memref<10240x64xf32, #tpu.memory_space<vmem_shared>> -> memref<10240x64xf32, #tpu.memory_space<vmem_shared>>
        tpu.enqueue_indirect_dma source(%dma_start3A_255 : memref<80x64xf32, #tpu.memory_space<vmem>>) target(%dma_start3A_261 : memref<10240x64xf32, #tpu.memory_space<vmem_shared>>) offsets(%dma_start3A_258 : memref<80xi32, #tpu.memory_space<vmem>>) semaphore(%arg24 : memref<!tpu.dma_semaphore, #tpu.memory_space<semaphore_mem>>) {add = true}
      } else {
      }
    }
    %scan3A_169 = arith.constant 63 : i32
    %dma_wait3A_170 = arith.constant 0 : i32
    %dma_wait3A_171 = arith.constant 124 : i32
    %dma_wait3A_172 = arith.constant 0 : i32
    %dma_wait3A_173 = arith.constant 0 : i32
    %dma_wait3A_174 = tpu.memref_slice %arg17[%dma_wait3A_170, %dma_wait3A_172, %dma_wait3A_173] : memref<2x80x64xf32, #tpu.memory_space<vmem>> -> memref<1x80x64xf32, #tpu.memory_space<vmem>>
    %dma_wait3A_175 = tpu.memref_squeeze %dma_wait3A_174 : memref<1x80x64xf32, #tpu.memory_space<vmem>> -> memref<80x64xf32, #tpu.memory_space<vmem>>
    %dma_wait3A_176 = arith.constant 0 : i32
    %dma_wait3A_177 = tpu.memref_slice %arg14[%dma_wait3A_171, %dma_wait3A_176] : memref<125x80xi32, #tpu.memory_space<vmem>> -> memref<1x80xi32, #tpu.memory_space<vmem>>
    %dma_wait3A_178 = tpu.memref_squeeze %dma_wait3A_177 : memref<1x80xi32, #tpu.memory_space<vmem>> -> memref<80xi32, #tpu.memory_space<vmem>>
    %dma_wait3A_179 = arith.constant 0 : i32
    %dma_wait3A_180 = arith.constant 0 : i32
    %dma_wait3A_181 = tpu.memref_slice %arg18[%dma_wait3A_179, %dma_wait3A_180] : memref<10240x64xf32, #tpu.memory_space<vmem_shared>> -> memref<10240x64xf32, #tpu.memory_space<vmem_shared>>
    tpu.wait_indirect_dma semaphore(%arg23 : memref<!tpu.dma_semaphore, #tpu.memory_space<semaphore_mem>>) src(%dma_wait3A_175 : memref<80x64xf32, #tpu.memory_space<vmem>>) dst(%dma_wait3A_181 : memref<10240x64xf32, #tpu.memory_space<vmem_shared>>)
    %dma_wait3A_182 = arith.constant 1 : i32
    %dma_wait3A_183 = arith.constant 123 : i32
    %dma_wait3A_184 = arith.constant 0 : i32
    %dma_wait3A_185 = arith.constant 0 : i32
    %dma_wait3A_186 = tpu.memref_slice %arg17[%dma_wait3A_182, %dma_wait3A_184, %dma_wait3A_185] : memref<2x80x64xf32, #tpu.memory_space<vmem>> -> memref<1x80x64xf32, #tpu.memory_space<vmem>>
    %dma_wait3A_187 = tpu.memref_squeeze %dma_wait3A_186 : memref<1x80x64xf32, #tpu.memory_space<vmem>> -> memref<80x64xf32, #tpu.memory_space<vmem>>
    %dma_wait3A_188 = arith.constant 0 : i32
    %dma_wait3A_189 = tpu.memref_slice %arg14[%dma_wait3A_183, %dma_wait3A_188] : memref<125x80xi32, #tpu.memory_space<vmem>> -> memref<1x80xi32, #tpu.memory_space<vmem>>
    %dma_wait3A_190 = tpu.memref_squeeze %dma_wait3A_189 : memref<1x80xi32, #tpu.memory_space<vmem>> -> memref<80xi32, #tpu.memory_space<vmem>>
    %dma_wait3A_191 = arith.constant 0 : i32
    %dma_wait3A_192 = arith.constant 0 : i32
    %dma_wait3A_193 = tpu.memref_slice %arg18[%dma_wait3A_191, %dma_wait3A_192] : memref<10240x64xf32, #tpu.memory_space<vmem_shared>> -> memref<10240x64xf32, #tpu.memory_space<vmem_shared>>
    tpu.wait_indirect_dma semaphore(%arg24 : memref<!tpu.dma_semaphore, #tpu.memory_space<semaphore_mem>>) src(%dma_wait3A_187 : memref<80x64xf32, #tpu.memory_space<vmem>>) dst(%dma_wait3A_193 : memref<10240x64xf32, #tpu.memory_space<vmem_shared>>)
    %barrier3A_194 = arith.constant 0 : index
    tpu.barrier barrier_id(%barrier3A_194)
    %mul3A_195 = arith.constant 640 : i32
    %mul3A_196 = arith.muli %arg1, %mul3A_195 : i32
    %mul3A_197 = arith.constant 640 : i32
    %mul3A_198 = arith.muli %arg1, %mul3A_197 : i32
    "tpu.region"() ({
      %run_scoped3A = tpu.sem_alloc : memref<!tpu.dma_semaphore, #tpu.memory_space<semaphore_mem>>
      %dma_start3A_199 = arith.constant 0 : i32
      %dma_start3A_200 = tpu.memref_slice %arg11[%arg0, %mul3A_198, %dma_start3A_199] : memref<2x10240x64xf32, #tpu.memory_space<hbm>> -> memref<1x640x64xf32, #tpu.memory_space<hbm>>
      %dma_start3A_201 = tpu.memref_squeeze %dma_start3A_200 : memref<1x640x64xf32, #tpu.memory_space<hbm>> -> memref<640x64xf32, #tpu.memory_space<hbm>>
      %dma_start3A_202 = arith.constant 0 : i32
      %dma_start3A_203 = tpu.memref_slice %arg18[%mul3A_196, %dma_start3A_202] : memref<10240x64xf32, #tpu.memory_space<vmem_shared>> -> memref<640x64xf32, #tpu.memory_space<vmem_shared>>
      tpu.enqueue_dma source(%dma_start3A_203 : memref<640x64xf32, #tpu.memory_space<vmem_shared>>) target(%dma_start3A_201 : memref<640x64xf32, #tpu.memory_space<hbm>>) target_semaphore(%run_scoped3A : memref<!tpu.dma_semaphore, #tpu.memory_space<semaphore_mem>>)
      %dma_wait3A_204 = arith.constant 0 : i32
      %dma_wait3A_205 = tpu.memref_slice %arg11[%arg0, %mul3A_198, %dma_wait3A_204] : memref<2x10240x64xf32, #tpu.memory_space<hbm>> -> memref<1x640x64xf32, #tpu.memory_space<hbm>>
      %dma_wait3A_206 = tpu.memref_squeeze %dma_wait3A_205 : memref<1x640x64xf32, #tpu.memory_space<hbm>> -> memref<640x64xf32, #tpu.memory_space<hbm>>
      %dma_wait3A_207 = arith.constant 0 : i32
      %dma_wait3A_208 = tpu.memref_slice %arg18[%mul3A_196, %dma_wait3A_207] : memref<10240x64xf32, #tpu.memory_space<vmem_shared>> -> memref<640x64xf32, #tpu.memory_space<vmem_shared>>
      tpu.wait_dma2 semaphore(%run_scoped3A : memref<!tpu.dma_semaphore, #tpu.memory_space<semaphore_mem>>) src(%dma_wait3A_208 : memref<640x64xf32, #tpu.memory_space<vmem_shared>>) dst(%dma_wait3A_206 : memref<640x64xf32, #tpu.memory_space<hbm>>)
      tpu.yield
    }) : () -> ()
    return
  }
}

#map = affine_map<(d0, d1) -> (0, 0)>
#map1 = affine_map<(d0, d1) -> (0, 0, 0)>
module attributes {stable_mosaic.version = 14 : i64} {
  func.func @k(%arg0: i32, %arg1: i32, %arg2: memref<10000x64xf32, #tpu.memory_space<hbm>>, %arg3: memref<10000x64xf32, #tpu.memory_space<hbm>>, %arg4: memref<10000x128xf32, #tpu.memory_space<hbm>>, %arg5: memref<10000x128xf32, #tpu.memory_space<hbm>>, %arg6: memref<32x125x80xi32, #tpu.memory_space<hbm>>, %arg7: memref<32x125x80xi32, #tpu.memory_space<hbm>>, %arg8: memref<640x64xf32, #tpu.memory_space<hbm>>, %arg9: memref<2x10240x64xf32, #tpu.memory_space<hbm>>, %arg10: memref<2x10240x64xf32, #tpu.memory_space<hbm>>, %arg11: memref<125x80xi32, #tpu.memory_space<vmem>>, %arg12: memref<125x80xi32, #tpu.memory_space<vmem>>, %arg13: memref<2x80x64xf32, #tpu.memory_space<vmem>>, %arg14: memref<2x80x128xf32, #tpu.memory_space<vmem>>, %arg15: memref<2x80x64xf32, #tpu.memory_space<vmem>>, %arg16: memref<10240x64xf32, #tpu.memory_space<vmem_shared>>, %arg17: memref<!tpu.dma_semaphore, #tpu.memory_space<semaphore_mem>>, %arg18: memref<!tpu.dma_semaphore, #tpu.memory_space<semaphore_mem>>, %arg19: memref<!tpu.dma_semaphore, #tpu.memory_space<semaphore_mem>>, %arg20: memref<!tpu.dma_semaphore, #tpu.memory_space<semaphore_mem>>, %arg21: memref<!tpu.dma_semaphore, #tpu.memory_space<semaphore_mem>>, %arg22: memref<!tpu.dma_semaphore, #tpu.memory_space<semaphore_mem>>) attributes {dimension_semantics = [#tpu.dimension_semantics<core_parallel>, #tpu.dimension_semantics<subcore_parallel>], iteration_bounds = array<i64: 2, 16>, scalar_prefetch = 0 : i64, scratch_operands = 12 : i64, tpu.core_type = #tpu.core_type<sc_vector_subcore>, window_params = [{transform_indices = #map}, {transform_indices = #map}, {transform_indices = #map}, {transform_indices = #map}, {transform_indices = #map1}, {transform_indices = #map1}, {transform_indices = #map}, {transform_indices = #map1}, {transform_indices = #map1}]} {
    %mul3A = arith.constant 16 : i32
    %mul3A_0 = arith.muli %arg0, %mul3A : i32
    %add3A = arith.addi %mul3A_0, %arg1 : i32
    "tpu.region"() ({
      %run_scoped3A = tpu.sem_alloc : memref<!tpu.dma_semaphore, #tpu.memory_space<semaphore_mem>>
      %dma_start3A_169 = arith.constant 0 : i32
      %dma_start3A_170 = arith.constant 0 : i32
      %dma_start3A_171 = tpu.memref_slice %arg6[%add3A, %dma_start3A_169, %dma_start3A_170] : memref<32x125x80xi32, #tpu.memory_space<hbm>> -> memref<1x125x80xi32, #tpu.memory_space<hbm>>
      %dma_start3A_172 = tpu.memref_squeeze %dma_start3A_171 : memref<1x125x80xi32, #tpu.memory_space<hbm>> -> memref<125x80xi32, #tpu.memory_space<hbm>>
      %dma_start3A_173 = arith.constant 0 : i32
      %dma_start3A_174 = arith.constant 0 : i32
      %dma_start3A_175 = tpu.memref_slice %arg6[%add3A, %dma_start3A_173, %dma_start3A_174] : memref<32x125x80xi32, #tpu.memory_space<hbm>> -> memref<1x125x80xi32, #tpu.memory_space<hbm>>
      %dma_start3A_176 = tpu.memref_squeeze %dma_start3A_175 : memref<1x125x80xi32, #tpu.memory_space<hbm>> -> memref<125x80xi32, #tpu.memory_space<hbm>>
      tpu.enqueue_dma source(%dma_start3A_176 : memref<125x80xi32, #tpu.memory_space<hbm>>) target(%arg11 : memref<125x80xi32, #tpu.memory_space<vmem>>) target_semaphore(%run_scoped3A : memref<!tpu.dma_semaphore, #tpu.memory_space<semaphore_mem>>)
      %dma_wait3A_177 = arith.constant 0 : i32
      %dma_wait3A_178 = arith.constant 0 : i32
      %dma_wait3A_179 = tpu.memref_slice %arg6[%add3A, %dma_wait3A_177, %dma_wait3A_178] : memref<32x125x80xi32, #tpu.memory_space<hbm>> -> memref<1x125x80xi32, #tpu.memory_space<hbm>>
      %dma_wait3A_180 = tpu.memref_squeeze %dma_wait3A_179 : memref<1x125x80xi32, #tpu.memory_space<hbm>> -> memref<125x80xi32, #tpu.memory_space<hbm>>
      %dma_wait3A_181 = arith.constant 0 : i32
      %dma_wait3A_182 = arith.constant 0 : i32
      %dma_wait3A_183 = tpu.memref_slice %arg6[%add3A, %dma_wait3A_181, %dma_wait3A_182] : memref<32x125x80xi32, #tpu.memory_space<hbm>> -> memref<1x125x80xi32, #tpu.memory_space<hbm>>
      %dma_wait3A_184 = tpu.memref_squeeze %dma_wait3A_183 : memref<1x125x80xi32, #tpu.memory_space<hbm>> -> memref<125x80xi32, #tpu.memory_space<hbm>>
      tpu.wait_dma2 semaphore(%run_scoped3A : memref<!tpu.dma_semaphore, #tpu.memory_space<semaphore_mem>>) src(%dma_wait3A_184 : memref<125x80xi32, #tpu.memory_space<hbm>>) dst(%arg11 : memref<125x80xi32, #tpu.memory_space<vmem>>)
      tpu.yield
    }) : () -> ()
    "tpu.region"() ({
      %run_scoped3A = tpu.sem_alloc : memref<!tpu.dma_semaphore, #tpu.memory_space<semaphore_mem>>
      %dma_start3A_169 = arith.constant 0 : i32
      %dma_start3A_170 = arith.constant 0 : i32
      %dma_start3A_171 = tpu.memref_slice %arg7[%add3A, %dma_start3A_169, %dma_start3A_170] : memref<32x125x80xi32, #tpu.memory_space<hbm>> -> memref<1x125x80xi32, #tpu.memory_space<hbm>>
      %dma_start3A_172 = tpu.memref_squeeze %dma_start3A_171 : memref<1x125x80xi32, #tpu.memory_space<hbm>> -> memref<125x80xi32, #tpu.memory_space<hbm>>
      %dma_start3A_173 = arith.constant 0 : i32
      %dma_start3A_174 = arith.constant 0 : i32
      %dma_start3A_175 = tpu.memref_slice %arg7[%add3A, %dma_start3A_173, %dma_start3A_174] : memref<32x125x80xi32, #tpu.memory_space<hbm>> -> memref<1x125x80xi32, #tpu.memory_space<hbm>>
      %dma_start3A_176 = tpu.memref_squeeze %dma_start3A_175 : memref<1x125x80xi32, #tpu.memory_space<hbm>> -> memref<125x80xi32, #tpu.memory_space<hbm>>
      tpu.enqueue_dma source(%dma_start3A_176 : memref<125x80xi32, #tpu.memory_space<hbm>>) target(%arg12 : memref<125x80xi32, #tpu.memory_space<vmem>>) target_semaphore(%run_scoped3A : memref<!tpu.dma_semaphore, #tpu.memory_space<semaphore_mem>>)
      %dma_wait3A_177 = arith.constant 0 : i32
      %dma_wait3A_178 = arith.constant 0 : i32
      %dma_wait3A_179 = tpu.memref_slice %arg7[%add3A, %dma_wait3A_177, %dma_wait3A_178] : memref<32x125x80xi32, #tpu.memory_space<hbm>> -> memref<1x125x80xi32, #tpu.memory_space<hbm>>
      %dma_wait3A_180 = tpu.memref_squeeze %dma_wait3A_179 : memref<1x125x80xi32, #tpu.memory_space<hbm>> -> memref<125x80xi32, #tpu.memory_space<hbm>>
      %dma_wait3A_181 = arith.constant 0 : i32
      %dma_wait3A_182 = arith.constant 0 : i32
      %dma_wait3A_183 = tpu.memref_slice %arg7[%add3A, %dma_wait3A_181, %dma_wait3A_182] : memref<32x125x80xi32, #tpu.memory_space<hbm>> -> memref<1x125x80xi32, #tpu.memory_space<hbm>>
      %dma_wait3A_184 = tpu.memref_squeeze %dma_wait3A_183 : memref<1x125x80xi32, #tpu.memory_space<hbm>> -> memref<125x80xi32, #tpu.memory_space<hbm>>
      tpu.wait_dma2 semaphore(%run_scoped3A : memref<!tpu.dma_semaphore, #tpu.memory_space<semaphore_mem>>) src(%dma_wait3A_184 : memref<125x80xi32, #tpu.memory_space<hbm>>) dst(%arg12 : memref<125x80xi32, #tpu.memory_space<vmem>>)
      tpu.yield
    }) : () -> ()
    %mul3A_1 = arith.constant 640 : i32
    %mul3A_2 = arith.muli %arg1, %mul3A_1 : i32
    "tpu.region"() ({
      %run_scoped3A = tpu.sem_alloc : memref<!tpu.dma_semaphore, #tpu.memory_space<semaphore_mem>>
      %dma_start3A_169 = arith.constant 0 : i32
      %dma_start3A_170 = tpu.memref_slice %arg16[%mul3A_2, %dma_start3A_169] : memref<10240x64xf32, #tpu.memory_space<vmem_shared>> -> memref<640x64xf32, #tpu.memory_space<vmem_shared>>
      tpu.enqueue_dma source(%arg8 : memref<640x64xf32, #tpu.memory_space<hbm>>) target(%dma_start3A_170 : memref<640x64xf32, #tpu.memory_space<vmem_shared>>) target_semaphore(%run_scoped3A : memref<!tpu.dma_semaphore, #tpu.memory_space<semaphore_mem>>)
      %dma_wait3A_171 = arith.constant 0 : i32
      %dma_wait3A_172 = tpu.memref_slice %arg16[%mul3A_2, %dma_wait3A_171] : memref<10240x64xf32, #tpu.memory_space<vmem_shared>> -> memref<640x64xf32, #tpu.memory_space<vmem_shared>>
      tpu.wait_dma2 semaphore(%run_scoped3A : memref<!tpu.dma_semaphore, #tpu.memory_space<semaphore_mem>>) src(%arg8 : memref<640x64xf32, #tpu.memory_space<hbm>>) dst(%dma_wait3A_172 : memref<640x64xf32, #tpu.memory_space<vmem_shared>>)
      tpu.yield
    }) : () -> ()
    %barrier3A = arith.constant 0 : index
    tpu.barrier barrier_id(%barrier3A)
    %dma_start3A = arith.constant 0 : i32
    %dma_start3A_3 = arith.constant 0 : i32
    %dma_start3A_4 = arith.constant 0 : i32
    %dma_start3A_5 = arith.constant 0 : i32
    %dma_start3A_6 = tpu.memref_slice %arg13[%dma_start3A_3, %dma_start3A_4, %dma_start3A_5] : memref<2x80x64xf32, #tpu.memory_space<vmem>> -> memref<1x80x64xf32, #tpu.memory_space<vmem>>
    %dma_start3A_7 = tpu.memref_squeeze %dma_start3A_6 : memref<1x80x64xf32, #tpu.memory_space<vmem>> -> memref<80x64xf32, #tpu.memory_space<vmem>>
    %dma_start3A_8 = arith.constant 0 : i32
    %dma_start3A_9 = tpu.memref_slice %arg11[%dma_start3A, %dma_start3A_8] : memref<125x80xi32, #tpu.memory_space<vmem>> -> memref<1x80xi32, #tpu.memory_space<vmem>>
    %dma_start3A_10 = tpu.memref_squeeze %dma_start3A_9 : memref<1x80xi32, #tpu.memory_space<vmem>> -> memref<80xi32, #tpu.memory_space<vmem>>
    %dma_start3A_11 = arith.constant 0 : i32
    %dma_start3A_12 = arith.constant 0 : i32
    %dma_start3A_13 = tpu.memref_slice %arg2[%dma_start3A_11, %dma_start3A_12] : memref<10000x64xf32, #tpu.memory_space<hbm>> -> memref<10000x64xf32, #tpu.memory_space<hbm>>
    tpu.enqueue_indirect_dma source(%dma_start3A_13 : memref<10000x64xf32, #tpu.memory_space<hbm>>) target(%dma_start3A_7 : memref<80x64xf32, #tpu.memory_space<vmem>>) offsets(%dma_start3A_10 : memref<80xi32, #tpu.memory_space<vmem>>) semaphore(%arg17 : memref<!tpu.dma_semaphore, #tpu.memory_space<semaphore_mem>>)
    %dma_start3A_14 = arith.constant 0 : i32
    %dma_start3A_15 = arith.constant 0 : i32
    %dma_start3A_16 = arith.constant 0 : i32
    %dma_start3A_17 = arith.constant 0 : i32
    %dma_start3A_18 = tpu.memref_slice %arg14[%dma_start3A_15, %dma_start3A_16, %dma_start3A_17] : memref<2x80x128xf32, #tpu.memory_space<vmem>> -> memref<1x80x128xf32, #tpu.memory_space<vmem>>
    %dma_start3A_19 = tpu.memref_squeeze %dma_start3A_18 : memref<1x80x128xf32, #tpu.memory_space<vmem>> -> memref<80x128xf32, #tpu.memory_space<vmem>>
    %dma_start3A_20 = arith.constant 0 : i32
    %dma_start3A_21 = tpu.memref_slice %arg12[%dma_start3A_14, %dma_start3A_20] : memref<125x80xi32, #tpu.memory_space<vmem>> -> memref<1x80xi32, #tpu.memory_space<vmem>>
    %dma_start3A_22 = tpu.memref_squeeze %dma_start3A_21 : memref<1x80xi32, #tpu.memory_space<vmem>> -> memref<80xi32, #tpu.memory_space<vmem>>
    %dma_start3A_23 = arith.constant 0 : i32
    %dma_start3A_24 = arith.constant 0 : i32
    %dma_start3A_25 = tpu.memref_slice %arg4[%dma_start3A_23, %dma_start3A_24] : memref<10000x128xf32, #tpu.memory_space<hbm>> -> memref<10000x128xf32, #tpu.memory_space<hbm>>
    tpu.enqueue_indirect_dma source(%dma_start3A_25 : memref<10000x128xf32, #tpu.memory_space<hbm>>) target(%dma_start3A_19 : memref<80x128xf32, #tpu.memory_space<vmem>>) offsets(%dma_start3A_22 : memref<80xi32, #tpu.memory_space<vmem>>) semaphore(%arg19 : memref<!tpu.dma_semaphore, #tpu.memory_space<semaphore_mem>>)
    %dma_start3A_26 = arith.constant 1 : i32
    %dma_start3A_27 = arith.constant 1 : i32
    %dma_start3A_28 = arith.constant 0 : i32
    %dma_start3A_29 = arith.constant 0 : i32
    %dma_start3A_30 = tpu.memref_slice %arg13[%dma_start3A_27, %dma_start3A_28, %dma_start3A_29] : memref<2x80x64xf32, #tpu.memory_space<vmem>> -> memref<1x80x64xf32, #tpu.memory_space<vmem>>
    %dma_start3A_31 = tpu.memref_squeeze %dma_start3A_30 : memref<1x80x64xf32, #tpu.memory_space<vmem>> -> memref<80x64xf32, #tpu.memory_space<vmem>>
    %dma_start3A_32 = arith.constant 0 : i32
    %dma_start3A_33 = tpu.memref_slice %arg11[%dma_start3A_26, %dma_start3A_32] : memref<125x80xi32, #tpu.memory_space<vmem>> -> memref<1x80xi32, #tpu.memory_space<vmem>>
    %dma_start3A_34 = tpu.memref_squeeze %dma_start3A_33 : memref<1x80xi32, #tpu.memory_space<vmem>> -> memref<80xi32, #tpu.memory_space<vmem>>
    %dma_start3A_35 = arith.constant 0 : i32
    %dma_start3A_36 = arith.constant 0 : i32
    %dma_start3A_37 = tpu.memref_slice %arg2[%dma_start3A_35, %dma_start3A_36] : memref<10000x64xf32, #tpu.memory_space<hbm>> -> memref<10000x64xf32, #tpu.memory_space<hbm>>
    tpu.enqueue_indirect_dma source(%dma_start3A_37 : memref<10000x64xf32, #tpu.memory_space<hbm>>) target(%dma_start3A_31 : memref<80x64xf32, #tpu.memory_space<vmem>>) offsets(%dma_start3A_34 : memref<80xi32, #tpu.memory_space<vmem>>) semaphore(%arg18 : memref<!tpu.dma_semaphore, #tpu.memory_space<semaphore_mem>>)
    %dma_start3A_38 = arith.constant 1 : i32
    %dma_start3A_39 = arith.constant 1 : i32
    %dma_start3A_40 = arith.constant 0 : i32
    %dma_start3A_41 = arith.constant 0 : i32
    %dma_start3A_42 = tpu.memref_slice %arg14[%dma_start3A_39, %dma_start3A_40, %dma_start3A_41] : memref<2x80x128xf32, #tpu.memory_space<vmem>> -> memref<1x80x128xf32, #tpu.memory_space<vmem>>
    %dma_start3A_43 = tpu.memref_squeeze %dma_start3A_42 : memref<1x80x128xf32, #tpu.memory_space<vmem>> -> memref<80x128xf32, #tpu.memory_space<vmem>>
    %dma_start3A_44 = arith.constant 0 : i32
    %dma_start3A_45 = tpu.memref_slice %arg12[%dma_start3A_38, %dma_start3A_44] : memref<125x80xi32, #tpu.memory_space<vmem>> -> memref<1x80xi32, #tpu.memory_space<vmem>>
    %dma_start3A_46 = tpu.memref_squeeze %dma_start3A_45 : memref<1x80xi32, #tpu.memory_space<vmem>> -> memref<80xi32, #tpu.memory_space<vmem>>
    %dma_start3A_47 = arith.constant 0 : i32
    %dma_start3A_48 = arith.constant 0 : i32
    %dma_start3A_49 = tpu.memref_slice %arg4[%dma_start3A_47, %dma_start3A_48] : memref<10000x128xf32, #tpu.memory_space<hbm>> -> memref<10000x128xf32, #tpu.memory_space<hbm>>
    tpu.enqueue_indirect_dma source(%dma_start3A_49 : memref<10000x128xf32, #tpu.memory_space<hbm>>) target(%dma_start3A_43 : memref<80x128xf32, #tpu.memory_space<vmem>>) offsets(%dma_start3A_46 : memref<80xi32, #tpu.memory_space<vmem>>) semaphore(%arg20 : memref<!tpu.dma_semaphore, #tpu.memory_space<semaphore_mem>>)
    %scan3A = arith.constant 0 : i32
    %scan3A_50 = arith.constant 0 : i32
    %scan3A_51 = arith.constant 63 : i32
    %scan3A_52 = arith.addi %scan3A_50, %scan3A_51 : i32
    %scan3A_53 = arith.constant 1 : i32
    scf.for %scan3A_169 = %scan3A_50 to %scan3A_52 step %scan3A_53  : i32 {
      %mul3A_170 = arith.constant 2 : i32
      %mul3A_171 = arith.muli %scan3A_169, %mul3A_170 : i32
      %add3A_172 = arith.constant 0 : i32
      %add3A_173 = arith.addi %mul3A_171, %add3A_172 : i32
      %lt3A = arith.constant 125 : i32
      %lt3A_174 = arith.cmpi slt, %add3A_173, %lt3A : i32
      %convert_element_type3A = arith.extui %lt3A_174 : i1 to i32
      %cond3A = arith.constant 0 : i32
      %cond3A_175 = arith.cmpi ne, %convert_element_type3A, %cond3A : i32
      scf.if %cond3A_175 {
        %dma_wait3A_185 = arith.constant 0 : i32
        %dma_wait3A_186 = arith.constant 0 : i32
        %dma_wait3A_187 = arith.constant 0 : i32
        %dma_wait3A_188 = tpu.memref_slice %arg13[%dma_wait3A_185, %dma_wait3A_186, %dma_wait3A_187] : memref<2x80x64xf32, #tpu.memory_space<vmem>> -> memref<1x80x64xf32, #tpu.memory_space<vmem>>
        %dma_wait3A_189 = tpu.memref_squeeze %dma_wait3A_188 : memref<1x80x64xf32, #tpu.memory_space<vmem>> -> memref<80x64xf32, #tpu.memory_space<vmem>>
        %dma_wait3A_190 = arith.constant 0 : i32
        %dma_wait3A_191 = tpu.memref_slice %arg11[%add3A_173, %dma_wait3A_190] : memref<125x80xi32, #tpu.memory_space<vmem>> -> memref<1x80xi32, #tpu.memory_space<vmem>>
        %dma_wait3A_192 = tpu.memref_squeeze %dma_wait3A_191 : memref<1x80xi32, #tpu.memory_space<vmem>> -> memref<80xi32, #tpu.memory_space<vmem>>
        %dma_wait3A_193 = arith.constant 0 : i32
        %dma_wait3A_194 = arith.constant 0 : i32
        %dma_wait3A_195 = tpu.memref_slice %arg2[%dma_wait3A_193, %dma_wait3A_194] : memref<10000x64xf32, #tpu.memory_space<hbm>> -> memref<10000x64xf32, #tpu.memory_space<hbm>>
        tpu.wait_indirect_dma semaphore(%arg17 : memref<!tpu.dma_semaphore, #tpu.memory_space<semaphore_mem>>) src(%dma_wait3A_195 : memref<10000x64xf32, #tpu.memory_space<hbm>>) dst(%dma_wait3A_189 : memref<80x64xf32, #tpu.memory_space<vmem>>)
        %dma_wait3A_196 = arith.constant 0 : i32
        %dma_wait3A_197 = arith.constant 0 : i32
        %dma_wait3A_198 = arith.constant 0 : i32
        %dma_wait3A_199 = tpu.memref_slice %arg14[%dma_wait3A_196, %dma_wait3A_197, %dma_wait3A_198] : memref<2x80x128xf32, #tpu.memory_space<vmem>> -> memref<1x80x128xf32, #tpu.memory_space<vmem>>
        %dma_wait3A_200 = tpu.memref_squeeze %dma_wait3A_199 : memref<1x80x128xf32, #tpu.memory_space<vmem>> -> memref<80x128xf32, #tpu.memory_space<vmem>>
        %dma_wait3A_201 = arith.constant 0 : i32
        %dma_wait3A_202 = tpu.memref_slice %arg12[%add3A_173, %dma_wait3A_201] : memref<125x80xi32, #tpu.memory_space<vmem>> -> memref<1x80xi32, #tpu.memory_space<vmem>>
        %dma_wait3A_203 = tpu.memref_squeeze %dma_wait3A_202 : memref<1x80xi32, #tpu.memory_space<vmem>> -> memref<80xi32, #tpu.memory_space<vmem>>
        %dma_wait3A_204 = arith.constant 0 : i32
        %dma_wait3A_205 = arith.constant 0 : i32
        %dma_wait3A_206 = tpu.memref_slice %arg4[%dma_wait3A_204, %dma_wait3A_205] : memref<10000x128xf32, #tpu.memory_space<hbm>> -> memref<10000x128xf32, #tpu.memory_space<hbm>>
        tpu.wait_indirect_dma semaphore(%arg19 : memref<!tpu.dma_semaphore, #tpu.memory_space<semaphore_mem>>) src(%dma_wait3A_206 : memref<10000x128xf32, #tpu.memory_space<hbm>>) dst(%dma_wait3A_200 : memref<80x128xf32, #tpu.memory_space<vmem>>)
        %ge3A = arith.constant 2 : i32
        %ge3A_207 = arith.cmpi sge, %add3A_173, %ge3A : i32
        %convert_element_type3A_208 = arith.extui %ge3A_207 : i1 to i32
        %cond3A_209 = arith.constant 0 : i32
        %cond3A_210 = arith.cmpi ne, %convert_element_type3A_208, %cond3A_209 : i32
        scf.if %cond3A_210 {
          %sub3A = arith.constant 2 : i32
          %sub3A_231 = arith.subi %add3A_173, %sub3A : i32
          %dma_wait3A_232 = arith.constant 0 : i32
          %dma_wait3A_233 = arith.constant 0 : i32
          %dma_wait3A_234 = arith.constant 0 : i32
          %dma_wait3A_235 = tpu.memref_slice %arg15[%dma_wait3A_232, %dma_wait3A_233, %dma_wait3A_234] : memref<2x80x64xf32, #tpu.memory_space<vmem>> -> memref<1x80x64xf32, #tpu.memory_space<vmem>>
          %dma_wait3A_236 = tpu.memref_squeeze %dma_wait3A_235 : memref<1x80x64xf32, #tpu.memory_space<vmem>> -> memref<80x64xf32, #tpu.memory_space<vmem>>
          %dma_wait3A_237 = arith.constant 0 : i32
          %dma_wait3A_238 = tpu.memref_slice %arg12[%sub3A_231, %dma_wait3A_237] : memref<125x80xi32, #tpu.memory_space<vmem>> -> memref<1x80xi32, #tpu.memory_space<vmem>>
          %dma_wait3A_239 = tpu.memref_squeeze %dma_wait3A_238 : memref<1x80xi32, #tpu.memory_space<vmem>> -> memref<80xi32, #tpu.memory_space<vmem>>
          %dma_wait3A_240 = arith.constant 0 : i32
          %dma_wait3A_241 = arith.constant 0 : i32
          %dma_wait3A_242 = tpu.memref_slice %arg16[%dma_wait3A_240, %dma_wait3A_241] : memref<10240x64xf32, #tpu.memory_space<vmem_shared>> -> memref<10240x64xf32, #tpu.memory_space<vmem_shared>>
          tpu.wait_indirect_dma semaphore(%arg21 : memref<!tpu.dma_semaphore, #tpu.memory_space<semaphore_mem>>) src(%dma_wait3A_236 : memref<80x64xf32, #tpu.memory_space<vmem>>) dst(%dma_wait3A_242 : memref<10240x64xf32, #tpu.memory_space<vmem_shared>>)
        } else {
        }
        %parallel_loop3A = arith.constant 0 : i32
        %parallel_loop3A_211 = arith.constant 80 : i32
        %parallel_loop3A_212 = arith.constant 1 : i32
        scf.for %parallel_loop3A_231 = %parallel_loop3A to %parallel_loop3A_211 step %parallel_loop3A_212  : i32 {
          %parallel_loop3A_232 = arith.constant 0 : i32
          %parallel_loop3A_233 = arith.index_cast %parallel_loop3A_232 : i32 to index
          %parallel_loop3A_234 = arith.index_cast %parallel_loop3A_231 : i32 to index
          %parallel_loop3A_235 = arith.constant 0 : index
          %parallel_loop3A_236 = tpu.vector_load %arg14[%parallel_loop3A_233, %parallel_loop3A_234, %parallel_loop3A_235] {strides = array<i32>} : memref<2x80x128xf32, #tpu.memory_space<vmem>>, vector<1x1x16xf32>,
          %parallel_loop3A_237 = vector.shape_cast %parallel_loop3A_236 : vector<1x1x16xf32> to vector<16xf32>
          %parallel_loop3A_238 = arith.constant 0 : i32
          %parallel_loop3A_239 = arith.index_cast %parallel_loop3A_238 : i32 to index
          %parallel_loop3A_240 = arith.index_cast %parallel_loop3A_231 : i32 to index
          %parallel_loop3A_241 = arith.constant 64 : index
          %parallel_loop3A_242 = tpu.vector_load %arg14[%parallel_loop3A_239, %parallel_loop3A_240, %parallel_loop3A_241] {strides = array<i32>} : memref<2x80x128xf32, #tpu.memory_space<vmem>>, vector<1x1x16xf32>,
          %parallel_loop3A_243 = vector.shape_cast %parallel_loop3A_242 : vector<1x1x16xf32> to vector<16xf32>
          %parallel_loop3A_244 = arith.constant 0 : i32
          %parallel_loop3A_245 = arith.index_cast %parallel_loop3A_244 : i32 to index
          %parallel_loop3A_246 = arith.index_cast %parallel_loop3A_231 : i32 to index
          %parallel_loop3A_247 = arith.constant 0 : index
          %parallel_loop3A_248 = tpu.vector_load %arg13[%parallel_loop3A_245, %parallel_loop3A_246, %parallel_loop3A_247] {strides = array<i32>} : memref<2x80x64xf32, #tpu.memory_space<vmem>>, vector<1x1x16xf32>,
          %parallel_loop3A_249 = vector.shape_cast %parallel_loop3A_248 : vector<1x1x16xf32> to vector<16xf32>
          %parallel_loop3A_250 = arith.mulf %parallel_loop3A_237, %parallel_loop3A_249 : vector<16xf32>
          %parallel_loop3A_251 = arith.addf %parallel_loop3A_250, %parallel_loop3A_243 : vector<16xf32>
          %parallel_loop3A_252 = arith.constant 0.000000e+00 : f32
          %parallel_loop3A_253 = vector.broadcast %parallel_loop3A_252 : f32 to vector<16xf32>
          %parallel_loop3A_254 = arith.maximumf %parallel_loop3A_251, %parallel_loop3A_253 : vector<16xf32>
          %parallel_loop3A_255 = arith.constant 0 : i32
          %parallel_loop3A_256 = arith.index_cast %parallel_loop3A_255 : i32 to index
          %parallel_loop3A_257 = arith.index_cast %parallel_loop3A_231 : i32 to index
          %parallel_loop3A_258 = arith.constant 0 : index
          %parallel_loop3A_259 = tpu.vector_load %arg15[%parallel_loop3A_256, %parallel_loop3A_257, %parallel_loop3A_258] {strides = array<i32>} : memref<2x80x64xf32, #tpu.memory_space<vmem>>, vector<1x1x16xf32>,
          %parallel_loop3A_260 = vector.shape_cast %parallel_loop3A_259 : vector<1x1x16xf32> to vector<16xf32>
          %parallel_loop3A_261 = vector.shape_cast %parallel_loop3A_254 : vector<16xf32> to vector<1x1x16xf32>
          tpu.vector_store %arg15[%parallel_loop3A_256, %parallel_loop3A_257, %parallel_loop3A_258], %parallel_loop3A_261 {strides = array<i32>} : memref<2x80x64xf32, #tpu.memory_space<vmem>>, vector<1x1x16xf32>,
          %parallel_loop3A_262 = arith.constant 0 : i32
          %parallel_loop3A_263 = arith.index_cast %parallel_loop3A_262 : i32 to index
          %parallel_loop3A_264 = arith.index_cast %parallel_loop3A_231 : i32 to index
          %parallel_loop3A_265 = arith.constant 16 : index
          %parallel_loop3A_266 = tpu.vector_load %arg14[%parallel_loop3A_263, %parallel_loop3A_264, %parallel_loop3A_265] {strides = array<i32>} : memref<2x80x128xf32, #tpu.memory_space<vmem>>, vector<1x1x16xf32>,
          %parallel_loop3A_267 = vector.shape_cast %parallel_loop3A_266 : vector<1x1x16xf32> to vector<16xf32>
          %parallel_loop3A_268 = arith.constant 0 : i32
          %parallel_loop3A_269 = arith.index_cast %parallel_loop3A_268 : i32 to index
          %parallel_loop3A_270 = arith.index_cast %parallel_loop3A_231 : i32 to index
          %parallel_loop3A_271 = arith.constant 80 : index
          %parallel_loop3A_272 = tpu.vector_load %arg14[%parallel_loop3A_269, %parallel_loop3A_270, %parallel_loop3A_271] {strides = array<i32>} : memref<2x80x128xf32, #tpu.memory_space<vmem>>, vector<1x1x16xf32>,
          %parallel_loop3A_273 = vector.shape_cast %parallel_loop3A_272 : vector<1x1x16xf32> to vector<16xf32>
          %parallel_loop3A_274 = arith.constant 0 : i32
          %parallel_loop3A_275 = arith.index_cast %parallel_loop3A_274 : i32 to index
          %parallel_loop3A_276 = arith.index_cast %parallel_loop3A_231 : i32 to index
          %parallel_loop3A_277 = arith.constant 16 : index
          %parallel_loop3A_278 = tpu.vector_load %arg13[%parallel_loop3A_275, %parallel_loop3A_276, %parallel_loop3A_277] {strides = array<i32>} : memref<2x80x64xf32, #tpu.memory_space<vmem>>, vector<1x1x16xf32>,
          %parallel_loop3A_279 = vector.shape_cast %parallel_loop3A_278 : vector<1x1x16xf32> to vector<16xf32>
          %parallel_loop3A_280 = arith.mulf %parallel_loop3A_267, %parallel_loop3A_279 : vector<16xf32>
          %parallel_loop3A_281 = arith.addf %parallel_loop3A_280, %parallel_loop3A_273 : vector<16xf32>
          %parallel_loop3A_282 = arith.constant 0.000000e+00 : f32
          %parallel_loop3A_283 = vector.broadcast %parallel_loop3A_282 : f32 to vector<16xf32>
          %parallel_loop3A_284 = arith.maximumf %parallel_loop3A_281, %parallel_loop3A_283 : vector<16xf32>
          %parallel_loop3A_285 = arith.constant 0 : i32
          %parallel_loop3A_286 = arith.index_cast %parallel_loop3A_285 : i32 to index
          %parallel_loop3A_287 = arith.index_cast %parallel_loop3A_231 : i32 to index
          %parallel_loop3A_288 = arith.constant 16 : index
          %parallel_loop3A_289 = tpu.vector_load %arg15[%parallel_loop3A_286, %parallel_loop3A_287, %parallel_loop3A_288] {strides = array<i32>} : memref<2x80x64xf32, #tpu.memory_space<vmem>>, vector<1x1x16xf32>,
          %parallel_loop3A_290 = vector.shape_cast %parallel_loop3A_289 : vector<1x1x16xf32> to vector<16xf32>
          %parallel_loop3A_291 = vector.shape_cast %parallel_loop3A_284 : vector<16xf32> to vector<1x1x16xf32>
          tpu.vector_store %arg15[%parallel_loop3A_286, %parallel_loop3A_287, %parallel_loop3A_288], %parallel_loop3A_291 {strides = array<i32>} : memref<2x80x64xf32, #tpu.memory_space<vmem>>, vector<1x1x16xf32>,
          %parallel_loop3A_292 = arith.constant 0 : i32
          %parallel_loop3A_293 = arith.index_cast %parallel_loop3A_292 : i32 to index
          %parallel_loop3A_294 = arith.index_cast %parallel_loop3A_231 : i32 to index
          %parallel_loop3A_295 = arith.constant 32 : index
          %parallel_loop3A_296 = tpu.vector_load %arg14[%parallel_loop3A_293, %parallel_loop3A_294, %parallel_loop3A_295] {strides = array<i32>} : memref<2x80x128xf32, #tpu.memory_space<vmem>>, vector<1x1x16xf32>,
          %parallel_loop3A_297 = vector.shape_cast %parallel_loop3A_296 : vector<1x1x16xf32> to vector<16xf32>
          %parallel_loop3A_298 = arith.constant 0 : i32
          %parallel_loop3A_299 = arith.index_cast %parallel_loop3A_298 : i32 to index
          %parallel_loop3A_300 = arith.index_cast %parallel_loop3A_231 : i32 to index
          %parallel_loop3A_301 = arith.constant 96 : index
          %parallel_loop3A_302 = tpu.vector_load %arg14[%parallel_loop3A_299, %parallel_loop3A_300, %parallel_loop3A_301] {strides = array<i32>} : memref<2x80x128xf32, #tpu.memory_space<vmem>>, vector<1x1x16xf32>,
          %parallel_loop3A_303 = vector.shape_cast %parallel_loop3A_302 : vector<1x1x16xf32> to vector<16xf32>
          %parallel_loop3A_304 = arith.constant 0 : i32
          %parallel_loop3A_305 = arith.index_cast %parallel_loop3A_304 : i32 to index
          %parallel_loop3A_306 = arith.index_cast %parallel_loop3A_231 : i32 to index
          %parallel_loop3A_307 = arith.constant 32 : index
          %parallel_loop3A_308 = tpu.vector_load %arg13[%parallel_loop3A_305, %parallel_loop3A_306, %parallel_loop3A_307] {strides = array<i32>} : memref<2x80x64xf32, #tpu.memory_space<vmem>>, vector<1x1x16xf32>,
          %parallel_loop3A_309 = vector.shape_cast %parallel_loop3A_308 : vector<1x1x16xf32> to vector<16xf32>
          %parallel_loop3A_310 = arith.mulf %parallel_loop3A_297, %parallel_loop3A_309 : vector<16xf32>
          %parallel_loop3A_311 = arith.addf %parallel_loop3A_310, %parallel_loop3A_303 : vector<16xf32>
          %parallel_loop3A_312 = arith.constant 0.000000e+00 : f32
          %parallel_loop3A_313 = vector.broadcast %parallel_loop3A_312 : f32 to vector<16xf32>
          %parallel_loop3A_314 = arith.maximumf %parallel_loop3A_311, %parallel_loop3A_313 : vector<16xf32>
          %parallel_loop3A_315 = arith.constant 0 : i32
          %parallel_loop3A_316 = arith.index_cast %parallel_loop3A_315 : i32 to index
          %parallel_loop3A_317 = arith.index_cast %parallel_loop3A_231 : i32 to index
          %parallel_loop3A_318 = arith.constant 32 : index
          %parallel_loop3A_319 = tpu.vector_load %arg15[%parallel_loop3A_316, %parallel_loop3A_317, %parallel_loop3A_318] {strides = array<i32>} : memref<2x80x64xf32, #tpu.memory_space<vmem>>, vector<1x1x16xf32>,
          %parallel_loop3A_320 = vector.shape_cast %parallel_loop3A_319 : vector<1x1x16xf32> to vector<16xf32>
          %parallel_loop3A_321 = vector.shape_cast %parallel_loop3A_314 : vector<16xf32> to vector<1x1x16xf32>
          tpu.vector_store %arg15[%parallel_loop3A_316, %parallel_loop3A_317, %parallel_loop3A_318], %parallel_loop3A_321 {strides = array<i32>} : memref<2x80x64xf32, #tpu.memory_space<vmem>>, vector<1x1x16xf32>,
          %parallel_loop3A_322 = arith.constant 0 : i32
          %parallel_loop3A_323 = arith.index_cast %parallel_loop3A_322 : i32 to index
          %parallel_loop3A_324 = arith.index_cast %parallel_loop3A_231 : i32 to index
          %parallel_loop3A_325 = arith.constant 48 : index
          %parallel_loop3A_326 = tpu.vector_load %arg14[%parallel_loop3A_323, %parallel_loop3A_324, %parallel_loop3A_325] {strides = array<i32>} : memref<2x80x128xf32, #tpu.memory_space<vmem>>, vector<1x1x16xf32>,
          %parallel_loop3A_327 = vector.shape_cast %parallel_loop3A_326 : vector<1x1x16xf32> to vector<16xf32>
          %parallel_loop3A_328 = arith.constant 0 : i32
          %parallel_loop3A_329 = arith.index_cast %parallel_loop3A_328 : i32 to index
          %parallel_loop3A_330 = arith.index_cast %parallel_loop3A_231 : i32 to index
          %parallel_loop3A_331 = arith.constant 112 : index
          %parallel_loop3A_332 = tpu.vector_load %arg14[%parallel_loop3A_329, %parallel_loop3A_330, %parallel_loop3A_331] {strides = array<i32>} : memref<2x80x128xf32, #tpu.memory_space<vmem>>, vector<1x1x16xf32>,
          %parallel_loop3A_333 = vector.shape_cast %parallel_loop3A_332 : vector<1x1x16xf32> to vector<16xf32>
          %parallel_loop3A_334 = arith.constant 0 : i32
          %parallel_loop3A_335 = arith.index_cast %parallel_loop3A_334 : i32 to index
          %parallel_loop3A_336 = arith.index_cast %parallel_loop3A_231 : i32 to index
          %parallel_loop3A_337 = arith.constant 48 : index
          %parallel_loop3A_338 = tpu.vector_load %arg13[%parallel_loop3A_335, %parallel_loop3A_336, %parallel_loop3A_337] {strides = array<i32>} : memref<2x80x64xf32, #tpu.memory_space<vmem>>, vector<1x1x16xf32>,
          %parallel_loop3A_339 = vector.shape_cast %parallel_loop3A_338 : vector<1x1x16xf32> to vector<16xf32>
          %parallel_loop3A_340 = arith.mulf %parallel_loop3A_327, %parallel_loop3A_339 : vector<16xf32>
          %parallel_loop3A_341 = arith.addf %parallel_loop3A_340, %parallel_loop3A_333 : vector<16xf32>
          %parallel_loop3A_342 = arith.constant 0.000000e+00 : f32
          %parallel_loop3A_343 = vector.broadcast %parallel_loop3A_342 : f32 to vector<16xf32>
          %parallel_loop3A_344 = arith.maximumf %parallel_loop3A_341, %parallel_loop3A_343 : vector<16xf32>
          %parallel_loop3A_345 = arith.constant 0 : i32
          %parallel_loop3A_346 = arith.index_cast %parallel_loop3A_345 : i32 to index
          %parallel_loop3A_347 = arith.index_cast %parallel_loop3A_231 : i32 to index
          %parallel_loop3A_348 = arith.constant 48 : index
          %parallel_loop3A_349 = tpu.vector_load %arg15[%parallel_loop3A_346, %parallel_loop3A_347, %parallel_loop3A_348] {strides = array<i32>} : memref<2x80x64xf32, #tpu.memory_space<vmem>>, vector<1x1x16xf32>,
          %parallel_loop3A_350 = vector.shape_cast %parallel_loop3A_349 : vector<1x1x16xf32> to vector<16xf32>
          %parallel_loop3A_351 = vector.shape_cast %parallel_loop3A_344 : vector<16xf32> to vector<1x1x16xf32>
          tpu.vector_store %arg15[%parallel_loop3A_346, %parallel_loop3A_347, %parallel_loop3A_348], %parallel_loop3A_351 {strides = array<i32>} : memref<2x80x64xf32, #tpu.memory_space<vmem>>, vector<1x1x16xf32>,
        } {sc.loop_unroll_factor = 4 : i64, sc.parallel_access}
        %add3A_213 = arith.constant 2 : i32
        %add3A_214 = arith.addi %add3A_173, %add3A_213 : i32
        %lt3A_215 = arith.constant 125 : i32
        %lt3A_216 = arith.cmpi slt, %add3A_214, %lt3A_215 : i32
        %convert_element_type3A_217 = arith.extui %lt3A_216 : i1 to i32
        %cond3A_218 = arith.constant 0 : i32
        %cond3A_219 = arith.cmpi ne, %convert_element_type3A_217, %cond3A_218 : i32
        scf.if %cond3A_219 {
          %add3A_231 = arith.constant 2 : i32
          %add3A_232 = arith.addi %add3A_173, %add3A_231 : i32
          %dma_start3A_233 = arith.constant 0 : i32
          %dma_start3A_234 = arith.constant 0 : i32
          %dma_start3A_235 = arith.constant 0 : i32
          %dma_start3A_236 = tpu.memref_slice %arg13[%dma_start3A_233, %dma_start3A_234, %dma_start3A_235] : memref<2x80x64xf32, #tpu.memory_space<vmem>> -> memref<1x80x64xf32, #tpu.memory_space<vmem>>
          %dma_start3A_237 = tpu.memref_squeeze %dma_start3A_236 : memref<1x80x64xf32, #tpu.memory_space<vmem>> -> memref<80x64xf32, #tpu.memory_space<vmem>>
          %dma_start3A_238 = arith.constant 0 : i32
          %dma_start3A_239 = tpu.memref_slice %arg11[%add3A_232, %dma_start3A_238] : memref<125x80xi32, #tpu.memory_space<vmem>> -> memref<1x80xi32, #tpu.memory_space<vmem>>
          %dma_start3A_240 = tpu.memref_squeeze %dma_start3A_239 : memref<1x80xi32, #tpu.memory_space<vmem>> -> memref<80xi32, #tpu.memory_space<vmem>>
          %dma_start3A_241 = arith.constant 0 : i32
          %dma_start3A_242 = arith.constant 0 : i32
          %dma_start3A_243 = tpu.memref_slice %arg2[%dma_start3A_241, %dma_start3A_242] : memref<10000x64xf32, #tpu.memory_space<hbm>> -> memref<10000x64xf32, #tpu.memory_space<hbm>>
          tpu.enqueue_indirect_dma source(%dma_start3A_243 : memref<10000x64xf32, #tpu.memory_space<hbm>>) target(%dma_start3A_237 : memref<80x64xf32, #tpu.memory_space<vmem>>) offsets(%dma_start3A_240 : memref<80xi32, #tpu.memory_space<vmem>>) semaphore(%arg17 : memref<!tpu.dma_semaphore, #tpu.memory_space<semaphore_mem>>)
          %dma_start3A_244 = arith.constant 0 : i32
          %dma_start3A_245 = arith.constant 0 : i32
          %dma_start3A_246 = arith.constant 0 : i32
          %dma_start3A_247 = tpu.memref_slice %arg14[%dma_start3A_244, %dma_start3A_245, %dma_start3A_246] : memref<2x80x128xf32, #tpu.memory_space<vmem>> -> memref<1x80x128xf32, #tpu.memory_space<vmem>>
          %dma_start3A_248 = tpu.memref_squeeze %dma_start3A_247 : memref<1x80x128xf32, #tpu.memory_space<vmem>> -> memref<80x128xf32, #tpu.memory_space<vmem>>
          %dma_start3A_249 = arith.constant 0 : i32
          %dma_start3A_250 = tpu.memref_slice %arg12[%add3A_232, %dma_start3A_249] : memref<125x80xi32, #tpu.memory_space<vmem>> -> memref<1x80xi32, #tpu.memory_space<vmem>>
          %dma_start3A_251 = tpu.memref_squeeze %dma_start3A_250 : memref<1x80xi32, #tpu.memory_space<vmem>> -> memref<80xi32, #tpu.memory_space<vmem>>
          %dma_start3A_252 = arith.constant 0 : i32
          %dma_start3A_253 = arith.constant 0 : i32
          %dma_start3A_254 = tpu.memref_slice %arg4[%dma_start3A_252, %dma_start3A_253] : memref<10000x128xf32, #tpu.memory_space<hbm>> -> memref<10000x128xf32, #tpu.memory_space<hbm>>
          tpu.enqueue_indirect_dma source(%dma_start3A_254 : memref<10000x128xf32, #tpu.memory_space<hbm>>) target(%dma_start3A_248 : memref<80x128xf32, #tpu.memory_space<vmem>>) offsets(%dma_start3A_251 : memref<80xi32, #tpu.memory_space<vmem>>) semaphore(%arg19 : memref<!tpu.dma_semaphore, #tpu.memory_space<semaphore_mem>>)
        } else {
        }
        %dma_start3A_220 = arith.constant 0 : i32
        %dma_start3A_221 = arith.constant 0 : i32
        %dma_start3A_222 = arith.constant 0 : i32
        %dma_start3A_223 = tpu.memref_slice %arg15[%dma_start3A_220, %dma_start3A_221, %dma_start3A_222] : memref<2x80x64xf32, #tpu.memory_space<vmem>> -> memref<1x80x64xf32, #tpu.memory_space<vmem>>
        %dma_start3A_224 = tpu.memref_squeeze %dma_start3A_223 : memref<1x80x64xf32, #tpu.memory_space<vmem>> -> memref<80x64xf32, #tpu.memory_space<vmem>>
        %dma_start3A_225 = arith.constant 0 : i32
        %dma_start3A_226 = tpu.memref_slice %arg12[%add3A_173, %dma_start3A_225] : memref<125x80xi32, #tpu.memory_space<vmem>> -> memref<1x80xi32, #tpu.memory_space<vmem>>
        %dma_start3A_227 = tpu.memref_squeeze %dma_start3A_226 : memref<1x80xi32, #tpu.memory_space<vmem>> -> memref<80xi32, #tpu.memory_space<vmem>>
        %dma_start3A_228 = arith.constant 0 : i32
        %dma_start3A_229 = arith.constant 0 : i32
        %dma_start3A_230 = tpu.memref_slice %arg16[%dma_start3A_228, %dma_start3A_229] : memref<10240x64xf32, #tpu.memory_space<vmem_shared>> -> memref<10240x64xf32, #tpu.memory_space<vmem_shared>>
        tpu.enqueue_indirect_dma source(%dma_start3A_224 : memref<80x64xf32, #tpu.memory_space<vmem>>) target(%dma_start3A_230 : memref<10240x64xf32, #tpu.memory_space<vmem_shared>>) offsets(%dma_start3A_227 : memref<80xi32, #tpu.memory_space<vmem>>) semaphore(%arg21 : memref<!tpu.dma_semaphore, #tpu.memory_space<semaphore_mem>>) {add = true}
      } else {
      }
      %mul3A_176 = arith.constant 2 : i32
      %mul3A_177 = arith.muli %scan3A_169, %mul3A_176 : i32
      %add3A_178 = arith.constant 1 : i32
      %add3A_179 = arith.addi %mul3A_177, %add3A_178 : i32
      %lt3A_180 = arith.constant 125 : i32
      %lt3A_181 = arith.cmpi slt, %add3A_179, %lt3A_180 : i32
      %convert_element_type3A_182 = arith.extui %lt3A_181 : i1 to i32
      %cond3A_183 = arith.constant 0 : i32
      %cond3A_184 = arith.cmpi ne, %convert_element_type3A_182, %cond3A_183 : i32
      scf.if %cond3A_184 {
        %dma_wait3A_185 = arith.constant 1 : i32
        %dma_wait3A_186 = arith.constant 0 : i32
        %dma_wait3A_187 = arith.constant 0 : i32
        %dma_wait3A_188 = tpu.memref_slice %arg13[%dma_wait3A_185, %dma_wait3A_186, %dma_wait3A_187] : memref<2x80x64xf32, #tpu.memory_space<vmem>> -> memref<1x80x64xf32, #tpu.memory_space<vmem>>
        %dma_wait3A_189 = tpu.memref_squeeze %dma_wait3A_188 : memref<1x80x64xf32, #tpu.memory_space<vmem>> -> memref<80x64xf32, #tpu.memory_space<vmem>>
        %dma_wait3A_190 = arith.constant 0 : i32
        %dma_wait3A_191 = tpu.memref_slice %arg11[%add3A_179, %dma_wait3A_190] : memref<125x80xi32, #tpu.memory_space<vmem>> -> memref<1x80xi32, #tpu.memory_space<vmem>>
        %dma_wait3A_192 = tpu.memref_squeeze %dma_wait3A_191 : memref<1x80xi32, #tpu.memory_space<vmem>> -> memref<80xi32, #tpu.memory_space<vmem>>
        %dma_wait3A_193 = arith.constant 0 : i32
        %dma_wait3A_194 = arith.constant 0 : i32
        %dma_wait3A_195 = tpu.memref_slice %arg2[%dma_wait3A_193, %dma_wait3A_194] : memref<10000x64xf32, #tpu.memory_space<hbm>> -> memref<10000x64xf32, #tpu.memory_space<hbm>>
        tpu.wait_indirect_dma semaphore(%arg18 : memref<!tpu.dma_semaphore, #tpu.memory_space<semaphore_mem>>) src(%dma_wait3A_195 : memref<10000x64xf32, #tpu.memory_space<hbm>>) dst(%dma_wait3A_189 : memref<80x64xf32, #tpu.memory_space<vmem>>)
        %dma_wait3A_196 = arith.constant 1 : i32
        %dma_wait3A_197 = arith.constant 0 : i32
        %dma_wait3A_198 = arith.constant 0 : i32
        %dma_wait3A_199 = tpu.memref_slice %arg14[%dma_wait3A_196, %dma_wait3A_197, %dma_wait3A_198] : memref<2x80x128xf32, #tpu.memory_space<vmem>> -> memref<1x80x128xf32, #tpu.memory_space<vmem>>
        %dma_wait3A_200 = tpu.memref_squeeze %dma_wait3A_199 : memref<1x80x128xf32, #tpu.memory_space<vmem>> -> memref<80x128xf32, #tpu.memory_space<vmem>>
        %dma_wait3A_201 = arith.constant 0 : i32
        %dma_wait3A_202 = tpu.memref_slice %arg12[%add3A_179, %dma_wait3A_201] : memref<125x80xi32, #tpu.memory_space<vmem>> -> memref<1x80xi32, #tpu.memory_space<vmem>>
        %dma_wait3A_203 = tpu.memref_squeeze %dma_wait3A_202 : memref<1x80xi32, #tpu.memory_space<vmem>> -> memref<80xi32, #tpu.memory_space<vmem>>
        %dma_wait3A_204 = arith.constant 0 : i32
        %dma_wait3A_205 = arith.constant 0 : i32
        %dma_wait3A_206 = tpu.memref_slice %arg4[%dma_wait3A_204, %dma_wait3A_205] : memref<10000x128xf32, #tpu.memory_space<hbm>> -> memref<10000x128xf32, #tpu.memory_space<hbm>>
        tpu.wait_indirect_dma semaphore(%arg20 : memref<!tpu.dma_semaphore, #tpu.memory_space<semaphore_mem>>) src(%dma_wait3A_206 : memref<10000x128xf32, #tpu.memory_space<hbm>>) dst(%dma_wait3A_200 : memref<80x128xf32, #tpu.memory_space<vmem>>)
        %ge3A = arith.constant 2 : i32
        %ge3A_207 = arith.cmpi sge, %add3A_179, %ge3A : i32
        %convert_element_type3A_208 = arith.extui %ge3A_207 : i1 to i32
        %cond3A_209 = arith.constant 0 : i32
        %cond3A_210 = arith.cmpi ne, %convert_element_type3A_208, %cond3A_209 : i32
        scf.if %cond3A_210 {
          %sub3A = arith.constant 2 : i32
          %sub3A_231 = arith.subi %add3A_179, %sub3A : i32
          %dma_wait3A_232 = arith.constant 1 : i32
          %dma_wait3A_233 = arith.constant 0 : i32
          %dma_wait3A_234 = arith.constant 0 : i32
          %dma_wait3A_235 = tpu.memref_slice %arg15[%dma_wait3A_232, %dma_wait3A_233, %dma_wait3A_234] : memref<2x80x64xf32, #tpu.memory_space<vmem>> -> memref<1x80x64xf32, #tpu.memory_space<vmem>>
          %dma_wait3A_236 = tpu.memref_squeeze %dma_wait3A_235 : memref<1x80x64xf32, #tpu.memory_space<vmem>> -> memref<80x64xf32, #tpu.memory_space<vmem>>
          %dma_wait3A_237 = arith.constant 0 : i32
          %dma_wait3A_238 = tpu.memref_slice %arg12[%sub3A_231, %dma_wait3A_237] : memref<125x80xi32, #tpu.memory_space<vmem>> -> memref<1x80xi32, #tpu.memory_space<vmem>>
          %dma_wait3A_239 = tpu.memref_squeeze %dma_wait3A_238 : memref<1x80xi32, #tpu.memory_space<vmem>> -> memref<80xi32, #tpu.memory_space<vmem>>
          %dma_wait3A_240 = arith.constant 0 : i32
          %dma_wait3A_241 = arith.constant 0 : i32
          %dma_wait3A_242 = tpu.memref_slice %arg16[%dma_wait3A_240, %dma_wait3A_241] : memref<10240x64xf32, #tpu.memory_space<vmem_shared>> -> memref<10240x64xf32, #tpu.memory_space<vmem_shared>>
          tpu.wait_indirect_dma semaphore(%arg22 : memref<!tpu.dma_semaphore, #tpu.memory_space<semaphore_mem>>) src(%dma_wait3A_236 : memref<80x64xf32, #tpu.memory_space<vmem>>) dst(%dma_wait3A_242 : memref<10240x64xf32, #tpu.memory_space<vmem_shared>>)
        } else {
        }
        %parallel_loop3A = arith.constant 0 : i32
        %parallel_loop3A_211 = arith.constant 80 : i32
        %parallel_loop3A_212 = arith.constant 1 : i32
        scf.for %parallel_loop3A_231 = %parallel_loop3A to %parallel_loop3A_211 step %parallel_loop3A_212  : i32 {
          %parallel_loop3A_232 = arith.constant 1 : i32
          %parallel_loop3A_233 = arith.index_cast %parallel_loop3A_232 : i32 to index
          %parallel_loop3A_234 = arith.index_cast %parallel_loop3A_231 : i32 to index
          %parallel_loop3A_235 = arith.constant 0 : index
          %parallel_loop3A_236 = tpu.vector_load %arg14[%parallel_loop3A_233, %parallel_loop3A_234, %parallel_loop3A_235] {strides = array<i32>} : memref<2x80x128xf32, #tpu.memory_space<vmem>>, vector<1x1x16xf32>,
          %parallel_loop3A_237 = vector.shape_cast %parallel_loop3A_236 : vector<1x1x16xf32> to vector<16xf32>
          %parallel_loop3A_238 = arith.constant 1 : i32
          %parallel_loop3A_239 = arith.index_cast %parallel_loop3A_238 : i32 to index
          %parallel_loop3A_240 = arith.index_cast %parallel_loop3A_231 : i32 to index
          %parallel_loop3A_241 = arith.constant 64 : index
          %parallel_loop3A_242 = tpu.vector_load %arg14[%parallel_loop3A_239, %parallel_loop3A_240, %parallel_loop3A_241] {strides = array<i32>} : memref<2x80x128xf32, #tpu.memory_space<vmem>>, vector<1x1x16xf32>,
          %parallel_loop3A_243 = vector.shape_cast %parallel_loop3A_242 : vector<1x1x16xf32> to vector<16xf32>
          %parallel_loop3A_244 = arith.constant 1 : i32
          %parallel_loop3A_245 = arith.index_cast %parallel_loop3A_244 : i32 to index
          %parallel_loop3A_246 = arith.index_cast %parallel_loop3A_231 : i32 to index
          %parallel_loop3A_247 = arith.constant 0 : index
          %parallel_loop3A_248 = tpu.vector_load %arg13[%parallel_loop3A_245, %parallel_loop3A_246, %parallel_loop3A_247] {strides = array<i32>} : memref<2x80x64xf32, #tpu.memory_space<vmem>>, vector<1x1x16xf32>,
          %parallel_loop3A_249 = vector.shape_cast %parallel_loop3A_248 : vector<1x1x16xf32> to vector<16xf32>
          %parallel_loop3A_250 = arith.mulf %parallel_loop3A_237, %parallel_loop3A_249 : vector<16xf32>
          %parallel_loop3A_251 = arith.addf %parallel_loop3A_250, %parallel_loop3A_243 : vector<16xf32>
          %parallel_loop3A_252 = arith.constant 0.000000e+00 : f32
          %parallel_loop3A_253 = vector.broadcast %parallel_loop3A_252 : f32 to vector<16xf32>
          %parallel_loop3A_254 = arith.maximumf %parallel_loop3A_251, %parallel_loop3A_253 : vector<16xf32>
          %parallel_loop3A_255 = arith.constant 1 : i32
          %parallel_loop3A_256 = arith.index_cast %parallel_loop3A_255 : i32 to index
          %parallel_loop3A_257 = arith.index_cast %parallel_loop3A_231 : i32 to index
          %parallel_loop3A_258 = arith.constant 0 : index
          %parallel_loop3A_259 = tpu.vector_load %arg15[%parallel_loop3A_256, %parallel_loop3A_257, %parallel_loop3A_258] {strides = array<i32>} : memref<2x80x64xf32, #tpu.memory_space<vmem>>, vector<1x1x16xf32>,
          %parallel_loop3A_260 = vector.shape_cast %parallel_loop3A_259 : vector<1x1x16xf32> to vector<16xf32>
          %parallel_loop3A_261 = vector.shape_cast %parallel_loop3A_254 : vector<16xf32> to vector<1x1x16xf32>
          tpu.vector_store %arg15[%parallel_loop3A_256, %parallel_loop3A_257, %parallel_loop3A_258], %parallel_loop3A_261 {strides = array<i32>} : memref<2x80x64xf32, #tpu.memory_space<vmem>>, vector<1x1x16xf32>,
          %parallel_loop3A_262 = arith.constant 1 : i32
          %parallel_loop3A_263 = arith.index_cast %parallel_loop3A_262 : i32 to index
          %parallel_loop3A_264 = arith.index_cast %parallel_loop3A_231 : i32 to index
          %parallel_loop3A_265 = arith.constant 16 : index
          %parallel_loop3A_266 = tpu.vector_load %arg14[%parallel_loop3A_263, %parallel_loop3A_264, %parallel_loop3A_265] {strides = array<i32>} : memref<2x80x128xf32, #tpu.memory_space<vmem>>, vector<1x1x16xf32>,
          %parallel_loop3A_267 = vector.shape_cast %parallel_loop3A_266 : vector<1x1x16xf32> to vector<16xf32>
          %parallel_loop3A_268 = arith.constant 1 : i32
          %parallel_loop3A_269 = arith.index_cast %parallel_loop3A_268 : i32 to index
          %parallel_loop3A_270 = arith.index_cast %parallel_loop3A_231 : i32 to index
          %parallel_loop3A_271 = arith.constant 80 : index
          %parallel_loop3A_272 = tpu.vector_load %arg14[%parallel_loop3A_269, %parallel_loop3A_270, %parallel_loop3A_271] {strides = array<i32>} : memref<2x80x128xf32, #tpu.memory_space<vmem>>, vector<1x1x16xf32>,
          %parallel_loop3A_273 = vector.shape_cast %parallel_loop3A_272 : vector<1x1x16xf32> to vector<16xf32>
          %parallel_loop3A_274 = arith.constant 1 : i32
          %parallel_loop3A_275 = arith.index_cast %parallel_loop3A_274 : i32 to index
          %parallel_loop3A_276 = arith.index_cast %parallel_loop3A_231 : i32 to index
          %parallel_loop3A_277 = arith.constant 16 : index
          %parallel_loop3A_278 = tpu.vector_load %arg13[%parallel_loop3A_275, %parallel_loop3A_276, %parallel_loop3A_277] {strides = array<i32>} : memref<2x80x64xf32, #tpu.memory_space<vmem>>, vector<1x1x16xf32>,
          %parallel_loop3A_279 = vector.shape_cast %parallel_loop3A_278 : vector<1x1x16xf32> to vector<16xf32>
          %parallel_loop3A_280 = arith.mulf %parallel_loop3A_267, %parallel_loop3A_279 : vector<16xf32>
          %parallel_loop3A_281 = arith.addf %parallel_loop3A_280, %parallel_loop3A_273 : vector<16xf32>
          %parallel_loop3A_282 = arith.constant 0.000000e+00 : f32
          %parallel_loop3A_283 = vector.broadcast %parallel_loop3A_282 : f32 to vector<16xf32>
          %parallel_loop3A_284 = arith.maximumf %parallel_loop3A_281, %parallel_loop3A_283 : vector<16xf32>
          %parallel_loop3A_285 = arith.constant 1 : i32
          %parallel_loop3A_286 = arith.index_cast %parallel_loop3A_285 : i32 to index
          %parallel_loop3A_287 = arith.index_cast %parallel_loop3A_231 : i32 to index
          %parallel_loop3A_288 = arith.constant 16 : index
          %parallel_loop3A_289 = tpu.vector_load %arg15[%parallel_loop3A_286, %parallel_loop3A_287, %parallel_loop3A_288] {strides = array<i32>} : memref<2x80x64xf32, #tpu.memory_space<vmem>>, vector<1x1x16xf32>,
          %parallel_loop3A_290 = vector.shape_cast %parallel_loop3A_289 : vector<1x1x16xf32> to vector<16xf32>
          %parallel_loop3A_291 = vector.shape_cast %parallel_loop3A_284 : vector<16xf32> to vector<1x1x16xf32>
          tpu.vector_store %arg15[%parallel_loop3A_286, %parallel_loop3A_287, %parallel_loop3A_288], %parallel_loop3A_291 {strides = array<i32>} : memref<2x80x64xf32, #tpu.memory_space<vmem>>, vector<1x1x16xf32>,
          %parallel_loop3A_292 = arith.constant 1 : i32
          %parallel_loop3A_293 = arith.index_cast %parallel_loop3A_292 : i32 to index
          %parallel_loop3A_294 = arith.index_cast %parallel_loop3A_231 : i32 to index
          %parallel_loop3A_295 = arith.constant 32 : index
          %parallel_loop3A_296 = tpu.vector_load %arg14[%parallel_loop3A_293, %parallel_loop3A_294, %parallel_loop3A_295] {strides = array<i32>} : memref<2x80x128xf32, #tpu.memory_space<vmem>>, vector<1x1x16xf32>,
          %parallel_loop3A_297 = vector.shape_cast %parallel_loop3A_296 : vector<1x1x16xf32> to vector<16xf32>
          %parallel_loop3A_298 = arith.constant 1 : i32
          %parallel_loop3A_299 = arith.index_cast %parallel_loop3A_298 : i32 to index
          %parallel_loop3A_300 = arith.index_cast %parallel_loop3A_231 : i32 to index
          %parallel_loop3A_301 = arith.constant 96 : index
          %parallel_loop3A_302 = tpu.vector_load %arg14[%parallel_loop3A_299, %parallel_loop3A_300, %parallel_loop3A_301] {strides = array<i32>} : memref<2x80x128xf32, #tpu.memory_space<vmem>>, vector<1x1x16xf32>,
          %parallel_loop3A_303 = vector.shape_cast %parallel_loop3A_302 : vector<1x1x16xf32> to vector<16xf32>
          %parallel_loop3A_304 = arith.constant 1 : i32
          %parallel_loop3A_305 = arith.index_cast %parallel_loop3A_304 : i32 to index
          %parallel_loop3A_306 = arith.index_cast %parallel_loop3A_231 : i32 to index
          %parallel_loop3A_307 = arith.constant 32 : index
          %parallel_loop3A_308 = tpu.vector_load %arg13[%parallel_loop3A_305, %parallel_loop3A_306, %parallel_loop3A_307] {strides = array<i32>} : memref<2x80x64xf32, #tpu.memory_space<vmem>>, vector<1x1x16xf32>,
          %parallel_loop3A_309 = vector.shape_cast %parallel_loop3A_308 : vector<1x1x16xf32> to vector<16xf32>
          %parallel_loop3A_310 = arith.mulf %parallel_loop3A_297, %parallel_loop3A_309 : vector<16xf32>
          %parallel_loop3A_311 = arith.addf %parallel_loop3A_310, %parallel_loop3A_303 : vector<16xf32>
          %parallel_loop3A_312 = arith.constant 0.000000e+00 : f32
          %parallel_loop3A_313 = vector.broadcast %parallel_loop3A_312 : f32 to vector<16xf32>
          %parallel_loop3A_314 = arith.maximumf %parallel_loop3A_311, %parallel_loop3A_313 : vector<16xf32>
          %parallel_loop3A_315 = arith.constant 1 : i32
          %parallel_loop3A_316 = arith.index_cast %parallel_loop3A_315 : i32 to index
          %parallel_loop3A_317 = arith.index_cast %parallel_loop3A_231 : i32 to index
          %parallel_loop3A_318 = arith.constant 32 : index
          %parallel_loop3A_319 = tpu.vector_load %arg15[%parallel_loop3A_316, %parallel_loop3A_317, %parallel_loop3A_318] {strides = array<i32>} : memref<2x80x64xf32, #tpu.memory_space<vmem>>, vector<1x1x16xf32>,
          %parallel_loop3A_320 = vector.shape_cast %parallel_loop3A_319 : vector<1x1x16xf32> to vector<16xf32>
          %parallel_loop3A_321 = vector.shape_cast %parallel_loop3A_314 : vector<16xf32> to vector<1x1x16xf32>
          tpu.vector_store %arg15[%parallel_loop3A_316, %parallel_loop3A_317, %parallel_loop3A_318], %parallel_loop3A_321 {strides = array<i32>} : memref<2x80x64xf32, #tpu.memory_space<vmem>>, vector<1x1x16xf32>,
          %parallel_loop3A_322 = arith.constant 1 : i32
          %parallel_loop3A_323 = arith.index_cast %parallel_loop3A_322 : i32 to index
          %parallel_loop3A_324 = arith.index_cast %parallel_loop3A_231 : i32 to index
          %parallel_loop3A_325 = arith.constant 48 : index
          %parallel_loop3A_326 = tpu.vector_load %arg14[%parallel_loop3A_323, %parallel_loop3A_324, %parallel_loop3A_325] {strides = array<i32>} : memref<2x80x128xf32, #tpu.memory_space<vmem>>, vector<1x1x16xf32>,
          %parallel_loop3A_327 = vector.shape_cast %parallel_loop3A_326 : vector<1x1x16xf32> to vector<16xf32>
          %parallel_loop3A_328 = arith.constant 1 : i32
          %parallel_loop3A_329 = arith.index_cast %parallel_loop3A_328 : i32 to index
          %parallel_loop3A_330 = arith.index_cast %parallel_loop3A_231 : i32 to index
          %parallel_loop3A_331 = arith.constant 112 : index
          %parallel_loop3A_332 = tpu.vector_load %arg14[%parallel_loop3A_329, %parallel_loop3A_330, %parallel_loop3A_331] {strides = array<i32>} : memref<2x80x128xf32, #tpu.memory_space<vmem>>, vector<1x1x16xf32>,
          %parallel_loop3A_333 = vector.shape_cast %parallel_loop3A_332 : vector<1x1x16xf32> to vector<16xf32>
          %parallel_loop3A_334 = arith.constant 1 : i32
          %parallel_loop3A_335 = arith.index_cast %parallel_loop3A_334 : i32 to index
          %parallel_loop3A_336 = arith.index_cast %parallel_loop3A_231 : i32 to index
          %parallel_loop3A_337 = arith.constant 48 : index
          %parallel_loop3A_338 = tpu.vector_load %arg13[%parallel_loop3A_335, %parallel_loop3A_336, %parallel_loop3A_337] {strides = array<i32>} : memref<2x80x64xf32, #tpu.memory_space<vmem>>, vector<1x1x16xf32>,
          %parallel_loop3A_339 = vector.shape_cast %parallel_loop3A_338 : vector<1x1x16xf32> to vector<16xf32>
          %parallel_loop3A_340 = arith.mulf %parallel_loop3A_327, %parallel_loop3A_339 : vector<16xf32>
          %parallel_loop3A_341 = arith.addf %parallel_loop3A_340, %parallel_loop3A_333 : vector<16xf32>
          %parallel_loop3A_342 = arith.constant 0.000000e+00 : f32
          %parallel_loop3A_343 = vector.broadcast %parallel_loop3A_342 : f32 to vector<16xf32>
          %parallel_loop3A_344 = arith.maximumf %parallel_loop3A_341, %parallel_loop3A_343 : vector<16xf32>
          %parallel_loop3A_345 = arith.constant 1 : i32
          %parallel_loop3A_346 = arith.index_cast %parallel_loop3A_345 : i32 to index
          %parallel_loop3A_347 = arith.index_cast %parallel_loop3A_231 : i32 to index
          %parallel_loop3A_348 = arith.constant 48 : index
          %parallel_loop3A_349 = tpu.vector_load %arg15[%parallel_loop3A_346, %parallel_loop3A_347, %parallel_loop3A_348] {strides = array<i32>} : memref<2x80x64xf32, #tpu.memory_space<vmem>>, vector<1x1x16xf32>,
          %parallel_loop3A_350 = vector.shape_cast %parallel_loop3A_349 : vector<1x1x16xf32> to vector<16xf32>
          %parallel_loop3A_351 = vector.shape_cast %parallel_loop3A_344 : vector<16xf32> to vector<1x1x16xf32>
          tpu.vector_store %arg15[%parallel_loop3A_346, %parallel_loop3A_347, %parallel_loop3A_348], %parallel_loop3A_351 {strides = array<i32>} : memref<2x80x64xf32, #tpu.memory_space<vmem>>, vector<1x1x16xf32>,
        } {sc.loop_unroll_factor = 4 : i64, sc.parallel_access}
        %add3A_213 = arith.constant 2 : i32
        %add3A_214 = arith.addi %add3A_179, %add3A_213 : i32
        %lt3A_215 = arith.constant 125 : i32
        %lt3A_216 = arith.cmpi slt, %add3A_214, %lt3A_215 : i32
        %convert_element_type3A_217 = arith.extui %lt3A_216 : i1 to i32
        %cond3A_218 = arith.constant 0 : i32
        %cond3A_219 = arith.cmpi ne, %convert_element_type3A_217, %cond3A_218 : i32
        scf.if %cond3A_219 {
          %add3A_231 = arith.constant 2 : i32
          %add3A_232 = arith.addi %add3A_179, %add3A_231 : i32
          %dma_start3A_233 = arith.constant 1 : i32
          %dma_start3A_234 = arith.constant 0 : i32
          %dma_start3A_235 = arith.constant 0 : i32
          %dma_start3A_236 = tpu.memref_slice %arg13[%dma_start3A_233, %dma_start3A_234, %dma_start3A_235] : memref<2x80x64xf32, #tpu.memory_space<vmem>> -> memref<1x80x64xf32, #tpu.memory_space<vmem>>
          %dma_start3A_237 = tpu.memref_squeeze %dma_start3A_236 : memref<1x80x64xf32, #tpu.memory_space<vmem>> -> memref<80x64xf32, #tpu.memory_space<vmem>>
          %dma_start3A_238 = arith.constant 0 : i32
          %dma_start3A_239 = tpu.memref_slice %arg11[%add3A_232, %dma_start3A_238] : memref<125x80xi32, #tpu.memory_space<vmem>> -> memref<1x80xi32, #tpu.memory_space<vmem>>
          %dma_start3A_240 = tpu.memref_squeeze %dma_start3A_239 : memref<1x80xi32, #tpu.memory_space<vmem>> -> memref<80xi32, #tpu.memory_space<vmem>>
          %dma_start3A_241 = arith.constant 0 : i32
          %dma_start3A_242 = arith.constant 0 : i32
          %dma_start3A_243 = tpu.memref_slice %arg2[%dma_start3A_241, %dma_start3A_242] : memref<10000x64xf32, #tpu.memory_space<hbm>> -> memref<10000x64xf32, #tpu.memory_space<hbm>>
          tpu.enqueue_indirect_dma source(%dma_start3A_243 : memref<10000x64xf32, #tpu.memory_space<hbm>>) target(%dma_start3A_237 : memref<80x64xf32, #tpu.memory_space<vmem>>) offsets(%dma_start3A_240 : memref<80xi32, #tpu.memory_space<vmem>>) semaphore(%arg18 : memref<!tpu.dma_semaphore, #tpu.memory_space<semaphore_mem>>)
          %dma_start3A_244 = arith.constant 1 : i32
          %dma_start3A_245 = arith.constant 0 : i32
          %dma_start3A_246 = arith.constant 0 : i32
          %dma_start3A_247 = tpu.memref_slice %arg14[%dma_start3A_244, %dma_start3A_245, %dma_start3A_246] : memref<2x80x128xf32, #tpu.memory_space<vmem>> -> memref<1x80x128xf32, #tpu.memory_space<vmem>>
          %dma_start3A_248 = tpu.memref_squeeze %dma_start3A_247 : memref<1x80x128xf32, #tpu.memory_space<vmem>> -> memref<80x128xf32, #tpu.memory_space<vmem>>
          %dma_start3A_249 = arith.constant 0 : i32
          %dma_start3A_250 = tpu.memref_slice %arg12[%add3A_232, %dma_start3A_249] : memref<125x80xi32, #tpu.memory_space<vmem>> -> memref<1x80xi32, #tpu.memory_space<vmem>>
          %dma_start3A_251 = tpu.memref_squeeze %dma_start3A_250 : memref<1x80xi32, #tpu.memory_space<vmem>> -> memref<80xi32, #tpu.memory_space<vmem>>
          %dma_start3A_252 = arith.constant 0 : i32
          %dma_start3A_253 = arith.constant 0 : i32
          %dma_start3A_254 = tpu.memref_slice %arg4[%dma_start3A_252, %dma_start3A_253] : memref<10000x128xf32, #tpu.memory_space<hbm>> -> memref<10000x128xf32, #tpu.memory_space<hbm>>
          tpu.enqueue_indirect_dma source(%dma_start3A_254 : memref<10000x128xf32, #tpu.memory_space<hbm>>) target(%dma_start3A_248 : memref<80x128xf32, #tpu.memory_space<vmem>>) offsets(%dma_start3A_251 : memref<80xi32, #tpu.memory_space<vmem>>) semaphore(%arg20 : memref<!tpu.dma_semaphore, #tpu.memory_space<semaphore_mem>>)
        } else {
        }
        %dma_start3A_220 = arith.constant 1 : i32
        %dma_start3A_221 = arith.constant 0 : i32
        %dma_start3A_222 = arith.constant 0 : i32
        %dma_start3A_223 = tpu.memref_slice %arg15[%dma_start3A_220, %dma_start3A_221, %dma_start3A_222] : memref<2x80x64xf32, #tpu.memory_space<vmem>> -> memref<1x80x64xf32, #tpu.memory_space<vmem>>
        %dma_start3A_224 = tpu.memref_squeeze %dma_start3A_223 : memref<1x80x64xf32, #tpu.memory_space<vmem>> -> memref<80x64xf32, #tpu.memory_space<vmem>>
        %dma_start3A_225 = arith.constant 0 : i32
        %dma_start3A_226 = tpu.memref_slice %arg12[%add3A_179, %dma_start3A_225] : memref<125x80xi32, #tpu.memory_space<vmem>> -> memref<1x80xi32, #tpu.memory_space<vmem>>
        %dma_start3A_227 = tpu.memref_squeeze %dma_start3A_226 : memref<1x80xi32, #tpu.memory_space<vmem>> -> memref<80xi32, #tpu.memory_space<vmem>>
        %dma_start3A_228 = arith.constant 0 : i32
        %dma_start3A_229 = arith.constant 0 : i32
        %dma_start3A_230 = tpu.memref_slice %arg16[%dma_start3A_228, %dma_start3A_229] : memref<10240x64xf32, #tpu.memory_space<vmem_shared>> -> memref<10240x64xf32, #tpu.memory_space<vmem_shared>>
        tpu.enqueue_indirect_dma source(%dma_start3A_224 : memref<80x64xf32, #tpu.memory_space<vmem>>) target(%dma_start3A_230 : memref<10240x64xf32, #tpu.memory_space<vmem_shared>>) offsets(%dma_start3A_227 : memref<80xi32, #tpu.memory_space<vmem>>) semaphore(%arg22 : memref<!tpu.dma_semaphore, #tpu.memory_space<semaphore_mem>>) {add = true}
      } else {
      }
    }
    %scan3A_54 = arith.constant 63 : i32
    %dma_wait3A = arith.constant 0 : i32
    %dma_wait3A_55 = arith.constant 124 : i32
    %dma_wait3A_56 = arith.constant 0 : i32
    %dma_wait3A_57 = arith.constant 0 : i32
    %dma_wait3A_58 = tpu.memref_slice %arg15[%dma_wait3A, %dma_wait3A_56, %dma_wait3A_57] : memref<2x80x64xf32, #tpu.memory_space<vmem>> -> memref<1x80x64xf32, #tpu.memory_space<vmem>>
    %dma_wait3A_59 = tpu.memref_squeeze %dma_wait3A_58 : memref<1x80x64xf32, #tpu.memory_space<vmem>> -> memref<80x64xf32, #tpu.memory_space<vmem>>
    %dma_wait3A_60 = arith.constant 0 : i32
    %dma_wait3A_61 = tpu.memref_slice %arg12[%dma_wait3A_55, %dma_wait3A_60] : memref<125x80xi32, #tpu.memory_space<vmem>> -> memref<1x80xi32, #tpu.memory_space<vmem>>
    %dma_wait3A_62 = tpu.memref_squeeze %dma_wait3A_61 : memref<1x80xi32, #tpu.memory_space<vmem>> -> memref<80xi32, #tpu.memory_space<vmem>>
    %dma_wait3A_63 = arith.constant 0 : i32
    %dma_wait3A_64 = arith.constant 0 : i32
    %dma_wait3A_65 = tpu.memref_slice %arg16[%dma_wait3A_63, %dma_wait3A_64] : memref<10240x64xf32, #tpu.memory_space<vmem_shared>> -> memref<10240x64xf32, #tpu.memory_space<vmem_shared>>
    tpu.wait_indirect_dma semaphore(%arg21 : memref<!tpu.dma_semaphore, #tpu.memory_space<semaphore_mem>>) src(%dma_wait3A_59 : memref<80x64xf32, #tpu.memory_space<vmem>>) dst(%dma_wait3A_65 : memref<10240x64xf32, #tpu.memory_space<vmem_shared>>)
    %dma_wait3A_66 = arith.constant 1 : i32
    %dma_wait3A_67 = arith.constant 123 : i32
    %dma_wait3A_68 = arith.constant 0 : i32
    %dma_wait3A_69 = arith.constant 0 : i32
    %dma_wait3A_70 = tpu.memref_slice %arg15[%dma_wait3A_66, %dma_wait3A_68, %dma_wait3A_69] : memref<2x80x64xf32, #tpu.memory_space<vmem>> -> memref<1x80x64xf32, #tpu.memory_space<vmem>>
    %dma_wait3A_71 = tpu.memref_squeeze %dma_wait3A_70 : memref<1x80x64xf32, #tpu.memory_space<vmem>> -> memref<80x64xf32, #tpu.memory_space<vmem>>
    %dma_wait3A_72 = arith.constant 0 : i32
    %dma_wait3A_73 = tpu.memref_slice %arg12[%dma_wait3A_67, %dma_wait3A_72] : memref<125x80xi32, #tpu.memory_space<vmem>> -> memref<1x80xi32, #tpu.memory_space<vmem>>
    %dma_wait3A_74 = tpu.memref_squeeze %dma_wait3A_73 : memref<1x80xi32, #tpu.memory_space<vmem>> -> memref<80xi32, #tpu.memory_space<vmem>>
    %dma_wait3A_75 = arith.constant 0 : i32
    %dma_wait3A_76 = arith.constant 0 : i32
    %dma_wait3A_77 = tpu.memref_slice %arg16[%dma_wait3A_75, %dma_wait3A_76] : memref<10240x64xf32, #tpu.memory_space<vmem_shared>> -> memref<10240x64xf32, #tpu.memory_space<vmem_shared>>
    tpu.wait_indirect_dma semaphore(%arg22 : memref<!tpu.dma_semaphore, #tpu.memory_space<semaphore_mem>>) src(%dma_wait3A_71 : memref<80x64xf32, #tpu.memory_space<vmem>>) dst(%dma_wait3A_77 : memref<10240x64xf32, #tpu.memory_space<vmem_shared>>)
    %barrier3A_78 = arith.constant 0 : index
    tpu.barrier barrier_id(%barrier3A_78)
    %mul3A_79 = arith.constant 640 : i32
    %mul3A_80 = arith.muli %arg1, %mul3A_79 : i32
    %mul3A_81 = arith.constant 640 : i32
    %mul3A_82 = arith.muli %arg1, %mul3A_81 : i32
    "tpu.region"() ({
      %run_scoped3A = tpu.sem_alloc : memref<!tpu.dma_semaphore, #tpu.memory_space<semaphore_mem>>
      %dma_start3A_169 = arith.constant 0 : i32
      %dma_start3A_170 = tpu.memref_slice %arg9[%arg0, %mul3A_82, %dma_start3A_169] : memref<2x10240x64xf32, #tpu.memory_space<hbm>> -> memref<1x640x64xf32, #tpu.memory_space<hbm>>
      %dma_start3A_171 = tpu.memref_squeeze %dma_start3A_170 : memref<1x640x64xf32, #tpu.memory_space<hbm>> -> memref<640x64xf32, #tpu.memory_space<hbm>>
      %dma_start3A_172 = arith.constant 0 : i32
      %dma_start3A_173 = tpu.memref_slice %arg16[%mul3A_80, %dma_start3A_172] : memref<10240x64xf32, #tpu.memory_space<vmem_shared>> -> memref<640x64xf32, #tpu.memory_space<vmem_shared>>
      tpu.enqueue_dma source(%dma_start3A_173 : memref<640x64xf32, #tpu.memory_space<vmem_shared>>) target(%dma_start3A_171 : memref<640x64xf32, #tpu.memory_space<hbm>>) target_semaphore(%run_scoped3A : memref<!tpu.dma_semaphore, #tpu.memory_space<semaphore_mem>>)
      %dma_wait3A_174 = arith.constant 0 : i32
      %dma_wait3A_175 = tpu.memref_slice %arg9[%arg0, %mul3A_82, %dma_wait3A_174] : memref<2x10240x64xf32, #tpu.memory_space<hbm>> -> memref<1x640x64xf32, #tpu.memory_space<hbm>>
      %dma_wait3A_176 = tpu.memref_squeeze %dma_wait3A_175 : memref<1x640x64xf32, #tpu.memory_space<hbm>> -> memref<640x64xf32, #tpu.memory_space<hbm>>
      %dma_wait3A_177 = arith.constant 0 : i32
      %dma_wait3A_178 = tpu.memref_slice %arg16[%mul3A_80, %dma_wait3A_177] : memref<10240x64xf32, #tpu.memory_space<vmem_shared>> -> memref<640x64xf32, #tpu.memory_space<vmem_shared>>
      tpu.wait_dma2 semaphore(%run_scoped3A : memref<!tpu.dma_semaphore, #tpu.memory_space<semaphore_mem>>) src(%dma_wait3A_178 : memref<640x64xf32, #tpu.memory_space<vmem_shared>>) dst(%dma_wait3A_176 : memref<640x64xf32, #tpu.memory_space<hbm>>)
      tpu.yield
    }) : () -> ()
    %mul3A_83 = arith.constant 640 : i32
    %mul3A_84 = arith.muli %arg1, %mul3A_83 : i32
    "tpu.region"() ({
      %run_scoped3A = tpu.sem_alloc : memref<!tpu.dma_semaphore, #tpu.memory_space<semaphore_mem>>
      %dma_start3A_169 = arith.constant 0 : i32
      %dma_start3A_170 = tpu.memref_slice %arg16[%mul3A_84, %dma_start3A_169] : memref<10240x64xf32, #tpu.memory_space<vmem_shared>> -> memref<640x64xf32, #tpu.memory_space<vmem_shared>>
      tpu.enqueue_dma source(%arg8 : memref<640x64xf32, #tpu.memory_space<hbm>>) target(%dma_start3A_170 : memref<640x64xf32, #tpu.memory_space<vmem_shared>>) target_semaphore(%run_scoped3A : memref<!tpu.dma_semaphore, #tpu.memory_space<semaphore_mem>>)
      %dma_wait3A_171 = arith.constant 0 : i32
      %dma_wait3A_172 = tpu.memref_slice %arg16[%mul3A_84, %dma_wait3A_171] : memref<10240x64xf32, #tpu.memory_space<vmem_shared>> -> memref<640x64xf32, #tpu.memory_space<vmem_shared>>
      tpu.wait_dma2 semaphore(%run_scoped3A : memref<!tpu.dma_semaphore, #tpu.memory_space<semaphore_mem>>) src(%arg8 : memref<640x64xf32, #tpu.memory_space<hbm>>) dst(%dma_wait3A_172 : memref<640x64xf32, #tpu.memory_space<vmem_shared>>)
      tpu.yield
    }) : () -> ()
    %barrier3A_85 = arith.constant 0 : index
    tpu.barrier barrier_id(%barrier3A_85)
    %dma_start3A_86 = arith.constant 0 : i32
    %dma_start3A_87 = arith.constant 0 : i32
    %dma_start3A_88 = arith.constant 0 : i32
    %dma_start3A_89 = arith.constant 0 : i32
    %dma_start3A_90 = tpu.memref_slice %arg13[%dma_start3A_87, %dma_start3A_88, %dma_start3A_89] : memref<2x80x64xf32, #tpu.memory_space<vmem>> -> memref<1x80x64xf32, #tpu.memory_space<vmem>>
    %dma_start3A_91 = tpu.memref_squeeze %dma_start3A_90 : memref<1x80x64xf32, #tpu.memory_space<vmem>> -> memref<80x64xf32, #tpu.memory_space<vmem>>
    %dma_start3A_92 = arith.constant 0 : i32
    %dma_start3A_93 = tpu.memref_slice %arg11[%dma_start3A_86, %dma_start3A_92] : memref<125x80xi32, #tpu.memory_space<vmem>> -> memref<1x80xi32, #tpu.memory_space<vmem>>
    %dma_start3A_94 = tpu.memref_squeeze %dma_start3A_93 : memref<1x80xi32, #tpu.memory_space<vmem>> -> memref<80xi32, #tpu.memory_space<vmem>>
    %dma_start3A_95 = arith.constant 0 : i32
    %dma_start3A_96 = arith.constant 0 : i32
    %dma_start3A_97 = tpu.memref_slice %arg3[%dma_start3A_95, %dma_start3A_96] : memref<10000x64xf32, #tpu.memory_space<hbm>> -> memref<10000x64xf32, #tpu.memory_space<hbm>>
    tpu.enqueue_indirect_dma source(%dma_start3A_97 : memref<10000x64xf32, #tpu.memory_space<hbm>>) target(%dma_start3A_91 : memref<80x64xf32, #tpu.memory_space<vmem>>) offsets(%dma_start3A_94 : memref<80xi32, #tpu.memory_space<vmem>>) semaphore(%arg17 : memref<!tpu.dma_semaphore, #tpu.memory_space<semaphore_mem>>)
    %dma_start3A_98 = arith.constant 0 : i32
    %dma_start3A_99 = arith.constant 0 : i32
    %dma_start3A_100 = arith.constant 0 : i32
    %dma_start3A_101 = arith.constant 0 : i32
    %dma_start3A_102 = tpu.memref_slice %arg14[%dma_start3A_99, %dma_start3A_100, %dma_start3A_101] : memref<2x80x128xf32, #tpu.memory_space<vmem>> -> memref<1x80x128xf32, #tpu.memory_space<vmem>>
    %dma_start3A_103 = tpu.memref_squeeze %dma_start3A_102 : memref<1x80x128xf32, #tpu.memory_space<vmem>> -> memref<80x128xf32, #tpu.memory_space<vmem>>
    %dma_start3A_104 = arith.constant 0 : i32
    %dma_start3A_105 = tpu.memref_slice %arg12[%dma_start3A_98, %dma_start3A_104] : memref<125x80xi32, #tpu.memory_space<vmem>> -> memref<1x80xi32, #tpu.memory_space<vmem>>
    %dma_start3A_106 = tpu.memref_squeeze %dma_start3A_105 : memref<1x80xi32, #tpu.memory_space<vmem>> -> memref<80xi32, #tpu.memory_space<vmem>>
    %dma_start3A_107 = arith.constant 0 : i32
    %dma_start3A_108 = arith.constant 0 : i32
    %dma_start3A_109 = tpu.memref_slice %arg5[%dma_start3A_107, %dma_start3A_108] : memref<10000x128xf32, #tpu.memory_space<hbm>> -> memref<10000x128xf32, #tpu.memory_space<hbm>>
    tpu.enqueue_indirect_dma source(%dma_start3A_109 : memref<10000x128xf32, #tpu.memory_space<hbm>>) target(%dma_start3A_103 : memref<80x128xf32, #tpu.memory_space<vmem>>) offsets(%dma_start3A_106 : memref<80xi32, #tpu.memory_space<vmem>>) semaphore(%arg19 : memref<!tpu.dma_semaphore, #tpu.memory_space<semaphore_mem>>)
    %dma_start3A_110 = arith.constant 1 : i32
    %dma_start3A_111 = arith.constant 1 : i32
    %dma_start3A_112 = arith.constant 0 : i32
    %dma_start3A_113 = arith.constant 0 : i32
    %dma_start3A_114 = tpu.memref_slice %arg13[%dma_start3A_111, %dma_start3A_112, %dma_start3A_113] : memref<2x80x64xf32, #tpu.memory_space<vmem>> -> memref<1x80x64xf32, #tpu.memory_space<vmem>>
    %dma_start3A_115 = tpu.memref_squeeze %dma_start3A_114 : memref<1x80x64xf32, #tpu.memory_space<vmem>> -> memref<80x64xf32, #tpu.memory_space<vmem>>
    %dma_start3A_116 = arith.constant 0 : i32
    %dma_start3A_117 = tpu.memref_slice %arg11[%dma_start3A_110, %dma_start3A_116] : memref<125x80xi32, #tpu.memory_space<vmem>> -> memref<1x80xi32, #tpu.memory_space<vmem>>
    %dma_start3A_118 = tpu.memref_squeeze %dma_start3A_117 : memref<1x80xi32, #tpu.memory_space<vmem>> -> memref<80xi32, #tpu.memory_space<vmem>>
    %dma_start3A_119 = arith.constant 0 : i32
    %dma_start3A_120 = arith.constant 0 : i32
    %dma_start3A_121 = tpu.memref_slice %arg3[%dma_start3A_119, %dma_start3A_120] : memref<10000x64xf32, #tpu.memory_space<hbm>> -> memref<10000x64xf32, #tpu.memory_space<hbm>>
    tpu.enqueue_indirect_dma source(%dma_start3A_121 : memref<10000x64xf32, #tpu.memory_space<hbm>>) target(%dma_start3A_115 : memref<80x64xf32, #tpu.memory_space<vmem>>) offsets(%dma_start3A_118 : memref<80xi32, #tpu.memory_space<vmem>>) semaphore(%arg18 : memref<!tpu.dma_semaphore, #tpu.memory_space<semaphore_mem>>)
    %dma_start3A_122 = arith.constant 1 : i32
    %dma_start3A_123 = arith.constant 1 : i32
    %dma_start3A_124 = arith.constant 0 : i32
    %dma_start3A_125 = arith.constant 0 : i32
    %dma_start3A_126 = tpu.memref_slice %arg14[%dma_start3A_123, %dma_start3A_124, %dma_start3A_125] : memref<2x80x128xf32, #tpu.memory_space<vmem>> -> memref<1x80x128xf32, #tpu.memory_space<vmem>>
    %dma_start3A_127 = tpu.memref_squeeze %dma_start3A_126 : memref<1x80x128xf32, #tpu.memory_space<vmem>> -> memref<80x128xf32, #tpu.memory_space<vmem>>
    %dma_start3A_128 = arith.constant 0 : i32
    %dma_start3A_129 = tpu.memref_slice %arg12[%dma_start3A_122, %dma_start3A_128] : memref<125x80xi32, #tpu.memory_space<vmem>> -> memref<1x80xi32, #tpu.memory_space<vmem>>
    %dma_start3A_130 = tpu.memref_squeeze %dma_start3A_129 : memref<1x80xi32, #tpu.memory_space<vmem>> -> memref<80xi32, #tpu.memory_space<vmem>>
    %dma_start3A_131 = arith.constant 0 : i32
    %dma_start3A_132 = arith.constant 0 : i32
    %dma_start3A_133 = tpu.memref_slice %arg5[%dma_start3A_131, %dma_start3A_132] : memref<10000x128xf32, #tpu.memory_space<hbm>> -> memref<10000x128xf32, #tpu.memory_space<hbm>>
    tpu.enqueue_indirect_dma source(%dma_start3A_133 : memref<10000x128xf32, #tpu.memory_space<hbm>>) target(%dma_start3A_127 : memref<80x128xf32, #tpu.memory_space<vmem>>) offsets(%dma_start3A_130 : memref<80xi32, #tpu.memory_space<vmem>>) semaphore(%arg20 : memref<!tpu.dma_semaphore, #tpu.memory_space<semaphore_mem>>)
    %scan3A_134 = arith.constant 0 : i32
    %scan3A_135 = arith.constant 0 : i32
    %scan3A_136 = arith.constant 63 : i32
    %scan3A_137 = arith.addi %scan3A_135, %scan3A_136 : i32
    %scan3A_138 = arith.constant 1 : i32
    scf.for %scan3A_169 = %scan3A_135 to %scan3A_137 step %scan3A_138  : i32 {
      %mul3A_170 = arith.constant 2 : i32
      %mul3A_171 = arith.muli %scan3A_169, %mul3A_170 : i32
      %add3A_172 = arith.constant 0 : i32
      %add3A_173 = arith.addi %mul3A_171, %add3A_172 : i32
      %lt3A = arith.constant 125 : i32
      %lt3A_174 = arith.cmpi slt, %add3A_173, %lt3A : i32
      %convert_element_type3A = arith.extui %lt3A_174 : i1 to i32
      %cond3A = arith.constant 0 : i32
      %cond3A_175 = arith.cmpi ne, %convert_element_type3A, %cond3A : i32
      scf.if %cond3A_175 {
        %dma_wait3A_185 = arith.constant 0 : i32
        %dma_wait3A_186 = arith.constant 0 : i32
        %dma_wait3A_187 = arith.constant 0 : i32
        %dma_wait3A_188 = tpu.memref_slice %arg13[%dma_wait3A_185, %dma_wait3A_186, %dma_wait3A_187] : memref<2x80x64xf32, #tpu.memory_space<vmem>> -> memref<1x80x64xf32, #tpu.memory_space<vmem>>
        %dma_wait3A_189 = tpu.memref_squeeze %dma_wait3A_188 : memref<1x80x64xf32, #tpu.memory_space<vmem>> -> memref<80x64xf32, #tpu.memory_space<vmem>>
        %dma_wait3A_190 = arith.constant 0 : i32
        %dma_wait3A_191 = tpu.memref_slice %arg11[%add3A_173, %dma_wait3A_190] : memref<125x80xi32, #tpu.memory_space<vmem>> -> memref<1x80xi32, #tpu.memory_space<vmem>>
        %dma_wait3A_192 = tpu.memref_squeeze %dma_wait3A_191 : memref<1x80xi32, #tpu.memory_space<vmem>> -> memref<80xi32, #tpu.memory_space<vmem>>
        %dma_wait3A_193 = arith.constant 0 : i32
        %dma_wait3A_194 = arith.constant 0 : i32
        %dma_wait3A_195 = tpu.memref_slice %arg3[%dma_wait3A_193, %dma_wait3A_194] : memref<10000x64xf32, #tpu.memory_space<hbm>> -> memref<10000x64xf32, #tpu.memory_space<hbm>>
        tpu.wait_indirect_dma semaphore(%arg17 : memref<!tpu.dma_semaphore, #tpu.memory_space<semaphore_mem>>) src(%dma_wait3A_195 : memref<10000x64xf32, #tpu.memory_space<hbm>>) dst(%dma_wait3A_189 : memref<80x64xf32, #tpu.memory_space<vmem>>)
        %dma_wait3A_196 = arith.constant 0 : i32
        %dma_wait3A_197 = arith.constant 0 : i32
        %dma_wait3A_198 = arith.constant 0 : i32
        %dma_wait3A_199 = tpu.memref_slice %arg14[%dma_wait3A_196, %dma_wait3A_197, %dma_wait3A_198] : memref<2x80x128xf32, #tpu.memory_space<vmem>> -> memref<1x80x128xf32, #tpu.memory_space<vmem>>
        %dma_wait3A_200 = tpu.memref_squeeze %dma_wait3A_199 : memref<1x80x128xf32, #tpu.memory_space<vmem>> -> memref<80x128xf32, #tpu.memory_space<vmem>>
        %dma_wait3A_201 = arith.constant 0 : i32
        %dma_wait3A_202 = tpu.memref_slice %arg12[%add3A_173, %dma_wait3A_201] : memref<125x80xi32, #tpu.memory_space<vmem>> -> memref<1x80xi32, #tpu.memory_space<vmem>>
        %dma_wait3A_203 = tpu.memref_squeeze %dma_wait3A_202 : memref<1x80xi32, #tpu.memory_space<vmem>> -> memref<80xi32, #tpu.memory_space<vmem>>
        %dma_wait3A_204 = arith.constant 0 : i32
        %dma_wait3A_205 = arith.constant 0 : i32
        %dma_wait3A_206 = tpu.memref_slice %arg5[%dma_wait3A_204, %dma_wait3A_205] : memref<10000x128xf32, #tpu.memory_space<hbm>> -> memref<10000x128xf32, #tpu.memory_space<hbm>>
        tpu.wait_indirect_dma semaphore(%arg19 : memref<!tpu.dma_semaphore, #tpu.memory_space<semaphore_mem>>) src(%dma_wait3A_206 : memref<10000x128xf32, #tpu.memory_space<hbm>>) dst(%dma_wait3A_200 : memref<80x128xf32, #tpu.memory_space<vmem>>)
        %ge3A = arith.constant 2 : i32
        %ge3A_207 = arith.cmpi sge, %add3A_173, %ge3A : i32
        %convert_element_type3A_208 = arith.extui %ge3A_207 : i1 to i32
        %cond3A_209 = arith.constant 0 : i32
        %cond3A_210 = arith.cmpi ne, %convert_element_type3A_208, %cond3A_209 : i32
        scf.if %cond3A_210 {
          %sub3A = arith.constant 2 : i32
          %sub3A_231 = arith.subi %add3A_173, %sub3A : i32
          %dma_wait3A_232 = arith.constant 0 : i32
          %dma_wait3A_233 = arith.constant 0 : i32
          %dma_wait3A_234 = arith.constant 0 : i32
          %dma_wait3A_235 = tpu.memref_slice %arg15[%dma_wait3A_232, %dma_wait3A_233, %dma_wait3A_234] : memref<2x80x64xf32, #tpu.memory_space<vmem>> -> memref<1x80x64xf32, #tpu.memory_space<vmem>>
          %dma_wait3A_236 = tpu.memref_squeeze %dma_wait3A_235 : memref<1x80x64xf32, #tpu.memory_space<vmem>> -> memref<80x64xf32, #tpu.memory_space<vmem>>
          %dma_wait3A_237 = arith.constant 0 : i32
          %dma_wait3A_238 = tpu.memref_slice %arg12[%sub3A_231, %dma_wait3A_237] : memref<125x80xi32, #tpu.memory_space<vmem>> -> memref<1x80xi32, #tpu.memory_space<vmem>>
          %dma_wait3A_239 = tpu.memref_squeeze %dma_wait3A_238 : memref<1x80xi32, #tpu.memory_space<vmem>> -> memref<80xi32, #tpu.memory_space<vmem>>
          %dma_wait3A_240 = arith.constant 0 : i32
          %dma_wait3A_241 = arith.constant 0 : i32
          %dma_wait3A_242 = tpu.memref_slice %arg16[%dma_wait3A_240, %dma_wait3A_241] : memref<10240x64xf32, #tpu.memory_space<vmem_shared>> -> memref<10240x64xf32, #tpu.memory_space<vmem_shared>>
          tpu.wait_indirect_dma semaphore(%arg21 : memref<!tpu.dma_semaphore, #tpu.memory_space<semaphore_mem>>) src(%dma_wait3A_236 : memref<80x64xf32, #tpu.memory_space<vmem>>) dst(%dma_wait3A_242 : memref<10240x64xf32, #tpu.memory_space<vmem_shared>>)
        } else {
        }
        %parallel_loop3A = arith.constant 0 : i32
        %parallel_loop3A_211 = arith.constant 80 : i32
        %parallel_loop3A_212 = arith.constant 1 : i32
        scf.for %parallel_loop3A_231 = %parallel_loop3A to %parallel_loop3A_211 step %parallel_loop3A_212  : i32 {
          %parallel_loop3A_232 = arith.constant 0 : i32
          %parallel_loop3A_233 = arith.index_cast %parallel_loop3A_232 : i32 to index
          %parallel_loop3A_234 = arith.index_cast %parallel_loop3A_231 : i32 to index
          %parallel_loop3A_235 = arith.constant 0 : index
          %parallel_loop3A_236 = tpu.vector_load %arg14[%parallel_loop3A_233, %parallel_loop3A_234, %parallel_loop3A_235] {strides = array<i32>} : memref<2x80x128xf32, #tpu.memory_space<vmem>>, vector<1x1x16xf32>,
          %parallel_loop3A_237 = vector.shape_cast %parallel_loop3A_236 : vector<1x1x16xf32> to vector<16xf32>
          %parallel_loop3A_238 = arith.constant 0 : i32
          %parallel_loop3A_239 = arith.index_cast %parallel_loop3A_238 : i32 to index
          %parallel_loop3A_240 = arith.index_cast %parallel_loop3A_231 : i32 to index
          %parallel_loop3A_241 = arith.constant 64 : index
          %parallel_loop3A_242 = tpu.vector_load %arg14[%parallel_loop3A_239, %parallel_loop3A_240, %parallel_loop3A_241] {strides = array<i32>} : memref<2x80x128xf32, #tpu.memory_space<vmem>>, vector<1x1x16xf32>,
          %parallel_loop3A_243 = vector.shape_cast %parallel_loop3A_242 : vector<1x1x16xf32> to vector<16xf32>
          %parallel_loop3A_244 = arith.constant 0 : i32
          %parallel_loop3A_245 = arith.index_cast %parallel_loop3A_244 : i32 to index
          %parallel_loop3A_246 = arith.index_cast %parallel_loop3A_231 : i32 to index
          %parallel_loop3A_247 = arith.constant 0 : index
          %parallel_loop3A_248 = tpu.vector_load %arg13[%parallel_loop3A_245, %parallel_loop3A_246, %parallel_loop3A_247] {strides = array<i32>} : memref<2x80x64xf32, #tpu.memory_space<vmem>>, vector<1x1x16xf32>,
          %parallel_loop3A_249 = vector.shape_cast %parallel_loop3A_248 : vector<1x1x16xf32> to vector<16xf32>
          %parallel_loop3A_250 = arith.mulf %parallel_loop3A_237, %parallel_loop3A_249 : vector<16xf32>
          %parallel_loop3A_251 = arith.addf %parallel_loop3A_250, %parallel_loop3A_243 : vector<16xf32>
          %parallel_loop3A_252 = arith.constant 0.000000e+00 : f32
          %parallel_loop3A_253 = vector.broadcast %parallel_loop3A_252 : f32 to vector<16xf32>
          %parallel_loop3A_254 = arith.maximumf %parallel_loop3A_251, %parallel_loop3A_253 : vector<16xf32>
          %parallel_loop3A_255 = arith.constant 0 : i32
          %parallel_loop3A_256 = arith.index_cast %parallel_loop3A_255 : i32 to index
          %parallel_loop3A_257 = arith.index_cast %parallel_loop3A_231 : i32 to index
          %parallel_loop3A_258 = arith.constant 0 : index
          %parallel_loop3A_259 = tpu.vector_load %arg15[%parallel_loop3A_256, %parallel_loop3A_257, %parallel_loop3A_258] {strides = array<i32>} : memref<2x80x64xf32, #tpu.memory_space<vmem>>, vector<1x1x16xf32>,
          %parallel_loop3A_260 = vector.shape_cast %parallel_loop3A_259 : vector<1x1x16xf32> to vector<16xf32>
          %parallel_loop3A_261 = vector.shape_cast %parallel_loop3A_254 : vector<16xf32> to vector<1x1x16xf32>
          tpu.vector_store %arg15[%parallel_loop3A_256, %parallel_loop3A_257, %parallel_loop3A_258], %parallel_loop3A_261 {strides = array<i32>} : memref<2x80x64xf32, #tpu.memory_space<vmem>>, vector<1x1x16xf32>,
          %parallel_loop3A_262 = arith.constant 0 : i32
          %parallel_loop3A_263 = arith.index_cast %parallel_loop3A_262 : i32 to index
          %parallel_loop3A_264 = arith.index_cast %parallel_loop3A_231 : i32 to index
          %parallel_loop3A_265 = arith.constant 16 : index
          %parallel_loop3A_266 = tpu.vector_load %arg14[%parallel_loop3A_263, %parallel_loop3A_264, %parallel_loop3A_265] {strides = array<i32>} : memref<2x80x128xf32, #tpu.memory_space<vmem>>, vector<1x1x16xf32>,
          %parallel_loop3A_267 = vector.shape_cast %parallel_loop3A_266 : vector<1x1x16xf32> to vector<16xf32>
          %parallel_loop3A_268 = arith.constant 0 : i32
          %parallel_loop3A_269 = arith.index_cast %parallel_loop3A_268 : i32 to index
          %parallel_loop3A_270 = arith.index_cast %parallel_loop3A_231 : i32 to index
          %parallel_loop3A_271 = arith.constant 80 : index
          %parallel_loop3A_272 = tpu.vector_load %arg14[%parallel_loop3A_269, %parallel_loop3A_270, %parallel_loop3A_271] {strides = array<i32>} : memref<2x80x128xf32, #tpu.memory_space<vmem>>, vector<1x1x16xf32>,
          %parallel_loop3A_273 = vector.shape_cast %parallel_loop3A_272 : vector<1x1x16xf32> to vector<16xf32>
          %parallel_loop3A_274 = arith.constant 0 : i32
          %parallel_loop3A_275 = arith.index_cast %parallel_loop3A_274 : i32 to index
          %parallel_loop3A_276 = arith.index_cast %parallel_loop3A_231 : i32 to index
          %parallel_loop3A_277 = arith.constant 16 : index
          %parallel_loop3A_278 = tpu.vector_load %arg13[%parallel_loop3A_275, %parallel_loop3A_276, %parallel_loop3A_277] {strides = array<i32>} : memref<2x80x64xf32, #tpu.memory_space<vmem>>, vector<1x1x16xf32>,
          %parallel_loop3A_279 = vector.shape_cast %parallel_loop3A_278 : vector<1x1x16xf32> to vector<16xf32>
          %parallel_loop3A_280 = arith.mulf %parallel_loop3A_267, %parallel_loop3A_279 : vector<16xf32>
          %parallel_loop3A_281 = arith.addf %parallel_loop3A_280, %parallel_loop3A_273 : vector<16xf32>
          %parallel_loop3A_282 = arith.constant 0.000000e+00 : f32
          %parallel_loop3A_283 = vector.broadcast %parallel_loop3A_282 : f32 to vector<16xf32>
          %parallel_loop3A_284 = arith.maximumf %parallel_loop3A_281, %parallel_loop3A_283 : vector<16xf32>
          %parallel_loop3A_285 = arith.constant 0 : i32
          %parallel_loop3A_286 = arith.index_cast %parallel_loop3A_285 : i32 to index
          %parallel_loop3A_287 = arith.index_cast %parallel_loop3A_231 : i32 to index
          %parallel_loop3A_288 = arith.constant 16 : index
          %parallel_loop3A_289 = tpu.vector_load %arg15[%parallel_loop3A_286, %parallel_loop3A_287, %parallel_loop3A_288] {strides = array<i32>} : memref<2x80x64xf32, #tpu.memory_space<vmem>>, vector<1x1x16xf32>,
          %parallel_loop3A_290 = vector.shape_cast %parallel_loop3A_289 : vector<1x1x16xf32> to vector<16xf32>
          %parallel_loop3A_291 = vector.shape_cast %parallel_loop3A_284 : vector<16xf32> to vector<1x1x16xf32>
          tpu.vector_store %arg15[%parallel_loop3A_286, %parallel_loop3A_287, %parallel_loop3A_288], %parallel_loop3A_291 {strides = array<i32>} : memref<2x80x64xf32, #tpu.memory_space<vmem>>, vector<1x1x16xf32>,
          %parallel_loop3A_292 = arith.constant 0 : i32
          %parallel_loop3A_293 = arith.index_cast %parallel_loop3A_292 : i32 to index
          %parallel_loop3A_294 = arith.index_cast %parallel_loop3A_231 : i32 to index
          %parallel_loop3A_295 = arith.constant 32 : index
          %parallel_loop3A_296 = tpu.vector_load %arg14[%parallel_loop3A_293, %parallel_loop3A_294, %parallel_loop3A_295] {strides = array<i32>} : memref<2x80x128xf32, #tpu.memory_space<vmem>>, vector<1x1x16xf32>,
          %parallel_loop3A_297 = vector.shape_cast %parallel_loop3A_296 : vector<1x1x16xf32> to vector<16xf32>
          %parallel_loop3A_298 = arith.constant 0 : i32
          %parallel_loop3A_299 = arith.index_cast %parallel_loop3A_298 : i32 to index
          %parallel_loop3A_300 = arith.index_cast %parallel_loop3A_231 : i32 to index
          %parallel_loop3A_301 = arith.constant 96 : index
          %parallel_loop3A_302 = tpu.vector_load %arg14[%parallel_loop3A_299, %parallel_loop3A_300, %parallel_loop3A_301] {strides = array<i32>} : memref<2x80x128xf32, #tpu.memory_space<vmem>>, vector<1x1x16xf32>,
          %parallel_loop3A_303 = vector.shape_cast %parallel_loop3A_302 : vector<1x1x16xf32> to vector<16xf32>
          %parallel_loop3A_304 = arith.constant 0 : i32
          %parallel_loop3A_305 = arith.index_cast %parallel_loop3A_304 : i32 to index
          %parallel_loop3A_306 = arith.index_cast %parallel_loop3A_231 : i32 to index
          %parallel_loop3A_307 = arith.constant 32 : index
          %parallel_loop3A_308 = tpu.vector_load %arg13[%parallel_loop3A_305, %parallel_loop3A_306, %parallel_loop3A_307] {strides = array<i32>} : memref<2x80x64xf32, #tpu.memory_space<vmem>>, vector<1x1x16xf32>,
          %parallel_loop3A_309 = vector.shape_cast %parallel_loop3A_308 : vector<1x1x16xf32> to vector<16xf32>
          %parallel_loop3A_310 = arith.mulf %parallel_loop3A_297, %parallel_loop3A_309 : vector<16xf32>
          %parallel_loop3A_311 = arith.addf %parallel_loop3A_310, %parallel_loop3A_303 : vector<16xf32>
          %parallel_loop3A_312 = arith.constant 0.000000e+00 : f32
          %parallel_loop3A_313 = vector.broadcast %parallel_loop3A_312 : f32 to vector<16xf32>
          %parallel_loop3A_314 = arith.maximumf %parallel_loop3A_311, %parallel_loop3A_313 : vector<16xf32>
          %parallel_loop3A_315 = arith.constant 0 : i32
          %parallel_loop3A_316 = arith.index_cast %parallel_loop3A_315 : i32 to index
          %parallel_loop3A_317 = arith.index_cast %parallel_loop3A_231 : i32 to index
          %parallel_loop3A_318 = arith.constant 32 : index
          %parallel_loop3A_319 = tpu.vector_load %arg15[%parallel_loop3A_316, %parallel_loop3A_317, %parallel_loop3A_318] {strides = array<i32>} : memref<2x80x64xf32, #tpu.memory_space<vmem>>, vector<1x1x16xf32>,
          %parallel_loop3A_320 = vector.shape_cast %parallel_loop3A_319 : vector<1x1x16xf32> to vector<16xf32>
          %parallel_loop3A_321 = vector.shape_cast %parallel_loop3A_314 : vector<16xf32> to vector<1x1x16xf32>
          tpu.vector_store %arg15[%parallel_loop3A_316, %parallel_loop3A_317, %parallel_loop3A_318], %parallel_loop3A_321 {strides = array<i32>} : memref<2x80x64xf32, #tpu.memory_space<vmem>>, vector<1x1x16xf32>,
          %parallel_loop3A_322 = arith.constant 0 : i32
          %parallel_loop3A_323 = arith.index_cast %parallel_loop3A_322 : i32 to index
          %parallel_loop3A_324 = arith.index_cast %parallel_loop3A_231 : i32 to index
          %parallel_loop3A_325 = arith.constant 48 : index
          %parallel_loop3A_326 = tpu.vector_load %arg14[%parallel_loop3A_323, %parallel_loop3A_324, %parallel_loop3A_325] {strides = array<i32>} : memref<2x80x128xf32, #tpu.memory_space<vmem>>, vector<1x1x16xf32>,
          %parallel_loop3A_327 = vector.shape_cast %parallel_loop3A_326 : vector<1x1x16xf32> to vector<16xf32>
          %parallel_loop3A_328 = arith.constant 0 : i32
          %parallel_loop3A_329 = arith.index_cast %parallel_loop3A_328 : i32 to index
          %parallel_loop3A_330 = arith.index_cast %parallel_loop3A_231 : i32 to index
          %parallel_loop3A_331 = arith.constant 112 : index
          %parallel_loop3A_332 = tpu.vector_load %arg14[%parallel_loop3A_329, %parallel_loop3A_330, %parallel_loop3A_331] {strides = array<i32>} : memref<2x80x128xf32, #tpu.memory_space<vmem>>, vector<1x1x16xf32>,
          %parallel_loop3A_333 = vector.shape_cast %parallel_loop3A_332 : vector<1x1x16xf32> to vector<16xf32>
          %parallel_loop3A_334 = arith.constant 0 : i32
          %parallel_loop3A_335 = arith.index_cast %parallel_loop3A_334 : i32 to index
          %parallel_loop3A_336 = arith.index_cast %parallel_loop3A_231 : i32 to index
          %parallel_loop3A_337 = arith.constant 48 : index
          %parallel_loop3A_338 = tpu.vector_load %arg13[%parallel_loop3A_335, %parallel_loop3A_336, %parallel_loop3A_337] {strides = array<i32>} : memref<2x80x64xf32, #tpu.memory_space<vmem>>, vector<1x1x16xf32>,
          %parallel_loop3A_339 = vector.shape_cast %parallel_loop3A_338 : vector<1x1x16xf32> to vector<16xf32>
          %parallel_loop3A_340 = arith.mulf %parallel_loop3A_327, %parallel_loop3A_339 : vector<16xf32>
          %parallel_loop3A_341 = arith.addf %parallel_loop3A_340, %parallel_loop3A_333 : vector<16xf32>
          %parallel_loop3A_342 = arith.constant 0.000000e+00 : f32
          %parallel_loop3A_343 = vector.broadcast %parallel_loop3A_342 : f32 to vector<16xf32>
          %parallel_loop3A_344 = arith.maximumf %parallel_loop3A_341, %parallel_loop3A_343 : vector<16xf32>
          %parallel_loop3A_345 = arith.constant 0 : i32
          %parallel_loop3A_346 = arith.index_cast %parallel_loop3A_345 : i32 to index
          %parallel_loop3A_347 = arith.index_cast %parallel_loop3A_231 : i32 to index
          %parallel_loop3A_348 = arith.constant 48 : index
          %parallel_loop3A_349 = tpu.vector_load %arg15[%parallel_loop3A_346, %parallel_loop3A_347, %parallel_loop3A_348] {strides = array<i32>} : memref<2x80x64xf32, #tpu.memory_space<vmem>>, vector<1x1x16xf32>,
          %parallel_loop3A_350 = vector.shape_cast %parallel_loop3A_349 : vector<1x1x16xf32> to vector<16xf32>
          %parallel_loop3A_351 = vector.shape_cast %parallel_loop3A_344 : vector<16xf32> to vector<1x1x16xf32>
          tpu.vector_store %arg15[%parallel_loop3A_346, %parallel_loop3A_347, %parallel_loop3A_348], %parallel_loop3A_351 {strides = array<i32>} : memref<2x80x64xf32, #tpu.memory_space<vmem>>, vector<1x1x16xf32>,
        } {sc.loop_unroll_factor = 4 : i64, sc.parallel_access}
        %add3A_213 = arith.constant 2 : i32
        %add3A_214 = arith.addi %add3A_173, %add3A_213 : i32
        %lt3A_215 = arith.constant 125 : i32
        %lt3A_216 = arith.cmpi slt, %add3A_214, %lt3A_215 : i32
        %convert_element_type3A_217 = arith.extui %lt3A_216 : i1 to i32
        %cond3A_218 = arith.constant 0 : i32
        %cond3A_219 = arith.cmpi ne, %convert_element_type3A_217, %cond3A_218 : i32
        scf.if %cond3A_219 {
          %add3A_231 = arith.constant 2 : i32
          %add3A_232 = arith.addi %add3A_173, %add3A_231 : i32
          %dma_start3A_233 = arith.constant 0 : i32
          %dma_start3A_234 = arith.constant 0 : i32
          %dma_start3A_235 = arith.constant 0 : i32
          %dma_start3A_236 = tpu.memref_slice %arg13[%dma_start3A_233, %dma_start3A_234, %dma_start3A_235] : memref<2x80x64xf32, #tpu.memory_space<vmem>> -> memref<1x80x64xf32, #tpu.memory_space<vmem>>
          %dma_start3A_237 = tpu.memref_squeeze %dma_start3A_236 : memref<1x80x64xf32, #tpu.memory_space<vmem>> -> memref<80x64xf32, #tpu.memory_space<vmem>>
          %dma_start3A_238 = arith.constant 0 : i32
          %dma_start3A_239 = tpu.memref_slice %arg11[%add3A_232, %dma_start3A_238] : memref<125x80xi32, #tpu.memory_space<vmem>> -> memref<1x80xi32, #tpu.memory_space<vmem>>
          %dma_start3A_240 = tpu.memref_squeeze %dma_start3A_239 : memref<1x80xi32, #tpu.memory_space<vmem>> -> memref<80xi32, #tpu.memory_space<vmem>>
          %dma_start3A_241 = arith.constant 0 : i32
          %dma_start3A_242 = arith.constant 0 : i32
          %dma_start3A_243 = tpu.memref_slice %arg3[%dma_start3A_241, %dma_start3A_242] : memref<10000x64xf32, #tpu.memory_space<hbm>> -> memref<10000x64xf32, #tpu.memory_space<hbm>>
          tpu.enqueue_indirect_dma source(%dma_start3A_243 : memref<10000x64xf32, #tpu.memory_space<hbm>>) target(%dma_start3A_237 : memref<80x64xf32, #tpu.memory_space<vmem>>) offsets(%dma_start3A_240 : memref<80xi32, #tpu.memory_space<vmem>>) semaphore(%arg17 : memref<!tpu.dma_semaphore, #tpu.memory_space<semaphore_mem>>)
          %dma_start3A_244 = arith.constant 0 : i32
          %dma_start3A_245 = arith.constant 0 : i32
          %dma_start3A_246 = arith.constant 0 : i32
          %dma_start3A_247 = tpu.memref_slice %arg14[%dma_start3A_244, %dma_start3A_245, %dma_start3A_246] : memref<2x80x128xf32, #tpu.memory_space<vmem>> -> memref<1x80x128xf32, #tpu.memory_space<vmem>>
          %dma_start3A_248 = tpu.memref_squeeze %dma_start3A_247 : memref<1x80x128xf32, #tpu.memory_space<vmem>> -> memref<80x128xf32, #tpu.memory_space<vmem>>
          %dma_start3A_249 = arith.constant 0 : i32
          %dma_start3A_250 = tpu.memref_slice %arg12[%add3A_232, %dma_start3A_249] : memref<125x80xi32, #tpu.memory_space<vmem>> -> memref<1x80xi32, #tpu.memory_space<vmem>>
          %dma_start3A_251 = tpu.memref_squeeze %dma_start3A_250 : memref<1x80xi32, #tpu.memory_space<vmem>> -> memref<80xi32, #tpu.memory_space<vmem>>
          %dma_start3A_252 = arith.constant 0 : i32
          %dma_start3A_253 = arith.constant 0 : i32
          %dma_start3A_254 = tpu.memref_slice %arg5[%dma_start3A_252, %dma_start3A_253] : memref<10000x128xf32, #tpu.memory_space<hbm>> -> memref<10000x128xf32, #tpu.memory_space<hbm>>
          tpu.enqueue_indirect_dma source(%dma_start3A_254 : memref<10000x128xf32, #tpu.memory_space<hbm>>) target(%dma_start3A_248 : memref<80x128xf32, #tpu.memory_space<vmem>>) offsets(%dma_start3A_251 : memref<80xi32, #tpu.memory_space<vmem>>) semaphore(%arg19 : memref<!tpu.dma_semaphore, #tpu.memory_space<semaphore_mem>>)
        } else {
        }
        %dma_start3A_220 = arith.constant 0 : i32
        %dma_start3A_221 = arith.constant 0 : i32
        %dma_start3A_222 = arith.constant 0 : i32
        %dma_start3A_223 = tpu.memref_slice %arg15[%dma_start3A_220, %dma_start3A_221, %dma_start3A_222] : memref<2x80x64xf32, #tpu.memory_space<vmem>> -> memref<1x80x64xf32, #tpu.memory_space<vmem>>
        %dma_start3A_224 = tpu.memref_squeeze %dma_start3A_223 : memref<1x80x64xf32, #tpu.memory_space<vmem>> -> memref<80x64xf32, #tpu.memory_space<vmem>>
        %dma_start3A_225 = arith.constant 0 : i32
        %dma_start3A_226 = tpu.memref_slice %arg12[%add3A_173, %dma_start3A_225] : memref<125x80xi32, #tpu.memory_space<vmem>> -> memref<1x80xi32, #tpu.memory_space<vmem>>
        %dma_start3A_227 = tpu.memref_squeeze %dma_start3A_226 : memref<1x80xi32, #tpu.memory_space<vmem>> -> memref<80xi32, #tpu.memory_space<vmem>>
        %dma_start3A_228 = arith.constant 0 : i32
        %dma_start3A_229 = arith.constant 0 : i32
        %dma_start3A_230 = tpu.memref_slice %arg16[%dma_start3A_228, %dma_start3A_229] : memref<10240x64xf32, #tpu.memory_space<vmem_shared>> -> memref<10240x64xf32, #tpu.memory_space<vmem_shared>>
        tpu.enqueue_indirect_dma source(%dma_start3A_224 : memref<80x64xf32, #tpu.memory_space<vmem>>) target(%dma_start3A_230 : memref<10240x64xf32, #tpu.memory_space<vmem_shared>>) offsets(%dma_start3A_227 : memref<80xi32, #tpu.memory_space<vmem>>) semaphore(%arg21 : memref<!tpu.dma_semaphore, #tpu.memory_space<semaphore_mem>>) {add = true}
      } else {
      }
      %mul3A_176 = arith.constant 2 : i32
      %mul3A_177 = arith.muli %scan3A_169, %mul3A_176 : i32
      %add3A_178 = arith.constant 1 : i32
      %add3A_179 = arith.addi %mul3A_177, %add3A_178 : i32
      %lt3A_180 = arith.constant 125 : i32
      %lt3A_181 = arith.cmpi slt, %add3A_179, %lt3A_180 : i32
      %convert_element_type3A_182 = arith.extui %lt3A_181 : i1 to i32
      %cond3A_183 = arith.constant 0 : i32
      %cond3A_184 = arith.cmpi ne, %convert_element_type3A_182, %cond3A_183 : i32
      scf.if %cond3A_184 {
        %dma_wait3A_185 = arith.constant 1 : i32
        %dma_wait3A_186 = arith.constant 0 : i32
        %dma_wait3A_187 = arith.constant 0 : i32
        %dma_wait3A_188 = tpu.memref_slice %arg13[%dma_wait3A_185, %dma_wait3A_186, %dma_wait3A_187] : memref<2x80x64xf32, #tpu.memory_space<vmem>> -> memref<1x80x64xf32, #tpu.memory_space<vmem>>
        %dma_wait3A_189 = tpu.memref_squeeze %dma_wait3A_188 : memref<1x80x64xf32, #tpu.memory_space<vmem>> -> memref<80x64xf32, #tpu.memory_space<vmem>>
        %dma_wait3A_190 = arith.constant 0 : i32
        %dma_wait3A_191 = tpu.memref_slice %arg11[%add3A_179, %dma_wait3A_190] : memref<125x80xi32, #tpu.memory_space<vmem>> -> memref<1x80xi32, #tpu.memory_space<vmem>>
        %dma_wait3A_192 = tpu.memref_squeeze %dma_wait3A_191 : memref<1x80xi32, #tpu.memory_space<vmem>> -> memref<80xi32, #tpu.memory_space<vmem>>
        %dma_wait3A_193 = arith.constant 0 : i32
        %dma_wait3A_194 = arith.constant 0 : i32
        %dma_wait3A_195 = tpu.memref_slice %arg3[%dma_wait3A_193, %dma_wait3A_194] : memref<10000x64xf32, #tpu.memory_space<hbm>> -> memref<10000x64xf32, #tpu.memory_space<hbm>>
        tpu.wait_indirect_dma semaphore(%arg18 : memref<!tpu.dma_semaphore, #tpu.memory_space<semaphore_mem>>) src(%dma_wait3A_195 : memref<10000x64xf32, #tpu.memory_space<hbm>>) dst(%dma_wait3A_189 : memref<80x64xf32, #tpu.memory_space<vmem>>)
        %dma_wait3A_196 = arith.constant 1 : i32
        %dma_wait3A_197 = arith.constant 0 : i32
        %dma_wait3A_198 = arith.constant 0 : i32
        %dma_wait3A_199 = tpu.memref_slice %arg14[%dma_wait3A_196, %dma_wait3A_197, %dma_wait3A_198] : memref<2x80x128xf32, #tpu.memory_space<vmem>> -> memref<1x80x128xf32, #tpu.memory_space<vmem>>
        %dma_wait3A_200 = tpu.memref_squeeze %dma_wait3A_199 : memref<1x80x128xf32, #tpu.memory_space<vmem>> -> memref<80x128xf32, #tpu.memory_space<vmem>>
        %dma_wait3A_201 = arith.constant 0 : i32
        %dma_wait3A_202 = tpu.memref_slice %arg12[%add3A_179, %dma_wait3A_201] : memref<125x80xi32, #tpu.memory_space<vmem>> -> memref<1x80xi32, #tpu.memory_space<vmem>>
        %dma_wait3A_203 = tpu.memref_squeeze %dma_wait3A_202 : memref<1x80xi32, #tpu.memory_space<vmem>> -> memref<80xi32, #tpu.memory_space<vmem>>
        %dma_wait3A_204 = arith.constant 0 : i32
        %dma_wait3A_205 = arith.constant 0 : i32
        %dma_wait3A_206 = tpu.memref_slice %arg5[%dma_wait3A_204, %dma_wait3A_205] : memref<10000x128xf32, #tpu.memory_space<hbm>> -> memref<10000x128xf32, #tpu.memory_space<hbm>>
        tpu.wait_indirect_dma semaphore(%arg20 : memref<!tpu.dma_semaphore, #tpu.memory_space<semaphore_mem>>) src(%dma_wait3A_206 : memref<10000x128xf32, #tpu.memory_space<hbm>>) dst(%dma_wait3A_200 : memref<80x128xf32, #tpu.memory_space<vmem>>)
        %ge3A = arith.constant 2 : i32
        %ge3A_207 = arith.cmpi sge, %add3A_179, %ge3A : i32
        %convert_element_type3A_208 = arith.extui %ge3A_207 : i1 to i32
        %cond3A_209 = arith.constant 0 : i32
        %cond3A_210 = arith.cmpi ne, %convert_element_type3A_208, %cond3A_209 : i32
        scf.if %cond3A_210 {
          %sub3A = arith.constant 2 : i32
          %sub3A_231 = arith.subi %add3A_179, %sub3A : i32
          %dma_wait3A_232 = arith.constant 1 : i32
          %dma_wait3A_233 = arith.constant 0 : i32
          %dma_wait3A_234 = arith.constant 0 : i32
          %dma_wait3A_235 = tpu.memref_slice %arg15[%dma_wait3A_232, %dma_wait3A_233, %dma_wait3A_234] : memref<2x80x64xf32, #tpu.memory_space<vmem>> -> memref<1x80x64xf32, #tpu.memory_space<vmem>>
          %dma_wait3A_236 = tpu.memref_squeeze %dma_wait3A_235 : memref<1x80x64xf32, #tpu.memory_space<vmem>> -> memref<80x64xf32, #tpu.memory_space<vmem>>
          %dma_wait3A_237 = arith.constant 0 : i32
          %dma_wait3A_238 = tpu.memref_slice %arg12[%sub3A_231, %dma_wait3A_237] : memref<125x80xi32, #tpu.memory_space<vmem>> -> memref<1x80xi32, #tpu.memory_space<vmem>>
          %dma_wait3A_239 = tpu.memref_squeeze %dma_wait3A_238 : memref<1x80xi32, #tpu.memory_space<vmem>> -> memref<80xi32, #tpu.memory_space<vmem>>
          %dma_wait3A_240 = arith.constant 0 : i32
          %dma_wait3A_241 = arith.constant 0 : i32
          %dma_wait3A_242 = tpu.memref_slice %arg16[%dma_wait3A_240, %dma_wait3A_241] : memref<10240x64xf32, #tpu.memory_space<vmem_shared>> -> memref<10240x64xf32, #tpu.memory_space<vmem_shared>>
          tpu.wait_indirect_dma semaphore(%arg22 : memref<!tpu.dma_semaphore, #tpu.memory_space<semaphore_mem>>) src(%dma_wait3A_236 : memref<80x64xf32, #tpu.memory_space<vmem>>) dst(%dma_wait3A_242 : memref<10240x64xf32, #tpu.memory_space<vmem_shared>>)
        } else {
        }
        %parallel_loop3A = arith.constant 0 : i32
        %parallel_loop3A_211 = arith.constant 80 : i32
        %parallel_loop3A_212 = arith.constant 1 : i32
        scf.for %parallel_loop3A_231 = %parallel_loop3A to %parallel_loop3A_211 step %parallel_loop3A_212  : i32 {
          %parallel_loop3A_232 = arith.constant 1 : i32
          %parallel_loop3A_233 = arith.index_cast %parallel_loop3A_232 : i32 to index
          %parallel_loop3A_234 = arith.index_cast %parallel_loop3A_231 : i32 to index
          %parallel_loop3A_235 = arith.constant 0 : index
          %parallel_loop3A_236 = tpu.vector_load %arg14[%parallel_loop3A_233, %parallel_loop3A_234, %parallel_loop3A_235] {strides = array<i32>} : memref<2x80x128xf32, #tpu.memory_space<vmem>>, vector<1x1x16xf32>,
          %parallel_loop3A_237 = vector.shape_cast %parallel_loop3A_236 : vector<1x1x16xf32> to vector<16xf32>
          %parallel_loop3A_238 = arith.constant 1 : i32
          %parallel_loop3A_239 = arith.index_cast %parallel_loop3A_238 : i32 to index
          %parallel_loop3A_240 = arith.index_cast %parallel_loop3A_231 : i32 to index
          %parallel_loop3A_241 = arith.constant 64 : index
          %parallel_loop3A_242 = tpu.vector_load %arg14[%parallel_loop3A_239, %parallel_loop3A_240, %parallel_loop3A_241] {strides = array<i32>} : memref<2x80x128xf32, #tpu.memory_space<vmem>>, vector<1x1x16xf32>,
          %parallel_loop3A_243 = vector.shape_cast %parallel_loop3A_242 : vector<1x1x16xf32> to vector<16xf32>
          %parallel_loop3A_244 = arith.constant 1 : i32
          %parallel_loop3A_245 = arith.index_cast %parallel_loop3A_244 : i32 to index
          %parallel_loop3A_246 = arith.index_cast %parallel_loop3A_231 : i32 to index
          %parallel_loop3A_247 = arith.constant 0 : index
          %parallel_loop3A_248 = tpu.vector_load %arg13[%parallel_loop3A_245, %parallel_loop3A_246, %parallel_loop3A_247] {strides = array<i32>} : memref<2x80x64xf32, #tpu.memory_space<vmem>>, vector<1x1x16xf32>,
          %parallel_loop3A_249 = vector.shape_cast %parallel_loop3A_248 : vector<1x1x16xf32> to vector<16xf32>
          %parallel_loop3A_250 = arith.mulf %parallel_loop3A_237, %parallel_loop3A_249 : vector<16xf32>
          %parallel_loop3A_251 = arith.addf %parallel_loop3A_250, %parallel_loop3A_243 : vector<16xf32>
          %parallel_loop3A_252 = arith.constant 0.000000e+00 : f32
          %parallel_loop3A_253 = vector.broadcast %parallel_loop3A_252 : f32 to vector<16xf32>
          %parallel_loop3A_254 = arith.maximumf %parallel_loop3A_251, %parallel_loop3A_253 : vector<16xf32>
          %parallel_loop3A_255 = arith.constant 1 : i32
          %parallel_loop3A_256 = arith.index_cast %parallel_loop3A_255 : i32 to index
          %parallel_loop3A_257 = arith.index_cast %parallel_loop3A_231 : i32 to index
          %parallel_loop3A_258 = arith.constant 0 : index
          %parallel_loop3A_259 = tpu.vector_load %arg15[%parallel_loop3A_256, %parallel_loop3A_257, %parallel_loop3A_258] {strides = array<i32>} : memref<2x80x64xf32, #tpu.memory_space<vmem>>, vector<1x1x16xf32>,
          %parallel_loop3A_260 = vector.shape_cast %parallel_loop3A_259 : vector<1x1x16xf32> to vector<16xf32>
          %parallel_loop3A_261 = vector.shape_cast %parallel_loop3A_254 : vector<16xf32> to vector<1x1x16xf32>
          tpu.vector_store %arg15[%parallel_loop3A_256, %parallel_loop3A_257, %parallel_loop3A_258], %parallel_loop3A_261 {strides = array<i32>} : memref<2x80x64xf32, #tpu.memory_space<vmem>>, vector<1x1x16xf32>,
          %parallel_loop3A_262 = arith.constant 1 : i32
          %parallel_loop3A_263 = arith.index_cast %parallel_loop3A_262 : i32 to index
          %parallel_loop3A_264 = arith.index_cast %parallel_loop3A_231 : i32 to index
          %parallel_loop3A_265 = arith.constant 16 : index
          %parallel_loop3A_266 = tpu.vector_load %arg14[%parallel_loop3A_263, %parallel_loop3A_264, %parallel_loop3A_265] {strides = array<i32>} : memref<2x80x128xf32, #tpu.memory_space<vmem>>, vector<1x1x16xf32>,
          %parallel_loop3A_267 = vector.shape_cast %parallel_loop3A_266 : vector<1x1x16xf32> to vector<16xf32>
          %parallel_loop3A_268 = arith.constant 1 : i32
          %parallel_loop3A_269 = arith.index_cast %parallel_loop3A_268 : i32 to index
          %parallel_loop3A_270 = arith.index_cast %parallel_loop3A_231 : i32 to index
          %parallel_loop3A_271 = arith.constant 80 : index
          %parallel_loop3A_272 = tpu.vector_load %arg14[%parallel_loop3A_269, %parallel_loop3A_270, %parallel_loop3A_271] {strides = array<i32>} : memref<2x80x128xf32, #tpu.memory_space<vmem>>, vector<1x1x16xf32>,
          %parallel_loop3A_273 = vector.shape_cast %parallel_loop3A_272 : vector<1x1x16xf32> to vector<16xf32>
          %parallel_loop3A_274 = arith.constant 1 : i32
          %parallel_loop3A_275 = arith.index_cast %parallel_loop3A_274 : i32 to index
          %parallel_loop3A_276 = arith.index_cast %parallel_loop3A_231 : i32 to index
          %parallel_loop3A_277 = arith.constant 16 : index
          %parallel_loop3A_278 = tpu.vector_load %arg13[%parallel_loop3A_275, %parallel_loop3A_276, %parallel_loop3A_277] {strides = array<i32>} : memref<2x80x64xf32, #tpu.memory_space<vmem>>, vector<1x1x16xf32>,
          %parallel_loop3A_279 = vector.shape_cast %parallel_loop3A_278 : vector<1x1x16xf32> to vector<16xf32>
          %parallel_loop3A_280 = arith.mulf %parallel_loop3A_267, %parallel_loop3A_279 : vector<16xf32>
          %parallel_loop3A_281 = arith.addf %parallel_loop3A_280, %parallel_loop3A_273 : vector<16xf32>
          %parallel_loop3A_282 = arith.constant 0.000000e+00 : f32
          %parallel_loop3A_283 = vector.broadcast %parallel_loop3A_282 : f32 to vector<16xf32>
          %parallel_loop3A_284 = arith.maximumf %parallel_loop3A_281, %parallel_loop3A_283 : vector<16xf32>
          %parallel_loop3A_285 = arith.constant 1 : i32
          %parallel_loop3A_286 = arith.index_cast %parallel_loop3A_285 : i32 to index
          %parallel_loop3A_287 = arith.index_cast %parallel_loop3A_231 : i32 to index
          %parallel_loop3A_288 = arith.constant 16 : index
          %parallel_loop3A_289 = tpu.vector_load %arg15[%parallel_loop3A_286, %parallel_loop3A_287, %parallel_loop3A_288] {strides = array<i32>} : memref<2x80x64xf32, #tpu.memory_space<vmem>>, vector<1x1x16xf32>,
          %parallel_loop3A_290 = vector.shape_cast %parallel_loop3A_289 : vector<1x1x16xf32> to vector<16xf32>
          %parallel_loop3A_291 = vector.shape_cast %parallel_loop3A_284 : vector<16xf32> to vector<1x1x16xf32>
          tpu.vector_store %arg15[%parallel_loop3A_286, %parallel_loop3A_287, %parallel_loop3A_288], %parallel_loop3A_291 {strides = array<i32>} : memref<2x80x64xf32, #tpu.memory_space<vmem>>, vector<1x1x16xf32>,
          %parallel_loop3A_292 = arith.constant 1 : i32
          %parallel_loop3A_293 = arith.index_cast %parallel_loop3A_292 : i32 to index
          %parallel_loop3A_294 = arith.index_cast %parallel_loop3A_231 : i32 to index
          %parallel_loop3A_295 = arith.constant 32 : index
          %parallel_loop3A_296 = tpu.vector_load %arg14[%parallel_loop3A_293, %parallel_loop3A_294, %parallel_loop3A_295] {strides = array<i32>} : memref<2x80x128xf32, #tpu.memory_space<vmem>>, vector<1x1x16xf32>,
          %parallel_loop3A_297 = vector.shape_cast %parallel_loop3A_296 : vector<1x1x16xf32> to vector<16xf32>
          %parallel_loop3A_298 = arith.constant 1 : i32
          %parallel_loop3A_299 = arith.index_cast %parallel_loop3A_298 : i32 to index
          %parallel_loop3A_300 = arith.index_cast %parallel_loop3A_231 : i32 to index
          %parallel_loop3A_301 = arith.constant 96 : index
          %parallel_loop3A_302 = tpu.vector_load %arg14[%parallel_loop3A_299, %parallel_loop3A_300, %parallel_loop3A_301] {strides = array<i32>} : memref<2x80x128xf32, #tpu.memory_space<vmem>>, vector<1x1x16xf32>,
          %parallel_loop3A_303 = vector.shape_cast %parallel_loop3A_302 : vector<1x1x16xf32> to vector<16xf32>
          %parallel_loop3A_304 = arith.constant 1 : i32
          %parallel_loop3A_305 = arith.index_cast %parallel_loop3A_304 : i32 to index
          %parallel_loop3A_306 = arith.index_cast %parallel_loop3A_231 : i32 to index
          %parallel_loop3A_307 = arith.constant 32 : index
          %parallel_loop3A_308 = tpu.vector_load %arg13[%parallel_loop3A_305, %parallel_loop3A_306, %parallel_loop3A_307] {strides = array<i32>} : memref<2x80x64xf32, #tpu.memory_space<vmem>>, vector<1x1x16xf32>,
          %parallel_loop3A_309 = vector.shape_cast %parallel_loop3A_308 : vector<1x1x16xf32> to vector<16xf32>
          %parallel_loop3A_310 = arith.mulf %parallel_loop3A_297, %parallel_loop3A_309 : vector<16xf32>
          %parallel_loop3A_311 = arith.addf %parallel_loop3A_310, %parallel_loop3A_303 : vector<16xf32>
          %parallel_loop3A_312 = arith.constant 0.000000e+00 : f32
          %parallel_loop3A_313 = vector.broadcast %parallel_loop3A_312 : f32 to vector<16xf32>
          %parallel_loop3A_314 = arith.maximumf %parallel_loop3A_311, %parallel_loop3A_313 : vector<16xf32>
          %parallel_loop3A_315 = arith.constant 1 : i32
          %parallel_loop3A_316 = arith.index_cast %parallel_loop3A_315 : i32 to index
          %parallel_loop3A_317 = arith.index_cast %parallel_loop3A_231 : i32 to index
          %parallel_loop3A_318 = arith.constant 32 : index
          %parallel_loop3A_319 = tpu.vector_load %arg15[%parallel_loop3A_316, %parallel_loop3A_317, %parallel_loop3A_318] {strides = array<i32>} : memref<2x80x64xf32, #tpu.memory_space<vmem>>, vector<1x1x16xf32>,
          %parallel_loop3A_320 = vector.shape_cast %parallel_loop3A_319 : vector<1x1x16xf32> to vector<16xf32>
          %parallel_loop3A_321 = vector.shape_cast %parallel_loop3A_314 : vector<16xf32> to vector<1x1x16xf32>
          tpu.vector_store %arg15[%parallel_loop3A_316, %parallel_loop3A_317, %parallel_loop3A_318], %parallel_loop3A_321 {strides = array<i32>} : memref<2x80x64xf32, #tpu.memory_space<vmem>>, vector<1x1x16xf32>,
          %parallel_loop3A_322 = arith.constant 1 : i32
          %parallel_loop3A_323 = arith.index_cast %parallel_loop3A_322 : i32 to index
          %parallel_loop3A_324 = arith.index_cast %parallel_loop3A_231 : i32 to index
          %parallel_loop3A_325 = arith.constant 48 : index
          %parallel_loop3A_326 = tpu.vector_load %arg14[%parallel_loop3A_323, %parallel_loop3A_324, %parallel_loop3A_325] {strides = array<i32>} : memref<2x80x128xf32, #tpu.memory_space<vmem>>, vector<1x1x16xf32>,
          %parallel_loop3A_327 = vector.shape_cast %parallel_loop3A_326 : vector<1x1x16xf32> to vector<16xf32>
          %parallel_loop3A_328 = arith.constant 1 : i32
          %parallel_loop3A_329 = arith.index_cast %parallel_loop3A_328 : i32 to index
          %parallel_loop3A_330 = arith.index_cast %parallel_loop3A_231 : i32 to index
          %parallel_loop3A_331 = arith.constant 112 : index
          %parallel_loop3A_332 = tpu.vector_load %arg14[%parallel_loop3A_329, %parallel_loop3A_330, %parallel_loop3A_331] {strides = array<i32>} : memref<2x80x128xf32, #tpu.memory_space<vmem>>, vector<1x1x16xf32>,
          %parallel_loop3A_333 = vector.shape_cast %parallel_loop3A_332 : vector<1x1x16xf32> to vector<16xf32>
          %parallel_loop3A_334 = arith.constant 1 : i32
          %parallel_loop3A_335 = arith.index_cast %parallel_loop3A_334 : i32 to index
          %parallel_loop3A_336 = arith.index_cast %parallel_loop3A_231 : i32 to index
          %parallel_loop3A_337 = arith.constant 48 : index
          %parallel_loop3A_338 = tpu.vector_load %arg13[%parallel_loop3A_335, %parallel_loop3A_336, %parallel_loop3A_337] {strides = array<i32>} : memref<2x80x64xf32, #tpu.memory_space<vmem>>, vector<1x1x16xf32>,
          %parallel_loop3A_339 = vector.shape_cast %parallel_loop3A_338 : vector<1x1x16xf32> to vector<16xf32>
          %parallel_loop3A_340 = arith.mulf %parallel_loop3A_327, %parallel_loop3A_339 : vector<16xf32>
          %parallel_loop3A_341 = arith.addf %parallel_loop3A_340, %parallel_loop3A_333 : vector<16xf32>
          %parallel_loop3A_342 = arith.constant 0.000000e+00 : f32
          %parallel_loop3A_343 = vector.broadcast %parallel_loop3A_342 : f32 to vector<16xf32>
          %parallel_loop3A_344 = arith.maximumf %parallel_loop3A_341, %parallel_loop3A_343 : vector<16xf32>
          %parallel_loop3A_345 = arith.constant 1 : i32
          %parallel_loop3A_346 = arith.index_cast %parallel_loop3A_345 : i32 to index
          %parallel_loop3A_347 = arith.index_cast %parallel_loop3A_231 : i32 to index
          %parallel_loop3A_348 = arith.constant 48 : index
          %parallel_loop3A_349 = tpu.vector_load %arg15[%parallel_loop3A_346, %parallel_loop3A_347, %parallel_loop3A_348] {strides = array<i32>} : memref<2x80x64xf32, #tpu.memory_space<vmem>>, vector<1x1x16xf32>,
          %parallel_loop3A_350 = vector.shape_cast %parallel_loop3A_349 : vector<1x1x16xf32> to vector<16xf32>
          %parallel_loop3A_351 = vector.shape_cast %parallel_loop3A_344 : vector<16xf32> to vector<1x1x16xf32>
          tpu.vector_store %arg15[%parallel_loop3A_346, %parallel_loop3A_347, %parallel_loop3A_348], %parallel_loop3A_351 {strides = array<i32>} : memref<2x80x64xf32, #tpu.memory_space<vmem>>, vector<1x1x16xf32>,
        } {sc.loop_unroll_factor = 4 : i64, sc.parallel_access}
        %add3A_213 = arith.constant 2 : i32
        %add3A_214 = arith.addi %add3A_179, %add3A_213 : i32
        %lt3A_215 = arith.constant 125 : i32
        %lt3A_216 = arith.cmpi slt, %add3A_214, %lt3A_215 : i32
        %convert_element_type3A_217 = arith.extui %lt3A_216 : i1 to i32
        %cond3A_218 = arith.constant 0 : i32
        %cond3A_219 = arith.cmpi ne, %convert_element_type3A_217, %cond3A_218 : i32
        scf.if %cond3A_219 {
          %add3A_231 = arith.constant 2 : i32
          %add3A_232 = arith.addi %add3A_179, %add3A_231 : i32
          %dma_start3A_233 = arith.constant 1 : i32
          %dma_start3A_234 = arith.constant 0 : i32
          %dma_start3A_235 = arith.constant 0 : i32
          %dma_start3A_236 = tpu.memref_slice %arg13[%dma_start3A_233, %dma_start3A_234, %dma_start3A_235] : memref<2x80x64xf32, #tpu.memory_space<vmem>> -> memref<1x80x64xf32, #tpu.memory_space<vmem>>
          %dma_start3A_237 = tpu.memref_squeeze %dma_start3A_236 : memref<1x80x64xf32, #tpu.memory_space<vmem>> -> memref<80x64xf32, #tpu.memory_space<vmem>>
          %dma_start3A_238 = arith.constant 0 : i32
          %dma_start3A_239 = tpu.memref_slice %arg11[%add3A_232, %dma_start3A_238] : memref<125x80xi32, #tpu.memory_space<vmem>> -> memref<1x80xi32, #tpu.memory_space<vmem>>
          %dma_start3A_240 = tpu.memref_squeeze %dma_start3A_239 : memref<1x80xi32, #tpu.memory_space<vmem>> -> memref<80xi32, #tpu.memory_space<vmem>>
          %dma_start3A_241 = arith.constant 0 : i32
          %dma_start3A_242 = arith.constant 0 : i32
          %dma_start3A_243 = tpu.memref_slice %arg3[%dma_start3A_241, %dma_start3A_242] : memref<10000x64xf32, #tpu.memory_space<hbm>> -> memref<10000x64xf32, #tpu.memory_space<hbm>>
          tpu.enqueue_indirect_dma source(%dma_start3A_243 : memref<10000x64xf32, #tpu.memory_space<hbm>>) target(%dma_start3A_237 : memref<80x64xf32, #tpu.memory_space<vmem>>) offsets(%dma_start3A_240 : memref<80xi32, #tpu.memory_space<vmem>>) semaphore(%arg18 : memref<!tpu.dma_semaphore, #tpu.memory_space<semaphore_mem>>)
          %dma_start3A_244 = arith.constant 1 : i32
          %dma_start3A_245 = arith.constant 0 : i32
          %dma_start3A_246 = arith.constant 0 : i32
          %dma_start3A_247 = tpu.memref_slice %arg14[%dma_start3A_244, %dma_start3A_245, %dma_start3A_246] : memref<2x80x128xf32, #tpu.memory_space<vmem>> -> memref<1x80x128xf32, #tpu.memory_space<vmem>>
          %dma_start3A_248 = tpu.memref_squeeze %dma_start3A_247 : memref<1x80x128xf32, #tpu.memory_space<vmem>> -> memref<80x128xf32, #tpu.memory_space<vmem>>
          %dma_start3A_249 = arith.constant 0 : i32
          %dma_start3A_250 = tpu.memref_slice %arg12[%add3A_232, %dma_start3A_249] : memref<125x80xi32, #tpu.memory_space<vmem>> -> memref<1x80xi32, #tpu.memory_space<vmem>>
          %dma_start3A_251 = tpu.memref_squeeze %dma_start3A_250 : memref<1x80xi32, #tpu.memory_space<vmem>> -> memref<80xi32, #tpu.memory_space<vmem>>
          %dma_start3A_252 = arith.constant 0 : i32
          %dma_start3A_253 = arith.constant 0 : i32
          %dma_start3A_254 = tpu.memref_slice %arg5[%dma_start3A_252, %dma_start3A_253] : memref<10000x128xf32, #tpu.memory_space<hbm>> -> memref<10000x128xf32, #tpu.memory_space<hbm>>
          tpu.enqueue_indirect_dma source(%dma_start3A_254 : memref<10000x128xf32, #tpu.memory_space<hbm>>) target(%dma_start3A_248 : memref<80x128xf32, #tpu.memory_space<vmem>>) offsets(%dma_start3A_251 : memref<80xi32, #tpu.memory_space<vmem>>) semaphore(%arg20 : memref<!tpu.dma_semaphore, #tpu.memory_space<semaphore_mem>>)
        } else {
        }
        %dma_start3A_220 = arith.constant 1 : i32
        %dma_start3A_221 = arith.constant 0 : i32
        %dma_start3A_222 = arith.constant 0 : i32
        %dma_start3A_223 = tpu.memref_slice %arg15[%dma_start3A_220, %dma_start3A_221, %dma_start3A_222] : memref<2x80x64xf32, #tpu.memory_space<vmem>> -> memref<1x80x64xf32, #tpu.memory_space<vmem>>
        %dma_start3A_224 = tpu.memref_squeeze %dma_start3A_223 : memref<1x80x64xf32, #tpu.memory_space<vmem>> -> memref<80x64xf32, #tpu.memory_space<vmem>>
        %dma_start3A_225 = arith.constant 0 : i32
        %dma_start3A_226 = tpu.memref_slice %arg12[%add3A_179, %dma_start3A_225] : memref<125x80xi32, #tpu.memory_space<vmem>> -> memref<1x80xi32, #tpu.memory_space<vmem>>
        %dma_start3A_227 = tpu.memref_squeeze %dma_start3A_226 : memref<1x80xi32, #tpu.memory_space<vmem>> -> memref<80xi32, #tpu.memory_space<vmem>>
        %dma_start3A_228 = arith.constant 0 : i32
        %dma_start3A_229 = arith.constant 0 : i32
        %dma_start3A_230 = tpu.memref_slice %arg16[%dma_start3A_228, %dma_start3A_229] : memref<10240x64xf32, #tpu.memory_space<vmem_shared>> -> memref<10240x64xf32, #tpu.memory_space<vmem_shared>>
        tpu.enqueue_indirect_dma source(%dma_start3A_224 : memref<80x64xf32, #tpu.memory_space<vmem>>) target(%dma_start3A_230 : memref<10240x64xf32, #tpu.memory_space<vmem_shared>>) offsets(%dma_start3A_227 : memref<80xi32, #tpu.memory_space<vmem>>) semaphore(%arg22 : memref<!tpu.dma_semaphore, #tpu.memory_space<semaphore_mem>>) {add = true}
      } else {
      }
    }
    %scan3A_139 = arith.constant 63 : i32
    %dma_wait3A_140 = arith.constant 0 : i32
    %dma_wait3A_141 = arith.constant 124 : i32
    %dma_wait3A_142 = arith.constant 0 : i32
    %dma_wait3A_143 = arith.constant 0 : i32
    %dma_wait3A_144 = tpu.memref_slice %arg15[%dma_wait3A_140, %dma_wait3A_142, %dma_wait3A_143] : memref<2x80x64xf32, #tpu.memory_space<vmem>> -> memref<1x80x64xf32, #tpu.memory_space<vmem>>
    %dma_wait3A_145 = tpu.memref_squeeze %dma_wait3A_144 : memref<1x80x64xf32, #tpu.memory_space<vmem>> -> memref<80x64xf32, #tpu.memory_space<vmem>>
    %dma_wait3A_146 = arith.constant 0 : i32
    %dma_wait3A_147 = tpu.memref_slice %arg12[%dma_wait3A_141, %dma_wait3A_146] : memref<125x80xi32, #tpu.memory_space<vmem>> -> memref<1x80xi32, #tpu.memory_space<vmem>>
    %dma_wait3A_148 = tpu.memref_squeeze %dma_wait3A_147 : memref<1x80xi32, #tpu.memory_space<vmem>> -> memref<80xi32, #tpu.memory_space<vmem>>
    %dma_wait3A_149 = arith.constant 0 : i32
    %dma_wait3A_150 = arith.constant 0 : i32
    %dma_wait3A_151 = tpu.memref_slice %arg16[%dma_wait3A_149, %dma_wait3A_150] : memref<10240x64xf32, #tpu.memory_space<vmem_shared>> -> memref<10240x64xf32, #tpu.memory_space<vmem_shared>>
    tpu.wait_indirect_dma semaphore(%arg21 : memref<!tpu.dma_semaphore, #tpu.memory_space<semaphore_mem>>) src(%dma_wait3A_145 : memref<80x64xf32, #tpu.memory_space<vmem>>) dst(%dma_wait3A_151 : memref<10240x64xf32, #tpu.memory_space<vmem_shared>>)
    %dma_wait3A_152 = arith.constant 1 : i32
    %dma_wait3A_153 = arith.constant 123 : i32
    %dma_wait3A_154 = arith.constant 0 : i32
    %dma_wait3A_155 = arith.constant 0 : i32
    %dma_wait3A_156 = tpu.memref_slice %arg15[%dma_wait3A_152, %dma_wait3A_154, %dma_wait3A_155] : memref<2x80x64xf32, #tpu.memory_space<vmem>> -> memref<1x80x64xf32, #tpu.memory_space<vmem>>
    %dma_wait3A_157 = tpu.memref_squeeze %dma_wait3A_156 : memref<1x80x64xf32, #tpu.memory_space<vmem>> -> memref<80x64xf32, #tpu.memory_space<vmem>>
    %dma_wait3A_158 = arith.constant 0 : i32
    %dma_wait3A_159 = tpu.memref_slice %arg12[%dma_wait3A_153, %dma_wait3A_158] : memref<125x80xi32, #tpu.memory_space<vmem>> -> memref<1x80xi32, #tpu.memory_space<vmem>>
    %dma_wait3A_160 = tpu.memref_squeeze %dma_wait3A_159 : memref<1x80xi32, #tpu.memory_space<vmem>> -> memref<80xi32, #tpu.memory_space<vmem>>
    %dma_wait3A_161 = arith.constant 0 : i32
    %dma_wait3A_162 = arith.constant 0 : i32
    %dma_wait3A_163 = tpu.memref_slice %arg16[%dma_wait3A_161, %dma_wait3A_162] : memref<10240x64xf32, #tpu.memory_space<vmem_shared>> -> memref<10240x64xf32, #tpu.memory_space<vmem_shared>>
    tpu.wait_indirect_dma semaphore(%arg22 : memref<!tpu.dma_semaphore, #tpu.memory_space<semaphore_mem>>) src(%dma_wait3A_157 : memref<80x64xf32, #tpu.memory_space<vmem>>) dst(%dma_wait3A_163 : memref<10240x64xf32, #tpu.memory_space<vmem_shared>>)
    %barrier3A_164 = arith.constant 0 : index
    tpu.barrier barrier_id(%barrier3A_164)
    %mul3A_165 = arith.constant 640 : i32
    %mul3A_166 = arith.muli %arg1, %mul3A_165 : i32
    %mul3A_167 = arith.constant 640 : i32
    %mul3A_168 = arith.muli %arg1, %mul3A_167 : i32
    "tpu.region"() ({
      %run_scoped3A = tpu.sem_alloc : memref<!tpu.dma_semaphore, #tpu.memory_space<semaphore_mem>>
      %dma_start3A_169 = arith.constant 0 : i32
      %dma_start3A_170 = tpu.memref_slice %arg10[%arg0, %mul3A_168, %dma_start3A_169] : memref<2x10240x64xf32, #tpu.memory_space<hbm>> -> memref<1x640x64xf32, #tpu.memory_space<hbm>>
      %dma_start3A_171 = tpu.memref_squeeze %dma_start3A_170 : memref<1x640x64xf32, #tpu.memory_space<hbm>> -> memref<640x64xf32, #tpu.memory_space<hbm>>
      %dma_start3A_172 = arith.constant 0 : i32
      %dma_start3A_173 = tpu.memref_slice %arg16[%mul3A_166, %dma_start3A_172] : memref<10240x64xf32, #tpu.memory_space<vmem_shared>> -> memref<640x64xf32, #tpu.memory_space<vmem_shared>>
      tpu.enqueue_dma source(%dma_start3A_173 : memref<640x64xf32, #tpu.memory_space<vmem_shared>>) target(%dma_start3A_171 : memref<640x64xf32, #tpu.memory_space<hbm>>) target_semaphore(%run_scoped3A : memref<!tpu.dma_semaphore, #tpu.memory_space<semaphore_mem>>)
      %dma_wait3A_174 = arith.constant 0 : i32
      %dma_wait3A_175 = tpu.memref_slice %arg10[%arg0, %mul3A_168, %dma_wait3A_174] : memref<2x10240x64xf32, #tpu.memory_space<hbm>> -> memref<1x640x64xf32, #tpu.memory_space<hbm>>
      %dma_wait3A_176 = tpu.memref_squeeze %dma_wait3A_175 : memref<1x640x64xf32, #tpu.memory_space<hbm>> -> memref<640x64xf32, #tpu.memory_space<hbm>>
      %dma_wait3A_177 = arith.constant 0 : i32
      %dma_wait3A_178 = tpu.memref_slice %arg16[%mul3A_166, %dma_wait3A_177] : memref<10240x64xf32, #tpu.memory_space<vmem_shared>> -> memref<640x64xf32, #tpu.memory_space<vmem_shared>>
      tpu.wait_dma2 semaphore(%run_scoped3A : memref<!tpu.dma_semaphore, #tpu.memory_space<semaphore_mem>>) src(%dma_wait3A_178 : memref<640x64xf32, #tpu.memory_space<vmem_shared>>) dst(%dma_wait3A_176 : memref<640x64xf32, #tpu.memory_space<hbm>>)
      tpu.yield
    }) : () -> ()
    return
  }
}

#map = affine_map<(d0, d1) -> (0, 0)>
#map1 = affine_map<(d0, d1) -> (0, 0, 0)>
module attributes {stable_mosaic.version = 14 : i64} {
  func.func @k(%arg0: i32, %arg1: i32, %arg2: memref<10000x128xf32, #tpu.memory_space<hbm>>, %arg3: memref<32x125x80xi32, #tpu.memory_space<hbm>>, %arg4: memref<32x125x80xi32, #tpu.memory_space<hbm>>, %arg5: memref<640x128xf32, #tpu.memory_space<hbm>>, %arg6: memref<2x10240x128xf32, #tpu.memory_space<hbm>>, %arg7: memref<125x80xi32, #tpu.memory_space<vmem>>, %arg8: memref<125x80xi32, #tpu.memory_space<vmem>>, %arg9: memref<2x80x128xf32, #tpu.memory_space<vmem>>, %arg10: memref<10240x128xf32, #tpu.memory_space<vmem_shared>>, %arg11: memref<!tpu.dma_semaphore, #tpu.memory_space<semaphore_mem>>, %arg12: memref<!tpu.dma_semaphore, #tpu.memory_space<semaphore_mem>>, %arg13: memref<!tpu.dma_semaphore, #tpu.memory_space<semaphore_mem>>, %arg14: memref<!tpu.dma_semaphore, #tpu.memory_space<semaphore_mem>>) attributes {dimension_semantics = [#tpu.dimension_semantics<core_parallel>, #tpu.dimension_semantics<subcore_parallel>], iteration_bounds = array<i64: 2, 16>, scalar_prefetch = 0 : i64, scratch_operands = 8 : i64, tpu.core_type = #tpu.core_type<sc_vector_subcore>, window_params = [{transform_indices = #map}, {transform_indices = #map1}, {transform_indices = #map1}, {transform_indices = #map}, {transform_indices = #map1}]} {
    %mul3A = arith.constant 16 : i32
    %mul3A_0 = arith.muli %arg0, %mul3A : i32
    %add3A = arith.addi %mul3A_0, %arg1 : i32
    %mul3A_1 = arith.constant 640 : i32
    %mul3A_2 = arith.muli %arg1, %mul3A_1 : i32
    "tpu.region"() ({
      %run_scoped3A = tpu.sem_alloc : memref<!tpu.dma_semaphore, #tpu.memory_space<semaphore_mem>>
      %dma_start3A_47 = arith.constant 0 : i32
      %dma_start3A_48 = tpu.memref_slice %arg10[%mul3A_2, %dma_start3A_47] : memref<10240x128xf32, #tpu.memory_space<vmem_shared>> -> memref<640x128xf32, #tpu.memory_space<vmem_shared>>
      tpu.enqueue_dma source(%arg5 : memref<640x128xf32, #tpu.memory_space<hbm>>) target(%dma_start3A_48 : memref<640x128xf32, #tpu.memory_space<vmem_shared>>) target_semaphore(%run_scoped3A : memref<!tpu.dma_semaphore, #tpu.memory_space<semaphore_mem>>)
      %dma_wait3A_49 = arith.constant 0 : i32
      %dma_wait3A_50 = tpu.memref_slice %arg10[%mul3A_2, %dma_wait3A_49] : memref<10240x128xf32, #tpu.memory_space<vmem_shared>> -> memref<640x128xf32, #tpu.memory_space<vmem_shared>>
      tpu.wait_dma2 semaphore(%run_scoped3A : memref<!tpu.dma_semaphore, #tpu.memory_space<semaphore_mem>>) src(%arg5 : memref<640x128xf32, #tpu.memory_space<hbm>>) dst(%dma_wait3A_50 : memref<640x128xf32, #tpu.memory_space<vmem_shared>>)
      tpu.yield
    }) : () -> ()
    "tpu.region"() ({
      %run_scoped3A = tpu.sem_alloc : memref<!tpu.dma_semaphore, #tpu.memory_space<semaphore_mem>>
      %dma_start3A_47 = arith.constant 0 : i32
      %dma_start3A_48 = arith.constant 0 : i32
      %dma_start3A_49 = tpu.memref_slice %arg3[%add3A, %dma_start3A_47, %dma_start3A_48] : memref<32x125x80xi32, #tpu.memory_space<hbm>> -> memref<1x125x80xi32, #tpu.memory_space<hbm>>
      %dma_start3A_50 = tpu.memref_squeeze %dma_start3A_49 : memref<1x125x80xi32, #tpu.memory_space<hbm>> -> memref<125x80xi32, #tpu.memory_space<hbm>>
      %dma_start3A_51 = arith.constant 0 : i32
      %dma_start3A_52 = arith.constant 0 : i32
      %dma_start3A_53 = tpu.memref_slice %arg3[%add3A, %dma_start3A_51, %dma_start3A_52] : memref<32x125x80xi32, #tpu.memory_space<hbm>> -> memref<1x125x80xi32, #tpu.memory_space<hbm>>
      %dma_start3A_54 = tpu.memref_squeeze %dma_start3A_53 : memref<1x125x80xi32, #tpu.memory_space<hbm>> -> memref<125x80xi32, #tpu.memory_space<hbm>>
      tpu.enqueue_dma source(%dma_start3A_54 : memref<125x80xi32, #tpu.memory_space<hbm>>) target(%arg7 : memref<125x80xi32, #tpu.memory_space<vmem>>) target_semaphore(%run_scoped3A : memref<!tpu.dma_semaphore, #tpu.memory_space<semaphore_mem>>)
      %dma_wait3A_55 = arith.constant 0 : i32
      %dma_wait3A_56 = arith.constant 0 : i32
      %dma_wait3A_57 = tpu.memref_slice %arg3[%add3A, %dma_wait3A_55, %dma_wait3A_56] : memref<32x125x80xi32, #tpu.memory_space<hbm>> -> memref<1x125x80xi32, #tpu.memory_space<hbm>>
      %dma_wait3A_58 = tpu.memref_squeeze %dma_wait3A_57 : memref<1x125x80xi32, #tpu.memory_space<hbm>> -> memref<125x80xi32, #tpu.memory_space<hbm>>
      %dma_wait3A_59 = arith.constant 0 : i32
      %dma_wait3A_60 = arith.constant 0 : i32
      %dma_wait3A_61 = tpu.memref_slice %arg3[%add3A, %dma_wait3A_59, %dma_wait3A_60] : memref<32x125x80xi32, #tpu.memory_space<hbm>> -> memref<1x125x80xi32, #tpu.memory_space<hbm>>
      %dma_wait3A_62 = tpu.memref_squeeze %dma_wait3A_61 : memref<1x125x80xi32, #tpu.memory_space<hbm>> -> memref<125x80xi32, #tpu.memory_space<hbm>>
      tpu.wait_dma2 semaphore(%run_scoped3A : memref<!tpu.dma_semaphore, #tpu.memory_space<semaphore_mem>>) src(%dma_wait3A_62 : memref<125x80xi32, #tpu.memory_space<hbm>>) dst(%arg7 : memref<125x80xi32, #tpu.memory_space<vmem>>)
      tpu.yield
    }) : () -> ()
    "tpu.region"() ({
      %run_scoped3A = tpu.sem_alloc : memref<!tpu.dma_semaphore, #tpu.memory_space<semaphore_mem>>
      %dma_start3A_47 = arith.constant 0 : i32
      %dma_start3A_48 = arith.constant 0 : i32
      %dma_start3A_49 = tpu.memref_slice %arg4[%add3A, %dma_start3A_47, %dma_start3A_48] : memref<32x125x80xi32, #tpu.memory_space<hbm>> -> memref<1x125x80xi32, #tpu.memory_space<hbm>>
      %dma_start3A_50 = tpu.memref_squeeze %dma_start3A_49 : memref<1x125x80xi32, #tpu.memory_space<hbm>> -> memref<125x80xi32, #tpu.memory_space<hbm>>
      %dma_start3A_51 = arith.constant 0 : i32
      %dma_start3A_52 = arith.constant 0 : i32
      %dma_start3A_53 = tpu.memref_slice %arg4[%add3A, %dma_start3A_51, %dma_start3A_52] : memref<32x125x80xi32, #tpu.memory_space<hbm>> -> memref<1x125x80xi32, #tpu.memory_space<hbm>>
      %dma_start3A_54 = tpu.memref_squeeze %dma_start3A_53 : memref<1x125x80xi32, #tpu.memory_space<hbm>> -> memref<125x80xi32, #tpu.memory_space<hbm>>
      tpu.enqueue_dma source(%dma_start3A_54 : memref<125x80xi32, #tpu.memory_space<hbm>>) target(%arg8 : memref<125x80xi32, #tpu.memory_space<vmem>>) target_semaphore(%run_scoped3A : memref<!tpu.dma_semaphore, #tpu.memory_space<semaphore_mem>>)
      %dma_wait3A_55 = arith.constant 0 : i32
      %dma_wait3A_56 = arith.constant 0 : i32
      %dma_wait3A_57 = tpu.memref_slice %arg4[%add3A, %dma_wait3A_55, %dma_wait3A_56] : memref<32x125x80xi32, #tpu.memory_space<hbm>> -> memref<1x125x80xi32, #tpu.memory_space<hbm>>
      %dma_wait3A_58 = tpu.memref_squeeze %dma_wait3A_57 : memref<1x125x80xi32, #tpu.memory_space<hbm>> -> memref<125x80xi32, #tpu.memory_space<hbm>>
      %dma_wait3A_59 = arith.constant 0 : i32
      %dma_wait3A_60 = arith.constant 0 : i32
      %dma_wait3A_61 = tpu.memref_slice %arg4[%add3A, %dma_wait3A_59, %dma_wait3A_60] : memref<32x125x80xi32, #tpu.memory_space<hbm>> -> memref<1x125x80xi32, #tpu.memory_space<hbm>>
      %dma_wait3A_62 = tpu.memref_squeeze %dma_wait3A_61 : memref<1x125x80xi32, #tpu.memory_space<hbm>> -> memref<125x80xi32, #tpu.memory_space<hbm>>
      tpu.wait_dma2 semaphore(%run_scoped3A : memref<!tpu.dma_semaphore, #tpu.memory_space<semaphore_mem>>) src(%dma_wait3A_62 : memref<125x80xi32, #tpu.memory_space<hbm>>) dst(%arg8 : memref<125x80xi32, #tpu.memory_space<vmem>>)
      tpu.yield
    }) : () -> ()
    %barrier3A = arith.constant 0 : index
    tpu.barrier barrier_id(%barrier3A)
    %dma_start3A = arith.constant 0 : i32
    %dma_start3A_3 = arith.constant 0 : i32
    %dma_start3A_4 = arith.constant 0 : i32
    %dma_start3A_5 = arith.constant 0 : i32
    %dma_start3A_6 = tpu.memref_slice %arg9[%dma_start3A_3, %dma_start3A_4, %dma_start3A_5] : memref<2x80x128xf32, #tpu.memory_space<vmem>> -> memref<1x80x128xf32, #tpu.memory_space<vmem>>
    %dma_start3A_7 = tpu.memref_squeeze %dma_start3A_6 : memref<1x80x128xf32, #tpu.memory_space<vmem>> -> memref<80x128xf32, #tpu.memory_space<vmem>>
    %dma_start3A_8 = arith.constant 0 : i32
    %dma_start3A_9 = tpu.memref_slice %arg7[%dma_start3A, %dma_start3A_8] : memref<125x80xi32, #tpu.memory_space<vmem>> -> memref<1x80xi32, #tpu.memory_space<vmem>>
    %dma_start3A_10 = tpu.memref_squeeze %dma_start3A_9 : memref<1x80xi32, #tpu.memory_space<vmem>> -> memref<80xi32, #tpu.memory_space<vmem>>
    %dma_start3A_11 = arith.constant 0 : i32
    %dma_start3A_12 = arith.constant 0 : i32
    %dma_start3A_13 = tpu.memref_slice %arg2[%dma_start3A_11, %dma_start3A_12] : memref<10000x128xf32, #tpu.memory_space<hbm>> -> memref<10000x128xf32, #tpu.memory_space<hbm>>
    tpu.enqueue_indirect_dma source(%dma_start3A_13 : memref<10000x128xf32, #tpu.memory_space<hbm>>) target(%dma_start3A_7 : memref<80x128xf32, #tpu.memory_space<vmem>>) offsets(%dma_start3A_10 : memref<80xi32, #tpu.memory_space<vmem>>) semaphore(%arg11 : memref<!tpu.dma_semaphore, #tpu.memory_space<semaphore_mem>>)
    %scan3A = arith.constant 0 : i32
    %scan3A_14 = arith.constant 0 : i32
    %scan3A_15 = arith.constant 63 : i32
    %scan3A_16 = arith.addi %scan3A_14, %scan3A_15 : i32
    %scan3A_17 = arith.constant 1 : i32
    scf.for %scan3A_47 = %scan3A_14 to %scan3A_16 step %scan3A_17  : i32 {
      %mul3A_48 = arith.constant 2 : i32
      %mul3A_49 = arith.muli %scan3A_47, %mul3A_48 : i32
      %add3A_50 = arith.constant 0 : i32
      %add3A_51 = arith.addi %mul3A_49, %add3A_50 : i32
      %lt3A = arith.constant 125 : i32
      %lt3A_52 = arith.cmpi slt, %add3A_51, %lt3A : i32
      %convert_element_type3A = arith.extui %lt3A_52 : i1 to i32
      %cond3A = arith.constant 0 : i32
      %cond3A_53 = arith.cmpi ne, %convert_element_type3A, %cond3A : i32
      scf.if %cond3A_53 {
        %dma_wait3A_63 = arith.constant 0 : i32
        %dma_wait3A_64 = arith.constant 0 : i32
        %dma_wait3A_65 = arith.constant 0 : i32
        %dma_wait3A_66 = tpu.memref_slice %arg9[%dma_wait3A_63, %dma_wait3A_64, %dma_wait3A_65] : memref<2x80x128xf32, #tpu.memory_space<vmem>> -> memref<1x80x128xf32, #tpu.memory_space<vmem>>
        %dma_wait3A_67 = tpu.memref_squeeze %dma_wait3A_66 : memref<1x80x128xf32, #tpu.memory_space<vmem>> -> memref<80x128xf32, #tpu.memory_space<vmem>>
        %dma_wait3A_68 = arith.constant 0 : i32
        %dma_wait3A_69 = tpu.memref_slice %arg7[%add3A_51, %dma_wait3A_68] : memref<125x80xi32, #tpu.memory_space<vmem>> -> memref<1x80xi32, #tpu.memory_space<vmem>>
        %dma_wait3A_70 = tpu.memref_squeeze %dma_wait3A_69 : memref<1x80xi32, #tpu.memory_space<vmem>> -> memref<80xi32, #tpu.memory_space<vmem>>
        %dma_wait3A_71 = arith.constant 0 : i32
        %dma_wait3A_72 = arith.constant 0 : i32
        %dma_wait3A_73 = tpu.memref_slice %arg2[%dma_wait3A_71, %dma_wait3A_72] : memref<10000x128xf32, #tpu.memory_space<hbm>> -> memref<10000x128xf32, #tpu.memory_space<hbm>>
        tpu.wait_indirect_dma semaphore(%arg11 : memref<!tpu.dma_semaphore, #tpu.memory_space<semaphore_mem>>) src(%dma_wait3A_73 : memref<10000x128xf32, #tpu.memory_space<hbm>>) dst(%dma_wait3A_67 : memref<80x128xf32, #tpu.memory_space<vmem>>)
        %dma_start3A_74 = arith.constant 0 : i32
        %dma_start3A_75 = arith.constant 0 : i32
        %dma_start3A_76 = arith.constant 0 : i32
        %dma_start3A_77 = tpu.memref_slice %arg9[%dma_start3A_74, %dma_start3A_75, %dma_start3A_76] : memref<2x80x128xf32, #tpu.memory_space<vmem>> -> memref<1x80x128xf32, #tpu.memory_space<vmem>>
        %dma_start3A_78 = tpu.memref_squeeze %dma_start3A_77 : memref<1x80x128xf32, #tpu.memory_space<vmem>> -> memref<80x128xf32, #tpu.memory_space<vmem>>
        %dma_start3A_79 = arith.constant 0 : i32
        %dma_start3A_80 = tpu.memref_slice %arg8[%add3A_51, %dma_start3A_79] : memref<125x80xi32, #tpu.memory_space<vmem>> -> memref<1x80xi32, #tpu.memory_space<vmem>>
        %dma_start3A_81 = tpu.memref_squeeze %dma_start3A_80 : memref<1x80xi32, #tpu.memory_space<vmem>> -> memref<80xi32, #tpu.memory_space<vmem>>
        %dma_start3A_82 = arith.constant 0 : i32
        %dma_start3A_83 = arith.constant 0 : i32
        %dma_start3A_84 = tpu.memref_slice %arg10[%dma_start3A_82, %dma_start3A_83] : memref<10240x128xf32, #tpu.memory_space<vmem_shared>> -> memref<10240x128xf32, #tpu.memory_space<vmem_shared>>
        tpu.enqueue_indirect_dma source(%dma_start3A_78 : memref<80x128xf32, #tpu.memory_space<vmem>>) target(%dma_start3A_84 : memref<10240x128xf32, #tpu.memory_space<vmem_shared>>) offsets(%dma_start3A_81 : memref<80xi32, #tpu.memory_space<vmem>>) semaphore(%arg13 : memref<!tpu.dma_semaphore, #tpu.memory_space<semaphore_mem>>) {add = true}
        %add3A_85 = arith.constant 1 : i32
        %add3A_86 = arith.addi %add3A_51, %add3A_85 : i32
        %lt3A_87 = arith.constant 125 : i32
        %lt3A_88 = arith.cmpi slt, %add3A_86, %lt3A_87 : i32
        %convert_element_type3A_89 = arith.extui %lt3A_88 : i1 to i32
        %cond3A_90 = arith.constant 0 : i32
        %cond3A_91 = arith.cmpi ne, %convert_element_type3A_89, %cond3A_90 : i32
        scf.if %cond3A_91 {
          %ge3A = arith.constant 1 : i32
          %ge3A_92 = arith.cmpi sge, %add3A_51, %ge3A : i32
          %convert_element_type3A_93 = arith.extui %ge3A_92 : i1 to i32
          %cond3A_94 = arith.constant 0 : i32
          %cond3A_95 = arith.cmpi ne, %convert_element_type3A_93, %cond3A_94 : i32
          scf.if %cond3A_95 {
            %sub3A = arith.constant 1 : i32
            %sub3A_109 = arith.subi %add3A_51, %sub3A : i32
            %dma_wait3A_110 = arith.constant 1 : i32
            %dma_wait3A_111 = arith.constant 0 : i32
            %dma_wait3A_112 = arith.constant 0 : i32
            %dma_wait3A_113 = tpu.memref_slice %arg9[%dma_wait3A_110, %dma_wait3A_111, %dma_wait3A_112] : memref<2x80x128xf32, #tpu.memory_space<vmem>> -> memref<1x80x128xf32, #tpu.memory_space<vmem>>
            %dma_wait3A_114 = tpu.memref_squeeze %dma_wait3A_113 : memref<1x80x128xf32, #tpu.memory_space<vmem>> -> memref<80x128xf32, #tpu.memory_space<vmem>>
            %dma_wait3A_115 = arith.constant 0 : i32
            %dma_wait3A_116 = tpu.memref_slice %arg8[%sub3A_109, %dma_wait3A_115] : memref<125x80xi32, #tpu.memory_space<vmem>> -> memref<1x80xi32, #tpu.memory_space<vmem>>
            %dma_wait3A_117 = tpu.memref_squeeze %dma_wait3A_116 : memref<1x80xi32, #tpu.memory_space<vmem>> -> memref<80xi32, #tpu.memory_space<vmem>>
            %dma_wait3A_118 = arith.constant 0 : i32
            %dma_wait3A_119 = arith.constant 0 : i32
            %dma_wait3A_120 = tpu.memref_slice %arg10[%dma_wait3A_118, %dma_wait3A_119] : memref<10240x128xf32, #tpu.memory_space<vmem_shared>> -> memref<10240x128xf32, #tpu.memory_space<vmem_shared>>
            tpu.wait_indirect_dma semaphore(%arg14 : memref<!tpu.dma_semaphore, #tpu.memory_space<semaphore_mem>>) src(%dma_wait3A_114 : memref<80x128xf32, #tpu.memory_space<vmem>>) dst(%dma_wait3A_120 : memref<10240x128xf32, #tpu.memory_space<vmem_shared>>)
          } else {
          }
          %add3A_96 = arith.constant 1 : i32
          %add3A_97 = arith.addi %add3A_51, %add3A_96 : i32
          %dma_start3A_98 = arith.constant 1 : i32
          %dma_start3A_99 = arith.constant 0 : i32
          %dma_start3A_100 = arith.constant 0 : i32
          %dma_start3A_101 = tpu.memref_slice %arg9[%dma_start3A_98, %dma_start3A_99, %dma_start3A_100] : memref<2x80x128xf32, #tpu.memory_space<vmem>> -> memref<1x80x128xf32, #tpu.memory_space<vmem>>
          %dma_start3A_102 = tpu.memref_squeeze %dma_start3A_101 : memref<1x80x128xf32, #tpu.memory_space<vmem>> -> memref<80x128xf32, #tpu.memory_space<vmem>>
          %dma_start3A_103 = arith.constant 0 : i32
          %dma_start3A_104 = tpu.memref_slice %arg7[%add3A_97, %dma_start3A_103] : memref<125x80xi32, #tpu.memory_space<vmem>> -> memref<1x80xi32, #tpu.memory_space<vmem>>
          %dma_start3A_105 = tpu.memref_squeeze %dma_start3A_104 : memref<1x80xi32, #tpu.memory_space<vmem>> -> memref<80xi32, #tpu.memory_space<vmem>>
          %dma_start3A_106 = arith.constant 0 : i32
          %dma_start3A_107 = arith.constant 0 : i32
          %dma_start3A_108 = tpu.memref_slice %arg2[%dma_start3A_106, %dma_start3A_107] : memref<10000x128xf32, #tpu.memory_space<hbm>> -> memref<10000x128xf32, #tpu.memory_space<hbm>>
          tpu.enqueue_indirect_dma source(%dma_start3A_108 : memref<10000x128xf32, #tpu.memory_space<hbm>>) target(%dma_start3A_102 : memref<80x128xf32, #tpu.memory_space<vmem>>) offsets(%dma_start3A_105 : memref<80xi32, #tpu.memory_space<vmem>>) semaphore(%arg12 : memref<!tpu.dma_semaphore, #tpu.memory_space<semaphore_mem>>)
        } else {
        }
      } else {
      }
      %mul3A_54 = arith.constant 2 : i32
      %mul3A_55 = arith.muli %scan3A_47, %mul3A_54 : i32
      %add3A_56 = arith.constant 1 : i32
      %add3A_57 = arith.addi %mul3A_55, %add3A_56 : i32
      %lt3A_58 = arith.constant 125 : i32
      %lt3A_59 = arith.cmpi slt, %add3A_57, %lt3A_58 : i32
      %convert_element_type3A_60 = arith.extui %lt3A_59 : i1 to i32
      %cond3A_61 = arith.constant 0 : i32
      %cond3A_62 = arith.cmpi ne, %convert_element_type3A_60, %cond3A_61 : i32
      scf.if %cond3A_62 {
        %dma_wait3A_63 = arith.constant 1 : i32
        %dma_wait3A_64 = arith.constant 0 : i32
        %dma_wait3A_65 = arith.constant 0 : i32
        %dma_wait3A_66 = tpu.memref_slice %arg9[%dma_wait3A_63, %dma_wait3A_64, %dma_wait3A_65] : memref<2x80x128xf32, #tpu.memory_space<vmem>> -> memref<1x80x128xf32, #tpu.memory_space<vmem>>
        %dma_wait3A_67 = tpu.memref_squeeze %dma_wait3A_66 : memref<1x80x128xf32, #tpu.memory_space<vmem>> -> memref<80x128xf32, #tpu.memory_space<vmem>>
        %dma_wait3A_68 = arith.constant 0 : i32
        %dma_wait3A_69 = tpu.memref_slice %arg7[%add3A_57, %dma_wait3A_68] : memref<125x80xi32, #tpu.memory_space<vmem>> -> memref<1x80xi32, #tpu.memory_space<vmem>>
        %dma_wait3A_70 = tpu.memref_squeeze %dma_wait3A_69 : memref<1x80xi32, #tpu.memory_space<vmem>> -> memref<80xi32, #tpu.memory_space<vmem>>
        %dma_wait3A_71 = arith.constant 0 : i32
        %dma_wait3A_72 = arith.constant 0 : i32
        %dma_wait3A_73 = tpu.memref_slice %arg2[%dma_wait3A_71, %dma_wait3A_72] : memref<10000x128xf32, #tpu.memory_space<hbm>> -> memref<10000x128xf32, #tpu.memory_space<hbm>>
        tpu.wait_indirect_dma semaphore(%arg12 : memref<!tpu.dma_semaphore, #tpu.memory_space<semaphore_mem>>) src(%dma_wait3A_73 : memref<10000x128xf32, #tpu.memory_space<hbm>>) dst(%dma_wait3A_67 : memref<80x128xf32, #tpu.memory_space<vmem>>)
        %dma_start3A_74 = arith.constant 1 : i32
        %dma_start3A_75 = arith.constant 0 : i32
        %dma_start3A_76 = arith.constant 0 : i32
        %dma_start3A_77 = tpu.memref_slice %arg9[%dma_start3A_74, %dma_start3A_75, %dma_start3A_76] : memref<2x80x128xf32, #tpu.memory_space<vmem>> -> memref<1x80x128xf32, #tpu.memory_space<vmem>>
        %dma_start3A_78 = tpu.memref_squeeze %dma_start3A_77 : memref<1x80x128xf32, #tpu.memory_space<vmem>> -> memref<80x128xf32, #tpu.memory_space<vmem>>
        %dma_start3A_79 = arith.constant 0 : i32
        %dma_start3A_80 = tpu.memref_slice %arg8[%add3A_57, %dma_start3A_79] : memref<125x80xi32, #tpu.memory_space<vmem>> -> memref<1x80xi32, #tpu.memory_space<vmem>>
        %dma_start3A_81 = tpu.memref_squeeze %dma_start3A_80 : memref<1x80xi32, #tpu.memory_space<vmem>> -> memref<80xi32, #tpu.memory_space<vmem>>
        %dma_start3A_82 = arith.constant 0 : i32
        %dma_start3A_83 = arith.constant 0 : i32
        %dma_start3A_84 = tpu.memref_slice %arg10[%dma_start3A_82, %dma_start3A_83] : memref<10240x128xf32, #tpu.memory_space<vmem_shared>> -> memref<10240x128xf32, #tpu.memory_space<vmem_shared>>
        tpu.enqueue_indirect_dma source(%dma_start3A_78 : memref<80x128xf32, #tpu.memory_space<vmem>>) target(%dma_start3A_84 : memref<10240x128xf32, #tpu.memory_space<vmem_shared>>) offsets(%dma_start3A_81 : memref<80xi32, #tpu.memory_space<vmem>>) semaphore(%arg14 : memref<!tpu.dma_semaphore, #tpu.memory_space<semaphore_mem>>) {add = true}
        %add3A_85 = arith.constant 1 : i32
        %add3A_86 = arith.addi %add3A_57, %add3A_85 : i32
        %lt3A_87 = arith.constant 125 : i32
        %lt3A_88 = arith.cmpi slt, %add3A_86, %lt3A_87 : i32
        %convert_element_type3A_89 = arith.extui %lt3A_88 : i1 to i32
        %cond3A_90 = arith.constant 0 : i32
        %cond3A_91 = arith.cmpi ne, %convert_element_type3A_89, %cond3A_90 : i32
        scf.if %cond3A_91 {
          %ge3A = arith.constant 1 : i32
          %ge3A_92 = arith.cmpi sge, %add3A_57, %ge3A : i32
          %convert_element_type3A_93 = arith.extui %ge3A_92 : i1 to i32
          %cond3A_94 = arith.constant 0 : i32
          %cond3A_95 = arith.cmpi ne, %convert_element_type3A_93, %cond3A_94 : i32
          scf.if %cond3A_95 {
            %sub3A = arith.constant 1 : i32
            %sub3A_109 = arith.subi %add3A_57, %sub3A : i32
            %dma_wait3A_110 = arith.constant 0 : i32
            %dma_wait3A_111 = arith.constant 0 : i32
            %dma_wait3A_112 = arith.constant 0 : i32
            %dma_wait3A_113 = tpu.memref_slice %arg9[%dma_wait3A_110, %dma_wait3A_111, %dma_wait3A_112] : memref<2x80x128xf32, #tpu.memory_space<vmem>> -> memref<1x80x128xf32, #tpu.memory_space<vmem>>
            %dma_wait3A_114 = tpu.memref_squeeze %dma_wait3A_113 : memref<1x80x128xf32, #tpu.memory_space<vmem>> -> memref<80x128xf32, #tpu.memory_space<vmem>>
            %dma_wait3A_115 = arith.constant 0 : i32
            %dma_wait3A_116 = tpu.memref_slice %arg8[%sub3A_109, %dma_wait3A_115] : memref<125x80xi32, #tpu.memory_space<vmem>> -> memref<1x80xi32, #tpu.memory_space<vmem>>
            %dma_wait3A_117 = tpu.memref_squeeze %dma_wait3A_116 : memref<1x80xi32, #tpu.memory_space<vmem>> -> memref<80xi32, #tpu.memory_space<vmem>>
            %dma_wait3A_118 = arith.constant 0 : i32
            %dma_wait3A_119 = arith.constant 0 : i32
            %dma_wait3A_120 = tpu.memref_slice %arg10[%dma_wait3A_118, %dma_wait3A_119] : memref<10240x128xf32, #tpu.memory_space<vmem_shared>> -> memref<10240x128xf32, #tpu.memory_space<vmem_shared>>
            tpu.wait_indirect_dma semaphore(%arg13 : memref<!tpu.dma_semaphore, #tpu.memory_space<semaphore_mem>>) src(%dma_wait3A_114 : memref<80x128xf32, #tpu.memory_space<vmem>>) dst(%dma_wait3A_120 : memref<10240x128xf32, #tpu.memory_space<vmem_shared>>)
          } else {
          }
          %add3A_96 = arith.constant 1 : i32
          %add3A_97 = arith.addi %add3A_57, %add3A_96 : i32
          %dma_start3A_98 = arith.constant 0 : i32
          %dma_start3A_99 = arith.constant 0 : i32
          %dma_start3A_100 = arith.constant 0 : i32
          %dma_start3A_101 = tpu.memref_slice %arg9[%dma_start3A_98, %dma_start3A_99, %dma_start3A_100] : memref<2x80x128xf32, #tpu.memory_space<vmem>> -> memref<1x80x128xf32, #tpu.memory_space<vmem>>
          %dma_start3A_102 = tpu.memref_squeeze %dma_start3A_101 : memref<1x80x128xf32, #tpu.memory_space<vmem>> -> memref<80x128xf32, #tpu.memory_space<vmem>>
          %dma_start3A_103 = arith.constant 0 : i32
          %dma_start3A_104 = tpu.memref_slice %arg7[%add3A_97, %dma_start3A_103] : memref<125x80xi32, #tpu.memory_space<vmem>> -> memref<1x80xi32, #tpu.memory_space<vmem>>
          %dma_start3A_105 = tpu.memref_squeeze %dma_start3A_104 : memref<1x80xi32, #tpu.memory_space<vmem>> -> memref<80xi32, #tpu.memory_space<vmem>>
          %dma_start3A_106 = arith.constant 0 : i32
          %dma_start3A_107 = arith.constant 0 : i32
          %dma_start3A_108 = tpu.memref_slice %arg2[%dma_start3A_106, %dma_start3A_107] : memref<10000x128xf32, #tpu.memory_space<hbm>> -> memref<10000x128xf32, #tpu.memory_space<hbm>>
          tpu.enqueue_indirect_dma source(%dma_start3A_108 : memref<10000x128xf32, #tpu.memory_space<hbm>>) target(%dma_start3A_102 : memref<80x128xf32, #tpu.memory_space<vmem>>) offsets(%dma_start3A_105 : memref<80xi32, #tpu.memory_space<vmem>>) semaphore(%arg11 : memref<!tpu.dma_semaphore, #tpu.memory_space<semaphore_mem>>)
        } else {
        }
      } else {
      }
    }
    %scan3A_18 = arith.constant 63 : i32
    %dma_wait3A = arith.constant 0 : i32
    %dma_wait3A_19 = arith.constant 124 : i32
    %dma_wait3A_20 = arith.constant 0 : i32
    %dma_wait3A_21 = arith.constant 0 : i32
    %dma_wait3A_22 = tpu.memref_slice %arg9[%dma_wait3A, %dma_wait3A_20, %dma_wait3A_21] : memref<2x80x128xf32, #tpu.memory_space<vmem>> -> memref<1x80x128xf32, #tpu.memory_space<vmem>>
    %dma_wait3A_23 = tpu.memref_squeeze %dma_wait3A_22 : memref<1x80x128xf32, #tpu.memory_space<vmem>> -> memref<80x128xf32, #tpu.memory_space<vmem>>
    %dma_wait3A_24 = arith.constant 0 : i32
    %dma_wait3A_25 = tpu.memref_slice %arg8[%dma_wait3A_19, %dma_wait3A_24] : memref<125x80xi32, #tpu.memory_space<vmem>> -> memref<1x80xi32, #tpu.memory_space<vmem>>
    %dma_wait3A_26 = tpu.memref_squeeze %dma_wait3A_25 : memref<1x80xi32, #tpu.memory_space<vmem>> -> memref<80xi32, #tpu.memory_space<vmem>>
    %dma_wait3A_27 = arith.constant 0 : i32
    %dma_wait3A_28 = arith.constant 0 : i32
    %dma_wait3A_29 = tpu.memref_slice %arg10[%dma_wait3A_27, %dma_wait3A_28] : memref<10240x128xf32, #tpu.memory_space<vmem_shared>> -> memref<10240x128xf32, #tpu.memory_space<vmem_shared>>
    tpu.wait_indirect_dma semaphore(%arg13 : memref<!tpu.dma_semaphore, #tpu.memory_space<semaphore_mem>>) src(%dma_wait3A_23 : memref<80x128xf32, #tpu.memory_space<vmem>>) dst(%dma_wait3A_29 : memref<10240x128xf32, #tpu.memory_space<vmem_shared>>)
    %dma_wait3A_30 = arith.constant 1 : i32
    %dma_wait3A_31 = arith.constant 123 : i32
    %dma_wait3A_32 = arith.constant 0 : i32
    %dma_wait3A_33 = arith.constant 0 : i32
    %dma_wait3A_34 = tpu.memref_slice %arg9[%dma_wait3A_30, %dma_wait3A_32, %dma_wait3A_33] : memref<2x80x128xf32, #tpu.memory_space<vmem>> -> memref<1x80x128xf32, #tpu.memory_space<vmem>>
    %dma_wait3A_35 = tpu.memref_squeeze %dma_wait3A_34 : memref<1x80x128xf32, #tpu.memory_space<vmem>> -> memref<80x128xf32, #tpu.memory_space<vmem>>
    %dma_wait3A_36 = arith.constant 0 : i32
    %dma_wait3A_37 = tpu.memref_slice %arg8[%dma_wait3A_31, %dma_wait3A_36] : memref<125x80xi32, #tpu.memory_space<vmem>> -> memref<1x80xi32, #tpu.memory_space<vmem>>
    %dma_wait3A_38 = tpu.memref_squeeze %dma_wait3A_37 : memref<1x80xi32, #tpu.memory_space<vmem>> -> memref<80xi32, #tpu.memory_space<vmem>>
    %dma_wait3A_39 = arith.constant 0 : i32
    %dma_wait3A_40 = arith.constant 0 : i32
    %dma_wait3A_41 = tpu.memref_slice %arg10[%dma_wait3A_39, %dma_wait3A_40] : memref<10240x128xf32, #tpu.memory_space<vmem_shared>> -> memref<10240x128xf32, #tpu.memory_space<vmem_shared>>
    tpu.wait_indirect_dma semaphore(%arg14 : memref<!tpu.dma_semaphore, #tpu.memory_space<semaphore_mem>>) src(%dma_wait3A_35 : memref<80x128xf32, #tpu.memory_space<vmem>>) dst(%dma_wait3A_41 : memref<10240x128xf32, #tpu.memory_space<vmem_shared>>)
    %barrier3A_42 = arith.constant 0 : index
    tpu.barrier barrier_id(%barrier3A_42)
    %mul3A_43 = arith.constant 640 : i32
    %mul3A_44 = arith.muli %arg1, %mul3A_43 : i32
    %mul3A_45 = arith.constant 640 : i32
    %mul3A_46 = arith.muli %arg1, %mul3A_45 : i32
    "tpu.region"() ({
      %run_scoped3A = tpu.sem_alloc : memref<!tpu.dma_semaphore, #tpu.memory_space<semaphore_mem>>
      %dma_start3A_47 = arith.constant 0 : i32
      %dma_start3A_48 = tpu.memref_slice %arg6[%arg0, %mul3A_46, %dma_start3A_47] : memref<2x10240x128xf32, #tpu.memory_space<hbm>> -> memref<1x640x128xf32, #tpu.memory_space<hbm>>
      %dma_start3A_49 = tpu.memref_squeeze %dma_start3A_48 : memref<1x640x128xf32, #tpu.memory_space<hbm>> -> memref<640x128xf32, #tpu.memory_space<hbm>>
      %dma_start3A_50 = arith.constant 0 : i32
      %dma_start3A_51 = tpu.memref_slice %arg10[%mul3A_44, %dma_start3A_50] : memref<10240x128xf32, #tpu.memory_space<vmem_shared>> -> memref<640x128xf32, #tpu.memory_space<vmem_shared>>
      tpu.enqueue_dma source(%dma_start3A_51 : memref<640x128xf32, #tpu.memory_space<vmem_shared>>) target(%dma_start3A_49 : memref<640x128xf32, #tpu.memory_space<hbm>>) target_semaphore(%run_scoped3A : memref<!tpu.dma_semaphore, #tpu.memory_space<semaphore_mem>>)
      %dma_wait3A_52 = arith.constant 0 : i32
      %dma_wait3A_53 = tpu.memref_slice %arg6[%arg0, %mul3A_46, %dma_wait3A_52] : memref<2x10240x128xf32, #tpu.memory_space<hbm>> -> memref<1x640x128xf32, #tpu.memory_space<hbm>>
      %dma_wait3A_54 = tpu.memref_squeeze %dma_wait3A_53 : memref<1x640x128xf32, #tpu.memory_space<hbm>> -> memref<640x128xf32, #tpu.memory_space<hbm>>
      %dma_wait3A_55 = arith.constant 0 : i32
      %dma_wait3A_56 = tpu.memref_slice %arg10[%mul3A_44, %dma_wait3A_55] : memref<10240x128xf32, #tpu.memory_space<vmem_shared>> -> memref<640x128xf32, #tpu.memory_space<vmem_shared>>
      tpu.wait_dma2 semaphore(%run_scoped3A : memref<!tpu.dma_semaphore, #tpu.memory_space<semaphore_mem>>) src(%dma_wait3A_56 : memref<640x128xf32, #tpu.memory_space<vmem_shared>>) dst(%dma_wait3A_54 : memref<640x128xf32, #tpu.memory_space<hbm>>)
      tpu.yield
    }) : () -> ()
    return
  }
}

module attributes {stable_mosaic.version = 14 : i64} {
  func.func @body(%arg0: i32, %arg1: memref<1000x128xf32, #tpu.memory_space<vmem>>, %arg2: memref<128x768xf32, #tpu.memory_space<vmem>>, %arg3: memref<1x256xf32, #tpu.memory_space<vmem>>, %arg4: memref<1000x64xf32, #tpu.memory_space<vmem>>, %arg5: memref<1000x64xf32, #tpu.memory_space<vmem>>, %arg6: memref<1000x128xf32, #tpu.memory_space<vmem>>, %arg7: memref<1000x128xf32, #tpu.memory_space<vmem>>, %arg8: memref<1000x128xf32, #tpu.memory_space<vmem>>) attributes {dimension_semantics = [#tpu.dimension_semantics<arbitrary>], iteration_bounds = array<i64: 10>, scalar_prefetch = 0 : i64, scratch_operands = 0 : i64, tpu.core_type = #tpu.core_type<tc>, window_params = [{transform_indices = @transform_0, window_bounds = array<i64: 1000, 128>}, {pipeline_mode = #tpu.pipeline_mode<synchronous>, transform_indices = @transform_1, window_bounds = array<i64: 128, 768>}, {pipeline_mode = #tpu.pipeline_mode<synchronous>, transform_indices = @transform_2, window_bounds = array<i64: 1, 256>}, {transform_indices = @transform_3, window_bounds = array<i64: 1000, 64>}, {transform_indices = @transform_4, window_bounds = array<i64: 1000, 64>}, {transform_indices = @transform_5, window_bounds = array<i64: 1000, 128>}, {transform_indices = @transform_6, window_bounds = array<i64: 1000, 128>}, {transform_indices = @transform_7, window_bounds = array<i64: 1000, 128>}]} {
    %get3A = arith.constant 0 : index
    %get3A_0 = arith.constant 0 : index
    %get3A_1 = vector.load %arg1[%get3A, %get3A_0] : memref<1000x128xf32, #tpu.memory_space<vmem>>, vector<1000x128xf32>
    %get3A_2 = arith.constant 0 : index
    %get3A_3 = arith.constant 0 : index
    %get3A_4 = vector.load %arg2[%get3A_2, %get3A_3] : memref<128x768xf32, #tpu.memory_space<vmem>>, vector<128x768xf32>
    %dot_general3A = arith.constant dense<0.000000e+00> : vector<1000x768xf32>
    %dot_general3A_5 = tpu.matmul %get3A_1, %get3A_4, %dot_general3A {dimension_numbers = #tpu.dot_dimension_numbers<[1], [0], [0], [1], [0, 0, 1, 1], [], []>, transpose_lhs_hint = false} : vector<1000x128xf32>, vector<128x768xf32>, vector<1000x768xf32> -> vector<1000x768xf32>
    %slice3A = vector.extract_strided_slice %dot_general3A_5 {offsets = [0, 128], sizes = [1000, 128], strides = [1, 1]} : vector<1000x768xf32> to vector<1000x128xf32>
    %get3A_6 = arith.constant 0 : index
    %get3A_7 = arith.constant 0 : index
    %get3A_8 = vector.load %arg3[%get3A_6, %get3A_7] : memref<1x256xf32, #tpu.memory_space<vmem>>, vector<1x128xf32>
    %get3A_9 = vector.shape_cast %get3A_8 : vector<1x128xf32> to vector<128xf32>
    %broadcast_in_dim3A = vector.shape_cast %get3A_9 : vector<128xf32> to vector<1x128xf32>
    %add3A = vector.broadcast %broadcast_in_dim3A : vector<1x128xf32> to vector<1000x128xf32>
    %add3A_10 = arith.addf %slice3A, %add3A : vector<1000x128xf32>
    %slice3A_11 = vector.extract_strided_slice %dot_general3A_5 {offsets = [0, 256], sizes = [1000, 128], strides = [1, 1]} : vector<1000x768xf32> to vector<1000x128xf32>
    %get3A_12 = arith.constant 0 : index
    %get3A_13 = arith.constant 128 : index
    %get3A_14 = vector.load %arg3[%get3A_12, %get3A_13] : memref<1x256xf32, #tpu.memory_space<vmem>>, vector<1x128xf32>
    %get3A_15 = vector.shape_cast %get3A_14 : vector<1x128xf32> to vector<128xf32>
    %broadcast_in_dim3A_16 = vector.shape_cast %get3A_15 : vector<128xf32> to vector<1x128xf32>
    %add3A_17 = vector.broadcast %broadcast_in_dim3A_16 : vector<1x128xf32> to vector<1000x128xf32>
    %add3A_18 = arith.addf %slice3A_11, %add3A_17 : vector<1000x128xf32>
    %slice3A_19 = vector.extract_strided_slice %dot_general3A_5 {offsets = [0, 640], sizes = [1000, 128], strides = [1, 1]} : vector<1000x768xf32> to vector<1000x128xf32>
    %slice3A_20 = vector.extract_strided_slice %dot_general3A_5 {offsets = [0, 384], sizes = [1000, 128], strides = [1, 1]} : vector<1000x768xf32> to vector<1000x128xf32>
    %mul3A = arith.mulf %slice3A_19, %slice3A_20 : vector<1000x128xf32>
    %slice3A_21 = vector.extract_strided_slice %dot_general3A_5 {offsets = [0, 512], sizes = [1000, 128], strides = [1, 1]} : vector<1000x768xf32> to vector<1000x128xf32>
    %add3A_22 = arith.addf %mul3A, %slice3A_21 : vector<1000x128xf32>
    %max3A = arith.constant 0.000000e+00 : f32
    %max3A_23 = vector.broadcast %max3A : f32 to vector<1000x128xf32>
    %max3A_24 = arith.maximumf %add3A_22, %max3A_23 : vector<1000x128xf32>
    %slice3A_25 = vector.extract_strided_slice %dot_general3A_5 {offsets = [0, 0], sizes = [1000, 64], strides = [1, 1]} : vector<1000x768xf32> to vector<1000x64xf32>
    %swap3A = arith.constant 0 : index
    %swap3A_26 = arith.constant 0 : index
    %swap3A_27 = vector.load %arg4[%swap3A, %swap3A_26] : memref<1000x64xf32, #tpu.memory_space<vmem>>, vector<1000x64xf32>
    tpu.vector_store %arg4[%swap3A, %swap3A_26], %slice3A_25 {strides = array<i32>} : memref<1000x64xf32, #tpu.memory_space<vmem>>, vector<1000x64xf32>,
    %slice3A_28 = vector.extract_strided_slice %dot_general3A_5 {offsets = [0, 64], sizes = [1000, 64], strides = [1, 1]} : vector<1000x768xf32> to vector<1000x64xf32>
    %swap3A_29 = arith.constant 0 : index
    %swap3A_30 = arith.constant 0 : index
    %swap3A_31 = vector.load %arg5[%swap3A_29, %swap3A_30] : memref<1000x64xf32, #tpu.memory_space<vmem>>, vector<1000x64xf32>
    tpu.vector_store %arg5[%swap3A_29, %swap3A_30], %slice3A_28 {strides = array<i32>} : memref<1000x64xf32, #tpu.memory_space<vmem>>, vector<1000x64xf32>,
    %slice3A_32 = vector.extract_strided_slice %add3A_18 {offsets = [0, 0], sizes = [1000, 64], strides = [1, 1]} : vector<1000x128xf32> to vector<1000x64xf32>
    %slice3A_33 = vector.extract_strided_slice %add3A_10 {offsets = [0, 0], sizes = [1000, 64], strides = [1, 1]} : vector<1000x128xf32> to vector<1000x64xf32>
    %concatenate3A = tpu.concatenate %slice3A_32, %slice3A_33 in 1 : vector<1000x64xf32>, vector<1000x64xf32> -> vector<1000x128xf32>
    %swap3A_34 = arith.constant 0 : index
    %swap3A_35 = arith.constant 0 : index
    %swap3A_36 = vector.load %arg6[%swap3A_34, %swap3A_35] : memref<1000x128xf32, #tpu.memory_space<vmem>>, vector<1000x128xf32>
    tpu.vector_store %arg6[%swap3A_34, %swap3A_35], %concatenate3A {strides = array<i32>} : memref<1000x128xf32, #tpu.memory_space<vmem>>, vector<1000x128xf32>,
    %slice3A_37 = vector.extract_strided_slice %add3A_18 {offsets = [0, 64], sizes = [1000, 64], strides = [1, 1]} : vector<1000x128xf32> to vector<1000x64xf32>
    %slice3A_38 = vector.extract_strided_slice %add3A_10 {offsets = [0, 64], sizes = [1000, 64], strides = [1, 1]} : vector<1000x128xf32> to vector<1000x64xf32>
    %concatenate3A_39 = tpu.concatenate %slice3A_37, %slice3A_38 in 1 : vector<1000x64xf32>, vector<1000x64xf32> -> vector<1000x128xf32>
    %swap3A_40 = arith.constant 0 : index
    %swap3A_41 = arith.constant 0 : index
    %swap3A_42 = vector.load %arg7[%swap3A_40, %swap3A_41] : memref<1000x128xf32, #tpu.memory_space<vmem>>, vector<1000x128xf32>
    tpu.vector_store %arg7[%swap3A_40, %swap3A_41], %concatenate3A_39 {strides = array<i32>} : memref<1000x128xf32, #tpu.memory_space<vmem>>, vector<1000x128xf32>,
    %swap3A_43 = arith.constant 0 : index
    %swap3A_44 = arith.constant 0 : index
    %swap3A_45 = vector.load %arg8[%swap3A_43, %swap3A_44] : memref<1000x128xf32, #tpu.memory_space<vmem>>, vector<1000x128xf32>
    tpu.vector_store %arg8[%swap3A_43, %swap3A_44], %max3A_24 {strides = array<i32>} : memref<1000x128xf32, #tpu.memory_space<vmem>>, vector<1000x128xf32>,
    return
  }
  func.func @transform_0(%arg0: i32) -> (i32, i32) {
    %c0_i32 = arith.constant 0 : i32
    %c0_i32_0 = arith.constant 0 : i32
    return %arg0, %c0_i32 : i32, i32
  }
  func.func @transform_1(%arg0: i32) -> (i32, i32) {
    %c0_i32 = arith.constant 0 : i32
    %c0_i32_0 = arith.constant 0 : i32
    %c0_i32_1 = arith.constant 0 : i32
    return %c0_i32, %c0_i32_0 : i32, i32
  }
  func.func @transform_2(%arg0: i32) -> (i32, i32) {
    %c0_i32 = arith.constant 0 : i32
    %c0_i32_0 = arith.constant 0 : i32
    %c0_i32_1 = arith.constant 0 : i32
    return %c0_i32, %c0_i32_0 : i32, i32
  }
  func.func @transform_3(%arg0: i32) -> (i32, i32) {
    %c0_i32 = arith.constant 0 : i32
    %c0_i32_0 = arith.constant 0 : i32
    return %arg0, %c0_i32 : i32, i32
  }
  func.func @transform_4(%arg0: i32) -> (i32, i32) {
    %c0_i32 = arith.constant 0 : i32
    %c0_i32_0 = arith.constant 0 : i32
    return %arg0, %c0_i32 : i32, i32
  }
  func.func @transform_5(%arg0: i32) -> (i32, i32) {
    %c0_i32 = arith.constant 0 : i32
    %c0_i32_0 = arith.constant 0 : i32
    return %arg0, %c0_i32 : i32, i32
  }
  func.func @transform_6(%arg0: i32) -> (i32, i32) {
    %c0_i32 = arith.constant 0 : i32
    %c0_i32_0 = arith.constant 0 : i32
    return %arg0, %c0_i32 : i32, i32
  }
  func.func @transform_7(%arg0: i32) -> (i32, i32) {
    %c0_i32 = arith.constant 0 : i32
    %c0_i32_0 = arith.constant 0 : i32
    return %arg0, %c0_i32 : i32, i32
  }
}

module attributes {stable_mosaic.version = 14 : i64} {
  func.func @body(%arg0: i32, %arg1: memref<1000x128xf32, #tpu.memory_space<vmem>>, %arg2: memref<2x1000x64xf32, #tpu.memory_space<vmem>>, %arg3: memref<2x1000x64xf32, #tpu.memory_space<vmem>>, %arg4: memref<2x1000x16xf32, #tpu.memory_space<vmem>>, %arg5: memref<1000x128xf32, #tpu.memory_space<vmem>>, %arg6: memref<1000x128xf32, #tpu.memory_space<vmem>>, %arg7: memref<8x128xf32, #tpu.memory_space<vmem>>, %arg8: memref<8x128xf32, #tpu.memory_space<vmem>>) attributes {dimension_semantics = [#tpu.dimension_semantics<arbitrary>], iteration_bounds = array<i64: 10>, scalar_prefetch = 0 : i64, scratch_operands = 1 : i64, tpu.core_type = #tpu.core_type<tc>, window_params = [{transform_indices = @transform_0, window_bounds = array<i64: 1000, 128>}, {transform_indices = @transform_1, window_bounds = array<i64: 2, 1000, 64>}, {transform_indices = @transform_2, window_bounds = array<i64: 2, 1000, 64>}, {transform_indices = @transform_3, window_bounds = array<i64: 2, 1000, 16>}, {transform_indices = @transform_4, window_bounds = array<i64: 1000, 128>}, {transform_indices = @transform_5, window_bounds = array<i64: 1000, 128>}, {pipeline_mode = #tpu.pipeline_mode<synchronous>, transform_indices = @transform_6, window_bounds = array<i64: 8, 128>}]} {
    %get3A = arith.constant 0 : index
    %get3A_0 = arith.constant 0 : index
    %get3A_1 = arith.constant 0 : index
    %get3A_2 = vector.load %arg2[%get3A, %get3A_0, %get3A_1] : memref<2x1000x64xf32, #tpu.memory_space<vmem>>, vector<1x1000x64xf32>
    %get3A_3 = vector.shape_cast %get3A_2 : vector<1x1000x64xf32> to vector<1000x64xf32>
    %get3A_4 = arith.constant 1 : index
    %get3A_5 = arith.constant 0 : index
    %get3A_6 = arith.constant 0 : index
    %get3A_7 = vector.load %arg2[%get3A_4, %get3A_5, %get3A_6] : memref<2x1000x64xf32, #tpu.memory_space<vmem>>, vector<1x1000x64xf32>
    %get3A_8 = vector.shape_cast %get3A_7 : vector<1x1000x64xf32> to vector<1000x64xf32>
    %add3A = arith.addf %get3A_3, %get3A_8 : vector<1000x64xf32>
    %get3A_9 = arith.constant 0 : index
    %get3A_10 = arith.constant 0 : index
    %get3A_11 = arith.constant 0 : index
    %get3A_12 = vector.load %arg3[%get3A_9, %get3A_10, %get3A_11] : memref<2x1000x64xf32, #tpu.memory_space<vmem>>, vector<1x1000x64xf32>
    %get3A_13 = vector.shape_cast %get3A_12 : vector<1x1000x64xf32> to vector<1000x64xf32>
    %get3A_14 = arith.constant 1 : index
    %get3A_15 = arith.constant 0 : index
    %get3A_16 = arith.constant 0 : index
    %get3A_17 = vector.load %arg3[%get3A_14, %get3A_15, %get3A_16] : memref<2x1000x64xf32, #tpu.memory_space<vmem>>, vector<1x1000x64xf32>
    %get3A_18 = vector.shape_cast %get3A_17 : vector<1x1000x64xf32> to vector<1000x64xf32>
    %add3A_19 = arith.addf %get3A_13, %get3A_18 : vector<1000x64xf32>
    %concatenate3A = tpu.concatenate %add3A, %add3A_19 in 1 : vector<1000x64xf32>, vector<1000x64xf32> -> vector<1000x128xf32>
    %get3A_20 = arith.constant 0 : index
    %get3A_21 = arith.constant 0 : index
    %get3A_22 = arith.constant 0 : index
    %get3A_23 = vector.load %arg4[%get3A_20, %get3A_21, %get3A_22] : memref<2x1000x16xf32, #tpu.memory_space<vmem>>, vector<1x1000x1xf32>
    %get3A_24 = vector.shape_cast %get3A_23 : vector<1x1000x1xf32> to vector<1000xf32>
    %get3A_25 = arith.constant 1 : index
    %get3A_26 = arith.constant 0 : index
    %get3A_27 = arith.constant 0 : index
    %get3A_28 = vector.load %arg4[%get3A_25, %get3A_26, %get3A_27] : memref<2x1000x16xf32, #tpu.memory_space<vmem>>, vector<1x1000x1xf32>
    %get3A_29 = vector.shape_cast %get3A_28 : vector<1x1000x1xf32> to vector<1000xf32>
    %add3A_30 = arith.addf %get3A_24, %get3A_29 : vector<1000xf32>
    %broadcast_in_dim3A = vector.shape_cast %add3A_30 : vector<1000xf32> to vector<1000x1xf32>
    %broadcast_in_dim3A_31 = vector.shape_cast %broadcast_in_dim3A : vector<1000x1xf32> to vector<1000x1xf32>
    %broadcast_in_dim3A_32 = vector.broadcast %broadcast_in_dim3A_31 : vector<1000x1xf32> to vector<1000x128xf32>
    %swap3A = arith.constant 0 : index
    %swap3A_33 = arith.constant 0 : index
    %swap3A_34 = vector.load %arg6[%swap3A, %swap3A_33] : memref<1000x128xf32, #tpu.memory_space<vmem>>, vector<1000x128xf32>
    tpu.vector_store %arg6[%swap3A, %swap3A_33], %broadcast_in_dim3A_32 {strides = array<i32>} : memref<1000x128xf32, #tpu.memory_space<vmem>>, vector<1000x128xf32>,
    %get3A_35 = arith.constant 0 : index
    %get3A_36 = arith.constant 0 : index
    %get3A_37 = vector.load %arg1[%get3A_35, %get3A_36] : memref<1000x128xf32, #tpu.memory_space<vmem>>, vector<1000x128xf32>
    %max3A = arith.constant 1.000000e+00 : f32
    %max3A_38 = vector.broadcast %max3A : f32 to vector<1000x128xf32>
    %max3A_39 = arith.maximumf %broadcast_in_dim3A_32, %max3A_38 : vector<1000x128xf32>
    %div3A = arith.divf %concatenate3A, %max3A_39 : vector<1000x128xf32>
    %add3A_40 = arith.addf %get3A_37, %div3A : vector<1000x128xf32>
    %swap3A_41 = arith.constant 0 : index
    %swap3A_42 = arith.constant 0 : index
    %swap3A_43 = vector.load %arg5[%swap3A_41, %swap3A_42] : memref<1000x128xf32, #tpu.memory_space<vmem>>, vector<1000x128xf32>
    tpu.vector_store %arg5[%swap3A_41, %swap3A_42], %add3A_40 {strides = array<i32>} : memref<1000x128xf32, #tpu.memory_space<vmem>>, vector<1000x128xf32>,
    %eq3A = arith.constant 0 : i32
    %eq3A_44 = arith.cmpi eq, %arg0, %eq3A : i32
    %convert_element_type3A = arith.extui %eq3A_44 : i1 to i32
    %cond3A = arith.constant 0 : i32
    %cond3A_45 = arith.cmpi ne, %convert_element_type3A, %cond3A : i32
    scf.if %cond3A_45 {
      %broadcast_in_dim3A_70 = arith.constant 0.000000e+00 : f32
      %broadcast_in_dim3A_71 = vector.broadcast %broadcast_in_dim3A_70 : f32 to vector<8x128xf32>
      %swap3A_72 = arith.constant 0 : index
      %swap3A_73 = arith.constant 0 : index
      %swap3A_74 = vector.load %arg8[%swap3A_72, %swap3A_73] : memref<8x128xf32, #tpu.memory_space<vmem>>, vector<8x128xf32>
      tpu.vector_store %arg8[%swap3A_72, %swap3A_73], %broadcast_in_dim3A_71 {strides = array<i32>} : memref<8x128xf32, #tpu.memory_space<vmem>>, vector<8x128xf32>,
    } else {
    }
    %get3A_46 = arith.constant 0 : index
    %get3A_47 = arith.constant 0 : index
    %get3A_48 = vector.load %arg8[%get3A_46, %get3A_47] : memref<8x128xf32, #tpu.memory_space<vmem>>, vector<1x128xf32>
    %reduce_sum3A = arith.constant dense<0.000000e+00> : vector<128xf32>
    %reduce_sum3A_49 = vector.multi_reduction <add>, %add3A_40, %reduce_sum3A [0] : vector<1000x128xf32> to vector<128xf32>
    %broadcast_in_dim3A_50 = vector.shape_cast %reduce_sum3A_49 : vector<128xf32> to vector<1x128xf32>
    %add3A_51 = arith.addf %get3A_48, %broadcast_in_dim3A_50 : vector<1x128xf32>
    %swap3A_52 = arith.constant 0 : index
    %swap3A_53 = arith.constant 0 : index
    %swap3A_54 = vector.load %arg8[%swap3A_52, %swap3A_53] : memref<8x128xf32, #tpu.memory_space<vmem>>, vector<1x128xf32>
    tpu.vector_store %arg8[%swap3A_52, %swap3A_53], %add3A_51 {strides = array<i32>} : memref<8x128xf32, #tpu.memory_space<vmem>>, vector<1x128xf32>,
    %get3A_55 = arith.constant 1 : index
    %get3A_56 = arith.constant 0 : index
    %get3A_57 = vector.load %arg8[%get3A_55, %get3A_56] : memref<8x128xf32, #tpu.memory_space<vmem>>, vector<1x128xf32>
    %mul3A = arith.mulf %add3A_40, %add3A_40 : vector<1000x128xf32>
    %reduce_sum3A_58 = arith.constant dense<0.000000e+00> : vector<128xf32>
    %reduce_sum3A_59 = vector.multi_reduction <add>, %mul3A, %reduce_sum3A_58 [0] : vector<1000x128xf32> to vector<128xf32>
    %broadcast_in_dim3A_60 = vector.shape_cast %reduce_sum3A_59 : vector<128xf32> to vector<1x128xf32>
    %add3A_61 = arith.addf %get3A_57, %broadcast_in_dim3A_60 : vector<1x128xf32>
    %swap3A_62 = arith.constant 1 : index
    %swap3A_63 = arith.constant 0 : index
    %swap3A_64 = vector.load %arg8[%swap3A_62, %swap3A_63] : memref<8x128xf32, #tpu.memory_space<vmem>>, vector<1x128xf32>
    tpu.vector_store %arg8[%swap3A_62, %swap3A_63], %add3A_61 {strides = array<i32>} : memref<8x128xf32, #tpu.memory_space<vmem>>, vector<1x128xf32>,
    %eq3A_65 = arith.constant 9 : i32
    %eq3A_66 = arith.cmpi eq, %arg0, %eq3A_65 : i32
    %convert_element_type3A_67 = arith.extui %eq3A_66 : i1 to i32
    %cond3A_68 = arith.constant 0 : i32
    %cond3A_69 = arith.cmpi ne, %convert_element_type3A_67, %cond3A_68 : i32
    scf.if %cond3A_69 {
      %get3A_70 = arith.constant 0 : index
      %get3A_71 = arith.constant 0 : index
      %get3A_72 = vector.load %arg8[%get3A_70, %get3A_71] : memref<8x128xf32, #tpu.memory_space<vmem>>, vector<8x128xf32>
      %swap3A_73 = arith.constant 0 : index
      %swap3A_74 = arith.constant 0 : index
      %swap3A_75 = vector.load %arg7[%swap3A_73, %swap3A_74] : memref<8x128xf32, #tpu.memory_space<vmem>>, vector<8x128xf32>
      tpu.vector_store %arg7[%swap3A_73, %swap3A_74], %get3A_72 {strides = array<i32>} : memref<8x128xf32, #tpu.memory_space<vmem>>, vector<8x128xf32>,
    } else {
    }
    return
  }
  func.func @transform_0(%arg0: i32) -> (i32, i32) {
    %c0_i32 = arith.constant 0 : i32
    %c0_i32_0 = arith.constant 0 : i32
    return %arg0, %c0_i32 : i32, i32
  }
  func.func @transform_1(%arg0: i32) -> (i32, i32, i32) {
    %c0_i32 = arith.constant 0 : i32
    %c0_i32_0 = arith.constant 0 : i32
    %c0_i32_1 = arith.constant 0 : i32
    return %c0_i32, %arg0, %c0_i32_0 : i32, i32, i32
  }
  func.func @transform_2(%arg0: i32) -> (i32, i32, i32) {
    %c0_i32 = arith.constant 0 : i32
    %c0_i32_0 = arith.constant 0 : i32
    %c0_i32_1 = arith.constant 0 : i32
    return %c0_i32, %arg0, %c0_i32_0 : i32, i32, i32
  }
  func.func @transform_3(%arg0: i32) -> (i32, i32, i32) {
    %c0_i32 = arith.constant 0 : i32
    %c0_i32_0 = arith.constant 0 : i32
    %c0_i32_1 = arith.constant 0 : i32
    return %c0_i32, %arg0, %c0_i32_0 : i32, i32, i32
  }
  func.func @transform_4(%arg0: i32) -> (i32, i32) {
    %c0_i32 = arith.constant 0 : i32
    %c0_i32_0 = arith.constant 0 : i32
    return %arg0, %c0_i32 : i32, i32
  }
  func.func @transform_5(%arg0: i32) -> (i32, i32) {
    %c0_i32 = arith.constant 0 : i32
    %c0_i32_0 = arith.constant 0 : i32
    return %arg0, %c0_i32 : i32, i32
  }
  func.func @transform_6(%arg0: i32) -> (i32, i32) {
    %c0_i32 = arith.constant 0 : i32
    %c0_i32_0 = arith.constant 0 : i32
    %c0_i32_1 = arith.constant 0 : i32
    return %c0_i32, %c0_i32_0 : i32, i32
  }
}

module attributes {stable_mosaic.version = 14 : i64} {
  func.func @body(%arg0: i32, %arg1: memref<1000x128xf32, #tpu.memory_space<vmem>>, %arg2: memref<128x768xf32, #tpu.memory_space<vmem>>, %arg3: memref<1x256xf32, #tpu.memory_space<vmem>>, %arg4: memref<8x128xf32, #tpu.memory_space<vmem>>, %arg5: memref<1x128xf32, #tpu.memory_space<vmem>>, %arg6: memref<1x128xf32, #tpu.memory_space<vmem>>, %arg7: memref<1000x64xf32, #tpu.memory_space<vmem>>, %arg8: memref<1000x64xf32, #tpu.memory_space<vmem>>, %arg9: memref<1000x128xf32, #tpu.memory_space<vmem>>, %arg10: memref<1000x128xf32, #tpu.memory_space<vmem>>, %arg11: memref<1000x128xf32, #tpu.memory_space<vmem>>) attributes {dimension_semantics = [#tpu.dimension_semantics<arbitrary>], iteration_bounds = array<i64: 10>, scalar_prefetch = 0 : i64, scratch_operands = 0 : i64, tpu.core_type = #tpu.core_type<tc>, window_params = [{transform_indices = @transform_0, window_bounds = array<i64: 1000, 128>}, {pipeline_mode = #tpu.pipeline_mode<synchronous>, transform_indices = @transform_1, window_bounds = array<i64: 128, 768>}, {pipeline_mode = #tpu.pipeline_mode<synchronous>, transform_indices = @transform_2, window_bounds = array<i64: 1, 256>}, {pipeline_mode = #tpu.pipeline_mode<synchronous>, transform_indices = @transform_3, window_bounds = array<i64: 8, 128>}, {pipeline_mode = #tpu.pipeline_mode<synchronous>, transform_indices = @transform_4, window_bounds = array<i64: 1, 128>}, {pipeline_mode = #tpu.pipeline_mode<synchronous>, transform_indices = @transform_5, window_bounds = array<i64: 1, 128>}, {transform_indices = @transform_6, window_bounds = array<i64: 1000, 64>}, {transform_indices = @transform_7, window_bounds = array<i64: 1000, 64>}, {transform_indices = @transform_8, window_bounds = array<i64: 1000, 128>}, {transform_indices = @transform_9, window_bounds = array<i64: 1000, 128>}, {transform_indices = @transform_10, window_bounds = array<i64: 1000, 128>}]} {
    %get3A = arith.constant 0 : index
    %get3A_0 = arith.constant 0 : index
    %get3A_1 = vector.load %arg4[%get3A, %get3A_0] : memref<8x128xf32, #tpu.memory_space<vmem>>, vector<1x128xf32>
    %get3A_2 = vector.shape_cast %get3A_1 : vector<1x128xf32> to vector<128xf32>
    %mul3A = arith.constant 9.99999974E-5 : f32
    %mul3A_3 = vector.broadcast %mul3A : f32 to vector<128xf32>
    %mul3A_4 = arith.mulf %get3A_2, %mul3A_3 : vector<128xf32>
    %get3A_5 = arith.constant 1 : index
    %get3A_6 = arith.constant 0 : index
    %get3A_7 = vector.load %arg4[%get3A_5, %get3A_6] : memref<8x128xf32, #tpu.memory_space<vmem>>, vector<1x128xf32>
    %get3A_8 = vector.shape_cast %get3A_7 : vector<1x128xf32> to vector<128xf32>
    %mul3A_9 = arith.constant 9.99999974E-5 : f32
    %mul3A_10 = vector.broadcast %mul3A_9 : f32 to vector<128xf32>
    %mul3A_11 = arith.mulf %get3A_8, %mul3A_10 : vector<128xf32>
    %mul3A_12 = arith.mulf %mul3A_4, %mul3A_4 : vector<128xf32>
    %sub3A = arith.subf %mul3A_11, %mul3A_12 : vector<128xf32>
    %max3A = arith.constant 0.000000e+00 : f32
    %max3A_13 = vector.broadcast %max3A : f32 to vector<128xf32>
    %max3A_14 = arith.maximumf %sub3A, %max3A_13 : vector<128xf32>
    %add3A = arith.constant 9.99999974E-6 : f32
    %add3A_15 = vector.broadcast %add3A : f32 to vector<128xf32>
    %add3A_16 = arith.addf %max3A_14, %add3A_15 : vector<128xf32>
    %rsqrt3A = math.rsqrt %add3A_16 : vector<128xf32>
    %get3A_17 = arith.constant 0 : index
    %get3A_18 = arith.constant 0 : index
    %get3A_19 = vector.load %arg5[%get3A_17, %get3A_18] : memref<1x128xf32, #tpu.memory_space<vmem>>, vector<1x128xf32>
    %get3A_20 = vector.shape_cast %get3A_19 : vector<1x128xf32> to vector<128xf32>
    %mul3A_21 = arith.mulf %rsqrt3A, %get3A_20 : vector<128xf32>
    %get3A_22 = arith.constant 0 : index
    %get3A_23 = arith.constant 0 : index
    %get3A_24 = vector.load %arg1[%get3A_22, %get3A_23] : memref<1000x128xf32, #tpu.memory_space<vmem>>, vector<1000x128xf32>
    %broadcast_in_dim3A = vector.shape_cast %mul3A_4 : vector<128xf32> to vector<1x128xf32>
    %sub3A_25 = vector.broadcast %broadcast_in_dim3A : vector<1x128xf32> to vector<1000x128xf32>
    %sub3A_26 = arith.subf %get3A_24, %sub3A_25 : vector<1000x128xf32>
    %broadcast_in_dim3A_27 = vector.shape_cast %mul3A_21 : vector<128xf32> to vector<1x128xf32>
    %mul3A_28 = vector.broadcast %broadcast_in_dim3A_27 : vector<1x128xf32> to vector<1000x128xf32>
    %mul3A_29 = arith.mulf %sub3A_26, %mul3A_28 : vector<1000x128xf32>
    %get3A_30 = arith.constant 0 : index
    %get3A_31 = arith.constant 0 : index
    %get3A_32 = vector.load %arg6[%get3A_30, %get3A_31] : memref<1x128xf32, #tpu.memory_space<vmem>>, vector<1x128xf32>
    %get3A_33 = vector.shape_cast %get3A_32 : vector<1x128xf32> to vector<128xf32>
    %broadcast_in_dim3A_34 = vector.shape_cast %get3A_33 : vector<128xf32> to vector<1x128xf32>
    %add3A_35 = vector.broadcast %broadcast_in_dim3A_34 : vector<1x128xf32> to vector<1000x128xf32>
    %add3A_36 = arith.addf %mul3A_29, %add3A_35 : vector<1000x128xf32>
    %get3A_37 = arith.constant 0 : index
    %get3A_38 = arith.constant 0 : index
    %get3A_39 = vector.load %arg2[%get3A_37, %get3A_38] : memref<128x768xf32, #tpu.memory_space<vmem>>, vector<128x768xf32>
    %dot_general3A = arith.constant dense<0.000000e+00> : vector<1000x768xf32>
    %dot_general3A_40 = tpu.matmul %add3A_36, %get3A_39, %dot_general3A {dimension_numbers = #tpu.dot_dimension_numbers<[1], [0], [0], [1], [0, 0, 1, 1], [], []>, transpose_lhs_hint = false} : vector<1000x128xf32>, vector<128x768xf32>, vector<1000x768xf32> -> vector<1000x768xf32>
    %slice3A = vector.extract_strided_slice %dot_general3A_40 {offsets = [0, 128], sizes = [1000, 128], strides = [1, 1]} : vector<1000x768xf32> to vector<1000x128xf32>
    %get3A_41 = arith.constant 0 : index
    %get3A_42 = arith.constant 0 : index
    %get3A_43 = vector.load %arg3[%get3A_41, %get3A_42] : memref<1x256xf32, #tpu.memory_space<vmem>>, vector<1x128xf32>
    %get3A_44 = vector.shape_cast %get3A_43 : vector<1x128xf32> to vector<128xf32>
    %broadcast_in_dim3A_45 = vector.shape_cast %get3A_44 : vector<128xf32> to vector<1x128xf32>
    %add3A_46 = vector.broadcast %broadcast_in_dim3A_45 : vector<1x128xf32> to vector<1000x128xf32>
    %add3A_47 = arith.addf %slice3A, %add3A_46 : vector<1000x128xf32>
    %slice3A_48 = vector.extract_strided_slice %dot_general3A_40 {offsets = [0, 256], sizes = [1000, 128], strides = [1, 1]} : vector<1000x768xf32> to vector<1000x128xf32>
    %get3A_49 = arith.constant 0 : index
    %get3A_50 = arith.constant 128 : index
    %get3A_51 = vector.load %arg3[%get3A_49, %get3A_50] : memref<1x256xf32, #tpu.memory_space<vmem>>, vector<1x128xf32>
    %get3A_52 = vector.shape_cast %get3A_51 : vector<1x128xf32> to vector<128xf32>
    %broadcast_in_dim3A_53 = vector.shape_cast %get3A_52 : vector<128xf32> to vector<1x128xf32>
    %add3A_54 = vector.broadcast %broadcast_in_dim3A_53 : vector<1x128xf32> to vector<1000x128xf32>
    %add3A_55 = arith.addf %slice3A_48, %add3A_54 : vector<1000x128xf32>
    %slice3A_56 = vector.extract_strided_slice %dot_general3A_40 {offsets = [0, 640], sizes = [1000, 128], strides = [1, 1]} : vector<1000x768xf32> to vector<1000x128xf32>
    %slice3A_57 = vector.extract_strided_slice %dot_general3A_40 {offsets = [0, 384], sizes = [1000, 128], strides = [1, 1]} : vector<1000x768xf32> to vector<1000x128xf32>
    %mul3A_58 = arith.mulf %slice3A_56, %slice3A_57 : vector<1000x128xf32>
    %slice3A_59 = vector.extract_strided_slice %dot_general3A_40 {offsets = [0, 512], sizes = [1000, 128], strides = [1, 1]} : vector<1000x768xf32> to vector<1000x128xf32>
    %add3A_60 = arith.addf %mul3A_58, %slice3A_59 : vector<1000x128xf32>
    %max3A_61 = arith.constant 0.000000e+00 : f32
    %max3A_62 = vector.broadcast %max3A_61 : f32 to vector<1000x128xf32>
    %max3A_63 = arith.maximumf %add3A_60, %max3A_62 : vector<1000x128xf32>
    %slice3A_64 = vector.extract_strided_slice %dot_general3A_40 {offsets = [0, 0], sizes = [1000, 64], strides = [1, 1]} : vector<1000x768xf32> to vector<1000x64xf32>
    %swap3A = arith.constant 0 : index
    %swap3A_65 = arith.constant 0 : index
    %swap3A_66 = vector.load %arg7[%swap3A, %swap3A_65] : memref<1000x64xf32, #tpu.memory_space<vmem>>, vector<1000x64xf32>
    tpu.vector_store %arg7[%swap3A, %swap3A_65], %slice3A_64 {strides = array<i32>} : memref<1000x64xf32, #tpu.memory_space<vmem>>, vector<1000x64xf32>,
    %slice3A_67 = vector.extract_strided_slice %dot_general3A_40 {offsets = [0, 64], sizes = [1000, 64], strides = [1, 1]} : vector<1000x768xf32> to vector<1000x64xf32>
    %swap3A_68 = arith.constant 0 : index
    %swap3A_69 = arith.constant 0 : index
    %swap3A_70 = vector.load %arg8[%swap3A_68, %swap3A_69] : memref<1000x64xf32, #tpu.memory_space<vmem>>, vector<1000x64xf32>
    tpu.vector_store %arg8[%swap3A_68, %swap3A_69], %slice3A_67 {strides = array<i32>} : memref<1000x64xf32, #tpu.memory_space<vmem>>, vector<1000x64xf32>,
    %slice3A_71 = vector.extract_strided_slice %add3A_55 {offsets = [0, 0], sizes = [1000, 64], strides = [1, 1]} : vector<1000x128xf32> to vector<1000x64xf32>
    %slice3A_72 = vector.extract_strided_slice %add3A_47 {offsets = [0, 0], sizes = [1000, 64], strides = [1, 1]} : vector<1000x128xf32> to vector<1000x64xf32>
    %concatenate3A = tpu.concatenate %slice3A_71, %slice3A_72 in 1 : vector<1000x64xf32>, vector<1000x64xf32> -> vector<1000x128xf32>
    %swap3A_73 = arith.constant 0 : index
    %swap3A_74 = arith.constant 0 : index
    %swap3A_75 = vector.load %arg9[%swap3A_73, %swap3A_74] : memref<1000x128xf32, #tpu.memory_space<vmem>>, vector<1000x128xf32>
    tpu.vector_store %arg9[%swap3A_73, %swap3A_74], %concatenate3A {strides = array<i32>} : memref<1000x128xf32, #tpu.memory_space<vmem>>, vector<1000x128xf32>,
    %slice3A_76 = vector.extract_strided_slice %add3A_55 {offsets = [0, 64], sizes = [1000, 64], strides = [1, 1]} : vector<1000x128xf32> to vector<1000x64xf32>
    %slice3A_77 = vector.extract_strided_slice %add3A_47 {offsets = [0, 64], sizes = [1000, 64], strides = [1, 1]} : vector<1000x128xf32> to vector<1000x64xf32>
    %concatenate3A_78 = tpu.concatenate %slice3A_76, %slice3A_77 in 1 : vector<1000x64xf32>, vector<1000x64xf32> -> vector<1000x128xf32>
    %swap3A_79 = arith.constant 0 : index
    %swap3A_80 = arith.constant 0 : index
    %swap3A_81 = vector.load %arg10[%swap3A_79, %swap3A_80] : memref<1000x128xf32, #tpu.memory_space<vmem>>, vector<1000x128xf32>
    tpu.vector_store %arg10[%swap3A_79, %swap3A_80], %concatenate3A_78 {strides = array<i32>} : memref<1000x128xf32, #tpu.memory_space<vmem>>, vector<1000x128xf32>,
    %swap3A_82 = arith.constant 0 : index
    %swap3A_83 = arith.constant 0 : index
    %swap3A_84 = vector.load %arg11[%swap3A_82, %swap3A_83] : memref<1000x128xf32, #tpu.memory_space<vmem>>, vector<1000x128xf32>
    tpu.vector_store %arg11[%swap3A_82, %swap3A_83], %max3A_63 {strides = array<i32>} : memref<1000x128xf32, #tpu.memory_space<vmem>>, vector<1000x128xf32>,
    return
  }
  func.func @transform_0(%arg0: i32) -> (i32, i32) {
    %c0_i32 = arith.constant 0 : i32
    %c0_i32_0 = arith.constant 0 : i32
    return %arg0, %c0_i32 : i32, i32
  }
  func.func @transform_1(%arg0: i32) -> (i32, i32) {
    %c0_i32 = arith.constant 0 : i32
    %c0_i32_0 = arith.constant 0 : i32
    %c0_i32_1 = arith.constant 0 : i32
    return %c0_i32, %c0_i32_0 : i32, i32
  }
  func.func @transform_2(%arg0: i32) -> (i32, i32) {
    %c0_i32 = arith.constant 0 : i32
    %c0_i32_0 = arith.constant 0 : i32
    %c0_i32_1 = arith.constant 0 : i32
    return %c0_i32, %c0_i32_0 : i32, i32
  }
  func.func @transform_3(%arg0: i32) -> (i32, i32) {
    %c0_i32 = arith.constant 0 : i32
    %c0_i32_0 = arith.constant 0 : i32
    %c0_i32_1 = arith.constant 0 : i32
    return %c0_i32, %c0_i32_0 : i32, i32
  }
  func.func @transform_4(%arg0: i32) -> (i32, i32) {
    %c0_i32 = arith.constant 0 : i32
    %c0_i32_0 = arith.constant 0 : i32
    %c0_i32_1 = arith.constant 0 : i32
    return %c0_i32, %c0_i32_0 : i32, i32
  }
  func.func @transform_5(%arg0: i32) -> (i32, i32) {
    %c0_i32 = arith.constant 0 : i32
    %c0_i32_0 = arith.constant 0 : i32
    %c0_i32_1 = arith.constant 0 : i32
    return %c0_i32, %c0_i32_0 : i32, i32
  }
  func.func @transform_6(%arg0: i32) -> (i32, i32) {
    %c0_i32 = arith.constant 0 : i32
    %c0_i32_0 = arith.constant 0 : i32
    return %arg0, %c0_i32 : i32, i32
  }
  func.func @transform_7(%arg0: i32) -> (i32, i32) {
    %c0_i32 = arith.constant 0 : i32
    %c0_i32_0 = arith.constant 0 : i32
    return %arg0, %c0_i32 : i32, i32
  }
  func.func @transform_8(%arg0: i32) -> (i32, i32) {
    %c0_i32 = arith.constant 0 : i32
    %c0_i32_0 = arith.constant 0 : i32
    return %arg0, %c0_i32 : i32, i32
  }
  func.func @transform_9(%arg0: i32) -> (i32, i32) {
    %c0_i32 = arith.constant 0 : i32
    %c0_i32_0 = arith.constant 0 : i32
    return %arg0, %c0_i32 : i32, i32
  }
  func.func @transform_10(%arg0: i32) -> (i32, i32) {
    %c0_i32 = arith.constant 0 : i32
    %c0_i32_0 = arith.constant 0 : i32
    return %arg0, %c0_i32 : i32, i32
  }
}

module attributes {stable_mosaic.version = 14 : i64} {
  func.func @body(%arg0: i32, %arg1: memref<1000x128xf32, #tpu.memory_space<vmem>>, %arg2: memref<2x1000x64xf32, #tpu.memory_space<vmem>>, %arg3: memref<2x1000x64xf32, #tpu.memory_space<vmem>>, %arg4: memref<1000x128xf32, #tpu.memory_space<vmem>>, %arg5: memref<1000x128xf32, #tpu.memory_space<vmem>>, %arg6: memref<8x128xf32, #tpu.memory_space<vmem>>, %arg7: memref<8x128xf32, #tpu.memory_space<vmem>>) attributes {dimension_semantics = [#tpu.dimension_semantics<arbitrary>], iteration_bounds = array<i64: 10>, scalar_prefetch = 0 : i64, scratch_operands = 1 : i64, tpu.core_type = #tpu.core_type<tc>, window_params = [{transform_indices = @transform_0, window_bounds = array<i64: 1000, 128>}, {transform_indices = @transform_1, window_bounds = array<i64: 2, 1000, 64>}, {transform_indices = @transform_2, window_bounds = array<i64: 2, 1000, 64>}, {transform_indices = @transform_3, window_bounds = array<i64: 1000, 128>}, {transform_indices = @transform_4, window_bounds = array<i64: 1000, 128>}, {pipeline_mode = #tpu.pipeline_mode<synchronous>, transform_indices = @transform_5, window_bounds = array<i64: 8, 128>}]} {
    %get3A = arith.constant 0 : index
    %get3A_0 = arith.constant 0 : index
    %get3A_1 = arith.constant 0 : index
    %get3A_2 = vector.load %arg2[%get3A, %get3A_0, %get3A_1] : memref<2x1000x64xf32, #tpu.memory_space<vmem>>, vector<1x1000x64xf32>
    %get3A_3 = vector.shape_cast %get3A_2 : vector<1x1000x64xf32> to vector<1000x64xf32>
    %get3A_4 = arith.constant 1 : index
    %get3A_5 = arith.constant 0 : index
    %get3A_6 = arith.constant 0 : index
    %get3A_7 = vector.load %arg2[%get3A_4, %get3A_5, %get3A_6] : memref<2x1000x64xf32, #tpu.memory_space<vmem>>, vector<1x1000x64xf32>
    %get3A_8 = vector.shape_cast %get3A_7 : vector<1x1000x64xf32> to vector<1000x64xf32>
    %add3A = arith.addf %get3A_3, %get3A_8 : vector<1000x64xf32>
    %get3A_9 = arith.constant 0 : index
    %get3A_10 = arith.constant 0 : index
    %get3A_11 = arith.constant 0 : index
    %get3A_12 = vector.load %arg3[%get3A_9, %get3A_10, %get3A_11] : memref<2x1000x64xf32, #tpu.memory_space<vmem>>, vector<1x1000x64xf32>
    %get3A_13 = vector.shape_cast %get3A_12 : vector<1x1000x64xf32> to vector<1000x64xf32>
    %get3A_14 = arith.constant 1 : index
    %get3A_15 = arith.constant 0 : index
    %get3A_16 = arith.constant 0 : index
    %get3A_17 = vector.load %arg3[%get3A_14, %get3A_15, %get3A_16] : memref<2x1000x64xf32, #tpu.memory_space<vmem>>, vector<1x1000x64xf32>
    %get3A_18 = vector.shape_cast %get3A_17 : vector<1x1000x64xf32> to vector<1000x64xf32>
    %add3A_19 = arith.addf %get3A_13, %get3A_18 : vector<1000x64xf32>
    %concatenate3A = tpu.concatenate %add3A, %add3A_19 in 1 : vector<1000x64xf32>, vector<1000x64xf32> -> vector<1000x128xf32>
    %get3A_20 = arith.constant 0 : index
    %get3A_21 = arith.constant 0 : index
    %get3A_22 = vector.load %arg4[%get3A_20, %get3A_21] : memref<1000x128xf32, #tpu.memory_space<vmem>>, vector<1000x128xf32>
    %get3A_23 = arith.constant 0 : index
    %get3A_24 = arith.constant 0 : index
    %get3A_25 = vector.load %arg1[%get3A_23, %get3A_24] : memref<1000x128xf32, #tpu.memory_space<vmem>>, vector<1000x128xf32>
    %max3A = arith.constant 1.000000e+00 : f32
    %max3A_26 = vector.broadcast %max3A : f32 to vector<1000x128xf32>
    %max3A_27 = arith.maximumf %get3A_22, %max3A_26 : vector<1000x128xf32>
    %div3A = arith.divf %concatenate3A, %max3A_27 : vector<1000x128xf32>
    %add3A_28 = arith.addf %get3A_25, %div3A : vector<1000x128xf32>
    %swap3A = arith.constant 0 : index
    %swap3A_29 = arith.constant 0 : index
    %swap3A_30 = vector.load %arg5[%swap3A, %swap3A_29] : memref<1000x128xf32, #tpu.memory_space<vmem>>, vector<1000x128xf32>
    tpu.vector_store %arg5[%swap3A, %swap3A_29], %add3A_28 {strides = array<i32>} : memref<1000x128xf32, #tpu.memory_space<vmem>>, vector<1000x128xf32>,
    %eq3A = arith.constant 0 : i32
    %eq3A_31 = arith.cmpi eq, %arg0, %eq3A : i32
    %convert_element_type3A = arith.extui %eq3A_31 : i1 to i32
    %cond3A = arith.constant 0 : i32
    %cond3A_32 = arith.cmpi ne, %convert_element_type3A, %cond3A : i32
    scf.if %cond3A_32 {
      %broadcast_in_dim3A_56 = arith.constant 0.000000e+00 : f32
      %broadcast_in_dim3A_57 = vector.broadcast %broadcast_in_dim3A_56 : f32 to vector<8x128xf32>
      %swap3A_58 = arith.constant 0 : index
      %swap3A_59 = arith.constant 0 : index
      %swap3A_60 = vector.load %arg7[%swap3A_58, %swap3A_59] : memref<8x128xf32, #tpu.memory_space<vmem>>, vector<8x128xf32>
      tpu.vector_store %arg7[%swap3A_58, %swap3A_59], %broadcast_in_dim3A_57 {strides = array<i32>} : memref<8x128xf32, #tpu.memory_space<vmem>>, vector<8x128xf32>,
    } else {
    }
    %get3A_33 = arith.constant 0 : index
    %get3A_34 = arith.constant 0 : index
    %get3A_35 = vector.load %arg7[%get3A_33, %get3A_34] : memref<8x128xf32, #tpu.memory_space<vmem>>, vector<1x128xf32>
    %reduce_sum3A = arith.constant dense<0.000000e+00> : vector<128xf32>
    %reduce_sum3A_36 = vector.multi_reduction <add>, %add3A_28, %reduce_sum3A [0] : vector<1000x128xf32> to vector<128xf32>
    %broadcast_in_dim3A = vector.shape_cast %reduce_sum3A_36 : vector<128xf32> to vector<1x128xf32>
    %add3A_37 = arith.addf %get3A_35, %broadcast_in_dim3A : vector<1x128xf32>
    %swap3A_38 = arith.constant 0 : index
    %swap3A_39 = arith.constant 0 : index
    %swap3A_40 = vector.load %arg7[%swap3A_38, %swap3A_39] : memref<8x128xf32, #tpu.memory_space<vmem>>, vector<1x128xf32>
    tpu.vector_store %arg7[%swap3A_38, %swap3A_39], %add3A_37 {strides = array<i32>} : memref<8x128xf32, #tpu.memory_space<vmem>>, vector<1x128xf32>,
    %get3A_41 = arith.constant 1 : index
    %get3A_42 = arith.constant 0 : index
    %get3A_43 = vector.load %arg7[%get3A_41, %get3A_42] : memref<8x128xf32, #tpu.memory_space<vmem>>, vector<1x128xf32>
    %mul3A = arith.mulf %add3A_28, %add3A_28 : vector<1000x128xf32>
    %reduce_sum3A_44 = arith.constant dense<0.000000e+00> : vector<128xf32>
    %reduce_sum3A_45 = vector.multi_reduction <add>, %mul3A, %reduce_sum3A_44 [0] : vector<1000x128xf32> to vector<128xf32>
    %broadcast_in_dim3A_46 = vector.shape_cast %reduce_sum3A_45 : vector<128xf32> to vector<1x128xf32>
    %add3A_47 = arith.addf %get3A_43, %broadcast_in_dim3A_46 : vector<1x128xf32>
    %swap3A_48 = arith.constant 1 : index
    %swap3A_49 = arith.constant 0 : index
    %swap3A_50 = vector.load %arg7[%swap3A_48, %swap3A_49] : memref<8x128xf32, #tpu.memory_space<vmem>>, vector<1x128xf32>
    tpu.vector_store %arg7[%swap3A_48, %swap3A_49], %add3A_47 {strides = array<i32>} : memref<8x128xf32, #tpu.memory_space<vmem>>, vector<1x128xf32>,
    %eq3A_51 = arith.constant 9 : i32
    %eq3A_52 = arith.cmpi eq, %arg0, %eq3A_51 : i32
    %convert_element_type3A_53 = arith.extui %eq3A_52 : i1 to i32
    %cond3A_54 = arith.constant 0 : i32
    %cond3A_55 = arith.cmpi ne, %convert_element_type3A_53, %cond3A_54 : i32
    scf.if %cond3A_55 {
      %get3A_56 = arith.constant 0 : index
      %get3A_57 = arith.constant 0 : index
      %get3A_58 = vector.load %arg7[%get3A_56, %get3A_57] : memref<8x128xf32, #tpu.memory_space<vmem>>, vector<8x128xf32>
      %swap3A_59 = arith.constant 0 : index
      %swap3A_60 = arith.constant 0 : index
      %swap3A_61 = vector.load %arg6[%swap3A_59, %swap3A_60] : memref<8x128xf32, #tpu.memory_space<vmem>>, vector<8x128xf32>
      tpu.vector_store %arg6[%swap3A_59, %swap3A_60], %get3A_58 {strides = array<i32>} : memref<8x128xf32, #tpu.memory_space<vmem>>, vector<8x128xf32>,
    } else {
    }
    return
  }
  func.func @transform_0(%arg0: i32) -> (i32, i32) {
    %c0_i32 = arith.constant 0 : i32
    %c0_i32_0 = arith.constant 0 : i32
    return %arg0, %c0_i32 : i32, i32
  }
  func.func @transform_1(%arg0: i32) -> (i32, i32, i32) {
    %c0_i32 = arith.constant 0 : i32
    %c0_i32_0 = arith.constant 0 : i32
    %c0_i32_1 = arith.constant 0 : i32
    return %c0_i32, %arg0, %c0_i32_0 : i32, i32, i32
  }
  func.func @transform_2(%arg0: i32) -> (i32, i32, i32) {
    %c0_i32 = arith.constant 0 : i32
    %c0_i32_0 = arith.constant 0 : i32
    %c0_i32_1 = arith.constant 0 : i32
    return %c0_i32, %arg0, %c0_i32_0 : i32, i32, i32
  }
  func.func @transform_3(%arg0: i32) -> (i32, i32) {
    %c0_i32 = arith.constant 0 : i32
    %c0_i32_0 = arith.constant 0 : i32
    return %arg0, %c0_i32 : i32, i32
  }
  func.func @transform_4(%arg0: i32) -> (i32, i32) {
    %c0_i32 = arith.constant 0 : i32
    %c0_i32_0 = arith.constant 0 : i32
    return %arg0, %c0_i32 : i32, i32
  }
  func.func @transform_5(%arg0: i32) -> (i32, i32) {
    %c0_i32 = arith.constant 0 : i32
    %c0_i32_0 = arith.constant 0 : i32
    %c0_i32_1 = arith.constant 0 : i32
    return %c0_i32, %c0_i32_0 : i32, i32
  }
}

module attributes {stable_mosaic.version = 14 : i64} {
  func.func @body(%arg0: i32, %arg1: memref<1000x128xf32, #tpu.memory_space<vmem>>, %arg2: memref<128x768xf32, #tpu.memory_space<vmem>>, %arg3: memref<1x256xf32, #tpu.memory_space<vmem>>, %arg4: memref<8x128xf32, #tpu.memory_space<vmem>>, %arg5: memref<1x128xf32, #tpu.memory_space<vmem>>, %arg6: memref<1x128xf32, #tpu.memory_space<vmem>>, %arg7: memref<1000x128xf32, #tpu.memory_space<vmem>>, %arg8: memref<1000x256xf32, #tpu.memory_space<vmem>>, %arg9: memref<1000x128xf32, #tpu.memory_space<vmem>>) attributes {dimension_semantics = [#tpu.dimension_semantics<arbitrary>], iteration_bounds = array<i64: 10>, scalar_prefetch = 0 : i64, scratch_operands = 0 : i64, tpu.core_type = #tpu.core_type<tc>, window_params = [{transform_indices = @transform_0, window_bounds = array<i64: 1000, 128>}, {pipeline_mode = #tpu.pipeline_mode<synchronous>, transform_indices = @transform_1, window_bounds = array<i64: 128, 768>}, {pipeline_mode = #tpu.pipeline_mode<synchronous>, transform_indices = @transform_2, window_bounds = array<i64: 1, 256>}, {pipeline_mode = #tpu.pipeline_mode<synchronous>, transform_indices = @transform_3, window_bounds = array<i64: 8, 128>}, {pipeline_mode = #tpu.pipeline_mode<synchronous>, transform_indices = @transform_4, window_bounds = array<i64: 1, 128>}, {pipeline_mode = #tpu.pipeline_mode<synchronous>, transform_indices = @transform_5, window_bounds = array<i64: 1, 128>}, {transform_indices = @transform_6, window_bounds = array<i64: 1000, 128>}, {transform_indices = @transform_7, window_bounds = array<i64: 1000, 256>}, {transform_indices = @transform_8, window_bounds = array<i64: 1000, 128>}]} {
    %get3A = arith.constant 0 : index
    %get3A_0 = arith.constant 0 : index
    %get3A_1 = vector.load %arg4[%get3A, %get3A_0] : memref<8x128xf32, #tpu.memory_space<vmem>>, vector<1x128xf32>
    %get3A_2 = vector.shape_cast %get3A_1 : vector<1x128xf32> to vector<128xf32>
    %mul3A = arith.constant 9.99999974E-5 : f32
    %mul3A_3 = vector.broadcast %mul3A : f32 to vector<128xf32>
    %mul3A_4 = arith.mulf %get3A_2, %mul3A_3 : vector<128xf32>
    %get3A_5 = arith.constant 1 : index
    %get3A_6 = arith.constant 0 : index
    %get3A_7 = vector.load %arg4[%get3A_5, %get3A_6] : memref<8x128xf32, #tpu.memory_space<vmem>>, vector<1x128xf32>
    %get3A_8 = vector.shape_cast %get3A_7 : vector<1x128xf32> to vector<128xf32>
    %mul3A_9 = arith.constant 9.99999974E-5 : f32
    %mul3A_10 = vector.broadcast %mul3A_9 : f32 to vector<128xf32>
    %mul3A_11 = arith.mulf %get3A_8, %mul3A_10 : vector<128xf32>
    %mul3A_12 = arith.mulf %mul3A_4, %mul3A_4 : vector<128xf32>
    %sub3A = arith.subf %mul3A_11, %mul3A_12 : vector<128xf32>
    %max3A = arith.constant 0.000000e+00 : f32
    %max3A_13 = vector.broadcast %max3A : f32 to vector<128xf32>
    %max3A_14 = arith.maximumf %sub3A, %max3A_13 : vector<128xf32>
    %add3A = arith.constant 9.99999974E-6 : f32
    %add3A_15 = vector.broadcast %add3A : f32 to vector<128xf32>
    %add3A_16 = arith.addf %max3A_14, %add3A_15 : vector<128xf32>
    %rsqrt3A = math.rsqrt %add3A_16 : vector<128xf32>
    %get3A_17 = arith.constant 0 : index
    %get3A_18 = arith.constant 0 : index
    %get3A_19 = vector.load %arg5[%get3A_17, %get3A_18] : memref<1x128xf32, #tpu.memory_space<vmem>>, vector<1x128xf32>
    %get3A_20 = vector.shape_cast %get3A_19 : vector<1x128xf32> to vector<128xf32>
    %mul3A_21 = arith.mulf %rsqrt3A, %get3A_20 : vector<128xf32>
    %get3A_22 = arith.constant 0 : index
    %get3A_23 = arith.constant 0 : index
    %get3A_24 = vector.load %arg1[%get3A_22, %get3A_23] : memref<1000x128xf32, #tpu.memory_space<vmem>>, vector<1000x128xf32>
    %broadcast_in_dim3A = vector.shape_cast %mul3A_4 : vector<128xf32> to vector<1x128xf32>
    %sub3A_25 = vector.broadcast %broadcast_in_dim3A : vector<1x128xf32> to vector<1000x128xf32>
    %sub3A_26 = arith.subf %get3A_24, %sub3A_25 : vector<1000x128xf32>
    %broadcast_in_dim3A_27 = vector.shape_cast %mul3A_21 : vector<128xf32> to vector<1x128xf32>
    %mul3A_28 = vector.broadcast %broadcast_in_dim3A_27 : vector<1x128xf32> to vector<1000x128xf32>
    %mul3A_29 = arith.mulf %sub3A_26, %mul3A_28 : vector<1000x128xf32>
    %get3A_30 = arith.constant 0 : index
    %get3A_31 = arith.constant 0 : index
    %get3A_32 = vector.load %arg6[%get3A_30, %get3A_31] : memref<1x128xf32, #tpu.memory_space<vmem>>, vector<1x128xf32>
    %get3A_33 = vector.shape_cast %get3A_32 : vector<1x128xf32> to vector<128xf32>
    %broadcast_in_dim3A_34 = vector.shape_cast %get3A_33 : vector<128xf32> to vector<1x128xf32>
    %add3A_35 = vector.broadcast %broadcast_in_dim3A_34 : vector<1x128xf32> to vector<1000x128xf32>
    %add3A_36 = arith.addf %mul3A_29, %add3A_35 : vector<1000x128xf32>
    %get3A_37 = arith.constant 0 : index
    %get3A_38 = arith.constant 0 : index
    %get3A_39 = vector.load %arg2[%get3A_37, %get3A_38] : memref<128x768xf32, #tpu.memory_space<vmem>>, vector<128x768xf32>
    %dot_general3A = arith.constant dense<0.000000e+00> : vector<1000x768xf32>
    %dot_general3A_40 = tpu.matmul %add3A_36, %get3A_39, %dot_general3A {dimension_numbers = #tpu.dot_dimension_numbers<[1], [0], [0], [1], [0, 0, 1, 1], [], []>, transpose_lhs_hint = false} : vector<1000x128xf32>, vector<128x768xf32>, vector<1000x768xf32> -> vector<1000x768xf32>
    %slice3A = vector.extract_strided_slice %dot_general3A_40 {offsets = [0, 128], sizes = [1000, 128], strides = [1, 1]} : vector<1000x768xf32> to vector<1000x128xf32>
    %get3A_41 = arith.constant 0 : index
    %get3A_42 = arith.constant 0 : index
    %get3A_43 = vector.load %arg3[%get3A_41, %get3A_42] : memref<1x256xf32, #tpu.memory_space<vmem>>, vector<1x128xf32>
    %get3A_44 = vector.shape_cast %get3A_43 : vector<1x128xf32> to vector<128xf32>
    %broadcast_in_dim3A_45 = vector.shape_cast %get3A_44 : vector<128xf32> to vector<1x128xf32>
    %add3A_46 = vector.broadcast %broadcast_in_dim3A_45 : vector<1x128xf32> to vector<1000x128xf32>
    %add3A_47 = arith.addf %slice3A, %add3A_46 : vector<1000x128xf32>
    %slice3A_48 = vector.extract_strided_slice %dot_general3A_40 {offsets = [0, 256], sizes = [1000, 128], strides = [1, 1]} : vector<1000x768xf32> to vector<1000x128xf32>
    %get3A_49 = arith.constant 0 : index
    %get3A_50 = arith.constant 128 : index
    %get3A_51 = vector.load %arg3[%get3A_49, %get3A_50] : memref<1x256xf32, #tpu.memory_space<vmem>>, vector<1x128xf32>
    %get3A_52 = vector.shape_cast %get3A_51 : vector<1x128xf32> to vector<128xf32>
    %broadcast_in_dim3A_53 = vector.shape_cast %get3A_52 : vector<128xf32> to vector<1x128xf32>
    %add3A_54 = vector.broadcast %broadcast_in_dim3A_53 : vector<1x128xf32> to vector<1000x128xf32>
    %add3A_55 = arith.addf %slice3A_48, %add3A_54 : vector<1000x128xf32>
    %slice3A_56 = vector.extract_strided_slice %dot_general3A_40 {offsets = [0, 640], sizes = [1000, 128], strides = [1, 1]} : vector<1000x768xf32> to vector<1000x128xf32>
    %slice3A_57 = vector.extract_strided_slice %dot_general3A_40 {offsets = [0, 384], sizes = [1000, 128], strides = [1, 1]} : vector<1000x768xf32> to vector<1000x128xf32>
    %mul3A_58 = arith.mulf %slice3A_56, %slice3A_57 : vector<1000x128xf32>
    %slice3A_59 = vector.extract_strided_slice %dot_general3A_40 {offsets = [0, 512], sizes = [1000, 128], strides = [1, 1]} : vector<1000x768xf32> to vector<1000x128xf32>
    %add3A_60 = arith.addf %mul3A_58, %slice3A_59 : vector<1000x128xf32>
    %slice3A_61 = vector.extract_strided_slice %dot_general3A_40 {offsets = [0, 0], sizes = [1000, 128], strides = [1, 1]} : vector<1000x768xf32> to vector<1000x128xf32>
    %swap3A = arith.constant 0 : index
    %swap3A_62 = arith.constant 0 : index
    %swap3A_63 = vector.load %arg7[%swap3A, %swap3A_62] : memref<1000x128xf32, #tpu.memory_space<vmem>>, vector<1000x128xf32>
    tpu.vector_store %arg7[%swap3A, %swap3A_62], %slice3A_61 {strides = array<i32>} : memref<1000x128xf32, #tpu.memory_space<vmem>>, vector<1000x128xf32>,
    %concatenate3A = tpu.concatenate %add3A_55, %add3A_47 in 1 : vector<1000x128xf32>, vector<1000x128xf32> -> vector<1000x256xf32>
    %swap3A_64 = arith.constant 0 : index
    %swap3A_65 = arith.constant 0 : index
    %swap3A_66 = vector.load %arg8[%swap3A_64, %swap3A_65] : memref<1000x256xf32, #tpu.memory_space<vmem>>, vector<1000x256xf32>
    tpu.vector_store %arg8[%swap3A_64, %swap3A_65], %concatenate3A {strides = array<i32>} : memref<1000x256xf32, #tpu.memory_space<vmem>>, vector<1000x256xf32>,
    %swap3A_67 = arith.constant 0 : index
    %swap3A_68 = arith.constant 0 : index
    %swap3A_69 = vector.load %arg9[%swap3A_67, %swap3A_68] : memref<1000x128xf32, #tpu.memory_space<vmem>>, vector<1000x128xf32>
    tpu.vector_store %arg9[%swap3A_67, %swap3A_68], %add3A_60 {strides = array<i32>} : memref<1000x128xf32, #tpu.memory_space<vmem>>, vector<1000x128xf32>,
    return
  }
  func.func @transform_0(%arg0: i32) -> (i32, i32) {
    %c0_i32 = arith.constant 0 : i32
    %c0_i32_0 = arith.constant 0 : i32
    return %arg0, %c0_i32 : i32, i32
  }
  func.func @transform_1(%arg0: i32) -> (i32, i32) {
    %c0_i32 = arith.constant 0 : i32
    %c0_i32_0 = arith.constant 0 : i32
    %c0_i32_1 = arith.constant 0 : i32
    return %c0_i32, %c0_i32_0 : i32, i32
  }
  func.func @transform_2(%arg0: i32) -> (i32, i32) {
    %c0_i32 = arith.constant 0 : i32
    %c0_i32_0 = arith.constant 0 : i32
    %c0_i32_1 = arith.constant 0 : i32
    return %c0_i32, %c0_i32_0 : i32, i32
  }
  func.func @transform_3(%arg0: i32) -> (i32, i32) {
    %c0_i32 = arith.constant 0 : i32
    %c0_i32_0 = arith.constant 0 : i32
    %c0_i32_1 = arith.constant 0 : i32
    return %c0_i32, %c0_i32_0 : i32, i32
  }
  func.func @transform_4(%arg0: i32) -> (i32, i32) {
    %c0_i32 = arith.constant 0 : i32
    %c0_i32_0 = arith.constant 0 : i32
    %c0_i32_1 = arith.constant 0 : i32
    return %c0_i32, %c0_i32_0 : i32, i32
  }
  func.func @transform_5(%arg0: i32) -> (i32, i32) {
    %c0_i32 = arith.constant 0 : i32
    %c0_i32_0 = arith.constant 0 : i32
    %c0_i32_1 = arith.constant 0 : i32
    return %c0_i32, %c0_i32_0 : i32, i32
  }
  func.func @transform_6(%arg0: i32) -> (i32, i32) {
    %c0_i32 = arith.constant 0 : i32
    %c0_i32_0 = arith.constant 0 : i32
    return %arg0, %c0_i32 : i32, i32
  }
  func.func @transform_7(%arg0: i32) -> (i32, i32) {
    %c0_i32 = arith.constant 0 : i32
    %c0_i32_0 = arith.constant 0 : i32
    return %arg0, %c0_i32 : i32, i32
  }
  func.func @transform_8(%arg0: i32) -> (i32, i32) {
    %c0_i32 = arith.constant 0 : i32
    %c0_i32_0 = arith.constant 0 : i32
    return %arg0, %c0_i32 : i32, i32
  }
}

module attributes {stable_mosaic.version = 14 : i64} {
  func.func @body(%arg0: i32, %arg1: memref<1000x128xf32, #tpu.memory_space<vmem>>, %arg2: memref<2x1000x128xf32, #tpu.memory_space<vmem>>, %arg3: memref<1000x256xf32, #tpu.memory_space<vmem>>, %arg4: memref<1000x128xf32, #tpu.memory_space<vmem>>, %arg5: memref<1000x128xf32, #tpu.memory_space<vmem>>) attributes {dimension_semantics = [#tpu.dimension_semantics<arbitrary>], iteration_bounds = array<i64: 10>, scalar_prefetch = 0 : i64, scratch_operands = 0 : i64, tpu.core_type = #tpu.core_type<tc>, window_params = [{transform_indices = @transform_0, window_bounds = array<i64: 1000, 128>}, {transform_indices = @transform_1, window_bounds = array<i64: 2, 1000, 128>}, {transform_indices = @transform_2, window_bounds = array<i64: 1000, 256>}, {transform_indices = @transform_3, window_bounds = array<i64: 1000, 128>}, {transform_indices = @transform_4, window_bounds = array<i64: 1000, 128>}]} {
    %get3A = arith.constant 0 : index
    %get3A_0 = arith.constant 0 : index
    %get3A_1 = arith.constant 0 : index
    %get3A_2 = vector.load %arg2[%get3A, %get3A_0, %get3A_1] : memref<2x1000x128xf32, #tpu.memory_space<vmem>>, vector<1x1000x128xf32>
    %get3A_3 = vector.shape_cast %get3A_2 : vector<1x1000x128xf32> to vector<1000x128xf32>
    %get3A_4 = arith.constant 1 : index
    %get3A_5 = arith.constant 0 : index
    %get3A_6 = arith.constant 0 : index
    %get3A_7 = vector.load %arg2[%get3A_4, %get3A_5, %get3A_6] : memref<2x1000x128xf32, #tpu.memory_space<vmem>>, vector<1x1000x128xf32>
    %get3A_8 = vector.shape_cast %get3A_7 : vector<1x1000x128xf32> to vector<1000x128xf32>
    %add3A = arith.addf %get3A_3, %get3A_8 : vector<1000x128xf32>
    %get3A_9 = arith.constant 0 : index
    %get3A_10 = arith.constant 0 : index
    %get3A_11 = vector.load %arg4[%get3A_9, %get3A_10] : memref<1000x128xf32, #tpu.memory_space<vmem>>, vector<1000x128xf32>
    %get3A_12 = arith.constant 0 : index
    %get3A_13 = arith.constant 0 : index
    %get3A_14 = vector.load %arg3[%get3A_12, %get3A_13] : memref<1000x256xf32, #tpu.memory_space<vmem>>, vector<1000x128xf32>
    %get3A_15 = arith.constant 0 : index
    %get3A_16 = arith.constant 128 : index
    %get3A_17 = vector.load %arg3[%get3A_15, %get3A_16] : memref<1000x256xf32, #tpu.memory_space<vmem>>, vector<1000x128xf32>
    %get3A_18 = arith.constant 0 : index
    %get3A_19 = arith.constant 0 : index
    %get3A_20 = vector.load %arg1[%get3A_18, %get3A_19] : memref<1000x128xf32, #tpu.memory_space<vmem>>, vector<1000x128xf32>
    %mul3A = arith.mulf %get3A_14, %add3A : vector<1000x128xf32>
    %max3A = arith.constant 1.000000e+00 : f32
    %max3A_21 = vector.broadcast %max3A : f32 to vector<1000x128xf32>
    %max3A_22 = arith.maximumf %get3A_11, %max3A_21 : vector<1000x128xf32>
    %div3A = arith.divf %mul3A, %max3A_22 : vector<1000x128xf32>
    %add3A_23 = arith.addf %get3A_20, %div3A : vector<1000x128xf32>
    %gt3A = arith.constant 0.000000e+00 : f32
    %gt3A_24 = vector.broadcast %gt3A : f32 to vector<1000x128xf32>
    %gt3A_25 = arith.cmpf ogt, %get3A_11, %gt3A_24 : vector<1000x128xf32>
    %convert_element_type3A = arith.extui %gt3A_25 : vector<1000x128xi1> to vector<1000x128xi32>
    %convert_element_type3A_26 = arith.sitofp %convert_element_type3A : vector<1000x128xi32> to vector<1000x128xf32>
    %mul3A_27 = arith.mulf %get3A_17, %convert_element_type3A_26 : vector<1000x128xf32>
    %add3A_28 = arith.addf %add3A_23, %mul3A_27 : vector<1000x128xf32>
    %swap3A = arith.constant 0 : index
    %swap3A_29 = arith.constant 0 : index
    %swap3A_30 = vector.load %arg5[%swap3A, %swap3A_29] : memref<1000x128xf32, #tpu.memory_space<vmem>>, vector<1000x128xf32>
    tpu.vector_store %arg5[%swap3A, %swap3A_29], %add3A_28 {strides = array<i32>} : memref<1000x128xf32, #tpu.memory_space<vmem>>, vector<1000x128xf32>,
    return
  }
  func.func @transform_0(%arg0: i32) -> (i32, i32) {
    %c0_i32 = arith.constant 0 : i32
    %c0_i32_0 = arith.constant 0 : i32
    return %arg0, %c0_i32 : i32, i32
  }
  func.func @transform_1(%arg0: i32) -> (i32, i32, i32) {
    %c0_i32 = arith.constant 0 : i32
    %c0_i32_0 = arith.constant 0 : i32
    %c0_i32_1 = arith.constant 0 : i32
    return %c0_i32, %arg0, %c0_i32_0 : i32, i32, i32
  }
  func.func @transform_2(%arg0: i32) -> (i32, i32) {
    %c0_i32 = arith.constant 0 : i32
    %c0_i32_0 = arith.constant 0 : i32
    return %arg0, %c0_i32 : i32, i32
  }
  func.func @transform_3(%arg0: i32) -> (i32, i32) {
    %c0_i32 = arith.constant 0 : i32
    %c0_i32_0 = arith.constant 0 : i32
    return %arg0, %c0_i32 : i32, i32
  }
  func.func @transform_4(%arg0: i32) -> (i32, i32) {
    %c0_i32 = arith.constant 0 : i32
    %c0_i32_0 = arith.constant 0 : i32
    return %arg0, %c0_i32 : i32, i32
  }
}

</mosaic_0001>

<sc_bundles>
// kernel: kernel.11.cloned.1.call-start
scs
__scs_entry_jumppad:
0x0: {  	(pc) =	sbr.rel $0x88, $3  }
0x1: {  	(tag) =	ssettag $0x0;
	lr =	simm.s32 $0x1  }
0x2: {  	[smem:$0x3F8C] =	sst lr;
	_ =	strace $0xD0000000  }
0x3: {  	_ = 	snop  }
0x4: {  	_ = 	snop  }
0x5: {  	_ = 	snop  }
0x6: {  	_ = 	snop  }
0x7: {  	_ = 	snop  }
__scs_overlays_trampoline_lowered:
0x8: {  	[smem:$0x3F9B] =	sst s0  }
0x9: {  	[smem:$0x3F9C] =	sst s1  }
0xa: {  	[smem:$0x3F9D] =	sst s2  }
0xb: {  	[smem:$0x3F9E] =	sst s3  }
0xc: {  	[smem:$0x3F9F] =	sst s4  }
0xd: {  	[smem:$0x3FA0] =	sst s5  }
0xe: {  	[smem:$0x3FA1] =	sst s6  }
0xf: {  	[smem:$0x3FA2] =	sst s7  }
0x10: {  	[smem:$0x3FA3] =	sst s8  }
0x11: {  	[smem:$0x3FA4] =	sst s9;
	s0 =	simm.s32 @!p0 $0x0  }
0x12: {  	s1 =	sld [smem:$0x3F8A];
	s0 =	simm.s32 @p0 $0x1  }
0x13: {  	[smem:$0x3FA5] =	sst s0;
	s0 =	simm.s32 @!p1 $0x0  }
0x14: {  	s2 =	sld [smem:$0x3F89];
	s0 =	simm.s32 @p1 $0x1  }
0x15: {  	[smem:$0x3FA6] =	sst s0;
	s0 =	simm.s32 @!p2 $0x0  }
0x16: {  	s3 =	sld [smem:$0x3FDB];
	s0 =	simm.s32 @p2 $0x1  }
0x17: {  	s4 =	simm.s32 $0x1BF5;
	[smem:$0x3FA8] =	sst s0  }
0x18: {  	s0 =	sld [smem:$0x3F8B];
	_ =	swait.ge [sflag:s4], $0x0  }
0x19: {  	s7 =	sld [smem:$0x3F8C]  }
0x1a: {  	s8 =	sadd.s32 $0xFFFFE003, lr  }
0x1b: {  	s9 =	sadd.s32 $0xFFFFFEF7, lr;
	s5 =	simm.s32 $0xFFFFFFFF;
	p2 =	slt.u32 s8, $0xFFFFF086  }
0x1c: {  	p1 =	slt.u32 s9, $0xF7A;
	s5 =	simm.s32 @!p2 $0x0  }
0x1d: {  	s5 =	simm.s32 @p1 $0x1;
	p0 =	seq.s32 s7, s2  }
0x1e: {  	s7 =	smul.u32 @!p0 $0xF7A, s2;
	p2 =	seq.s32 @!p0 s5, $0x0  }
0x1f: {  	s9 =	smul.u32 $0xF7A, s1;
	s8 =	simm.s32 @!p0 $0x1BF5;
	p2 =	por !p2, p0  }
0x20: {  	[sflag:s8] =	ssyncset.s32 @!p0 $0xFFFFF086;
	s6 =	sadd.s32 @!p0 s3, s7;
	s7 =	simm.s32 @!p0 $0x108  }
0x21: {  	s3 =	sadd.s32 s3, s9;
	s6 =	sadd.s32 @!p0 $0x88, s6;
	s7 =	simm.s32 @p2 $0x1082  }
0x22: {  	[simem:s7], [sflag:s8] =	dma.local @!p0 [hbm:s6], $0xF7A  }
0x23: {  	s9 =	sor.u32 $0xD0000000, s2;
	s6 =	simm.s32 $0x108;
	_ =	swait.ge @!p0 [sflag:s8], $0x0  }
0x24: {  	s3 =	sadd.s32 $0x88, s3;
	s6 =	simm.s32 @!p1 $0x1082;
	[sflag:s4] =	ssyncset.s32 $0xFFFFF086  }
0x25: {  	[simem:s6], [sflag:s4] =	dma.local [hbm:s3], $0xF7A  }
0x26: {  	[smem:$0x3F8C] =	sst s1;
	(tag) =	ssettag s2;
	_ =	strace s9  }
0x27: {  	s1 =	sld [smem:$0x3F9C]  }
0x28: {  	s2 =	sld [smem:$0x3F9D]  }
0x29: {  	s4 =	sld [smem:$0x3F9F]  }
0x2a: {  	p0 =	seq.s32 s5, $0x0;
	s5 =	sld [smem:$0x3FA0]  }
0x2b: {  	s6 =	sld [smem:$0x3FA1]  }
0x2c: {  	s7 =	sld [smem:$0x3FA2]  }
0x2d: {  	s3 =	simm.s32 $0x108;
	s8 =	sld [smem:$0x3FA3]  }
0x2e: {  	s3 =	simm.s32 @!p0 $0x1082;
	s9 =	sld [smem:$0x3FA4]  }
0x2f: {  	lr =	sadd.s32 s0, s3;
	s0 =	sld [smem:$0x3F9B]  }
0x30: {  	s3 =	sld [smem:$0x3F9E]  }
0x31: {  	[smem:$0x3FA7] =	sst s10  }
0x32: {  	s10 =	sld [smem:$0x3FA5];
	_ =	sdelay $0x3  }
0x33: {  	p0 =	seq.s32 s10, $0x1;
	s10 =	sld [smem:$0x3FA7];
	_ =	sdelay $0x3  }
0x34: {  	[smem:$0x3FA7] =	sst s10  }
0x35: {  	s10 =	sld [smem:$0x3FA6];
	_ =	sdelay $0x3  }
0x36: {  	p1 =	seq.s32 s10, $0x1;
	s10 =	sld [smem:$0x3FA7];
	_ =	sdelay $0x3  }
0x37: {  	[smem:$0x3FA7] =	sst s10  }
0x38: {  	s10 =	sld [smem:$0x3FA8]  }
0x39: {  	_ = 	snop;
	(pc) =	sbr.ind lr, $3  }
0x3a: {  	_ = 	snop  }
0x3b: {  	_ = 	snop  }
0x3c: {  	p2 =	seq.s32 s10, $0x1;
	s10 =	sld [smem:$0x3FA7]  }
0x3d: {  	_ =	shalt  }
0x3e: {  	_ =	shalt  }
0x3f: {  	_ =	shalt  }
0x40: {  	_ =	shalt  }
0x41: {  	_ =	shalt  }
0x42: {  	_ =	shalt  }
0x43: {  	_ =	shalt  }
0x44: {  	_ =	shalt  }
0x45: {  	_ =	shalt  }
0x46: {  	_ =	shalt  }
0x47: {  	_ =	shalt  }
0x48: {  	_ =	shalt  }
0x49: {  	_ =	shalt  }
0x4a: {  	_ =	shalt  }
0x4b: {  	_ =	shalt  }
0x4c: {  	_ =	shalt  }
0x4d: {  	_ =	shalt  }
0x4e: {  	_ =	shalt  }
0x4f: {  	_ =	shalt  }
0x50: {  	_ =	shalt  }
0x51: {  	_ =	shalt  }
0x52: {  	_ =	shalt  }
0x53: {  	_ =	shalt  }
0x54: {  	_ =	shalt  }
0x55: {  	_ =	shalt  }
0x56: {  	_ =	shalt  }
0x57: {  	_ =	shalt  }
0x58: {  	_ =	shalt  }
0x59: {  	_ =	shalt  }
0x5a: {  	_ =	shalt  }
0x5b: {  	_ =	shalt  }
0x5c: {  	_ =	shalt  }
0x5d: {  	_ =	shalt  }
0x5e: {  	_ =	shalt  }
0x5f: {  	_ =	shalt  }
0x60: {  	_ =	shalt  }
0x61: {  	_ =	shalt  }
0x62: {  	_ =	shalt  }
0x63: {  	_ =	shalt  }
0x64: {  	_ =	shalt  }
0x65: {  	_ =	shalt  }
0x66: {  	_ =	shalt  }
0x67: {  	_ =	shalt  }
0x68: {  	_ =	shalt  }
0x69: {  	_ =	shalt  }
0x6a: {  	_ =	shalt  }
0x6b: {  	_ =	shalt  }
0x6c: {  	_ =	shalt  }
0x6d: {  	_ =	shalt  }
0x6e: {  	_ =	shalt  }
0x6f: {  	_ =	shalt  }
0x70: {  	_ =	shalt  }
0x71: {  	_ =	shalt  }
0x72: {  	_ =	shalt  }
0x73: {  	_ =	shalt  }
0x74: {  	_ =	shalt  }
0x75: {  	_ =	shalt  }
0x76: {  	_ =	shalt  }
0x77: {  	_ =	shalt  }
0x78: {  	_ =	shalt  }
0x79: {  	_ =	shalt  }
0x7a: {  	_ =	shalt  }
0x7b: {  	_ =	shalt  }
0x7c: {  	_ =	shalt  }
0x7d: {  	_ =	shalt  }
0x7e: {  	_ =	shalt  }
0x7f: {  	_ =	shalt  }
0x80: {  	_ =	shalt  }
0x81: {  	_ =	shalt  }
0x82: {  	_ =	shalt  }
0x83: {  	_ =	shalt  }
0x84: {  	_ =	shalt  }
0x85: {  	_ =	shalt  }
0x86: {  	_ =	shalt  }
0x87: {  	_ =	shalt  }
.Lfunc_end0:
.L_simem_size_0:
called_computation_lowered:
.L_overlay_start_0:
0x88: {  	s2 =	sld [smem:$0x3FD9]  }
0x89: {  	s3 =	sld [smem:$0x3FFE];
	_ =	sdelay $0x1  }
0x8a: {  	s1 =	srdreg.scid  }
0x8b: {  	s0 =	sand.u32 $0x1, s1  }
0x8c: {  	s16 =	sshll.u32 s0, $0xA;
	s2 =	sadd.s32 s3, s2  }
0x8d: {  	s2 =	sadd.s32 s2, s16  }
0x8e: {  	[smem:$0x3FB3] =	sst s2  }
0x8f: {  	_ = 	snop  }
0x90: {  	(tm) =	ssettm $0x1  }
0x91: {  	s17 =	sld [smem:$0x3FFB];
	_ =	sdelay $0x3  }
0x92: {  	_ =	strace s17  }
0x93: {  	s2 =	sld [smem:$0x3FFC];
	_ =	sdelay $0x3  }
0x94: {  	_ =	strace s2  }
0x95: {  	s2 =	sld [smem:$0x3FFD];
	_ =	sdelay $0x3  }
0x96: {  	_ =	strace s2  }
0x97: {  	_ =	strace $0x8FFFFFFF  }
0x98: {  	s18 =	sld [smem:$0x3FDB];
	_ =	sdelay $0x1  }
0x99: {  	s19 =	simm.s32 $_scs_section_size  }
0x9a: {  	s4 =	simm.s32 $_size__tile_overlayer_lowered;
	s5 =	simm.s32 $_tile_overlayer_lowered  }
0x9b: {  	s22 =	simm.s32 $0x1BFF;
	s21 =	sshll.u32 s5, $0x1;
	s2 =	sadd.s32 s19, s18  }
0x9c: {  	s6 =	simm.s32 $0x0;
	s20 =	sshll.u32 s4, $0x1;
	s4 =	sadd.s32 s21, s2  }
0x9d: {  	[timem:s6], [sflag:s22] =	dma.local [hbm:s4], s20  }
0x9e: {  	_ =	swait.ge [sflag:s22], s20  }
0x9f: {  	s3 =	ssub.s32 $0x0, s20;
	[sflag:s22] =	ssyncset.done $0x0  }
0xa0: {  	[sflag:s22] =	ssyncadd.s32 s3;
	_ =	sdelay $0x1  }
0xa1: {  	s23 =	simm.s32 $0x1B8B  }
0xa2: {  	_ =	swait.ge [sflag:s23], $0x1  }
0xa3: {  	[sflag:s23] =	ssyncset.done $0x0  }
0xa4: {  	s25 =	simm.s32 $0x1B8E;
	s24 =	sld [smem:$0x3FFE];
	[sflag:s23] =	ssyncadd.s32 $0xFFFFFFFF  }
0xa5: {  	s26 =	simm.s32 $execute0_lowered;
	[smem:$0x3FD2] =	sst s25  }
0xa6: {  	s4 =	sshll.u32 s26, $0x1;
	_ =	strace $0x80000046;
	[dreg:$0x1] =	wrdreg $0xFFFFFFFF  }
0xa7: {  	s28 =	simm.s32 $_size_execute0_lowered;
	s2 =	sadd.s32 s2, s4;
	[dreg:$0x0] =	wrdreg $0x0  }
0xa8: {  	s4 =	sshll.u32 s28, $0x1;
	[dreg:$0x2] =	wrdreg s2  }
0xa9: {  	[dreg:$0x3] =	wrdreg s4  }
0xaa: {  	[dreg:$0x4] =	wrdreg $0xC0  }
0xab: {  	_ =	task [dreg:s6], $0x5FFFF  }
0xac: {  	[dreg:$0x1] =	wrdreg $0xFFFFFFFF  }
0xad: {  	[dreg:$0x0] =	wrdreg $0x60  }
0xae: {  	[dreg:$0x2] =	wrdreg s24  }
0xaf: {  	[dreg:$0x3] =	wrdreg $0x193200  }
0xb0: {  	[dreg:$0x4] =	wrdreg $0xEE200  }
0xb1: {  	[dreg:$0x5] =	wrdreg $0x9  }
0xb2: {  	_ =	task.clear_ibuf [dreg:s6], $0x6FFFF;
	_ =	strace $0x90000046  }
0xb3: {  	s29 =	simm.s32 $0x9;
	_ =	strace $0x80000048  }
0xb4: {  	_ =	swait.ge [sflag:s29], $0x1  }
0xb5: {  	[sflag:s29] =	ssyncadd.s32 $0xFFFFFFFF  }
0xb6: {  	_ =	strace $0x90000048  }
0xb7: {  	_ =	sfence  }
0xb8: {  	s30 =	sld [smem:$0x0];
	_ =	sdelay $0x2  }
0xb9: {  	s31 =	sshll.u32 s1, $0xD;
	s1 =	sshrl.u32 s1, $0x2  }
0xba: {  	s3 =	sand.u32 $0x4000, s31;
	s1 =	sadd.s32 s1, s30  }
0xbb: {  	s0 =	sor.u32 s3, s0;
	s1 =	sshll.u32 s1, $0x11  }
0xbc: {  	s0 =	sor.u32 s1, s0  }
0xbd: {  	s0 =	sadd.s32 $0x8F2B, s0  }
0xbe: {  	[sflag:s0] =	ssyncadd.remote.s32 $0x1  }
0xbf: {  	_ =	sfence.sel $0xFFFF  }
0xc0: {  	[dreg:$0x0] =	wrdreg $0xFFFFFFFF;
	(pc) =	sbr.abs _section_cstart, $3  }
0xc1: {  	[dreg:$0x1] =	wrdreg $0xFFFFFFFF  }
0xc2: {  	_ =	task.clear_ibuf [dreg:s6], $0x2FFFF;
	_ =	strace $0x9FFFFFFF  }
0xc3: {  	(tm) =	ssettm $0x7FFFFFFF  }
tec
execute0_lowered:
.L_overlay_start_1:
0x0: {  	(tag) =	ssettag $0x1  }
0x1: {  	s0 =	srdreg.scid;
	s1 =	rddreg [dreg:$0x0]  }
0x2: {  	s2 =	rddreg [dreg:$0x1];
	s14 =	stileid.u32  }
0x3: {  	s3 =	rddreg [dreg:$0x2];
	s5 =	simm.s32 $0x0;
	s17 =	simm.s32 $0x9  }
0x4: {  	s29 =	simm.s32 $0x1;
	s30 =	simm.s32 $0x3;
	s31 =	simm.s32 $0xC620  }
0x5: {  	s0 =	sand.u32 $0x1, s0;
	[smem:$0x7FF] =	sst s5;
	s9 =	smul.u32 $0xA000, s14  }
0x6: {  	s5 =	sadd.s32 $0x68200, s1;
	s6 =	sadd.s32 $0x54800, s1;
	s11 =	smul.u32 $0x2800, s14  }
0x7: {  	s7 =	sadd.s32 $0x6400, s1;
	s8 =	sadd.s32 $0x2D600, s1;
	s13 =	sadd.s32 $0x8F800, s1  }
0x8: {  	s20 =	sadd.s32 $0x90C00, s1;
	s26 =	sshll.u32 s14, $0x6;
	s4 =	sshll.u32 s0, $0x4  }
0x9: {  	_ =	strace $0x80000047;
	s10 =	smul.u32 $0xA0000, s0;
	[dreg:$0x4] =	wrdreg s13  }
0xa: {  	s12 =	smul.u32 $0x28000, s0;
	[dreg:$0x5] =	wrdreg s20;
	s0 =	ssub.s32 $0x2, s0  }
0xb: {  	s19 =	sor.u32 $0x1C09, s26;
	s26 =	simm.s32 $0x6;
	s4 =	sor.u32 s14, s4  }
0xc: {  	s21 =	sshrl.u32 s0, $0x1;
	s23 =	sadd.s32 s11, s2;
	s4 =	smul.u32 $0x4E2, s4  }
0xd: {  	s10 =	sadd.s32 s9, s10;
	s12 =	sadd.s32 s11, s12;
	s0 =	ssub.s32 s0, s21  }
0xe: {  	s9 =	sadd.s32 s9, s3;
	s28 =	sshrl.u32 s23, $0x3;
	s23 =	simm.s32 $0x4E20  }
0xf: {  	s10 =	sshrl.u32 s10, $0x3;
	s12 =	sshrl.u32 s12, $0x3;
	s0 =	smax.u32 s0, $0x1  }
0x10: {  	[dreg:$0xc] =	wrdreg s28;
	s21 =	sshrl.u32 s9, $0x3;
	s4 =	sadd.s32 s4, s1  }
0x11: {  	s10 =	sadd.s32 s10, s1;
	[dreg:$0xb] =	wrdreg s0;
	s22 =	sadd.s32 $0x85A00, s4  }
0x12: {  	s1 =	sadd.s32 s12, s1;
	s4 =	sadd.s32 $0x7BC00, s4;
	[dreg:$0x6] =	wrdreg s22  }
.Ltmp0:
0x13: {  	s24 =	sadd.s32 $0xC3200, s10;
	[dreg:$0x7] =	wrdreg s4;
	(pc) =	sbr.rel .LBB2_1-.Ltmp0, $4  }
0x14: {  	s0 =	simm.s32 $0x2;
	s1 =	sadd.s32 $0x91200, s1;
	[dreg:$0x8] =	wrdreg s24  }
0x15: {  	s12 =	simm.s32 $0x0;
	s25 =	sadd.s32 $0x9B200, s10;
	[dreg:$0x9] =	wrdreg s1  }
0x16: {  	v0 =	vimm.f32 $0.0e+00;
	vm0 =	vcmask $0x300;
	s10 =	simm.s32 $0xDA20;
	[dreg:$0xa] =	wrdreg s25;
	s22 =	simm.s32 $0x50  }
0x17: {  	v0 =	vsel vm0, $0x3F800000, v0;
	s24 =	simm.s32 $0x7620;
	s1 =	simm.s32 $0x18E20;
	s4 =	simm.s32 $0x4  }
.LBB2_15:
0x18: {  	s9 =	simm.s32 $0x4DD0  }
0x19: {  	[spmem:s3] =	stream.indirect.scatter.add.f32 [tilespmem:s31], [sflag:$0x5], $0x40, s9, s22, $0xb8;
	[tilespmem:$0x1BB20] =	vst v63  }
.LBB2_21:
0x1a: {  	s9 =	simm.s32 $0x5  }
0x1b: {  	_ =	swait.ge [sflag:s9], $0x1400  }
0x1c: {  	[sflag:s9] =	ssyncset.done $0x0  }
0x1d: {  	[sflag:s9] =	ssyncadd.s32 $0xFFFFEC00  }
0x1e: {  	_ =	swait.ge [sflag:s26], $0x1400  }
0x1f: {  	[sflag:s26] =	ssyncset.done $0x0  }
0x20: {  	[sflag:s26] =	ssyncadd.s32 $0xFFFFEC00  }
0x21: {  	[bflag:$0x0] =	sbarrier.arrive $0xFFFF  }
0x22: {  	s25 =	rddreg [dreg:$0xa]  }
0x23: {  	[hbm:s25], [sflag:s19] =	dma.local [spmem:s21], $0x1400  }
0x24: {  	_ =	swait.ge [sflag:s17], $0x1400  }
0x25: {  	s12 =	sadd.s32 $0x1, s12;
	s28 =	rddreg [dreg:$0xb]  }
0x26: {  	p0 =	sne.s32 s12, s28  }
.Ltmp1:
0x27: {  	_ = 	snop;
	(pc) =	sbr.rel @!p0 .LBB2_22-.Ltmp1, $3  }
0x28: {  	_ =	sdelay $0x1  }
0x29: {  	[sflag:s17] =	ssyncset.done $0x0  }
0x2a: {  	[sflag:s17] =	ssyncadd.s32 $0xFFFFEC00  }
.LBB2_1:
0x2b: {  	s9 =	simm.s32 $0x0;
	s11 =	rddreg [dreg:$0x6]  }
0x2c: {  	[tilespmem:s9], [sflag:$0x9] =	stream.linear.gather [hbm4b:s11+s9], $0x2710, $0x38;
	[tilespmem:$0x1BB20] =	vst v63  }
0x2d: {  	_ =	swait.ge [sflag:s17], $0x2710  }
0x2e: {  	[sflag:s17] =	ssyncset.done $0x0  }
0x2f: {  	s13 =	simm.s32 $0x2710;
	s20 =	rddreg [dreg:$0x7];
	[sflag:s17] =	ssyncadd.s32 $0xFFFFD8F0  }
0x30: {  	[tilespmem:s13], [sflag:$0x9] =	stream.linear.gather [hbm4b:s20+s9], $0x2710, $0x38;
	[tilespmem:$0x1BB20] =	vst v63  }
0x31: {  	_ =	swait.ge [sflag:s17], $0x2710  }
0x32: {  	[sflag:s17] =	ssyncset.done $0x0;
	s25 =	rddreg [dreg:$0x5]  }
0x33: {  	s28 =	rddreg [dreg:$0xc];
	[sflag:s17] =	ssyncadd.s32 $0xFFFFD8F0  }
0x34: {  	[spmem:s28], [sflag:s19] =	dma.local [hbm:s25], $0x500  }
0x35: {  	_ =	swait.ge [sflag:s17], $0x500  }
0x36: {  	[sflag:s17] =	ssyncset.done $0x0  }
0x37: {  	s11 =	simm.s32 $0x0;
	s9 =	simm.s32 $0x40;
	[sflag:s17] =	ssyncadd.s32 $0xFFFFFB00  }
.LBB2_2:
0x38: {  	p0 =	sne.s32 s9, $0x13C0;
	[tilespmem:s11+$0x18E20] =	vst v0;
	s11 =	smov.u32 s9;
	s9 =	sadd.s32 $0x40, s9  }
.Ltmp2:
0x39: {  	(pc) =	sbr.rel @p0 .LBB2_2-.Ltmp2, $2  }
0x3a: {  	_ =	sdelay $0x2  }
0x3b: {  	s11 =	sshra.s32 s11, $0x2  }
0x3c: {  	[tilespmem:s11+$0x18E20] =	vst v0;
	s9 =	rddreg [dreg:$0x4]  }
0x3d: {  	[spmem:s21], [sflag:s19] =	dma.local [hbm:s9], $0x1400  }
0x3e: {  	_ =	swait.ge [sflag:s17], $0x1400  }
0x3f: {  	[sflag:s17] =	ssyncset.done $0x0  }
0x40: {  	[sflag:s17] =	ssyncadd.s32 $0xFFFFEC00  }
0x41: {  	s13 =	simm.s32 $0x0;
	[bflag:$0x0] =	sbarrier.arrive $0xFFFF  }
0x42: {  	[tilespmem:s23], [sflag:$0x1] =	stream.indirect.gather [hbm4b:s5+s22], $0x40, s13, s22, $0xb8;
	[tilespmem:$0x1BB20] =	vst v63  }
0x43: {  	s18 =	simm.s32 $0x2710  }
0x44: {  	[tilespmem:s24], [sflag:$0x3] =	stream.indirect.gather [hbm4b:s7+s22], $0x80, s18, s22, $0xb8;
	[tilespmem:$0x1BB20] =	vst v63  }
.Ltmp3:
0x45: {  	_ = 	snop;
	(pc) =	sbr.rel .LBB2_4-.Ltmp3, $4  }
0x46: {  	s20 =	simm.s32 $0x6220  }
0x47: {  	[tilespmem:s20], [sflag:$0x2] =	stream.indirect.gather [hbm4b:s5+s22], $0x40, s22, s22, $0xb8;
	[tilespmem:$0x1BB20] =	vst v63  }
0x48: {  	s25 =	simm.s32 $0x2760;
	s28 =	simm.s32 $0x9E20  }
0x49: {  	[tilespmem:s28], [sflag:$0x4] =	stream.indirect.gather [hbm4b:s7+s22], $0x80, s25, s22, $0xb8;
	[tilespmem:$0x1BB20] =	vst v63  }
.LBB2_10:
0x4a: {  	s13 =	sadd.s32 $0x1, s13  }
0x4b: {  	p0 =	sne.s32 s13, $0x3F  }
.Ltmp4:
0x4c: {  	_ = 	snop;
	(pc) =	sbr.rel @!p0 .LBB2_11-.Ltmp4, $1  }
0x4d: {  	_ =	sdelay $0x3  }
.LBB2_4:
0x4e: {  	_ =	swait.ge [sflag:s29], $0x1400  }
0x4f: {  	[sflag:s29] =	ssyncset.done $0x0  }
0x50: {  	[sflag:s29] =	ssyncadd.s32 $0xFFFFEC00  }
0x51: {  	_ =	swait.ge [sflag:s30], $0x2800  }
0x52: {  	p0 =	seq.s32 s13, $0x0;
	[sflag:s30] =	ssyncset.done $0x0  }
0x53: {  	s9 =	simm.s32 @!p0 $0x5;
	[sflag:s30] =	ssyncadd.s32 $0xFFFFD800  }
0x54: {  	_ =	swait.ge @!p0 [sflag:s9], $0x1400  }
0x55: {  	[sflag:s9] =	ssyncset.done @!p0 $0x0  }
0x56: {  	[sflag:s9] =	ssyncadd.s32 @!p0 $0xFFFFEC00;
	s9 =	simm.s32 @!p0 $0x7  }
0x57: {  	_ =	swait.ge @!p0 [sflag:s9], $0x500  }
0x58: {  	[sflag:s9] =	ssyncset.done @!p0 $0x0  }
0x59: {  	s14 =	simm.s32 $0x7720;
	[sflag:s9] =	ssyncadd.s32 @!p0 $0xFFFFFB00  }
0x5a: {  	s16 =	simm.s32 $0x4EA0;
	v1 =	vld [tilespmem:s14+$0x80]  }
0x5b: {  	v2 =	vld [tilespmem:s16+$0x40];
	_ =	sdelay $0x1  }
0x5c: {  	v3 =	vld [tilespmem:s14+$0xC0];
	_ =	sdelay $0x2  }
0x5d: {  	v1 =	vmul.f32 v2, v1;
	_ =	sdelay $0x1  }
0x5e: {  	v4 =	vld [tilespmem:s14+$0xFFFFFF00];
	v1 =	vadd.f32 v1, v3  }
0x5f: {  	v5 =	vld [tilespmem:s14+$0xFFFFFF40]  }
0x60: {  	s15 =	simm.s32 $0xC6A0;
	v7 =	vld [tilespmem:s16+$0xFFFFFFC0];
	v1 =	vmax.f32 v1, $0.0e+00  }
0x61: {  	v2 =	vld [tilespmem:s16+$0xFFFFFF80];
	[tilespmem:s15+$0x40] =	vst v1  }
0x62: {  	v1 =	vld [tilespmem:s14+$0x90]  }
0x63: {  	v6 =	vld [tilespmem:s16+$0x50]  }
0x64: {  	v3 =	vld [tilespmem:s14+$0xFFFFFF80]  }
0x65: {  	v8 =	vld [tilespmem:s14+$0xD0]  }
0x66: {  	v2 =	vmul.f32 v2, v4  }
0x67: {  	v4 =	vld [tilespmem:s14+$0xFFFFFFC0]  }
0x68: {  	v9 =	vld [tilespmem:s14+$0x0];
	v2 =	vadd.f32 v2, v5;
	v1 =	vmul.f32 v6, v1  }
0x69: {  	v5 =	vld [tilespmem:s16+$0x0]  }
0x6a: {  	v3 =	vmul.f32 v7, v3;
	v2 =	vmax.f32 v2, $0.0e+00;
	v1 =	vadd.f32 v1, v8  }
0x6b: {  	[tilespmem:s15+$0xFFFFFF80] =	vst v2;
	v6 =	vld [tilespmem:s14+$0x40]  }
0x6c: {  	v2 =	vadd.f32 v3, v4;
	v3 =	vld [tilespmem:s14+$0xFFFFFF10];
	v1 =	vmax.f32 v1, $0.0e+00  }
0x6d: {  	v4 =	vld [tilespmem:s16+$0xFFFFFF90];
	[tilespmem:s15+$0x50] =	vst v1  }
0x6e: {  	v2 =	vmax.f32 v2, $0.0e+00;
	v1 =	vmul.f32 v5, v9;
	v5 =	vld [tilespmem:s14+$0xA0]  }
0x6f: {  	[tilespmem:s15+$0xFFFFFFC0] =	vst v2;
	v2 =	vld [tilespmem:s16+$0x60]  }
0x70: {  	v8 =	vld [tilespmem:s16+$0xFFFFFFD0];
	v1 =	vadd.f32 v1, v6  }
0x71: {  	v7 =	vld [tilespmem:s14+$0xE0]  }
0x72: {  	v6 =	vld [tilespmem:s14+$0xFFFFFF90];
	v1 =	vmax.f32 v1, $0.0e+00  }
0x73: {  	[tilespmem:s15+$0x0] =	vst v1;
	v1 =	vld [tilespmem:s14+$0xFFFFFF50]  }
0x74: {  	v62 =	vld [tilespmem:s14+$0x10];
	v2 =	vmul.f32 v2, v5  }
0x75: {  	v5 =	vld [tilespmem:s16+$0x10]  }
0x76: {  	v3 =	vmul.f32 v4, v3;
	v4 =	vld [tilespmem:s14+$0xFFFFFFD0];
	v2 =	vadd.f32 v2, v7  }
0x77: {  	v7 =	vld [tilespmem:s14+$0x50]  }
0x78: {  	v1 =	vadd.f32 v3, v1;
	v2 =	vmax.f32 v2, $0.0e+00  }
0x79: {  	v3 =	vmul.f32 v8, v6;
	[tilespmem:s15+$0x60] =	vst v2  }
0x7a: {  	v5 =	vmul.f32 v5, v62;
	v1 =	vmax.f32 v1, $0.0e+00;
	v2 =	vld [tilespmem:s14+$0xB0]  }
0x7b: {  	v3 =	vadd.f32 v3, v4;
	[tilespmem:s15+$0xFFFFFF90] =	vst v1;
	v1 =	vld [tilespmem:s16+$0x70]  }
0x7c: {  	v4 =	vadd.f32 v5, v7;
	v5 =	vld [tilespmem:s14+$0xF0]  }
0x7d: {  	v6 =	vld [tilespmem:s14+$0xFFFFFF20];
	v3 =	vmax.f32 v3, $0.0e+00  }
0x7e: {  	v7 =	vld [tilespmem:s16+$0xFFFFFFA0];
	[tilespmem:s15+$0xFFFFFFD0] =	vst v3  }
0x7f: {  	v3 =	vmax.f32 v4, $0.0e+00;
	v8 =	vld [tilespmem:s14+$0xFFFFFFA0]  }
0x80: {  	[tilespmem:s15+$0x10] =	vst v3;
	v63 =	vld [tilespmem:s16+$0xFFFFFFE0];
	v3 =	vmul.f32 v1, v2  }
0x81: {  	v1 =	vld [tilespmem:s14+$0x20]  }
0x82: {  	v2 =	vld [tilespmem:s16+$0x20];
	v5 =	vadd.f32 v3, v5  }
0x83: {  	v3 =	vld [tilespmem:s14+$0xFFFFFF60]  }
0x84: {  	s18 =	sshll.u32 s13, $0x1;
	s20 =	simm.s32 $0x7920;
	v4 =	vld [tilespmem:s14+$0xFFFFFFE0];
	v10 =	vmax.f32 v5, $0.0e+00  }
0x85: {  	s11 =	simm.s32 $0x4EA0;
	s28 =	simm.s32 $0xC6A0;
	s9 =	simm.s32 $0x0;
	v6 =	vmul.f32 v7, v6;
	v7 =	vmul.f32 v63, v8;
	v5 =	vld [tilespmem:s14+$0x60];
	[tilespmem:s15+$0x70] =	vst v10  }
.LBB2_5:
0x86: {  	v8 =	vld [tilespmem:s20+$0x80];
	s16 =	sadd.s32 $0x100, s16  }
0x87: {  	v9 =	vld [tilespmem:s16+$0x40];
	v1 =	vmul.f32 v2, v1  }
0x88: {  	v2 =	vld [tilespmem:s16+$0xFFFFFF80];
	v3 =	vadd.f32 v6, v3  }
0x89: {  	v6 =	vld [tilespmem:s20+$0xC0];
	v4 =	vadd.f32 v7, v4  }
0x8a: {  	s9 =	sadd.s32 $0x4, s9;
	v7 =	vld [tilespmem:s20+$0xFFFFFF80];
	v3 =	vmax.f32 v3, $0.0e+00;
	v1 =	vadd.f32 v1, v5  }
0x8b: {  	p1 =	slt.u32 s9, $0x4C;
	v5 =	vld [tilespmem:s16+$0xFFFFFFC0];
	[tilespmem:s15+$0xFFFFFFA0] =	vst v3;
	v3 =	vmax.f32 v4, $0.0e+00  }
0x8c: {  	v4 =	vld [tilespmem:s20+$0x0];
	v8 =	vmul.f32 v9, v8;
	[tilespmem:s15+$0xFFFFFFE0] =	vst v3;
	v1 =	vmax.f32 v1, $0.0e+00  }
0x8d: {  	v3 =	vld [tilespmem:s16+$0x0];
	[tilespmem:s15+$0x20] =	vst v1  }
0x8e: {  	v1 =	vld [tilespmem:s20+$0xFFFFFF00];
	v6 =	vadd.f32 v8, v6  }
0x8f: {  	v8 =	vld [tilespmem:s20+$0xFFFFFF40]  }
0x90: {  	s15 =	sadd.s32 $0x100, s15;
	v9 =	vld [tilespmem:s20+$0xFFFFFFC0];
	v5 =	vmul.f32 v5, v7;
	v6 =	vmax.f32 v6, $0.0e+00  }
0x91: {  	v7 =	vld [tilespmem:s20+$0x40];
	[tilespmem:s15+$0x40] =	vst v6  }
0x92: {  	v3 =	vmul.f32 v3, v4;
	v4 =	vld [tilespmem:s20+$0x90]  }
0x93: {  	v1 =	vmul.f32 v2, v1;
	v2 =	vld [tilespmem:s16+$0x50]  }
0x94: {  	v6 =	vld [tilespmem:s14+$0xFFFFFF30]  }
0x95: {  	v1 =	vadd.f32 v1, v8;
	v5 =	vadd.f32 v5, v9;
	v8 =	vld [tilespmem:s20+$0xD0]  }
0x96: {  	v3 =	vadd.f32 v3, v7;
	v7 =	vld [tilespmem:s11+$0xFFFFFFB0]  }
0x97: {  	v1 =	vmax.f32 v1, $0.0e+00;
	v5 =	vmax.f32 v5, $0.0e+00;
	v9 =	vld [tilespmem:s14+$0xFFFFFFB0]  }
0x98: {  	[tilespmem:s15+$0xFFFFFF80] =	vst v1;
	v1 =	vmax.f32 v3, $0.0e+00;
	v2 =	vmul.f32 v2, v4;
	v3 =	vld [tilespmem:s11+$0xFFFFFFF0]  }
0x99: {  	v4 =	vld [tilespmem:s20+$0xFFFFFF10];
	[tilespmem:s15+$0xFFFFFFC0] =	vst v5  }
0x9a: {  	v5 =	vld [tilespmem:s16+$0xFFFFFF90];
	[tilespmem:s15+$0x0] =	vst v1;
	v1 =	vadd.f32 v2, v8  }
0x9b: {  	v2 =	vld [tilespmem:s20+$0xFFFFFF90];
	v6 =	vmul.f32 v7, v6  }
0x9c: {  	v7 =	vld [tilespmem:s16+$0xFFFFFFD0];
	v1 =	vmax.f32 v1, $0.0e+00  }
0x9d: {  	v8 =	vld [tilespmem:s20+$0x10];
	[tilespmem:s15+$0x50] =	vst v1;
	v1 =	vmul.f32 v3, v9  }
0x9e: {  	v3 =	vld [tilespmem:s20+$0xA0]  }
0x9f: {  	v4 =	vmul.f32 v5, v4;
	v5 =	vld [tilespmem:s16+$0x60]  }
0xa0: {  	v9 =	vld [tilespmem:s16+$0x10]  }
0xa1: {  	v2 =	vmul.f32 v7, v2;
	v7 =	vld [tilespmem:s20+$0xE0]  }
0xa2: {  	v10 =	vld [tilespmem:s20+$0xFFFFFF50]  }
0xa3: {  	v11 =	vld [tilespmem:s20+$0xFFFFFFD0]  }
0xa4: {  	v12 =	vld [tilespmem:s20+$0x50];
	v3 =	vmul.f32 v5, v3  }
0xa5: {  	v5 =	vmul.f32 v9, v8;
	v8 =	vld [tilespmem:s14+$0x30]  }
0xa6: {  	v3 =	vadd.f32 v3, v7;
	v7 =	vld [tilespmem:s11+$0x30];
	s11 =	smov.u32 s16  }
0xa7: {  	v4 =	vadd.f32 v4, v10;
	v9 =	vld [tilespmem:s14+$0xFFFFFF70]  }
0xa8: {  	v2 =	vadd.f32 v2, v11;
	v3 =	vmax.f32 v3, $0.0e+00;
	v10 =	vld [tilespmem:s14+$0xFFFFFFF0]  }
0xa9: {  	v4 =	vmax.f32 v4, $0.0e+00;
	v5 =	vadd.f32 v5, v12;
	[tilespmem:s15+$0x60] =	vst v3;
	v3 =	vld [tilespmem:s14+$0x70];
	s14 =	smov.u32 s20  }
0xaa: {  	[tilespmem:s15+$0xFFFFFF90] =	vst v4;
	v2 =	vmax.f32 v2, $0.0e+00;
	v4 =	vld [tilespmem:s20+$0xB0]  }
0xab: {  	[tilespmem:s15+$0xFFFFFFD0] =	vst v2;
	v2 =	vmax.f32 v5, $0.0e+00;
	v5 =	vld [tilespmem:s16+$0x70];
	v7 =	vmul.f32 v7, v8  }
0xac: {  	v8 =	vld [tilespmem:s20+$0xFFFFFF20];
	[tilespmem:s15+$0x10] =	vst v2;
	v2 =	vadd.f32 v6, v9  }
0xad: {  	v6 =	vld [tilespmem:s20+$0xF0];
	v1 =	vadd.f32 v1, v10  }
0xae: {  	v9 =	vld [tilespmem:s16+$0xFFFFFFA0];
	v2 =	vmax.f32 v2, $0.0e+00;
	v3 =	vadd.f32 v7, v3  }
0xaf: {  	v7 =	vld [tilespmem:s20+$0xFFFFFFA0];
	[tilespmem:s28+$0xFFFFFFB0] =	vst v2;
	v1 =	vmax.f32 v1, $0.0e+00  }
0xb0: {  	v10 =	vld [tilespmem:s16+$0xFFFFFFE0];
	v4 =	vmul.f32 v5, v4;
	[tilespmem:s28+$0xFFFFFFF0] =	vst v1;
	v2 =	vmax.f32 v3, $0.0e+00  }
.Ltmp5:
0xb1: {  	v1 =	vld [tilespmem:s20+$0x20];
	[tilespmem:s28+$0x30] =	vst v2;
	s28 =	smov.u32 s15;
	(pc) =	sbr.rel @p1 .LBB2_5-.Ltmp5, $4  }
0xb2: {  	v2 =	vld [tilespmem:s16+$0x20];
	v5 =	vadd.f32 v4, v6  }
0xb3: {  	v3 =	vld [tilespmem:s20+$0xFFFFFF60];
	v6 =	vmul.f32 v9, v8  }
0xb4: {  	v4 =	vld [tilespmem:s20+$0xFFFFFFE0];
	v8 =	vmax.f32 v5, $0.0e+00  }
0xb5: {  	s20 =	sadd.s32 $0x200, s20;
	v7 =	vmul.f32 v10, v7;
	v5 =	vld [tilespmem:s14+$0x60];
	[tilespmem:s15+$0x70] =	vst v8  }
0xb6: {  	_ =	sdelay $0x1  }
0xb7: {  	v3 =	vadd.f32 v6, v3;
	_ =	sdelay $0x1  }
0xb8: {  	v1 =	vmul.f32 v2, v1;
	v2 =	vadd.f32 v7, v4;
	v3 =	vmax.f32 v3, $0.0e+00  }
0xb9: {  	[tilespmem:s15+$0xFFFFFFA0] =	vst v3  }
0xba: {  	v2 =	vmax.f32 v2, $0.0e+00;
	v3 =	vld [tilespmem:s14+$0xFFFFFF30]  }
0xbb: {  	v1 =	vadd.f32 v1, v5;
	[tilespmem:s15+$0xFFFFFFE0] =	vst v2;
	v2 =	vld [tilespmem:s11+$0xFFFFFFB0]  }
0xbc: {  	v63 =	vld [tilespmem:s14+$0xFFFFFF70]  }
0xbd: {  	v1 =	vmax.f32 v1, $0.0e+00;
	v60 =	vld [tilespmem:s14+$0xFFFFFFB0]  }
0xbe: {  	[tilespmem:s15+$0x20] =	vst v1;
	v1 =	vld [tilespmem:s11+$0xFFFFFFF0]  }
0xbf: {  	v61 =	vld [tilespmem:s14+$0x30]  }
0xc0: {  	v62 =	vld [tilespmem:s11+$0x30]  }
0xc1: {  	v8 =	vld [tilespmem:s14+$0xFFFFFFF0]  }
0xc2: {  	v9 =	vld [tilespmem:s14+$0x70]  }
0xc3: {  	v2 =	vmul.f32 v2, v3  }
0xc4: {  	v1 =	vmul.f32 v1, v60  }
0xc5: {  	v3 =	vmul.f32 v62, v61;
	v2 =	vadd.f32 v2, v63  }
0xc6: {  	v1 =	vadd.f32 v1, v8  }
0xc7: {  	p1 =	seq.s32 s13, $0x3E;
	v2 =	vmax.f32 v2, $0.0e+00;
	v3 =	vadd.f32 v3, v9  }
0xc8: {  	s9 =	smul.u32 @!p1 $0xA0, s13;
	[tilespmem:s28+$0xFFFFFFB0] =	vst v2;
	v1 =	vmax.f32 v1, $0.0e+00  }
0xc9: {  	[tilespmem:s28+$0xFFFFFFF0] =	vst v1;
	v1 =	vmax.f32 v3, $0.0e+00  }
0xca: {  	s15 =	simm.s32 @!p1 $0x4E20;
	s11 =	sadd.s32 @!p1 $0xA0, s9;
	s14 =	simm.s32 @!p1 $0x50;
	[tilespmem:s28+$0x30] =	vst v1  }
0xcb: {  	[tilespmem:s15], [sflag:$0x1] =	stream.indirect.gather @!p1 [hbm4b:s5+s14], $0x40, s11, s14, $0xb8;
	[tilespmem:$0x1BB20] =	vst v63  }
0xcc: {  	s9 =	sadd.s32 @!p1 $0x27B0, s9;
	s11 =	simm.s32 @!p1 $0x7620  }
0xcd: {  	[tilespmem:s11], [sflag:$0x3] =	stream.indirect.gather @!p1 [hbm4b:s7+s14], $0x80, s9, s14, $0xb8;
	[tilespmem:$0x1BB20] =	vst v63  }
0xce: {  	s25 =	smul.u32 $0x280, s13;
	s14 =	sor.u32 $0x1, s18  }
0xcf: {  	p1 =	sgt.u32 s14, $0x7C  }
.Ltmp6:
0xd0: {  	s28 =	sshra.s32 s25, $0x2;
	(pc) =	sbr.rel @p1 .LBB2_10-.Ltmp6, $4  }
0xd1: {  	s9 =	sadd.s32 $0x2710, s28  }
0xd2: {  	[spmem:s3] =	stream.indirect.scatter.add.f32 [tilespmem:s31], [sflag:$0x5], $0x40, s9, s22, $0xb8;
	[tilespmem:$0x1BB20] =	vst v63  }
0xd3: {  	_ = 	snop  }
0xd4: {  	[spmem:s2] =	stream.indirect.scatter.add.f32 [tilespmem:s1], [sflag:$0x7], $0x10, s9, s22, $0xb8;
	[tilespmem:$0x1BB20] =	vst v63  }
0xd5: {  	_ =	swait.ge [sflag:s0], $0x1400  }
0xd6: {  	[sflag:s0] =	ssyncset.done $0x0  }
0xd7: {  	[sflag:s0] =	ssyncadd.s32 $0xFFFFEC00  }
0xd8: {  	_ =	swait.ge [sflag:s4], $0x2800  }
0xd9: {  	[sflag:s4] =	ssyncset.done $0x0  }
0xda: {  	s9 =	simm.s32 @!p0 $0x6;
	[sflag:s4] =	ssyncadd.s32 $0xFFFFD800  }
0xdb: {  	_ =	swait.ge @!p0 [sflag:s9], $0x1400  }
0xdc: {  	[sflag:s9] =	ssyncset.done @!p0 $0x0  }
0xdd: {  	[sflag:s9] =	ssyncadd.s32 @!p0 $0xFFFFEC00;
	s9 =	simm.s32 @!p0 $0x8  }
0xde: {  	_ =	swait.ge @!p0 [sflag:s9], $0x500  }
0xdf: {  	[sflag:s9] =	ssyncset.done @!p0 $0x0  }
0xe0: {  	s15 =	simm.s32 $0xA010;
	[sflag:s9] =	ssyncadd.s32 @!p0 $0xFFFFFB00  }
0xe1: {  	s18 =	simm.s32 $0x6310;
	v1 =	vld [tilespmem:s15+$0xFFFFFF90]  }
0xe2: {  	v2 =	vld [tilespmem:s18+$0xFFFFFFD0];
	_ =	sdelay $0x1  }
0xe3: {  	v3 =	vld [tilespmem:s15+$0xFFFFFFD0];
	_ =	sdelay $0x2  }
0xe4: {  	v1 =	vmul.f32 v2, v1;
	_ =	sdelay $0x1  }
0xe5: {  	v4 =	vld [tilespmem:s15+$0xFFFFFE10];
	v1 =	vadd.f32 v1, v3  }
0xe6: {  	v5 =	vld [tilespmem:s15+$0xFFFFFE50]  }
0xe7: {  	s16 =	simm.s32 $0xDB10;
	v7 =	vld [tilespmem:s18+$0xFFFFFF50];
	v1 =	vmax.f32 v1, $0.0e+00  }
0xe8: {  	v2 =	vld [tilespmem:s18+$0xFFFFFF10];
	[tilespmem:s16+$0xFFFFFFD0] =	vst v1  }
0xe9: {  	v1 =	vld [tilespmem:s15+$0xFFFFFFA0]  }
0xea: {  	v6 =	vld [tilespmem:s18+$0xFFFFFFE0]  }
0xeb: {  	v3 =	vld [tilespmem:s15+$0xFFFFFE90]  }
0xec: {  	v8 =	vld [tilespmem:s15+$0xFFFFFFE0]  }
0xed: {  	v2 =	vmul.f32 v2, v4  }
0xee: {  	v4 =	vld [tilespmem:s15+$0xFFFFFED0]  }
0xef: {  	v9 =	vld [tilespmem:s15+$0xFFFFFF10];
	v2 =	vadd.f32 v2, v5;
	v1 =	vmul.f32 v6, v1  }
0xf0: {  	v5 =	vld [tilespmem:s18+$0xFFFFFF90]  }
0xf1: {  	v3 =	vmul.f32 v7, v3;
	v2 =	vmax.f32 v2, $0.0e+00;
	v1 =	vadd.f32 v1, v8  }
0xf2: {  	[tilespmem:s16+$0xFFFFFF10] =	vst v2;
	v6 =	vld [tilespmem:s15+$0xFFFFFF50]  }
0xf3: {  	v2 =	vadd.f32 v3, v4;
	v3 =	vld [tilespmem:s15+$0xFFFFFE20];
	v1 =	vmax.f32 v1, $0.0e+00  }
0xf4: {  	v4 =	vld [tilespmem:s18+$0xFFFFFF20];
	[tilespmem:s16+$0xFFFFFFE0] =	vst v1  }
0xf5: {  	v2 =	vmax.f32 v2, $0.0e+00;
	v1 =	vmul.f32 v5, v9;
	v5 =	vld [tilespmem:s15+$0xFFFFFFB0]  }
0xf6: {  	[tilespmem:s16+$0xFFFFFF50] =	vst v2;
	v2 =	vld [tilespmem:s18+$0xFFFFFFF0]  }
0xf7: {  	v8 =	vld [tilespmem:s18+$0xFFFFFF60];
	v1 =	vadd.f32 v1, v6  }
0xf8: {  	v7 =	vld [tilespmem:s15+$0xFFFFFFF0]  }
0xf9: {  	v6 =	vld [tilespmem:s15+$0xFFFFFEA0];
	v1 =	vmax.f32 v1, $0.0e+00  }
0xfa: {  	[tilespmem:s16+$0xFFFFFF90] =	vst v1;
	v1 =	vld [tilespmem:s15+$0xFFFFFE60]  }
0xfb: {  	v62 =	vld [tilespmem:s15+$0xFFFFFF20];
	v2 =	vmul.f32 v2, v5  }
0xfc: {  	v5 =	vld [tilespmem:s18+$0xFFFFFFA0]  }
0xfd: {  	v3 =	vmul.f32 v4, v3;
	v4 =	vld [tilespmem:s15+$0xFFFFFEE0];
	v2 =	vadd.f32 v2, v7  }
0xfe: {  	v7 =	vld [tilespmem:s15+$0xFFFFFF60]  }
0xff: {  	v1 =	vadd.f32 v3, v1;
	v2 =	vmax.f32 v2, $0.0e+00  }
0x100: {  	v3 =	vmul.f32 v8, v6;
	[tilespmem:s16+$0xFFFFFFF0] =	vst v2  }
0x101: {  	v5 =	vmul.f32 v5, v62;
	v1 =	vmax.f32 v1, $0.0e+00;
	v2 =	vld [tilespmem:s15+$0xFFFFFFC0]  }
0x102: {  	v3 =	vadd.f32 v3, v4;
	[tilespmem:s16+$0xFFFFFF20] =	vst v1;
	v1 =	vld [tilespmem:s18+$0x0]  }
0x103: {  	v4 =	vadd.f32 v5, v7;
	v5 =	vld [tilespmem:s15+$0x0]  }
0x104: {  	v6 =	vld [tilespmem:s15+$0xFFFFFE30];
	v3 =	vmax.f32 v3, $0.0e+00  }
0x105: {  	v7 =	vld [tilespmem:s18+$0xFFFFFF30];
	[tilespmem:s16+$0xFFFFFF60] =	vst v3  }
0x106: {  	v3 =	vmax.f32 v4, $0.0e+00;
	v8 =	vld [tilespmem:s15+$0xFFFFFEB0]  }
0x107: {  	[tilespmem:s16+$0xFFFFFFA0] =	vst v3;
	v63 =	vld [tilespmem:s18+$0xFFFFFF70];
	v3 =	vmul.f32 v1, v2  }
0x108: {  	v1 =	vld [tilespmem:s15+$0xFFFFFF30]  }
0x109: {  	v2 =	vld [tilespmem:s18+$0xFFFFFFB0];
	v5 =	vadd.f32 v3, v5  }
0x10a: {  	v3 =	vld [tilespmem:s15+$0xFFFFFE70]  }
0x10b: {  	s20 =	simm.s32 $0xA210;
	v4 =	vld [tilespmem:s15+$0xFFFFFEF0];
	v10 =	vmax.f32 v5, $0.0e+00  }
0x10c: {  	s11 =	simm.s32 $0x6310;
	s28 =	simm.s32 $0xDB10;
	s9 =	simm.s32 $0x0;
	v6 =	vmul.f32 v7, v6;
	v7 =	vmul.f32 v63, v8;
	v5 =	vld [tilespmem:s15+$0xFFFFFF70];
	[tilespmem:s16+$0x0] =	vst v10  }
.LBB2_8:
0x10d: {  	v8 =	vld [tilespmem:s20+$0xFFFFFF90];
	s18 =	sadd.s32 $0x100, s18  }
0x10e: {  	v9 =	vld [tilespmem:s18+$0xFFFFFFD0];
	v1 =	vmul.f32 v2, v1  }
0x10f: {  	v2 =	vld [tilespmem:s18+$0xFFFFFF10];
	v3 =	vadd.f32 v6, v3  }
0x110: {  	v6 =	vld [tilespmem:s20+$0xFFFFFFD0];
	v4 =	vadd.f32 v7, v4  }
0x111: {  	s9 =	sadd.s32 $0x4, s9;
	v7 =	vld [tilespmem:s20+$0xFFFFFE90];
	v3 =	vmax.f32 v3, $0.0e+00;
	v1 =	vadd.f32 v1, v5  }
0x112: {  	p0 =	slt.u32 s9, $0x4C;
	v5 =	vld [tilespmem:s18+$0xFFFFFF50];
	[tilespmem:s16+$0xFFFFFF30] =	vst v3;
	v3 =	vmax.f32 v4, $0.0e+00  }
0x113: {  	v4 =	vld [tilespmem:s20+$0xFFFFFF10];
	v8 =	vmul.f32 v9, v8;
	[tilespmem:s16+$0xFFFFFF70] =	vst v3;
	v1 =	vmax.f32 v1, $0.0e+00  }
0x114: {  	v3 =	vld [tilespmem:s18+$0xFFFFFF90];
	[tilespmem:s16+$0xFFFFFFB0] =	vst v1  }
0x115: {  	v1 =	vld [tilespmem:s20+$0xFFFFFE10];
	v6 =	vadd.f32 v8, v6  }
0x116: {  	v8 =	vld [tilespmem:s20+$0xFFFFFE50]  }
0x117: {  	s16 =	sadd.s32 $0x100, s16;
	v9 =	vld [tilespmem:s20+$0xFFFFFED0];
	v5 =	vmul.f32 v5, v7;
	v6 =	vmax.f32 v6, $0.0e+00  }
0x118: {  	v7 =	vld [tilespmem:s20+$0xFFFFFF50];
	[tilespmem:s16+$0xFFFFFFD0] =	vst v6  }
0x119: {  	v3 =	vmul.f32 v3, v4;
	v4 =	vld [tilespmem:s20+$0xFFFFFFA0]  }
0x11a: {  	v1 =	vmul.f32 v2, v1;
	v2 =	vld [tilespmem:s18+$0xFFFFFFE0]  }
0x11b: {  	v6 =	vld [tilespmem:s15+$0xFFFFFE40]  }
0x11c: {  	v1 =	vadd.f32 v1, v8;
	v5 =	vadd.f32 v5, v9;
	v8 =	vld [tilespmem:s20+$0xFFFFFFE0]  }
0x11d: {  	v3 =	vadd.f32 v3, v7;
	v7 =	vld [tilespmem:s11+$0xFFFFFF40]  }
0x11e: {  	v1 =	vmax.f32 v1, $0.0e+00;
	v5 =	vmax.f32 v5, $0.0e+00;
	v9 =	vld [tilespmem:s15+$0xFFFFFEC0]  }
0x11f: {  	[tilespmem:s16+$0xFFFFFF10] =	vst v1;
	v1 =	vmax.f32 v3, $0.0e+00;
	v2 =	vmul.f32 v2, v4;
	v3 =	vld [tilespmem:s11+$0xFFFFFF80]  }
0x120: {  	v4 =	vld [tilespmem:s20+$0xFFFFFE20];
	[tilespmem:s16+$0xFFFFFF50] =	vst v5  }
0x121: {  	v5 =	vld [tilespmem:s18+$0xFFFFFF20];
	[tilespmem:s16+$0xFFFFFF90] =	vst v1;
	v1 =	vadd.f32 v2, v8  }
0x122: {  	v2 =	vld [tilespmem:s20+$0xFFFFFEA0];
	v6 =	vmul.f32 v7, v6  }
0x123: {  	v7 =	vld [tilespmem:s18+$0xFFFFFF60];
	v1 =	vmax.f32 v1, $0.0e+00  }
0x124: {  	v8 =	vld [tilespmem:s20+$0xFFFFFF20];
	[tilespmem:s16+$0xFFFFFFE0] =	vst v1;
	v1 =	vmul.f32 v3, v9  }
0x125: {  	v3 =	vld [tilespmem:s20+$0xFFFFFFB0]  }
0x126: {  	v4 =	vmul.f32 v5, v4;
	v5 =	vld [tilespmem:s18+$0xFFFFFFF0]  }
0x127: {  	v9 =	vld [tilespmem:s18+$0xFFFFFFA0]  }
0x128: {  	v2 =	vmul.f32 v7, v2;
	v7 =	vld [tilespmem:s20+$0xFFFFFFF0]  }
0x129: {  	v10 =	vld [tilespmem:s20+$0xFFFFFE60]  }
0x12a: {  	v11 =	vld [tilespmem:s20+$0xFFFFFEE0]  }
0x12b: {  	v12 =	vld [tilespmem:s20+$0xFFFFFF60];
	v3 =	vmul.f32 v5, v3  }
0x12c: {  	v5 =	vmul.f32 v9, v8;
	v8 =	vld [tilespmem:s15+$0xFFFFFF40]  }
0x12d: {  	v3 =	vadd.f32 v3, v7;
	v7 =	vld [tilespmem:s11+$0xFFFFFFC0];
	s11 =	smov.u32 s18  }
0x12e: {  	v4 =	vadd.f32 v4, v10;
	v9 =	vld [tilespmem:s15+$0xFFFFFE80]  }
0x12f: {  	v2 =	vadd.f32 v2, v11;
	v3 =	vmax.f32 v3, $0.0e+00;
	v10 =	vld [tilespmem:s15+$0xFFFFFF00]  }
0x130: {  	v4 =	vmax.f32 v4, $0.0e+00;
	v5 =	vadd.f32 v5, v12;
	[tilespmem:s16+$0xFFFFFFF0] =	vst v3;
	v3 =	vld [tilespmem:s15+$0xFFFFFF80];
	s15 =	smov.u32 s20  }
0x131: {  	[tilespmem:s16+$0xFFFFFF20] =	vst v4;
	v2 =	vmax.f32 v2, $0.0e+00;
	v4 =	vld [tilespmem:s20+$0xFFFFFFC0]  }
0x132: {  	[tilespmem:s16+$0xFFFFFF60] =	vst v2;
	v2 =	vmax.f32 v5, $0.0e+00;
	v5 =	vld [tilespmem:s18+$0x0];
	v7 =	vmul.f32 v7, v8  }
0x133: {  	v8 =	vld [tilespmem:s20+$0xFFFFFE30];
	[tilespmem:s16+$0xFFFFFFA0] =	vst v2;
	v2 =	vadd.f32 v6, v9  }
0x134: {  	v6 =	vld [tilespmem:s20+$0x0];
	v1 =	vadd.f32 v1, v10  }
0x135: {  	v9 =	vld [tilespmem:s18+$0xFFFFFF30];
	v2 =	vmax.f32 v2, $0.0e+00;
	v3 =	vadd.f32 v7, v3  }
0x136: {  	v7 =	vld [tilespmem:s20+$0xFFFFFEB0];
	[tilespmem:s28+$0xFFFFFF40] =	vst v2;
	v1 =	vmax.f32 v1, $0.0e+00  }
0x137: {  	v10 =	vld [tilespmem:s18+$0xFFFFFF70];
	v4 =	vmul.f32 v5, v4;
	[tilespmem:s28+$0xFFFFFF80] =	vst v1;
	v2 =	vmax.f32 v3, $0.0e+00  }
.Ltmp7:
0x138: {  	v1 =	vld [tilespmem:s20+$0xFFFFFF30];
	[tilespmem:s28+$0xFFFFFFC0] =	vst v2;
	s28 =	smov.u32 s16;
	(pc) =	sbr.rel @p0 .LBB2_8-.Ltmp7, $4  }
0x139: {  	v2 =	vld [tilespmem:s18+$0xFFFFFFB0];
	v5 =	vadd.f32 v4, v6  }
0x13a: {  	v3 =	vld [tilespmem:s20+$0xFFFFFE70];
	v6 =	vmul.f32 v9, v8  }
0x13b: {  	v4 =	vld [tilespmem:s20+$0xFFFFFEF0];
	v8 =	vmax.f32 v5, $0.0e+00  }
0x13c: {  	s20 =	sadd.s32 $0x200, s20;
	v7 =	vmul.f32 v10, v7;
	v5 =	vld [tilespmem:s15+$0xFFFFFF70];
	[tilespmem:s16+$0x0] =	vst v8  }
0x13d: {  	_ =	sdelay $0x1  }
0x13e: {  	v3 =	vadd.f32 v6, v3;
	_ =	sdelay $0x1  }
0x13f: {  	v1 =	vmul.f32 v2, v1;
	v2 =	vadd.f32 v7, v4;
	v3 =	vmax.f32 v3, $0.0e+00  }
0x140: {  	[tilespmem:s16+$0xFFFFFF30] =	vst v3  }
0x141: {  	v2 =	vmax.f32 v2, $0.0e+00;
	v3 =	vld [tilespmem:s15+$0xFFFFFE40]  }
0x142: {  	v1 =	vadd.f32 v1, v5;
	[tilespmem:s16+$0xFFFFFF70] =	vst v2;
	v2 =	vld [tilespmem:s11+$0xFFFFFF40]  }
0x143: {  	v63 =	vld [tilespmem:s15+$0xFFFFFE80]  }
0x144: {  	v1 =	vmax.f32 v1, $0.0e+00;
	v60 =	vld [tilespmem:s15+$0xFFFFFEC0]  }
0x145: {  	[tilespmem:s16+$0xFFFFFFB0] =	vst v1;
	v1 =	vld [tilespmem:s11+$0xFFFFFF80]  }
0x146: {  	v61 =	vld [tilespmem:s15+$0xFFFFFF40]  }
0x147: {  	v62 =	vld [tilespmem:s11+$0xFFFFFFC0]  }
0x148: {  	v8 =	vld [tilespmem:s15+$0xFFFFFF00]  }
0x149: {  	v9 =	vld [tilespmem:s15+$0xFFFFFF80]  }
0x14a: {  	v2 =	vmul.f32 v2, v3  }
0x14b: {  	v1 =	vmul.f32 v1, v60  }
0x14c: {  	v3 =	vmul.f32 v62, v61;
	v2 =	vadd.f32 v2, v63  }
0x14d: {  	v1 =	vadd.f32 v1, v8  }
0x14e: {  	p0 =	sgt.u32 s13, $0x3C;
	v2 =	vmax.f32 v2, $0.0e+00;
	v3 =	vadd.f32 v3, v9  }
0x14f: {  	s9 =	smul.u32 @!p0 $0xA0, s13;
	[tilespmem:s28+$0xFFFFFF40] =	vst v2;
	v1 =	vmax.f32 v1, $0.0e+00  }
0x150: {  	[tilespmem:s28+$0xFFFFFF80] =	vst v1;
	v1 =	vmax.f32 v3, $0.0e+00  }
0x151: {  	s16 =	simm.s32 @!p0 $0x6220;
	s11 =	sadd.s32 @!p0 $0xF0, s9;
	s15 =	simm.s32 @!p0 $0x50;
	[tilespmem:s28+$0xFFFFFFC0] =	vst v1  }
0x152: {  	[tilespmem:s16], [sflag:$0x2] =	stream.indirect.gather @!p0 [hbm4b:s5+s15], $0x40, s11, s15, $0xb8;
	[tilespmem:$0x1BB20] =	vst v63  }
0x153: {  	s14 =	smul.u32 $0x140, s14;
	s9 =	sadd.s32 @!p0 $0x2800, s9;
	s11 =	simm.s32 @!p0 $0x9E20  }
0x154: {  	[tilespmem:s11], [sflag:$0x4] =	stream.indirect.gather @!p0 [hbm4b:s7+s15], $0x80, s9, s15, $0xb8;
	[tilespmem:$0x1BB20] =	vst v63  }
.Ltmp8:
0x155: {  	s28 =	sshra.s32 s14, $0x2;
	(pc) =	sbr.rel .LBB2_10-.Ltmp8, $4  }
0x156: {  	s9 =	sadd.s32 $0x2710, s28  }
0x157: {  	[spmem:s3] =	stream.indirect.scatter.add.f32 [tilespmem:s10], [sflag:$0x6], $0x40, s9, s22, $0xb8;
	[tilespmem:$0x1BB20] =	vst v63  }
0x158: {  	_ = 	snop  }
0x159: {  	[spmem:s2] =	stream.indirect.scatter.add.f32 [tilespmem:s1], [sflag:$0x8], $0x10, s9, s22, $0xb8;
	[tilespmem:$0x1BB20] =	vst v63  }
.LBB2_11:
0x15a: {  	s9 =	simm.s32 $0x5  }
0x15b: {  	_ =	swait.ge [sflag:s9], $0x1400  }
0x15c: {  	[sflag:s9] =	ssyncset.done $0x0  }
0x15d: {  	[sflag:s9] =	ssyncadd.s32 $0xFFFFEC00  }
0x15e: {  	_ =	swait.ge [sflag:s26], $0x1400  }
0x15f: {  	[sflag:s26] =	ssyncset.done $0x0  }
0x160: {  	s11 =	simm.s32 $0x7;
	[sflag:s26] =	ssyncadd.s32 $0xFFFFEC00  }
0x161: {  	_ =	swait.ge [sflag:s11], $0x500  }
0x162: {  	[sflag:s11] =	ssyncset.done $0x0  }
0x163: {  	s13 =	simm.s32 $0x8;
	[sflag:s11] =	ssyncadd.s32 $0xFFFFFB00  }
0x164: {  	_ =	swait.ge [sflag:s13], $0x500  }
0x165: {  	[sflag:s13] =	ssyncset.done $0x0  }
0x166: {  	[sflag:s13] =	ssyncadd.s32 $0xFFFFFB00  }
0x167: {  	[bflag:$0x0] =	sbarrier.arrive $0xFFFF  }
0x168: {  	s14 =	rddreg [dreg:$0x8]  }
0x169: {  	[hbm:s14], [sflag:s19] =	dma.local [spmem:s21], $0x1400  }
0x16a: {  	_ =	swait.ge [sflag:s17], $0x1400  }
0x16b: {  	[sflag:s17] =	ssyncset.done $0x0;
	s15 =	rddreg [dreg:$0x9]  }
0x16c: {  	s11 =	rddreg [dreg:$0xc];
	[sflag:s17] =	ssyncadd.s32 $0xFFFFEC00  }
0x16d: {  	[hbm:s15], [sflag:s19] =	dma.local [spmem:s11], $0x500  }
0x16e: {  	_ =	swait.ge [sflag:s17], $0x500  }
0x16f: {  	[sflag:s17] =	ssyncset.done $0x0  }
0x170: {  	s16 =	rddreg [dreg:$0x4];
	[sflag:s17] =	ssyncadd.s32 $0xFFFFFB00  }
0x171: {  	[spmem:s21], [sflag:s19] =	dma.local [hbm:s16], $0x1400  }
0x172: {  	_ =	swait.ge [sflag:s17], $0x1400  }
0x173: {  	[sflag:s17] =	ssyncset.done $0x0  }
0x174: {  	[sflag:s17] =	ssyncadd.s32 $0xFFFFEC00  }
0x175: {  	s13 =	simm.s32 $0x0;
	[bflag:$0x0] =	sbarrier.arrive $0xFFFF  }
0x176: {  	[tilespmem:s23], [sflag:$0x1] =	stream.indirect.gather [hbm4b:s6+s22], $0x40, s13, s22, $0xb8;
	[tilespmem:$0x1BB20] =	vst v63  }
0x177: {  	s18 =	simm.s32 $0x2710  }
0x178: {  	[tilespmem:s24], [sflag:$0x3] =	stream.indirect.gather [hbm4b:s8+s22], $0x80, s18, s22, $0xb8;
	[tilespmem:$0x1BB20] =	vst v63  }
.Ltmp9:
0x179: {  	_ = 	snop;
	(pc) =	sbr.rel .LBB2_12-.Ltmp9, $4  }
0x17a: {  	s20 =	simm.s32 $0x6220  }
0x17b: {  	[tilespmem:s20], [sflag:$0x2] =	stream.indirect.gather [hbm4b:s6+s22], $0x40, s22, s22, $0xb8;
	[tilespmem:$0x1BB20] =	vst v63  }
0x17c: {  	s25 =	simm.s32 $0x2760;
	s28 =	simm.s32 $0x9E20  }
0x17d: {  	[tilespmem:s28], [sflag:$0x4] =	stream.indirect.gather [hbm4b:s8+s22], $0x80, s25, s22, $0xb8;
	[tilespmem:$0x1BB20] =	vst v63  }
.LBB2_20:
0x17e: {  	s13 =	sadd.s32 $0x1, s13  }
0x17f: {  	p0 =	sne.s32 s13, $0x3F  }
.Ltmp10:
0x180: {  	_ = 	snop;
	(pc) =	sbr.rel @!p0 .LBB2_21-.Ltmp10, $1  }
0x181: {  	_ =	sdelay $0x3  }
.LBB2_12:
0x182: {  	_ =	swait.ge [sflag:s29], $0x1400  }
0x183: {  	[sflag:s29] =	ssyncset.done $0x0  }
0x184: {  	[sflag:s29] =	ssyncadd.s32 $0xFFFFEC00  }
0x185: {  	_ =	swait.ge [sflag:s30], $0x2800  }
0x186: {  	p0 =	seq.s32 s13, $0x0;
	[sflag:s30] =	ssyncset.done $0x0  }
0x187: {  	s9 =	simm.s32 @!p0 $0x5;
	[sflag:s30] =	ssyncadd.s32 $0xFFFFD800  }
0x188: {  	_ =	swait.ge @!p0 [sflag:s9], $0x1400  }
0x189: {  	[sflag:s9] =	ssyncset.done @!p0 $0x0  }
0x18a: {  	s14 =	simm.s32 $0x7720;
	[sflag:s9] =	ssyncadd.s32 @!p0 $0xFFFFEC00  }
0x18b: {  	s16 =	simm.s32 $0x4EA0;
	v1 =	vld [tilespmem:s14+$0x80]  }
0x18c: {  	v2 =	vld [tilespmem:s16+$0x40];
	_ =	sdelay $0x1  }
0x18d: {  	v3 =	vld [tilespmem:s14+$0xC0];
	_ =	sdelay $0x2  }
0x18e: {  	v1 =	vmul.f32 v2, v1;
	_ =	sdelay $0x1  }
0x18f: {  	v4 =	vld [tilespmem:s14+$0xFFFFFF00];
	v1 =	vadd.f32 v1, v3  }
0x190: {  	v5 =	vld [tilespmem:s14+$0xFFFFFF40]  }
0x191: {  	s15 =	simm.s32 $0xC6A0;
	v7 =	vld [tilespmem:s16+$0xFFFFFFC0];
	v1 =	vmax.f32 v1, $0.0e+00  }
0x192: {  	v2 =	vld [tilespmem:s16+$0xFFFFFF80];
	[tilespmem:s15+$0x40] =	vst v1  }
0x193: {  	v1 =	vld [tilespmem:s14+$0x90]  }
0x194: {  	v6 =	vld [tilespmem:s16+$0x50]  }
0x195: {  	v3 =	vld [tilespmem:s14+$0xFFFFFF80]  }
0x196: {  	v8 =	vld [tilespmem:s14+$0xD0]  }
0x197: {  	v2 =	vmul.f32 v2, v4  }
0x198: {  	v4 =	vld [tilespmem:s14+$0xFFFFFFC0]  }
0x199: {  	v9 =	vld [tilespmem:s14+$0x0];
	v2 =	vadd.f32 v2, v5;
	v1 =	vmul.f32 v6, v1  }
0x19a: {  	v5 =	vld [tilespmem:s16+$0x0]  }
0x19b: {  	v3 =	vmul.f32 v7, v3;
	v2 =	vmax.f32 v2, $0.0e+00;
	v1 =	vadd.f32 v1, v8  }
0x19c: {  	[tilespmem:s15+$0xFFFFFF80] =	vst v2;
	v6 =	vld [tilespmem:s14+$0x40]  }
0x19d: {  	v2 =	vadd.f32 v3, v4;
	v3 =	vld [tilespmem:s14+$0xFFFFFF10];
	v1 =	vmax.f32 v1, $0.0e+00  }
0x19e: {  	v4 =	vld [tilespmem:s16+$0xFFFFFF90];
	[tilespmem:s15+$0x50] =	vst v1  }
0x19f: {  	v2 =	vmax.f32 v2, $0.0e+00;
	v1 =	vmul.f32 v5, v9;
	v5 =	vld [tilespmem:s14+$0xA0]  }
0x1a0: {  	[tilespmem:s15+$0xFFFFFFC0] =	vst v2;
	v2 =	vld [tilespmem:s16+$0x60]  }
0x1a1: {  	v8 =	vld [tilespmem:s16+$0xFFFFFFD0];
	v1 =	vadd.f32 v1, v6  }
0x1a2: {  	v7 =	vld [tilespmem:s14+$0xE0]  }
0x1a3: {  	v6 =	vld [tilespmem:s14+$0xFFFFFF90];
	v1 =	vmax.f32 v1, $0.0e+00  }
0x1a4: {  	[tilespmem:s15+$0x0] =	vst v1;
	v1 =	vld [tilespmem:s14+$0xFFFFFF50]  }
0x1a5: {  	v62 =	vld [tilespmem:s14+$0x10];
	v2 =	vmul.f32 v2, v5  }
0x1a6: {  	v5 =	vld [tilespmem:s16+$0x10]  }
0x1a7: {  	v3 =	vmul.f32 v4, v3;
	v4 =	vld [tilespmem:s14+$0xFFFFFFD0];
	v2 =	vadd.f32 v2, v7  }
0x1a8: {  	v7 =	vld [tilespmem:s14+$0x50]  }
0x1a9: {  	v1 =	vadd.f32 v3, v1;
	v2 =	vmax.f32 v2, $0.0e+00  }
0x1aa: {  	v3 =	vmul.f32 v8, v6;
	[tilespmem:s15+$0x60] =	vst v2  }
0x1ab: {  	v5 =	vmul.f32 v5, v62;
	v1 =	vmax.f32 v1, $0.0e+00;
	v2 =	vld [tilespmem:s14+$0xB0]  }
0x1ac: {  	v3 =	vadd.f32 v3, v4;
	[tilespmem:s15+$0xFFFFFF90] =	vst v1;
	v1 =	vld [tilespmem:s16+$0x70]  }
0x1ad: {  	v4 =	vadd.f32 v5, v7;
	v5 =	vld [tilespmem:s14+$0xF0]  }
0x1ae: {  	v6 =	vld [tilespmem:s14+$0xFFFFFF20];
	v3 =	vmax.f32 v3, $0.0e+00  }
0x1af: {  	v7 =	vld [tilespmem:s16+$0xFFFFFFA0];
	[tilespmem:s15+$0xFFFFFFD0] =	vst v3  }
0x1b0: {  	v3 =	vmax.f32 v4, $0.0e+00;
	v8 =	vld [tilespmem:s14+$0xFFFFFFA0]  }
0x1b1: {  	[tilespmem:s15+$0x10] =	vst v3;
	v63 =	vld [tilespmem:s16+$0xFFFFFFE0];
	v3 =	vmul.f32 v1, v2  }
0x1b2: {  	v1 =	vld [tilespmem:s14+$0x20]  }
0x1b3: {  	v2 =	vld [tilespmem:s16+$0x20];
	v5 =	vadd.f32 v3, v5  }
0x1b4: {  	v3 =	vld [tilespmem:s14+$0xFFFFFF60]  }
0x1b5: {  	s18 =	sshll.u32 s13, $0x1;
	s20 =	simm.s32 $0x7920;
	v4 =	vld [tilespmem:s14+$0xFFFFFFE0];
	v10 =	vmax.f32 v5, $0.0e+00  }
0x1b6: {  	s11 =	simm.s32 $0x4EA0;
	s28 =	simm.s32 $0xC6A0;
	s9 =	simm.s32 $0x0;
	v6 =	vmul.f32 v7, v6;
	v7 =	vmul.f32 v63, v8;
	v5 =	vld [tilespmem:s14+$0x60];
	[tilespmem:s15+$0x70] =	vst v10  }
.LBB2_13:
0x1b7: {  	v8 =	vld [tilespmem:s20+$0x80];
	s16 =	sadd.s32 $0x100, s16  }
0x1b8: {  	v9 =	vld [tilespmem:s16+$0x40];
	v1 =	vmul.f32 v2, v1  }
0x1b9: {  	v2 =	vld [tilespmem:s16+$0xFFFFFF80];
	v3 =	vadd.f32 v6, v3  }
0x1ba: {  	v6 =	vld [tilespmem:s20+$0xC0];
	v4 =	vadd.f32 v7, v4  }
0x1bb: {  	s9 =	sadd.s32 $0x4, s9;
	v7 =	vld [tilespmem:s20+$0xFFFFFF80];
	v3 =	vmax.f32 v3, $0.0e+00;
	v1 =	vadd.f32 v1, v5  }
0x1bc: {  	p1 =	slt.u32 s9, $0x4C;
	v5 =	vld [tilespmem:s16+$0xFFFFFFC0];
	[tilespmem:s15+$0xFFFFFFA0] =	vst v3;
	v3 =	vmax.f32 v4, $0.0e+00  }
0x1bd: {  	v4 =	vld [tilespmem:s20+$0x0];
	v8 =	vmul.f32 v9, v8;
	[tilespmem:s15+$0xFFFFFFE0] =	vst v3;
	v1 =	vmax.f32 v1, $0.0e+00  }
0x1be: {  	v3 =	vld [tilespmem:s16+$0x0];
	[tilespmem:s15+$0x20] =	vst v1  }
0x1bf: {  	v1 =	vld [tilespmem:s20+$0xFFFFFF00];
	v6 =	vadd.f32 v8, v6  }
0x1c0: {  	v8 =	vld [tilespmem:s20+$0xFFFFFF40]  }
0x1c1: {  	s15 =	sadd.s32 $0x100, s15;
	v9 =	vld [tilespmem:s20+$0xFFFFFFC0];
	v5 =	vmul.f32 v5, v7;
	v6 =	vmax.f32 v6, $0.0e+00  }
0x1c2: {  	v7 =	vld [tilespmem:s20+$0x40];
	[tilespmem:s15+$0x40] =	vst v6  }
0x1c3: {  	v3 =	vmul.f32 v3, v4;
	v4 =	vld [tilespmem:s20+$0x90]  }
0x1c4: {  	v1 =	vmul.f32 v2, v1;
	v2 =	vld [tilespmem:s16+$0x50]  }
0x1c5: {  	v6 =	vld [tilespmem:s14+$0xFFFFFF30]  }
0x1c6: {  	v1 =	vadd.f32 v1, v8;
	v5 =	vadd.f32 v5, v9;
	v8 =	vld [tilespmem:s20+$0xD0]  }
0x1c7: {  	v3 =	vadd.f32 v3, v7;
	v7 =	vld [tilespmem:s11+$0xFFFFFFB0]  }
0x1c8: {  	v1 =	vmax.f32 v1, $0.0e+00;
	v5 =	vmax.f32 v5, $0.0e+00;
	v9 =	vld [tilespmem:s14+$0xFFFFFFB0]  }
0x1c9: {  	[tilespmem:s15+$0xFFFFFF80] =	vst v1;
	v1 =	vmax.f32 v3, $0.0e+00;
	v2 =	vmul.f32 v2, v4;
	v3 =	vld [tilespmem:s11+$0xFFFFFFF0]  }
0x1ca: {  	v4 =	vld [tilespmem:s20+$0xFFFFFF10];
	[tilespmem:s15+$0xFFFFFFC0] =	vst v5  }
0x1cb: {  	v5 =	vld [tilespmem:s16+$0xFFFFFF90];
	[tilespmem:s15+$0x0] =	vst v1;
	v1 =	vadd.f32 v2, v8  }
0x1cc: {  	v2 =	vld [tilespmem:s20+$0xFFFFFF90];
	v6 =	vmul.f32 v7, v6  }
0x1cd: {  	v7 =	vld [tilespmem:s16+$0xFFFFFFD0];
	v1 =	vmax.f32 v1, $0.0e+00  }
0x1ce: {  	v8 =	vld [tilespmem:s20+$0x10];
	[tilespmem:s15+$0x50] =	vst v1;
	v1 =	vmul.f32 v3, v9  }
0x1cf: {  	v3 =	vld [tilespmem:s20+$0xA0]  }
0x1d0: {  	v4 =	vmul.f32 v5, v4;
	v5 =	vld [tilespmem:s16+$0x60]  }
0x1d1: {  	v9 =	vld [tilespmem:s16+$0x10]  }
0x1d2: {  	v2 =	vmul.f32 v7, v2;
	v7 =	vld [tilespmem:s20+$0xE0]  }
0x1d3: {  	v10 =	vld [tilespmem:s20+$0xFFFFFF50]  }
0x1d4: {  	v11 =	vld [tilespmem:s20+$0xFFFFFFD0]  }
0x1d5: {  	v12 =	vld [tilespmem:s20+$0x50];
	v3 =	vmul.f32 v5, v3  }
0x1d6: {  	v5 =	vmul.f32 v9, v8;
	v8 =	vld [tilespmem:s14+$0x30]  }
0x1d7: {  	v3 =	vadd.f32 v3, v7;
	v7 =	vld [tilespmem:s11+$0x30];
	s11 =	smov.u32 s16  }
0x1d8: {  	v4 =	vadd.f32 v4, v10;
	v9 =	vld [tilespmem:s14+$0xFFFFFF70]  }
0x1d9: {  	v2 =	vadd.f32 v2, v11;
	v3 =	vmax.f32 v3, $0.0e+00;
	v10 =	vld [tilespmem:s14+$0xFFFFFFF0]  }
0x1da: {  	v4 =	vmax.f32 v4, $0.0e+00;
	v5 =	vadd.f32 v5, v12;
	[tilespmem:s15+$0x60] =	vst v3;
	v3 =	vld [tilespmem:s14+$0x70];
	s14 =	smov.u32 s20  }
0x1db: {  	[tilespmem:s15+$0xFFFFFF90] =	vst v4;
	v2 =	vmax.f32 v2, $0.0e+00;
	v4 =	vld [tilespmem:s20+$0xB0]  }
0x1dc: {  	[tilespmem:s15+$0xFFFFFFD0] =	vst v2;
	v2 =	vmax.f32 v5, $0.0e+00;
	v5 =	vld [tilespmem:s16+$0x70];
	v7 =	vmul.f32 v7, v8  }
0x1dd: {  	v8 =	vld [tilespmem:s20+$0xFFFFFF20];
	[tilespmem:s15+$0x10] =	vst v2;
	v2 =	vadd.f32 v6, v9  }
0x1de: {  	v6 =	vld [tilespmem:s20+$0xF0];
	v1 =	vadd.f32 v1, v10  }
0x1df: {  	v9 =	vld [tilespmem:s16+$0xFFFFFFA0];
	v2 =	vmax.f32 v2, $0.0e+00;
	v3 =	vadd.f32 v7, v3  }
0x1e0: {  	v7 =	vld [tilespmem:s20+$0xFFFFFFA0];
	[tilespmem:s28+$0xFFFFFFB0] =	vst v2;
	v1 =	vmax.f32 v1, $0.0e+00  }
0x1e1: {  	v10 =	vld [tilespmem:s16+$0xFFFFFFE0];
	v4 =	vmul.f32 v5, v4;
	[tilespmem:s28+$0xFFFFFFF0] =	vst v1;
	v2 =	vmax.f32 v3, $0.0e+00  }
.Ltmp11:
0x1e2: {  	v1 =	vld [tilespmem:s20+$0x20];
	[tilespmem:s28+$0x30] =	vst v2;
	s28 =	smov.u32 s15;
	(pc) =	sbr.rel @p1 .LBB2_13-.Ltmp11, $4  }
0x1e3: {  	v2 =	vld [tilespmem:s16+$0x20];
	v5 =	vadd.f32 v4, v6  }
0x1e4: {  	v3 =	vld [tilespmem:s20+$0xFFFFFF60];
	v6 =	vmul.f32 v9, v8  }
0x1e5: {  	v4 =	vld [tilespmem:s20+$0xFFFFFFE0];
	v8 =	vmax.f32 v5, $0.0e+00  }
0x1e6: {  	s20 =	sadd.s32 $0x200, s20;
	v7 =	vmul.f32 v10, v7;
	v5 =	vld [tilespmem:s14+$0x60];
	[tilespmem:s15+$0x70] =	vst v8  }
0x1e7: {  	_ =	sdelay $0x1  }
0x1e8: {  	v3 =	vadd.f32 v6, v3;
	_ =	sdelay $0x1  }
0x1e9: {  	v1 =	vmul.f32 v2, v1;
	v2 =	vadd.f32 v7, v4;
	v3 =	vmax.f32 v3, $0.0e+00  }
0x1ea: {  	[tilespmem:s15+$0xFFFFFFA0] =	vst v3  }
0x1eb: {  	v2 =	vmax.f32 v2, $0.0e+00;
	v3 =	vld [tilespmem:s14+$0xFFFFFF30]  }
0x1ec: {  	v1 =	vadd.f32 v1, v5;
	[tilespmem:s15+$0xFFFFFFE0] =	vst v2;
	v2 =	vld [tilespmem:s11+$0xFFFFFFB0]  }
0x1ed: {  	v63 =	vld [tilespmem:s14+$0xFFFFFF70]  }
0x1ee: {  	v1 =	vmax.f32 v1, $0.0e+00;
	v60 =	vld [tilespmem:s14+$0xFFFFFFB0]  }
0x1ef: {  	[tilespmem:s15+$0x20] =	vst v1;
	v1 =	vld [tilespmem:s11+$0xFFFFFFF0]  }
0x1f0: {  	v61 =	vld [tilespmem:s14+$0x30]  }
0x1f1: {  	v62 =	vld [tilespmem:s11+$0x30]  }
0x1f2: {  	v8 =	vld [tilespmem:s14+$0xFFFFFFF0]  }
0x1f3: {  	v9 =	vld [tilespmem:s14+$0x70]  }
0x1f4: {  	v2 =	vmul.f32 v2, v3  }
0x1f5: {  	v1 =	vmul.f32 v1, v60  }
0x1f6: {  	p1 =	sne.s32 s13, $0x3E;
	v3 =	vmul.f32 v62, v61;
	v2 =	vadd.f32 v2, v63  }
.Ltmp12:
0x1f7: {  	v1 =	vadd.f32 v1, v8;
	(pc) =	sbr.rel @!p1 .LBB2_15-.Ltmp12, $4  }
0x1f8: {  	v2 =	vmax.f32 v2, $0.0e+00;
	v3 =	vadd.f32 v3, v9  }
0x1f9: {  	[tilespmem:s28+$0xFFFFFFB0] =	vst v2;
	v1 =	vmax.f32 v1, $0.0e+00  }
0x1fa: {  	[tilespmem:s28+$0xFFFFFFF0] =	vst v1;
	v1 =	vmax.f32 v3, $0.0e+00  }
0x1fb: {  	[tilespmem:s28+$0x30] =	vst v1  }
0x1fc: {  	s14 =	smul.u32 $0xA0, s13  }
0x1fd: {  	s15 =	sor.u32 $0x1, s18  }
0x1fe: {  	s11 =	smul.u32 $0x280, s13;
	p1 =	sgt.u32 s15, $0x7C;
	s9 =	sadd.s32 $0xA0, s14  }
0x1ff: {  	[tilespmem:s23], [sflag:$0x1] =	stream.indirect.gather [hbm4b:s6+s22], $0x40, s9, s22, $0xb8;
	[tilespmem:$0x1BB20] =	vst v63  }
.Ltmp13:
0x200: {  	_ = 	snop;
	(pc) =	sbr.rel @p1 .LBB2_20-.Ltmp13, $4  }
0x201: {  	s25 =	sadd.s32 $0x27B0, s14;
	s28 =	sshra.s32 s11, $0x2  }
0x202: {  	[tilespmem:s24], [sflag:$0x3] =	stream.indirect.gather [hbm4b:s8+s22], $0x80, s25, s22, $0xb8;
	[tilespmem:$0x1BB20] =	vst v63  }
0x203: {  	s9 =	sadd.s32 $0x2710, s28  }
0x204: {  	[spmem:s3] =	stream.indirect.scatter.add.f32 [tilespmem:s31], [sflag:$0x5], $0x40, s9, s22, $0xb8;
	[tilespmem:$0x1BB20] =	vst v63  }
0x205: {  	_ =	swait.ge [sflag:s0], $0x1400  }
0x206: {  	[sflag:s0] =	ssyncset.done $0x0  }
0x207: {  	[sflag:s0] =	ssyncadd.s32 $0xFFFFEC00  }
0x208: {  	_ =	swait.ge [sflag:s4], $0x2800  }
0x209: {  	[sflag:s4] =	ssyncset.done $0x0  }
0x20a: {  	s9 =	simm.s32 @!p0 $0x6;
	[sflag:s4] =	ssyncadd.s32 $0xFFFFD800  }
0x20b: {  	_ =	swait.ge @!p0 [sflag:s9], $0x1400  }
0x20c: {  	[sflag:s9] =	ssyncset.done @!p0 $0x0  }
0x20d: {  	s16 =	simm.s32 $0xA010;
	[sflag:s9] =	ssyncadd.s32 @!p0 $0xFFFFEC00  }
0x20e: {  	s28 =	simm.s32 $0x6310;
	v1 =	vld [tilespmem:s16+$0xFFFFFF90]  }
0x20f: {  	v2 =	vld [tilespmem:s28+$0xFFFFFFD0];
	_ =	sdelay $0x1  }
0x210: {  	v3 =	vld [tilespmem:s16+$0xFFFFFFD0];
	_ =	sdelay $0x2  }
0x211: {  	v1 =	vmul.f32 v2, v1;
	_ =	sdelay $0x1  }
0x212: {  	v4 =	vld [tilespmem:s16+$0xFFFFFE10];
	v1 =	vadd.f32 v1, v3  }
0x213: {  	v5 =	vld [tilespmem:s16+$0xFFFFFE50]  }
0x214: {  	s18 =	simm.s32 $0xDB10;
	v7 =	vld [tilespmem:s28+$0xFFFFFF50];
	v1 =	vmax.f32 v1, $0.0e+00  }
0x215: {  	v2 =	vld [tilespmem:s28+$0xFFFFFF10];
	[tilespmem:s18+$0xFFFFFFD0] =	vst v1  }
0x216: {  	v1 =	vld [tilespmem:s16+$0xFFFFFFA0]  }
0x217: {  	v6 =	vld [tilespmem:s28+$0xFFFFFFE0]  }
0x218: {  	v3 =	vld [tilespmem:s16+$0xFFFFFE90]  }
0x219: {  	v8 =	vld [tilespmem:s16+$0xFFFFFFE0]  }
0x21a: {  	v2 =	vmul.f32 v2, v4  }
0x21b: {  	v4 =	vld [tilespmem:s16+$0xFFFFFED0]  }
0x21c: {  	v9 =	vld [tilespmem:s16+$0xFFFFFF10];
	v2 =	vadd.f32 v2, v5;
	v1 =	vmul.f32 v6, v1  }
0x21d: {  	v5 =	vld [tilespmem:s28+$0xFFFFFF90]  }
0x21e: {  	v3 =	vmul.f32 v7, v3;
	v2 =	vmax.f32 v2, $0.0e+00;
	v1 =	vadd.f32 v1, v8  }
0x21f: {  	[tilespmem:s18+$0xFFFFFF10] =	vst v2;
	v6 =	vld [tilespmem:s16+$0xFFFFFF50]  }
0x220: {  	v2 =	vadd.f32 v3, v4;
	v3 =	vld [tilespmem:s16+$0xFFFFFE20];
	v1 =	vmax.f32 v1, $0.0e+00  }
0x221: {  	v4 =	vld [tilespmem:s28+$0xFFFFFF20];
	[tilespmem:s18+$0xFFFFFFE0] =	vst v1  }
0x222: {  	v2 =	vmax.f32 v2, $0.0e+00;
	v1 =	vmul.f32 v5, v9;
	v5 =	vld [tilespmem:s16+$0xFFFFFFB0]  }
0x223: {  	[tilespmem:s18+$0xFFFFFF50] =	vst v2;
	v2 =	vld [tilespmem:s28+$0xFFFFFFF0]  }
0x224: {  	v8 =	vld [tilespmem:s28+$0xFFFFFF60];
	v1 =	vadd.f32 v1, v6  }
0x225: {  	v7 =	vld [tilespmem:s16+$0xFFFFFFF0]  }
0x226: {  	v6 =	vld [tilespmem:s16+$0xFFFFFEA0];
	v1 =	vmax.f32 v1, $0.0e+00  }
0x227: {  	[tilespmem:s18+$0xFFFFFF90] =	vst v1;
	v1 =	vld [tilespmem:s16+$0xFFFFFE60]  }
0x228: {  	v62 =	vld [tilespmem:s16+$0xFFFFFF20];
	v2 =	vmul.f32 v2, v5  }
0x229: {  	v5 =	vld [tilespmem:s28+$0xFFFFFFA0]  }
0x22a: {  	v3 =	vmul.f32 v4, v3;
	v4 =	vld [tilespmem:s16+$0xFFFFFEE0];
	v2 =	vadd.f32 v2, v7  }
0x22b: {  	v7 =	vld [tilespmem:s16+$0xFFFFFF60]  }
0x22c: {  	v1 =	vadd.f32 v3, v1;
	v2 =	vmax.f32 v2, $0.0e+00  }
0x22d: {  	v3 =	vmul.f32 v8, v6;
	[tilespmem:s18+$0xFFFFFFF0] =	vst v2  }
0x22e: {  	v5 =	vmul.f32 v5, v62;
	v1 =	vmax.f32 v1, $0.0e+00;
	v2 =	vld [tilespmem:s16+$0xFFFFFFC0]  }
0x22f: {  	v3 =	vadd.f32 v3, v4;
	[tilespmem:s18+$0xFFFFFF20] =	vst v1;
	v1 =	vld [tilespmem:s28+$0x0]  }
0x230: {  	v4 =	vadd.f32 v5, v7;
	v5 =	vld [tilespmem:s16+$0x0]  }
0x231: {  	v6 =	vld [tilespmem:s16+$0xFFFFFE30];
	v3 =	vmax.f32 v3, $0.0e+00  }
0x232: {  	v7 =	vld [tilespmem:s28+$0xFFFFFF30];
	[tilespmem:s18+$0xFFFFFF60] =	vst v3  }
0x233: {  	v3 =	vmax.f32 v4, $0.0e+00;
	v8 =	vld [tilespmem:s16+$0xFFFFFEB0]  }
0x234: {  	[tilespmem:s18+$0xFFFFFFA0] =	vst v3;
	v63 =	vld [tilespmem:s28+$0xFFFFFF70];
	v3 =	vmul.f32 v1, v2  }
0x235: {  	v1 =	vld [tilespmem:s16+$0xFFFFFF30]  }
0x236: {  	v2 =	vld [tilespmem:s28+$0xFFFFFFB0];
	v5 =	vadd.f32 v3, v5  }
0x237: {  	v3 =	vld [tilespmem:s16+$0xFFFFFE70]  }
0x238: {  	s20 =	simm.s32 $0x0;
	v4 =	vld [tilespmem:s16+$0xFFFFFEF0];
	v10 =	vmax.f32 v5, $0.0e+00  }
0x239: {  	s25 =	simm.s32 $0xA210;
	s11 =	simm.s32 $0xDB10;
	s9 =	simm.s32 $0x6310;
	v6 =	vmul.f32 v7, v6;
	v7 =	vmul.f32 v63, v8;
	v5 =	vld [tilespmem:s16+$0xFFFFFF70];
	[tilespmem:s18+$0x0] =	vst v10  }
.LBB2_18:
0x23a: {  	v8 =	vld [tilespmem:s25+$0xFFFFFF90];
	s28 =	sadd.s32 $0x100, s28  }
0x23b: {  	v9 =	vld [tilespmem:s28+$0xFFFFFFD0];
	v1 =	vmul.f32 v2, v1  }
0x23c: {  	v2 =	vld [tilespmem:s28+$0xFFFFFF10];
	v3 =	vadd.f32 v6, v3  }
0x23d: {  	v6 =	vld [tilespmem:s25+$0xFFFFFFD0];
	v4 =	vadd.f32 v7, v4  }
0x23e: {  	s20 =	sadd.s32 $0x4, s20;
	v7 =	vld [tilespmem:s25+$0xFFFFFE90];
	v3 =	vmax.f32 v3, $0.0e+00;
	v1 =	vadd.f32 v1, v5  }
0x23f: {  	p0 =	slt.u32 s20, $0x4C;
	v5 =	vld [tilespmem:s28+$0xFFFFFF50];
	[tilespmem:s18+$0xFFFFFF30] =	vst v3;
	v3 =	vmax.f32 v4, $0.0e+00  }
0x240: {  	v4 =	vld [tilespmem:s25+$0xFFFFFF10];
	v8 =	vmul.f32 v9, v8;
	[tilespmem:s18+$0xFFFFFF70] =	vst v3;
	v1 =	vmax.f32 v1, $0.0e+00  }
0x241: {  	v3 =	vld [tilespmem:s28+$0xFFFFFF90];
	[tilespmem:s18+$0xFFFFFFB0] =	vst v1  }
0x242: {  	v1 =	vld [tilespmem:s25+$0xFFFFFE10];
	v6 =	vadd.f32 v8, v6  }
0x243: {  	v8 =	vld [tilespmem:s25+$0xFFFFFE50]  }
0x244: {  	s18 =	sadd.s32 $0x100, s18;
	v9 =	vld [tilespmem:s25+$0xFFFFFED0];
	v5 =	vmul.f32 v5, v7;
	v6 =	vmax.f32 v6, $0.0e+00  }
0x245: {  	v7 =	vld [tilespmem:s25+$0xFFFFFF50];
	[tilespmem:s18+$0xFFFFFFD0] =	vst v6  }
0x246: {  	v3 =	vmul.f32 v3, v4;
	v4 =	vld [tilespmem:s25+$0xFFFFFFA0]  }
0x247: {  	v1 =	vmul.f32 v2, v1;
	v2 =	vld [tilespmem:s28+$0xFFFFFFE0]  }
0x248: {  	v6 =	vld [tilespmem:s16+$0xFFFFFE40]  }
0x249: {  	v1 =	vadd.f32 v1, v8;
	v5 =	vadd.f32 v5, v9;
	v8 =	vld [tilespmem:s25+$0xFFFFFFE0]  }
0x24a: {  	v3 =	vadd.f32 v3, v7;
	v7 =	vld [tilespmem:s9+$0xFFFFFF40]  }
0x24b: {  	v1 =	vmax.f32 v1, $0.0e+00;
	v5 =	vmax.f32 v5, $0.0e+00;
	v9 =	vld [tilespmem:s16+$0xFFFFFEC0]  }
0x24c: {  	[tilespmem:s18+$0xFFFFFF10] =	vst v1;
	v1 =	vmax.f32 v3, $0.0e+00;
	v2 =	vmul.f32 v2, v4;
	v3 =	vld [tilespmem:s9+$0xFFFFFF80]  }
0x24d: {  	v4 =	vld [tilespmem:s25+$0xFFFFFE20];
	[tilespmem:s18+$0xFFFFFF50] =	vst v5  }
0x24e: {  	v5 =	vld [tilespmem:s28+$0xFFFFFF20];
	[tilespmem:s18+$0xFFFFFF90] =	vst v1;
	v1 =	vadd.f32 v2, v8  }
0x24f: {  	v2 =	vld [tilespmem:s25+$0xFFFFFEA0];
	v6 =	vmul.f32 v7, v6  }
0x250: {  	v7 =	vld [tilespmem:s28+$0xFFFFFF60];
	v1 =	vmax.f32 v1, $0.0e+00  }
0x251: {  	v8 =	vld [tilespmem:s25+$0xFFFFFF20];
	[tilespmem:s18+$0xFFFFFFE0] =	vst v1;
	v1 =	vmul.f32 v3, v9  }
0x252: {  	v3 =	vld [tilespmem:s25+$0xFFFFFFB0]  }
0x253: {  	v4 =	vmul.f32 v5, v4;
	v5 =	vld [tilespmem:s28+$0xFFFFFFF0]  }
0x254: {  	v9 =	vld [tilespmem:s28+$0xFFFFFFA0]  }
0x255: {  	v2 =	vmul.f32 v7, v2;
	v7 =	vld [tilespmem:s25+$0xFFFFFFF0]  }
0x256: {  	v10 =	vld [tilespmem:s25+$0xFFFFFE60]  }
0x257: {  	v11 =	vld [tilespmem:s25+$0xFFFFFEE0]  }
0x258: {  	v12 =	vld [tilespmem:s25+$0xFFFFFF60];
	v3 =	vmul.f32 v5, v3  }
0x259: {  	v5 =	vmul.f32 v9, v8;
	v8 =	vld [tilespmem:s16+$0xFFFFFF40]  }
0x25a: {  	v3 =	vadd.f32 v3, v7;
	v7 =	vld [tilespmem:s9+$0xFFFFFFC0];
	s9 =	smov.u32 s28  }
0x25b: {  	v4 =	vadd.f32 v4, v10;
	v9 =	vld [tilespmem:s16+$0xFFFFFE80]  }
0x25c: {  	v2 =	vadd.f32 v2, v11;
	v3 =	vmax.f32 v3, $0.0e+00;
	v10 =	vld [tilespmem:s16+$0xFFFFFF00]  }
0x25d: {  	v4 =	vmax.f32 v4, $0.0e+00;
	v5 =	vadd.f32 v5, v12;
	[tilespmem:s18+$0xFFFFFFF0] =	vst v3;
	v3 =	vld [tilespmem:s16+$0xFFFFFF80];
	s16 =	smov.u32 s25  }
0x25e: {  	[tilespmem:s18+$0xFFFFFF20] =	vst v4;
	v2 =	vmax.f32 v2, $0.0e+00;
	v4 =	vld [tilespmem:s25+$0xFFFFFFC0]  }
0x25f: {  	[tilespmem:s18+$0xFFFFFF60] =	vst v2;
	v2 =	vmax.f32 v5, $0.0e+00;
	v5 =	vld [tilespmem:s28+$0x0];
	v7 =	vmul.f32 v7, v8  }
0x260: {  	v8 =	vld [tilespmem:s25+$0xFFFFFE30];
	[tilespmem:s18+$0xFFFFFFA0] =	vst v2;
	v2 =	vadd.f32 v6, v9  }
0x261: {  	v6 =	vld [tilespmem:s25+$0x0];
	v1 =	vadd.f32 v1, v10  }
0x262: {  	v9 =	vld [tilespmem:s28+$0xFFFFFF30];
	v2 =	vmax.f32 v2, $0.0e+00;
	v3 =	vadd.f32 v7, v3  }
0x263: {  	v7 =	vld [tilespmem:s25+$0xFFFFFEB0];
	[tilespmem:s11+$0xFFFFFF40] =	vst v2;
	v1 =	vmax.f32 v1, $0.0e+00  }
0x264: {  	v10 =	vld [tilespmem:s28+$0xFFFFFF70];
	v4 =	vmul.f32 v5, v4;
	[tilespmem:s11+$0xFFFFFF80] =	vst v1;
	v2 =	vmax.f32 v3, $0.0e+00  }
.Ltmp14:
0x265: {  	v1 =	vld [tilespmem:s25+$0xFFFFFF30];
	[tilespmem:s11+$0xFFFFFFC0] =	vst v2;
	s11 =	smov.u32 s18;
	(pc) =	sbr.rel @p0 .LBB2_18-.Ltmp14, $4  }
0x266: {  	v2 =	vld [tilespmem:s28+$0xFFFFFFB0];
	v5 =	vadd.f32 v4, v6  }
0x267: {  	v3 =	vld [tilespmem:s25+$0xFFFFFE70];
	v6 =	vmul.f32 v9, v8  }
0x268: {  	v4 =	vld [tilespmem:s25+$0xFFFFFEF0];
	v8 =	vmax.f32 v5, $0.0e+00  }
0x269: {  	s25 =	sadd.s32 $0x200, s25;
	v7 =	vmul.f32 v10, v7;
	v5 =	vld [tilespmem:s16+$0xFFFFFF70];
	[tilespmem:s18+$0x0] =	vst v8  }
0x26a: {  	_ =	sdelay $0x1  }
0x26b: {  	v3 =	vadd.f32 v6, v3;
	_ =	sdelay $0x1  }
0x26c: {  	v1 =	vmul.f32 v2, v1;
	v2 =	vadd.f32 v7, v4;
	v3 =	vmax.f32 v3, $0.0e+00  }
0x26d: {  	[tilespmem:s18+$0xFFFFFF30] =	vst v3  }
0x26e: {  	v2 =	vmax.f32 v2, $0.0e+00;
	v3 =	vld [tilespmem:s16+$0xFFFFFE40]  }
0x26f: {  	v1 =	vadd.f32 v1, v5;
	[tilespmem:s18+$0xFFFFFF70] =	vst v2;
	v2 =	vld [tilespmem:s9+$0xFFFFFF40]  }
0x270: {  	v63 =	vld [tilespmem:s16+$0xFFFFFE80]  }
0x271: {  	v1 =	vmax.f32 v1, $0.0e+00;
	v60 =	vld [tilespmem:s16+$0xFFFFFEC0]  }
0x272: {  	[tilespmem:s18+$0xFFFFFFB0] =	vst v1;
	v1 =	vld [tilespmem:s9+$0xFFFFFF80]  }
0x273: {  	v61 =	vld [tilespmem:s16+$0xFFFFFF40]  }
0x274: {  	v62 =	vld [tilespmem:s9+$0xFFFFFFC0]  }
0x275: {  	v8 =	vld [tilespmem:s16+$0xFFFFFF00]  }
0x276: {  	v9 =	vld [tilespmem:s16+$0xFFFFFF80]  }
0x277: {  	v2 =	vmul.f32 v2, v3  }
0x278: {  	v1 =	vmul.f32 v1, v60  }
0x279: {  	v3 =	vmul.f32 v62, v61;
	v2 =	vadd.f32 v2, v63  }
0x27a: {  	v1 =	vadd.f32 v1, v8  }
0x27b: {  	v2 =	vmax.f32 v2, $0.0e+00;
	v3 =	vadd.f32 v3, v9  }
0x27c: {  	[tilespmem:s11+$0xFFFFFF40] =	vst v2;
	v1 =	vmax.f32 v1, $0.0e+00  }
0x27d: {  	p0 =	sgt.u32 s13, $0x3C;
	s15 =	smul.u32 $0x140, s15;
	[tilespmem:s11+$0xFFFFFF80] =	vst v1;
	v1 =	vmax.f32 v3, $0.0e+00  }
0x27e: {  	s9 =	sadd.s32 @!p0 $0xF0, s14;
	s16 =	simm.s32 @!p0 $0x6220;
	[tilespmem:s11+$0xFFFFFFC0] =	vst v1;
	s11 =	simm.s32 @!p0 $0x50  }
0x27f: {  	[tilespmem:s16], [sflag:$0x2] =	stream.indirect.gather @!p0 [hbm4b:s6+s11], $0x40, s9, s11, $0xb8;
	[tilespmem:$0x1BB20] =	vst v63  }
.Ltmp15:
0x280: {  	_ = 	snop;
	(pc) =	sbr.rel .LBB2_20-.Ltmp15, $4  }
0x281: {  	s28 =	sshra.s32 s15, $0x2;
	s9 =	sadd.s32 @!p0 $0x2800, s14;
	s14 =	simm.s32 @!p0 $0x9E20  }
0x282: {  	[tilespmem:s14], [sflag:$0x4] =	stream.indirect.gather @!p0 [hbm4b:s8+s11], $0x80, s9, s11, $0xb8;
	[tilespmem:$0x1BB20] =	vst v63  }
0x283: {  	s9 =	sadd.s32 $0x2710, s28  }
0x284: {  	[spmem:s3] =	stream.indirect.scatter.add.f32 [tilespmem:s10], [sflag:$0x6], $0x40, s9, s22, $0xb8;
	[tilespmem:$0x1BB20] =	vst v63  }
.LBB2_22:
0x285: {  	_ =	sfence.sel $0x180000  }
0x286: {  	[bflag:$0x0] =	sbarrier.arrive $0xFFFF  }
0x287: {  	_ =	strace $0x90000047  }
0x288: {  	s0 =	stileid.u32;
	[bflag:$0x2] =	sbarrier.arrive $0xFFFF  }
0x289: {  	p0 =	sne.s32 s0, $0x0;
	s0 =	rddreg [dreg:$0x3]  }
0x28a: {  	s0 =	sadd.s32 @!p0 $0x100000, s0  }
0x28b: {  	[sflag:s0] =	ssyncadd.tile.s32 @!p0 $0x1;
	_ =	shalt  }
.Lfunc_end2:
_tile_overlayer_lowered:
.L_overlay_start_2:
0x28c: {  	(tag) =	ssettag $0x2  }
0x28d: {  	s0 =	rddreg [dreg:$0x0];
	s2 =	stileid.u32  }
0x28e: {  	s1 =	rddreg [dreg:$0x1];
	p0 =	sne.s32 s2, $0x0  }
0x28f: {  	s3 =	rddreg [dreg:$0x2];
	[bflag:$0x3] =	sbarrier.arrive $0xFFFF;
	s2 =	simm.s32 @!p0 $0x1C09  }
0x290: {  	[timem:s3], [sflag:s2] =	dma.local @!p0 [hbm:s0], s1  }
0x291: {  	s0 =	simm.s32 @!p0 $0x9  }
0x292: {  	_ =	swait.ge @!p0 [sflag:s0], s1  }
0x293: {  	s1 =	ssub.s32 @!p0 $0x0, s1;
	[sflag:s0] =	ssyncset.done @!p0 $0x0  }
0x294: {  	[sflag:s0] =	ssyncadd.s32 @!p0 s1  }
0x295: {  	[bflag:$0x3] =	sbarrier.arrive $0xFFFF  }
0x296: {  	_ =	shalt  }

// kernel: kernel.14.cloned.1.call-start
scs
__scs_entry_jumppad:
0x0: {  	(pc) =	sbr.rel $0x88, $3  }
0x1: {  	(tag) =	ssettag $0x0;
	lr =	simm.s32 $0x1  }
0x2: {  	[smem:$0x3F8C] =	sst lr;
	_ =	strace $0xD0000000  }
0x3: {  	_ = 	snop  }
0x4: {  	_ = 	snop  }
0x5: {  	_ = 	snop  }
0x6: {  	_ = 	snop  }
0x7: {  	_ = 	snop  }
__scs_overlays_trampoline_lowered:
0x8: {  	[smem:$0x3F9B] =	sst s0  }
0x9: {  	[smem:$0x3F9C] =	sst s1  }
0xa: {  	[smem:$0x3F9D] =	sst s2  }
0xb: {  	[smem:$0x3F9E] =	sst s3  }
0xc: {  	[smem:$0x3F9F] =	sst s4  }
0xd: {  	[smem:$0x3FA0] =	sst s5  }
0xe: {  	[smem:$0x3FA1] =	sst s6  }
0xf: {  	[smem:$0x3FA2] =	sst s7  }
0x10: {  	[smem:$0x3FA3] =	sst s8  }
0x11: {  	[smem:$0x3FA4] =	sst s9;
	s0 =	simm.s32 @!p0 $0x0  }
0x12: {  	s1 =	sld [smem:$0x3F8A];
	s0 =	simm.s32 @p0 $0x1  }
0x13: {  	[smem:$0x3FA5] =	sst s0;
	s0 =	simm.s32 @!p1 $0x0  }
0x14: {  	s2 =	sld [smem:$0x3F89];
	s0 =	simm.s32 @p1 $0x1  }
0x15: {  	[smem:$0x3FA6] =	sst s0;
	s0 =	simm.s32 @!p2 $0x0  }
0x16: {  	s3 =	sld [smem:$0x3FDB];
	s0 =	simm.s32 @p2 $0x1  }
0x17: {  	s4 =	simm.s32 $0x1BF5;
	[smem:$0x3FA8] =	sst s0  }
0x18: {  	s0 =	sld [smem:$0x3F8B];
	_ =	swait.ge [sflag:s4], $0x0  }
0x19: {  	s7 =	sld [smem:$0x3F8C]  }
0x1a: {  	s8 =	sadd.s32 $0xFFFFE003, lr  }
0x1b: {  	s9 =	sadd.s32 $0xFFFFFEF7, lr;
	s5 =	simm.s32 $0xFFFFFFFF;
	p2 =	slt.u32 s8, $0xFFFFF086  }
0x1c: {  	p1 =	slt.u32 s9, $0xF7A;
	s5 =	simm.s32 @!p2 $0x0  }
0x1d: {  	s5 =	simm.s32 @p1 $0x1;
	p0 =	seq.s32 s7, s2  }
0x1e: {  	s7 =	smul.u32 @!p0 $0xF7A, s2;
	p2 =	seq.s32 @!p0 s5, $0x0  }
0x1f: {  	s9 =	smul.u32 $0xF7A, s1;
	s8 =	simm.s32 @!p0 $0x1BF5;
	p2 =	por !p2, p0  }
0x20: {  	[sflag:s8] =	ssyncset.s32 @!p0 $0xFFFFF086;
	s6 =	sadd.s32 @!p0 s3, s7;
	s7 =	simm.s32 @!p0 $0x108  }
0x21: {  	s3 =	sadd.s32 s3, s9;
	s6 =	sadd.s32 @!p0 $0x88, s6;
	s7 =	simm.s32 @p2 $0x1082  }
0x22: {  	[simem:s7], [sflag:s8] =	dma.local @!p0 [hbm:s6], $0xF7A  }
0x23: {  	s9 =	sor.u32 $0xD0000000, s2;
	s6 =	simm.s32 $0x108;
	_ =	swait.ge @!p0 [sflag:s8], $0x0  }
0x24: {  	s3 =	sadd.s32 $0x88, s3;
	s6 =	simm.s32 @!p1 $0x1082;
	[sflag:s4] =	ssyncset.s32 $0xFFFFF086  }
0x25: {  	[simem:s6], [sflag:s4] =	dma.local [hbm:s3], $0xF7A  }
0x26: {  	[smem:$0x3F8C] =	sst s1;
	(tag) =	ssettag s2;
	_ =	strace s9  }
0x27: {  	s1 =	sld [smem:$0x3F9C]  }
0x28: {  	s2 =	sld [smem:$0x3F9D]  }
0x29: {  	s4 =	sld [smem:$0x3F9F]  }
0x2a: {  	p0 =	seq.s32 s5, $0x0;
	s5 =	sld [smem:$0x3FA0]  }
0x2b: {  	s6 =	sld [smem:$0x3FA1]  }
0x2c: {  	s7 =	sld [smem:$0x3FA2]  }
0x2d: {  	s3 =	simm.s32 $0x108;
	s8 =	sld [smem:$0x3FA3]  }
0x2e: {  	s3 =	simm.s32 @!p0 $0x1082;
	s9 =	sld [smem:$0x3FA4]  }
0x2f: {  	lr =	sadd.s32 s0, s3;
	s0 =	sld [smem:$0x3F9B]  }
0x30: {  	s3 =	sld [smem:$0x3F9E]  }
0x31: {  	[smem:$0x3FA7] =	sst s10  }
0x32: {  	s10 =	sld [smem:$0x3FA5];
	_ =	sdelay $0x3  }
0x33: {  	p0 =	seq.s32 s10, $0x1;
	s10 =	sld [smem:$0x3FA7];
	_ =	sdelay $0x3  }
0x34: {  	[smem:$0x3FA7] =	sst s10  }
0x35: {  	s10 =	sld [smem:$0x3FA6];
	_ =	sdelay $0x3  }
0x36: {  	p1 =	seq.s32 s10, $0x1;
	s10 =	sld [smem:$0x3FA7];
	_ =	sdelay $0x3  }
0x37: {  	[smem:$0x3FA7] =	sst s10  }
0x38: {  	s10 =	sld [smem:$0x3FA8]  }
0x39: {  	_ = 	snop;
	(pc) =	sbr.ind lr, $3  }
0x3a: {  	_ = 	snop  }
0x3b: {  	_ = 	snop  }
0x3c: {  	p2 =	seq.s32 s10, $0x1;
	s10 =	sld [smem:$0x3FA7]  }
0x3d: {  	_ =	shalt  }
0x3e: {  	_ =	shalt  }
0x3f: {  	_ =	shalt  }
0x40: {  	_ =	shalt  }
0x41: {  	_ =	shalt  }
0x42: {  	_ =	shalt  }
0x43: {  	_ =	shalt  }
0x44: {  	_ =	shalt  }
0x45: {  	_ =	shalt  }
0x46: {  	_ =	shalt  }
0x47: {  	_ =	shalt  }
0x48: {  	_ =	shalt  }
0x49: {  	_ =	shalt  }
0x4a: {  	_ =	shalt  }
0x4b: {  	_ =	shalt  }
0x4c: {  	_ =	shalt  }
0x4d: {  	_ =	shalt  }
0x4e: {  	_ =	shalt  }
0x4f: {  	_ =	shalt  }
0x50: {  	_ =	shalt  }
0x51: {  	_ =	shalt  }
0x52: {  	_ =	shalt  }
0x53: {  	_ =	shalt  }
0x54: {  	_ =	shalt  }
0x55: {  	_ =	shalt  }
0x56: {  	_ =	shalt  }
0x57: {  	_ =	shalt  }
0x58: {  	_ =	shalt  }
0x59: {  	_ =	shalt  }
0x5a: {  	_ =	shalt  }
0x5b: {  	_ =	shalt  }
0x5c: {  	_ =	shalt  }
0x5d: {  	_ =	shalt  }
0x5e: {  	_ =	shalt  }
0x5f: {  	_ =	shalt  }
0x60: {  	_ =	shalt  }
0x61: {  	_ =	shalt  }
0x62: {  	_ =	shalt  }
0x63: {  	_ =	shalt  }
0x64: {  	_ =	shalt  }
0x65: {  	_ =	shalt  }
0x66: {  	_ =	shalt  }
0x67: {  	_ =	shalt  }
0x68: {  	_ =	shalt  }
0x69: {  	_ =	shalt  }
0x6a: {  	_ =	shalt  }
0x6b: {  	_ =	shalt  }
0x6c: {  	_ =	shalt  }
0x6d: {  	_ =	shalt  }
0x6e: {  	_ =	shalt  }
0x6f: {  	_ =	shalt  }
0x70: {  	_ =	shalt  }
0x71: {  	_ =	shalt  }
0x72: {  	_ =	shalt  }
0x73: {  	_ =	shalt  }
0x74: {  	_ =	shalt  }
0x75: {  	_ =	shalt  }
0x76: {  	_ =	shalt  }
0x77: {  	_ =	shalt  }
0x78: {  	_ =	shalt  }
0x79: {  	_ =	shalt  }
0x7a: {  	_ =	shalt  }
0x7b: {  	_ =	shalt  }
0x7c: {  	_ =	shalt  }
0x7d: {  	_ =	shalt  }
0x7e: {  	_ =	shalt  }
0x7f: {  	_ =	shalt  }
0x80: {  	_ =	shalt  }
0x81: {  	_ =	shalt  }
0x82: {  	_ =	shalt  }
0x83: {  	_ =	shalt  }
0x84: {  	_ =	shalt  }
0x85: {  	_ =	shalt  }
0x86: {  	_ =	shalt  }
0x87: {  	_ =	shalt  }
.Lfunc_end0:
.L_simem_size_0:
called_computation.1_lowered:
.L_overlay_start_0:
0x88: {  	s2 =	sld [smem:$0x3FD9]  }
0x89: {  	s3 =	sld [smem:$0x3FFE];
	_ =	sdelay $0x1  }
0x8a: {  	s1 =	srdreg.scid  }
0x8b: {  	s0 =	sand.u32 $0x1, s1  }
0x8c: {  	s17 =	sshll.u32 s0, $0xA;
	s2 =	sadd.s32 s3, s2  }
0x8d: {  	s2 =	sadd.s32 s2, s17  }
0x8e: {  	[smem:$0x3FB3] =	sst s2  }
0x8f: {  	_ = 	snop  }
0x90: {  	s2 =	sld [smem:$0x3FD0];
	(tm) =	ssettm $0x1  }
0x91: {  	s18 =	sld [smem:$0x3FFB];
	_ =	sdelay $0x3  }
0x92: {  	_ =	strace s18  }
0x93: {  	s3 =	sld [smem:$0x3FFC];
	_ =	sdelay $0x3  }
0x94: {  	_ =	strace s3  }
0x95: {  	s3 =	sld [smem:$0x3FFD];
	_ =	sdelay $0x3  }
0x96: {  	_ =	strace s3  }
0x97: {  	_ =	strace $0x8FFFFFFF  }
0x98: {  	s19 =	sld [smem:$0x3FDB];
	_ =	sdelay $0x1  }
0x99: {  	s4 =	simm.s32 $_scs_section_size  }
0x9a: {  	s5 =	simm.s32 $_size__tile_overlayer_lowered;
	s6 =	simm.s32 $_tile_overlayer_lowered  }
0x9b: {  	s22 =	simm.s32 $0x1BFF;
	s21 =	sshll.u32 s6, $0x1;
	s3 =	sadd.s32 s4, s19  }
0x9c: {  	s7 =	simm.s32 $0x0;
	s20 =	sshll.u32 s5, $0x1;
	s5 =	sadd.s32 s21, s3  }
0x9d: {  	[timem:s7], [sflag:s22] =	dma.local [hbm:s5], s20  }
0x9e: {  	_ =	swait.ge [sflag:s22], s20  }
0x9f: {  	s4 =	ssub.s32 $0x0, s20;
	[sflag:s22] =	ssyncset.done $0x0  }
0xa0: {  	[sflag:s22] =	ssyncadd.s32 s4;
	_ =	sdelay $0x1  }
0xa1: {  	s23 =	simm.s32 $0x1B8B  }
0xa2: {  	_ =	swait.ge [sflag:s23], $0x1  }
0xa3: {  	[sflag:s23] =	ssyncset.done $0x0  }
0xa4: {  	s25 =	simm.s32 $0x1B8E;
	s24 =	sld [smem:$0x3FFE];
	[sflag:s23] =	ssyncadd.s32 $0xFFFFFFFF  }
0xa5: {  	s26 =	simm.s32 $execute0_lowered;
	[smem:$0x3FD2] =	sst s25  }
0xa6: {  	s5 =	sshll.u32 s26, $0x1;
	_ =	strace $0x80000049;
	[dreg:$0x1] =	wrdreg $0xFFFFFFFF  }
0xa7: {  	s28 =	simm.s32 $_size_execute0_lowered;
	s3 =	sadd.s32 s3, s5;
	[dreg:$0x0] =	wrdreg $0x0  }
0xa8: {  	s5 =	sshll.u32 s28, $0x1;
	[dreg:$0x2] =	wrdreg s3  }
0xa9: {  	[dreg:$0x3] =	wrdreg s5  }
0xaa: {  	[dreg:$0x4] =	wrdreg $0xC0  }
0xab: {  	_ =	task [dreg:s7], $0x5FFFF  }
0xac: {  	[dreg:$0x1] =	wrdreg $0xFFFFFFFF  }
0xad: {  	[dreg:$0x0] =	wrdreg $0x60  }
0xae: {  	[dreg:$0x2] =	wrdreg s24  }
0xaf: {  	[dreg:$0x3] =	wrdreg s2  }
0xb0: {  	[dreg:$0x4] =	wrdreg $0xEE200  }
0xb1: {  	[dreg:$0x5] =	wrdreg $0x9  }
0xb2: {  	_ =	task.clear_ibuf [dreg:s7], $0x6FFFF;
	_ =	strace $0x90000049  }
0xb3: {  	s29 =	simm.s32 $0x9;
	_ =	strace $0x8000004B  }
0xb4: {  	_ =	swait.ge [sflag:s29], $0x1  }
0xb5: {  	[sflag:s29] =	ssyncadd.s32 $0xFFFFFFFF  }
0xb6: {  	_ =	strace $0x9000004B  }
0xb7: {  	_ =	sfence  }
0xb8: {  	s30 =	sld [smem:$0x0];
	_ =	sdelay $0x2  }
0xb9: {  	s31 =	sshll.u32 s1, $0xD;
	s1 =	sshrl.u32 s1, $0x2  }
0xba: {  	s3 =	sand.u32 $0x4000, s31;
	s1 =	sadd.s32 s1, s30  }
0xbb: {  	s0 =	sor.u32 s3, s0;
	s1 =	sshll.u32 s1, $0x11  }
0xbc: {  	s0 =	sor.u32 s1, s0  }
0xbd: {  	s0 =	sadd.s32 $0x8F2B, s0  }
0xbe: {  	[sflag:s0] =	ssyncadd.remote.s32 $0x1  }
0xbf: {  	_ =	sfence.sel $0xFFFF  }
0xc0: {  	[dreg:$0x0] =	wrdreg $0xFFFFFFFF;
	(pc) =	sbr.abs _section_cstart, $3  }
0xc1: {  	[dreg:$0x1] =	wrdreg $0xFFFFFFFF  }
0xc2: {  	_ =	task.clear_ibuf [dreg:s7], $0x2FFFF;
	_ =	strace $0x9FFFFFFF  }
0xc3: {  	(tm) =	ssettm $0x7FFFFFFF  }
tec
execute0_lowered:
.L_overlay_start_1:
0x0: {  	(tag) =	ssettag $0x1  }
0x1: {  	s0 =	rddreg [dreg:$0x0]  }
0x2: {  	s1 =	rddreg [dreg:$0x1]  }
0x3: {  	s3 =	rddreg [dreg:$0x2];
	s2 =	srdreg.scid;
	s4 =	simm.s32 $0x0  }
0x4: {  	s12 =	stileid.u32;
	s14 =	simm.s32 $0x7;
	s18 =	simm.s32 $0x50  }
0x5: {  	s19 =	simm.s32 $0x4E20;
	s20 =	simm.s32 $0x7620;
	s28 =	simm.s32 $0xC620  }
0x6: {  	s29 =	simm.s32 $0x5;
	s30 =	simm.s32 $0x6;
	s31 =	simm.s32 $0x2  }
0x7: {  	s2 =	sand.u32 $0x1, s2;
	[smem:$0x7FF] =	sst s4;
	s9 =	smul.u32 $0xA000, s12  }
0x8: {  	s5 =	sadd.s32 $0x68200, s0;
	s6 =	sadd.s32 $0x54800, s0;
	s7 =	sadd.s32 $0x2D600, s0  }
0x9: {  	s26 =	sshll.u32 s12, $0x6;
	s21 =	sshll.u32 s2, $0x4;
	_ =	strace $0x8000004A  }
0xa: {  	s8 =	smul.u32 $0xA0000, s2;
	s2 =	ssub.s32 $0x2, s2;
	s16 =	sor.u32 $0x1C07, s26  }
0xb: {  	s26 =	simm.s32 $0x0;
	s4 =	sor.u32 s12, s21;
	s11 =	sshrl.u32 s2, $0x1  }
0xc: {  	s23 =	sadd.s32 s9, s3;
	s4 =	smul.u32 $0x4E2, s4;
	s8 =	sadd.s32 s9, s8  }
0xd: {  	s2 =	ssub.s32 s2, s11;
	s17 =	sshrl.u32 s23, $0x3;
	s10 =	sshrl.u32 s8, $0x3  }
0xe: {  	s8 =	sadd.s32 $0x8F800, s0;
	s25 =	smax.u32 s2, $0x1;
	s4 =	sadd.s32 s4, s0  }
.Ltmp0:
0xf: {  	[dreg:$0x8] =	wrdreg s25;
	s22 =	sadd.s32 $0x85A00, s4;
	(pc) =	sbr.rel .LBB2_1-.Ltmp0, $4  }
0x10: {  	s0 =	sadd.s32 s10, s0;
	s4 =	sadd.s32 $0x7BC00, s4;
	[dreg:$0x4] =	wrdreg s22  }
0x11: {  	s2 =	simm.s32 $0xDA20;
	s24 =	sadd.s32 $0xB8C00, s0;
	[dreg:$0x5] =	wrdreg s4  }
0x12: {  	s25 =	simm.s32 $0x3;
	s0 =	sadd.s32 $0x90C00, s0;
	[dreg:$0x6] =	wrdreg s24  }
0x13: {  	[dreg:$0x7] =	wrdreg s0;
	s24 =	simm.s32 $0x1;
	s0 =	simm.s32 $0x4  }
.LBB2_15:
0x14: {  	s4 =	simm.s32 $0x4DD0  }
0x15: {  	[spmem:s3] =	stream.indirect.scatter.add.f32 [tilespmem:s28], [sflag:$0x5], $0x40, s4, s18, $0xb8;
	[tilespmem:$0x18E20] =	vst v63  }
.LBB2_21:
0x16: {  	_ =	swait.ge [sflag:s29], $0x1400  }
0x17: {  	[sflag:s29] =	ssyncset.done $0x0  }
0x18: {  	[sflag:s29] =	ssyncadd.s32 $0xFFFFEC00  }
0x19: {  	_ =	swait.ge [sflag:s30], $0x1400  }
0x1a: {  	[sflag:s30] =	ssyncset.done $0x0  }
0x1b: {  	[sflag:s30] =	ssyncadd.s32 $0xFFFFEC00  }
0x1c: {  	[bflag:$0x0] =	sbarrier.arrive $0xFFFF  }
0x1d: {  	s4 =	rddreg [dreg:$0x7]  }
0x1e: {  	[hbm:s4], [sflag:s16] =	dma.local [spmem:s17], $0x1400  }
0x1f: {  	_ =	swait.ge [sflag:s14], $0x1400  }
0x20: {  	s26 =	sadd.s32 $0x1, s26;
	s23 =	rddreg [dreg:$0x8]  }
0x21: {  	p0 =	sne.s32 s26, s23  }
.Ltmp1:
0x22: {  	_ = 	snop;
	(pc) =	sbr.rel @!p0 .LBB2_22-.Ltmp1, $3  }
0x23: {  	_ =	sdelay $0x1  }
0x24: {  	[sflag:s14] =	ssyncset.done $0x0  }
0x25: {  	[sflag:s14] =	ssyncadd.s32 $0xFFFFEC00  }
.LBB2_1:
0x26: {  	s4 =	simm.s32 $0x0;
	s9 =	rddreg [dreg:$0x4]  }
0x27: {  	[tilespmem:s4], [sflag:$0x7] =	stream.linear.gather [hbm4b:s9+s4], $0x2710, $0x38;
	[tilespmem:$0x18E20] =	vst v63  }
0x28: {  	_ =	swait.ge [sflag:s14], $0x2710  }
0x29: {  	[sflag:s14] =	ssyncset.done $0x0  }
0x2a: {  	s10 =	simm.s32 $0x2710;
	s15 =	rddreg [dreg:$0x5];
	[sflag:s14] =	ssyncadd.s32 $0xFFFFD8F0  }
0x2b: {  	[tilespmem:s10], [sflag:$0x7] =	stream.linear.gather [hbm4b:s15+s4], $0x2710, $0x38;
	[tilespmem:$0x18E20] =	vst v63  }
0x2c: {  	_ =	swait.ge [sflag:s14], $0x2710  }
0x2d: {  	[sflag:s14] =	ssyncset.done $0x0  }
0x2e: {  	[sflag:s14] =	ssyncadd.s32 $0xFFFFD8F0  }
0x2f: {  	[spmem:s17], [sflag:s16] =	dma.local [hbm:s8], $0x1400  }
0x30: {  	_ =	swait.ge [sflag:s14], $0x1400  }
0x31: {  	[sflag:s14] =	ssyncset.done $0x0  }
0x32: {  	[sflag:s14] =	ssyncadd.s32 $0xFFFFEC00  }
0x33: {  	[bflag:$0x0] =	sbarrier.arrive $0xFFFF  }
0x34: {  	[tilespmem:s19], [sflag:$0x1] =	stream.indirect.gather [hbm4b:s5+s18], $0x40, s4, s18, $0xb8;
	[tilespmem:$0x18E20] =	vst v63  }
0x35: {  	_ = 	snop  }
0x36: {  	[tilespmem:s20], [sflag:$0x3] =	stream.indirect.gather [hbm4b:s1+s18], $0x80, s10, s18, $0xb8;
	[tilespmem:$0x18E20] =	vst v63  }
.Ltmp2:
0x37: {  	_ = 	snop;
	(pc) =	sbr.rel .LBB2_2-.Ltmp2, $4  }
0x38: {  	s21 =	simm.s32 $0x6220  }
0x39: {  	[tilespmem:s21], [sflag:$0x2] =	stream.indirect.gather [hbm4b:s5+s18], $0x40, s18, s18, $0xb8;
	[tilespmem:$0x18E20] =	vst v63  }
0x3a: {  	s22 =	simm.s32 $0x2760;
	s23 =	simm.s32 $0x9E20;
	s21 =	simm.s32 $0x0  }
0x3b: {  	[tilespmem:s23], [sflag:$0x4] =	stream.indirect.gather [hbm4b:s1+s18], $0x80, s22, s18, $0xb8;
	[tilespmem:$0x18E20] =	vst v63  }
.LBB2_10:
0x3c: {  	s21 =	sadd.s32 $0x1, s21  }
0x3d: {  	p0 =	sne.s32 s21, $0x3F  }
.Ltmp3:
0x3e: {  	_ = 	snop;
	(pc) =	sbr.rel @!p0 .LBB2_11-.Ltmp3, $1  }
0x3f: {  	_ =	sdelay $0x3  }
.LBB2_2:
0x40: {  	_ =	swait.ge [sflag:s24], $0x1400  }
0x41: {  	[sflag:s24] =	ssyncset.done $0x0  }
0x42: {  	[sflag:s24] =	ssyncadd.s32 $0xFFFFEC00  }
0x43: {  	_ =	swait.ge [sflag:s25], $0x2800  }
0x44: {  	p0 =	seq.s32 s21, $0x0;
	[sflag:s25] =	ssyncset.done $0x0  }
0x45: {  	s4 =	simm.s32 @!p0 $0x5;
	[sflag:s25] =	ssyncadd.s32 $0xFFFFD800  }
0x46: {  	_ =	swait.ge @!p0 [sflag:s4], $0x1400  }
0x47: {  	[sflag:s4] =	ssyncset.done @!p0 $0x0  }
0x48: {  	s22 =	simm.s32 $0x7720;
	[sflag:s4] =	ssyncadd.s32 @!p0 $0xFFFFEC00  }
0x49: {  	s10 =	simm.s32 $0x4EA0;
	v0 =	vld [tilespmem:s22+$0x80]  }
0x4a: {  	v1 =	vld [tilespmem:s10+$0x40];
	_ =	sdelay $0x1  }
0x4b: {  	v2 =	vld [tilespmem:s22+$0xC0];
	_ =	sdelay $0x2  }
0x4c: {  	v0 =	vmul.f32 v1, v0;
	_ =	sdelay $0x1  }
0x4d: {  	v3 =	vld [tilespmem:s22+$0xFFFFFF00];
	v0 =	vadd.f32 v0, v2  }
0x4e: {  	v4 =	vld [tilespmem:s22+$0xFFFFFF40]  }
0x4f: {  	s9 =	simm.s32 $0xC6A0;
	v6 =	vld [tilespmem:s10+$0xFFFFFFC0];
	v0 =	vmax.f32 v0, $0.0e+00  }
0x50: {  	v1 =	vld [tilespmem:s10+$0xFFFFFF80];
	[tilespmem:s9+$0x40] =	vst v0  }
0x51: {  	v0 =	vld [tilespmem:s22+$0x90]  }
0x52: {  	v5 =	vld [tilespmem:s10+$0x50]  }
0x53: {  	v2 =	vld [tilespmem:s22+$0xFFFFFF80]  }
0x54: {  	v7 =	vld [tilespmem:s22+$0xD0]  }
0x55: {  	v1 =	vmul.f32 v1, v3  }
0x56: {  	v3 =	vld [tilespmem:s22+$0xFFFFFFC0]  }
0x57: {  	v8 =	vld [tilespmem:s22+$0x0];
	v1 =	vadd.f32 v1, v4;
	v0 =	vmul.f32 v5, v0  }
0x58: {  	v4 =	vld [tilespmem:s10+$0x0]  }
0x59: {  	v2 =	vmul.f32 v6, v2;
	v1 =	vmax.f32 v1, $0.0e+00;
	v0 =	vadd.f32 v0, v7  }
0x5a: {  	[tilespmem:s9+$0xFFFFFF80] =	vst v1;
	v5 =	vld [tilespmem:s22+$0x40]  }
0x5b: {  	v1 =	vadd.f32 v2, v3;
	v2 =	vld [tilespmem:s22+$0xFFFFFF10];
	v0 =	vmax.f32 v0, $0.0e+00  }
0x5c: {  	v3 =	vld [tilespmem:s10+$0xFFFFFF90];
	[tilespmem:s9+$0x50] =	vst v0  }
0x5d: {  	v1 =	vmax.f32 v1, $0.0e+00;
	v0 =	vmul.f32 v4, v8;
	v4 =	vld [tilespmem:s22+$0xA0]  }
0x5e: {  	[tilespmem:s9+$0xFFFFFFC0] =	vst v1;
	v1 =	vld [tilespmem:s10+$0x60]  }
0x5f: {  	v7 =	vld [tilespmem:s10+$0xFFFFFFD0];
	v0 =	vadd.f32 v0, v5  }
0x60: {  	v6 =	vld [tilespmem:s22+$0xE0]  }
0x61: {  	v5 =	vld [tilespmem:s22+$0xFFFFFF90];
	v0 =	vmax.f32 v0, $0.0e+00  }
0x62: {  	[tilespmem:s9+$0x0] =	vst v0;
	v0 =	vld [tilespmem:s22+$0xFFFFFF50]  }
0x63: {  	v8 =	vld [tilespmem:s22+$0x10];
	v1 =	vmul.f32 v1, v4  }
0x64: {  	v4 =	vld [tilespmem:s10+$0x10]  }
0x65: {  	v2 =	vmul.f32 v3, v2;
	v3 =	vld [tilespmem:s22+$0xFFFFFFD0];
	v1 =	vadd.f32 v1, v6  }
0x66: {  	v6 =	vld [tilespmem:s22+$0x50]  }
0x67: {  	v0 =	vadd.f32 v2, v0;
	v1 =	vmax.f32 v1, $0.0e+00  }
0x68: {  	v2 =	vmul.f32 v7, v5;
	[tilespmem:s9+$0x60] =	vst v1  }
0x69: {  	v4 =	vmul.f32 v4, v8;
	v0 =	vmax.f32 v0, $0.0e+00;
	v1 =	vld [tilespmem:s22+$0xB0]  }
0x6a: {  	v2 =	vadd.f32 v2, v3;
	[tilespmem:s9+$0xFFFFFF90] =	vst v0;
	v0 =	vld [tilespmem:s10+$0x70]  }
0x6b: {  	v3 =	vadd.f32 v4, v6;
	v4 =	vld [tilespmem:s22+$0xF0]  }
0x6c: {  	v5 =	vld [tilespmem:s22+$0xFFFFFF20];
	v2 =	vmax.f32 v2, $0.0e+00  }
0x6d: {  	v6 =	vld [tilespmem:s10+$0xFFFFFFA0];
	[tilespmem:s9+$0xFFFFFFD0] =	vst v2  }
0x6e: {  	v2 =	vmax.f32 v3, $0.0e+00;
	v7 =	vld [tilespmem:s22+$0xFFFFFFA0]  }
0x6f: {  	[tilespmem:s9+$0x10] =	vst v2;
	v8 =	vld [tilespmem:s10+$0xFFFFFFE0];
	v2 =	vmul.f32 v0, v1  }
0x70: {  	v0 =	vld [tilespmem:s22+$0x20]  }
0x71: {  	v1 =	vld [tilespmem:s10+$0x20];
	v4 =	vadd.f32 v2, v4  }
0x72: {  	v2 =	vld [tilespmem:s22+$0xFFFFFF60]  }
0x73: {  	s11 =	sshll.u32 s21, $0x1;
	s13 =	simm.s32 $0x0;
	v3 =	vld [tilespmem:s22+$0xFFFFFFE0];
	v9 =	vmax.f32 v4, $0.0e+00  }
0x74: {  	s12 =	simm.s32 $0x4EA0;
	s23 =	simm.s32 $0xC6A0;
	s4 =	simm.s32 $0x7920;
	v5 =	vmul.f32 v6, v5;
	v6 =	vmul.f32 v8, v7;
	v4 =	vld [tilespmem:s22+$0x60];
	[tilespmem:s9+$0x70] =	vst v9  }
.LBB2_3:
0x75: {  	v7 =	vld [tilespmem:s4+$0x80];
	s10 =	sadd.s32 $0x100, s10  }
0x76: {  	v8 =	vld [tilespmem:s10+$0x40];
	v0 =	vmul.f32 v1, v0  }
0x77: {  	v1 =	vld [tilespmem:s10+$0xFFFFFF80];
	v2 =	vadd.f32 v5, v2  }
0x78: {  	v5 =	vld [tilespmem:s4+$0xC0];
	v3 =	vadd.f32 v6, v3  }
0x79: {  	s13 =	sadd.s32 $0x4, s13;
	v6 =	vld [tilespmem:s4+$0xFFFFFF80];
	v2 =	vmax.f32 v2, $0.0e+00;
	v0 =	vadd.f32 v0, v4  }
0x7a: {  	p1 =	slt.u32 s13, $0x4C;
	v4 =	vld [tilespmem:s10+$0xFFFFFFC0];
	[tilespmem:s9+$0xFFFFFFA0] =	vst v2;
	v2 =	vmax.f32 v3, $0.0e+00  }
0x7b: {  	v3 =	vld [tilespmem:s4+$0x0];
	v7 =	vmul.f32 v8, v7;
	[tilespmem:s9+$0xFFFFFFE0] =	vst v2;
	v0 =	vmax.f32 v0, $0.0e+00  }
0x7c: {  	v2 =	vld [tilespmem:s10+$0x0];
	[tilespmem:s9+$0x20] =	vst v0  }
0x7d: {  	v0 =	vld [tilespmem:s4+$0xFFFFFF00];
	v5 =	vadd.f32 v7, v5  }
0x7e: {  	v7 =	vld [tilespmem:s4+$0xFFFFFF40]  }
0x7f: {  	s9 =	sadd.s32 $0x100, s9;
	v8 =	vld [tilespmem:s4+$0xFFFFFFC0];
	v4 =	vmul.f32 v4, v6;
	v5 =	vmax.f32 v5, $0.0e+00  }
0x80: {  	v6 =	vld [tilespmem:s4+$0x40];
	[tilespmem:s9+$0x40] =	vst v5  }
0x81: {  	v2 =	vmul.f32 v2, v3;
	v3 =	vld [tilespmem:s4+$0x90]  }
0x82: {  	v0 =	vmul.f32 v1, v0;
	v1 =	vld [tilespmem:s10+$0x50]  }
0x83: {  	v5 =	vld [tilespmem:s22+$0xFFFFFF30]  }
0x84: {  	v0 =	vadd.f32 v0, v7;
	v4 =	vadd.f32 v4, v8;
	v7 =	vld [tilespmem:s4+$0xD0]  }
0x85: {  	v2 =	vadd.f32 v2, v6;
	v6 =	vld [tilespmem:s12+$0xFFFFFFB0]  }
0x86: {  	v0 =	vmax.f32 v0, $0.0e+00;
	v4 =	vmax.f32 v4, $0.0e+00;
	v8 =	vld [tilespmem:s22+$0xFFFFFFB0]  }
0x87: {  	[tilespmem:s9+$0xFFFFFF80] =	vst v0;
	v0 =	vmax.f32 v2, $0.0e+00;
	v1 =	vmul.f32 v1, v3;
	v2 =	vld [tilespmem:s12+$0xFFFFFFF0]  }
0x88: {  	v3 =	vld [tilespmem:s4+$0xFFFFFF10];
	[tilespmem:s9+$0xFFFFFFC0] =	vst v4  }
0x89: {  	v4 =	vld [tilespmem:s10+$0xFFFFFF90];
	[tilespmem:s9+$0x0] =	vst v0;
	v0 =	vadd.f32 v1, v7  }
0x8a: {  	v1 =	vld [tilespmem:s4+$0xFFFFFF90];
	v5 =	vmul.f32 v6, v5  }
0x8b: {  	v6 =	vld [tilespmem:s10+$0xFFFFFFD0];
	v0 =	vmax.f32 v0, $0.0e+00  }
0x8c: {  	v7 =	vld [tilespmem:s4+$0x10];
	[tilespmem:s9+$0x50] =	vst v0;
	v0 =	vmul.f32 v2, v8  }
0x8d: {  	v2 =	vld [tilespmem:s4+$0xA0]  }
0x8e: {  	v3 =	vmul.f32 v4, v3;
	v4 =	vld [tilespmem:s10+$0x60]  }
0x8f: {  	v8 =	vld [tilespmem:s10+$0x10]  }
0x90: {  	v1 =	vmul.f32 v6, v1;
	v6 =	vld [tilespmem:s4+$0xE0]  }
0x91: {  	v9 =	vld [tilespmem:s4+$0xFFFFFF50]  }
0x92: {  	v10 =	vld [tilespmem:s4+$0xFFFFFFD0]  }
0x93: {  	v11 =	vld [tilespmem:s4+$0x50];
	v2 =	vmul.f32 v4, v2  }
0x94: {  	v4 =	vmul.f32 v8, v7;
	v7 =	vld [tilespmem:s22+$0x30]  }
0x95: {  	v2 =	vadd.f32 v2, v6;
	v6 =	vld [tilespmem:s12+$0x30];
	s12 =	smov.u32 s10  }
0x96: {  	v3 =	vadd.f32 v3, v9;
	v8 =	vld [tilespmem:s22+$0xFFFFFF70]  }
0x97: {  	v1 =	vadd.f32 v1, v10;
	v2 =	vmax.f32 v2, $0.0e+00;
	v9 =	vld [tilespmem:s22+$0xFFFFFFF0]  }
0x98: {  	v3 =	vmax.f32 v3, $0.0e+00;
	v4 =	vadd.f32 v4, v11;
	[tilespmem:s9+$0x60] =	vst v2;
	v2 =	vld [tilespmem:s22+$0x70];
	s22 =	smov.u32 s4  }
0x99: {  	[tilespmem:s9+$0xFFFFFF90] =	vst v3;
	v1 =	vmax.f32 v1, $0.0e+00;
	v3 =	vld [tilespmem:s4+$0xB0]  }
0x9a: {  	[tilespmem:s9+$0xFFFFFFD0] =	vst v1;
	v1 =	vmax.f32 v4, $0.0e+00;
	v4 =	vld [tilespmem:s10+$0x70];
	v6 =	vmul.f32 v6, v7  }
0x9b: {  	v7 =	vld [tilespmem:s4+$0xFFFFFF20];
	[tilespmem:s9+$0x10] =	vst v1;
	v1 =	vadd.f32 v5, v8  }
0x9c: {  	v5 =	vld [tilespmem:s4+$0xF0];
	v0 =	vadd.f32 v0, v9  }
0x9d: {  	v8 =	vld [tilespmem:s10+$0xFFFFFFA0];
	v1 =	vmax.f32 v1, $0.0e+00;
	v2 =	vadd.f32 v6, v2  }
0x9e: {  	v6 =	vld [tilespmem:s4+$0xFFFFFFA0];
	[tilespmem:s23+$0xFFFFFFB0] =	vst v1;
	v0 =	vmax.f32 v0, $0.0e+00  }
0x9f: {  	v9 =	vld [tilespmem:s10+$0xFFFFFFE0];
	v3 =	vmul.f32 v4, v3;
	[tilespmem:s23+$0xFFFFFFF0] =	vst v0;
	v1 =	vmax.f32 v2, $0.0e+00  }
.Ltmp4:
0xa0: {  	v0 =	vld [tilespmem:s4+$0x20];
	[tilespmem:s23+$0x30] =	vst v1;
	s23 =	smov.u32 s9;
	(pc) =	sbr.rel @p1 .LBB2_3-.Ltmp4, $4  }
0xa1: {  	v1 =	vld [tilespmem:s10+$0x20];
	v4 =	vadd.f32 v3, v5  }
0xa2: {  	v2 =	vld [tilespmem:s4+$0xFFFFFF60];
	v5 =	vmul.f32 v8, v7  }
0xa3: {  	v3 =	vld [tilespmem:s4+$0xFFFFFFE0];
	v7 =	vmax.f32 v4, $0.0e+00  }
0xa4: {  	s4 =	sadd.s32 $0x200, s4;
	v6 =	vmul.f32 v9, v6;
	v4 =	vld [tilespmem:s22+$0x60];
	[tilespmem:s9+$0x70] =	vst v7  }
0xa5: {  	_ =	sdelay $0x1  }
0xa6: {  	v2 =	vadd.f32 v5, v2;
	_ =	sdelay $0x1  }
0xa7: {  	v2 =	vmax.f32 v2, $0.0e+00  }
0xa8: {  	v0 =	vmul.f32 v1, v0;
	v55 =	vadd.f32 v6, v3;
	[tilespmem:s9+$0xFFFFFFA0] =	vst v2  }
0xa9: {  	v2 =	vld [tilespmem:s22+$0xFFFFFF30]  }
0xaa: {  	v0 =	vadd.f32 v0, v4;
	v1 =	vmax.f32 v55, $0.0e+00;
	v56 =	vld [tilespmem:s12+$0xFFFFFFB0]  }
0xab: {  	[tilespmem:s9+$0xFFFFFFE0] =	vst v1;
	v61 =	vld [tilespmem:s22+$0xFFFFFF70]  }
0xac: {  	v0 =	vmax.f32 v0, $0.0e+00;
	v57 =	vld [tilespmem:s22+$0xFFFFFFB0]  }
0xad: {  	[tilespmem:s9+$0x20] =	vst v0;
	v58 =	vld [tilespmem:s12+$0xFFFFFFF0]  }
0xae: {  	v59 =	vld [tilespmem:s22+$0x30]  }
0xaf: {  	v60 =	vld [tilespmem:s12+$0x30]  }
0xb0: {  	v7 =	vld [tilespmem:s22+$0xFFFFFFF0]  }
0xb1: {  	v8 =	vld [tilespmem:s22+$0x70]  }
0xb2: {  	v1 =	vmul.f32 v56, v2  }
0xb3: {  	v0 =	vmul.f32 v58, v57  }
0xb4: {  	p1 =	sne.s32 s21, $0x3E;
	v62 =	vmul.f32 v60, v59;
	v1 =	vadd.f32 v1, v61  }
.Ltmp5:
0xb5: {  	v0 =	vadd.f32 v0, v7;
	(pc) =	sbr.rel @!p1 .LBB2_5-.Ltmp5, $4  }
0xb6: {  	v1 =	vmax.f32 v1, $0.0e+00;
	v2 =	vadd.f32 v62, v8  }
0xb7: {  	[tilespmem:s23+$0xFFFFFFB0] =	vst v1;
	v0 =	vmax.f32 v0, $0.0e+00  }
0xb8: {  	[tilespmem:s23+$0xFFFFFFF0] =	vst v0;
	v63 =	vmax.f32 v2, $0.0e+00  }
0xb9: {  	[tilespmem:s23+$0x30] =	vst v63  }
0xba: {  	s22 =	smul.u32 $0xA0, s21  }
0xbb: {  	s9 =	smul.u32 $0x280, s21;
	_ =	sdelay $0x1  }
0xbc: {  	s4 =	sadd.s32 $0xA0, s22;
	s23 =	sshra.s32 s9, $0x2  }
0xbd: {  	[tilespmem:s19], [sflag:$0x1] =	stream.indirect.gather [hbm4b:s5+s18], $0x40, s4, s18, $0xb8;
	[tilespmem:$0x18E20] =	vst v63  }
0xbe: {  	s4 =	sadd.s32 $0x2710, s23;
	s23 =	sor.u32 $0x1, s11  }
0xbf: {  	p1 =	sgt.u32 s23, $0x7C  }
.Ltmp6:
0xc0: {  	_ = 	snop;
	(pc) =	sbr.rel @p1 .LBB2_10-.Ltmp6, $4  }
0xc1: {  	s15 =	sadd.s32 $0x27B0, s22  }
0xc2: {  	[tilespmem:s20], [sflag:$0x3] =	stream.indirect.gather [hbm4b:s1+s18], $0x80, s15, s18, $0xb8;
	[tilespmem:$0x18E20] =	vst v63  }
0xc3: {  	_ = 	snop  }
0xc4: {  	[spmem:s3] =	stream.indirect.scatter.add.f32 [tilespmem:s28], [sflag:$0x5], $0x40, s4, s18, $0xb8;
	[tilespmem:$0x18E20] =	vst v63  }
0xc5: {  	_ =	swait.ge [sflag:s31], $0x1400  }
0xc6: {  	[sflag:s31] =	ssyncset.done $0x0  }
0xc7: {  	[sflag:s31] =	ssyncadd.s32 $0xFFFFEC00  }
0xc8: {  	_ =	swait.ge [sflag:s0], $0x2800  }
0xc9: {  	[sflag:s0] =	ssyncset.done $0x0  }
0xca: {  	s4 =	simm.s32 @!p0 $0x6;
	[sflag:s0] =	ssyncadd.s32 $0xFFFFD800  }
0xcb: {  	_ =	swait.ge @!p0 [sflag:s4], $0x1400  }
0xcc: {  	[sflag:s4] =	ssyncset.done @!p0 $0x0  }
0xcd: {  	s9 =	simm.s32 $0xA010;
	[sflag:s4] =	ssyncadd.s32 @!p0 $0xFFFFEC00  }
0xce: {  	s11 =	simm.s32 $0x6310;
	v0 =	vld [tilespmem:s9+$0xFFFFFF90]  }
0xcf: {  	v1 =	vld [tilespmem:s11+$0xFFFFFFD0];
	_ =	sdelay $0x1  }
0xd0: {  	v2 =	vld [tilespmem:s9+$0xFFFFFFD0];
	_ =	sdelay $0x2  }
0xd1: {  	v0 =	vmul.f32 v1, v0;
	_ =	sdelay $0x1  }
0xd2: {  	v3 =	vld [tilespmem:s9+$0xFFFFFE10];
	v0 =	vadd.f32 v0, v2  }
0xd3: {  	v4 =	vld [tilespmem:s9+$0xFFFFFE50]  }
0xd4: {  	s10 =	simm.s32 $0xDB10;
	v6 =	vld [tilespmem:s11+$0xFFFFFF50];
	v0 =	vmax.f32 v0, $0.0e+00  }
0xd5: {  	v1 =	vld [tilespmem:s11+$0xFFFFFF10];
	[tilespmem:s10+$0xFFFFFFD0] =	vst v0  }
0xd6: {  	v0 =	vld [tilespmem:s9+$0xFFFFFFA0]  }
0xd7: {  	v5 =	vld [tilespmem:s11+$0xFFFFFFE0]  }
0xd8: {  	v2 =	vld [tilespmem:s9+$0xFFFFFE90]  }
0xd9: {  	v7 =	vld [tilespmem:s9+$0xFFFFFFE0]  }
0xda: {  	v1 =	vmul.f32 v1, v3  }
0xdb: {  	v3 =	vld [tilespmem:s9+$0xFFFFFED0]  }
0xdc: {  	v8 =	vld [tilespmem:s9+$0xFFFFFF10];
	v1 =	vadd.f32 v1, v4;
	v0 =	vmul.f32 v5, v0  }
0xdd: {  	v4 =	vld [tilespmem:s11+$0xFFFFFF90]  }
0xde: {  	v2 =	vmul.f32 v6, v2;
	v1 =	vmax.f32 v1, $0.0e+00;
	v0 =	vadd.f32 v0, v7  }
0xdf: {  	[tilespmem:s10+$0xFFFFFF10] =	vst v1;
	v5 =	vld [tilespmem:s9+$0xFFFFFF50]  }
0xe0: {  	v1 =	vadd.f32 v2, v3;
	v2 =	vld [tilespmem:s9+$0xFFFFFE20];
	v0 =	vmax.f32 v0, $0.0e+00  }
0xe1: {  	v3 =	vld [tilespmem:s11+$0xFFFFFF20];
	[tilespmem:s10+$0xFFFFFFE0] =	vst v0  }
0xe2: {  	v1 =	vmax.f32 v1, $0.0e+00;
	v0 =	vmul.f32 v4, v8;
	v4 =	vld [tilespmem:s9+$0xFFFFFFB0]  }
0xe3: {  	[tilespmem:s10+$0xFFFFFF50] =	vst v1;
	v1 =	vld [tilespmem:s11+$0xFFFFFFF0]  }
0xe4: {  	v7 =	vld [tilespmem:s11+$0xFFFFFF60];
	v0 =	vadd.f32 v0, v5  }
0xe5: {  	v6 =	vld [tilespmem:s9+$0xFFFFFFF0]  }
0xe6: {  	v5 =	vld [tilespmem:s9+$0xFFFFFEA0];
	v0 =	vmax.f32 v0, $0.0e+00  }
0xe7: {  	[tilespmem:s10+$0xFFFFFF90] =	vst v0;
	v0 =	vld [tilespmem:s9+$0xFFFFFE60]  }
0xe8: {  	v8 =	vld [tilespmem:s9+$0xFFFFFF20];
	v1 =	vmul.f32 v1, v4  }
0xe9: {  	v4 =	vld [tilespmem:s11+$0xFFFFFFA0]  }
0xea: {  	v2 =	vmul.f32 v3, v2;
	v3 =	vld [tilespmem:s9+$0xFFFFFEE0];
	v1 =	vadd.f32 v1, v6  }
0xeb: {  	v6 =	vld [tilespmem:s9+$0xFFFFFF60]  }
0xec: {  	v0 =	vadd.f32 v2, v0;
	v1 =	vmax.f32 v1, $0.0e+00  }
0xed: {  	v2 =	vmul.f32 v7, v5;
	[tilespmem:s10+$0xFFFFFFF0] =	vst v1  }
0xee: {  	v4 =	vmul.f32 v4, v8;
	v0 =	vmax.f32 v0, $0.0e+00;
	v1 =	vld [tilespmem:s9+$0xFFFFFFC0]  }
0xef: {  	v2 =	vadd.f32 v2, v3;
	[tilespmem:s10+$0xFFFFFF20] =	vst v0;
	v0 =	vld [tilespmem:s11+$0x0]  }
0xf0: {  	v3 =	vadd.f32 v4, v6;
	v4 =	vld [tilespmem:s9+$0x0]  }
0xf1: {  	v5 =	vld [tilespmem:s9+$0xFFFFFE30];
	v2 =	vmax.f32 v2, $0.0e+00  }
0xf2: {  	v6 =	vld [tilespmem:s11+$0xFFFFFF30];
	[tilespmem:s10+$0xFFFFFF60] =	vst v2  }
0xf3: {  	v2 =	vmax.f32 v3, $0.0e+00;
	v7 =	vld [tilespmem:s9+$0xFFFFFEB0]  }
0xf4: {  	[tilespmem:s10+$0xFFFFFFA0] =	vst v2;
	v8 =	vld [tilespmem:s11+$0xFFFFFF70];
	v2 =	vmul.f32 v0, v1  }
0xf5: {  	v0 =	vld [tilespmem:s9+$0xFFFFFF30]  }
0xf6: {  	v1 =	vld [tilespmem:s11+$0xFFFFFFB0];
	v4 =	vadd.f32 v2, v4  }
0xf7: {  	v2 =	vld [tilespmem:s9+$0xFFFFFE70]  }
0xf8: {  	s15 =	simm.s32 $0xA210;
	v3 =	vld [tilespmem:s9+$0xFFFFFEF0];
	v9 =	vmax.f32 v4, $0.0e+00  }
0xf9: {  	s13 =	simm.s32 $0x6310;
	s12 =	simm.s32 $0xDB10;
	s4 =	simm.s32 $0x0;
	v5 =	vmul.f32 v6, v5;
	v6 =	vmul.f32 v8, v7;
	v4 =	vld [tilespmem:s9+$0xFFFFFF70];
	[tilespmem:s10+$0x0] =	vst v9  }
.LBB2_8:
0xfa: {  	v7 =	vld [tilespmem:s15+$0xFFFFFF90];
	s11 =	sadd.s32 $0x100, s11  }
0xfb: {  	v8 =	vld [tilespmem:s11+$0xFFFFFFD0];
	v0 =	vmul.f32 v1, v0  }
0xfc: {  	v1 =	vld [tilespmem:s11+$0xFFFFFF10];
	v2 =	vadd.f32 v5, v2  }
0xfd: {  	v5 =	vld [tilespmem:s15+$0xFFFFFFD0];
	v3 =	vadd.f32 v6, v3  }
0xfe: {  	s4 =	sadd.s32 $0x4, s4;
	v6 =	vld [tilespmem:s15+$0xFFFFFE90];
	v2 =	vmax.f32 v2, $0.0e+00;
	v0 =	vadd.f32 v0, v4  }
0xff: {  	p0 =	slt.u32 s4, $0x4C;
	v4 =	vld [tilespmem:s11+$0xFFFFFF50];
	[tilespmem:s10+$0xFFFFFF30] =	vst v2;
	v2 =	vmax.f32 v3, $0.0e+00  }
0x100: {  	v3 =	vld [tilespmem:s15+$0xFFFFFF10];
	v7 =	vmul.f32 v8, v7;
	[tilespmem:s10+$0xFFFFFF70] =	vst v2;
	v0 =	vmax.f32 v0, $0.0e+00  }
0x101: {  	v2 =	vld [tilespmem:s11+$0xFFFFFF90];
	[tilespmem:s10+$0xFFFFFFB0] =	vst v0  }
0x102: {  	v0 =	vld [tilespmem:s15+$0xFFFFFE10];
	v5 =	vadd.f32 v7, v5  }
0x103: {  	v7 =	vld [tilespmem:s15+$0xFFFFFE50]  }
0x104: {  	s10 =	sadd.s32 $0x100, s10;
	v8 =	vld [tilespmem:s15+$0xFFFFFED0];
	v4 =	vmul.f32 v4, v6;
	v5 =	vmax.f32 v5, $0.0e+00  }
0x105: {  	v6 =	vld [tilespmem:s15+$0xFFFFFF50];
	[tilespmem:s10+$0xFFFFFFD0] =	vst v5  }
0x106: {  	v2 =	vmul.f32 v2, v3;
	v3 =	vld [tilespmem:s15+$0xFFFFFFA0]  }
0x107: {  	v0 =	vmul.f32 v1, v0;
	v1 =	vld [tilespmem:s11+$0xFFFFFFE0]  }
0x108: {  	v5 =	vld [tilespmem:s9+$0xFFFFFE40]  }
0x109: {  	v0 =	vadd.f32 v0, v7;
	v4 =	vadd.f32 v4, v8;
	v7 =	vld [tilespmem:s15+$0xFFFFFFE0]  }
0x10a: {  	v2 =	vadd.f32 v2, v6;
	v6 =	vld [tilespmem:s13+$0xFFFFFF40]  }
0x10b: {  	v0 =	vmax.f32 v0, $0.0e+00;
	v4 =	vmax.f32 v4, $0.0e+00;
	v8 =	vld [tilespmem:s9+$0xFFFFFEC0]  }
0x10c: {  	[tilespmem:s10+$0xFFFFFF10] =	vst v0;
	v0 =	vmax.f32 v2, $0.0e+00;
	v1 =	vmul.f32 v1, v3;
	v2 =	vld [tilespmem:s13+$0xFFFFFF80]  }
0x10d: {  	v3 =	vld [tilespmem:s15+$0xFFFFFE20];
	[tilespmem:s10+$0xFFFFFF50] =	vst v4  }
0x10e: {  	v4 =	vld [tilespmem:s11+$0xFFFFFF20];
	[tilespmem:s10+$0xFFFFFF90] =	vst v0;
	v0 =	vadd.f32 v1, v7  }
0x10f: {  	v1 =	vld [tilespmem:s15+$0xFFFFFEA0];
	v5 =	vmul.f32 v6, v5  }
0x110: {  	v6 =	vld [tilespmem:s11+$0xFFFFFF60];
	v0 =	vmax.f32 v0, $0.0e+00  }
0x111: {  	v7 =	vld [tilespmem:s15+$0xFFFFFF20];
	[tilespmem:s10+$0xFFFFFFE0] =	vst v0;
	v0 =	vmul.f32 v2, v8  }
0x112: {  	v2 =	vld [tilespmem:s15+$0xFFFFFFB0]  }
0x113: {  	v3 =	vmul.f32 v4, v3;
	v4 =	vld [tilespmem:s11+$0xFFFFFFF0]  }
0x114: {  	v8 =	vld [tilespmem:s11+$0xFFFFFFA0]  }
0x115: {  	v1 =	vmul.f32 v6, v1;
	v6 =	vld [tilespmem:s15+$0xFFFFFFF0]  }
0x116: {  	v9 =	vld [tilespmem:s15+$0xFFFFFE60]  }
0x117: {  	v10 =	vld [tilespmem:s15+$0xFFFFFEE0]  }
0x118: {  	v11 =	vld [tilespmem:s15+$0xFFFFFF60];
	v2 =	vmul.f32 v4, v2  }
0x119: {  	v4 =	vmul.f32 v8, v7;
	v7 =	vld [tilespmem:s9+$0xFFFFFF40]  }
0x11a: {  	v2 =	vadd.f32 v2, v6;
	v6 =	vld [tilespmem:s13+$0xFFFFFFC0];
	s13 =	smov.u32 s11  }
0x11b: {  	v3 =	vadd.f32 v3, v9;
	v8 =	vld [tilespmem:s9+$0xFFFFFE80]  }
0x11c: {  	v1 =	vadd.f32 v1, v10;
	v2 =	vmax.f32 v2, $0.0e+00;
	v9 =	vld [tilespmem:s9+$0xFFFFFF00]  }
0x11d: {  	v3 =	vmax.f32 v3, $0.0e+00;
	v4 =	vadd.f32 v4, v11;
	[tilespmem:s10+$0xFFFFFFF0] =	vst v2;
	v2 =	vld [tilespmem:s9+$0xFFFFFF80];
	s9 =	smov.u32 s15  }
0x11e: {  	[tilespmem:s10+$0xFFFFFF20] =	vst v3;
	v1 =	vmax.f32 v1, $0.0e+00;
	v3 =	vld [tilespmem:s15+$0xFFFFFFC0]  }
0x11f: {  	[tilespmem:s10+$0xFFFFFF60] =	vst v1;
	v1 =	vmax.f32 v4, $0.0e+00;
	v4 =	vld [tilespmem:s11+$0x0];
	v6 =	vmul.f32 v6, v7  }
0x120: {  	v7 =	vld [tilespmem:s15+$0xFFFFFE30];
	[tilespmem:s10+$0xFFFFFFA0] =	vst v1;
	v1 =	vadd.f32 v5, v8  }
0x121: {  	v5 =	vld [tilespmem:s15+$0x0];
	v0 =	vadd.f32 v0, v9  }
0x122: {  	v8 =	vld [tilespmem:s11+$0xFFFFFF30];
	v1 =	vmax.f32 v1, $0.0e+00;
	v2 =	vadd.f32 v6, v2  }
0x123: {  	v6 =	vld [tilespmem:s15+$0xFFFFFEB0];
	[tilespmem:s12+$0xFFFFFF40] =	vst v1;
	v0 =	vmax.f32 v0, $0.0e+00  }
0x124: {  	v9 =	vld [tilespmem:s11+$0xFFFFFF70];
	v3 =	vmul.f32 v4, v3;
	[tilespmem:s12+$0xFFFFFF80] =	vst v0;
	v1 =	vmax.f32 v2, $0.0e+00  }
.Ltmp7:
0x125: {  	v0 =	vld [tilespmem:s15+$0xFFFFFF30];
	[tilespmem:s12+$0xFFFFFFC0] =	vst v1;
	s12 =	smov.u32 s10;
	(pc) =	sbr.rel @p0 .LBB2_8-.Ltmp7, $4  }
0x126: {  	v1 =	vld [tilespmem:s11+$0xFFFFFFB0];
	v4 =	vadd.f32 v3, v5  }
0x127: {  	v2 =	vld [tilespmem:s15+$0xFFFFFE70];
	v5 =	vmul.f32 v8, v7  }
0x128: {  	v3 =	vld [tilespmem:s15+$0xFFFFFEF0];
	v7 =	vmax.f32 v4, $0.0e+00  }
0x129: {  	s15 =	sadd.s32 $0x200, s15;
	v6 =	vmul.f32 v9, v6;
	v4 =	vld [tilespmem:s9+$0xFFFFFF70];
	[tilespmem:s10+$0x0] =	vst v7  }
0x12a: {  	_ =	sdelay $0x1  }
0x12b: {  	v2 =	vadd.f32 v5, v2;
	_ =	sdelay $0x1  }
0x12c: {  	v2 =	vmax.f32 v2, $0.0e+00  }
0x12d: {  	v0 =	vmul.f32 v1, v0;
	v55 =	vadd.f32 v6, v3;
	[tilespmem:s10+$0xFFFFFF30] =	vst v2  }
0x12e: {  	v2 =	vld [tilespmem:s9+$0xFFFFFE40]  }
0x12f: {  	v0 =	vadd.f32 v0, v4;
	v1 =	vmax.f32 v55, $0.0e+00;
	v56 =	vld [tilespmem:s13+$0xFFFFFF40]  }
0x130: {  	[tilespmem:s10+$0xFFFFFF70] =	vst v1;
	v61 =	vld [tilespmem:s9+$0xFFFFFE80]  }
0x131: {  	v0 =	vmax.f32 v0, $0.0e+00;
	v57 =	vld [tilespmem:s9+$0xFFFFFEC0]  }
0x132: {  	[tilespmem:s10+$0xFFFFFFB0] =	vst v0;
	v58 =	vld [tilespmem:s13+$0xFFFFFF80]  }
0x133: {  	v59 =	vld [tilespmem:s9+$0xFFFFFF40]  }
0x134: {  	v60 =	vld [tilespmem:s13+$0xFFFFFFC0]  }
0x135: {  	v7 =	vld [tilespmem:s9+$0xFFFFFF00]  }
0x136: {  	v8 =	vld [tilespmem:s9+$0xFFFFFF80]  }
0x137: {  	v1 =	vmul.f32 v56, v2  }
0x138: {  	v0 =	vmul.f32 v58, v57  }
0x139: {  	v62 =	vmul.f32 v60, v59;
	v1 =	vadd.f32 v1, v61  }
0x13a: {  	v0 =	vadd.f32 v0, v7  }
0x13b: {  	v1 =	vmax.f32 v1, $0.0e+00;
	v2 =	vadd.f32 v62, v8  }
0x13c: {  	[tilespmem:s12+$0xFFFFFF40] =	vst v1;
	v0 =	vmax.f32 v0, $0.0e+00  }
0x13d: {  	p0 =	sgt.u32 s21, $0x3C;
	s11 =	smul.u32 $0x140, s23;
	[tilespmem:s12+$0xFFFFFF80] =	vst v0;
	v63 =	vmax.f32 v2, $0.0e+00  }
0x13e: {  	s4 =	sadd.s32 @!p0 $0xF0, s22;
	s10 =	simm.s32 @!p0 $0x6220;
	s9 =	simm.s32 @!p0 $0x50;
	[tilespmem:s12+$0xFFFFFFC0] =	vst v63  }
0x13f: {  	[tilespmem:s10], [sflag:$0x2] =	stream.indirect.gather @!p0 [hbm4b:s5+s9], $0x40, s4, s9, $0xb8;
	[tilespmem:$0x18E20] =	vst v63  }
.Ltmp8:
0x140: {  	_ = 	snop;
	(pc) =	sbr.rel .LBB2_10-.Ltmp8, $4  }
0x141: {  	s23 =	sshra.s32 s11, $0x2;
	s4 =	sadd.s32 @!p0 $0x2800, s22;
	s10 =	simm.s32 @!p0 $0x9E20  }
0x142: {  	[tilespmem:s10], [sflag:$0x4] =	stream.indirect.gather @!p0 [hbm4b:s1+s9], $0x80, s4, s9, $0xb8;
	[tilespmem:$0x18E20] =	vst v63  }
0x143: {  	s4 =	sadd.s32 $0x2710, s23  }
0x144: {  	[spmem:s3] =	stream.indirect.scatter.add.f32 [tilespmem:s2], [sflag:$0x6], $0x40, s4, s18, $0xb8;
	[tilespmem:$0x18E20] =	vst v63  }
.LBB2_5:
0x145: {  	s4 =	simm.s32 $0x4DD0  }
0x146: {  	[spmem:s3] =	stream.indirect.scatter.add.f32 [tilespmem:s28], [sflag:$0x5], $0x40, s4, s18, $0xb8;
	[tilespmem:$0x18E20] =	vst v63  }
.LBB2_11:
0x147: {  	_ =	swait.ge [sflag:s29], $0x1400  }
0x148: {  	[sflag:s29] =	ssyncset.done $0x0  }
0x149: {  	[sflag:s29] =	ssyncadd.s32 $0xFFFFEC00  }
0x14a: {  	_ =	swait.ge [sflag:s30], $0x1400  }
0x14b: {  	[sflag:s30] =	ssyncset.done $0x0  }
0x14c: {  	[sflag:s30] =	ssyncadd.s32 $0xFFFFEC00  }
0x14d: {  	[bflag:$0x0] =	sbarrier.arrive $0xFFFF  }
0x14e: {  	s4 =	rddreg [dreg:$0x6]  }
0x14f: {  	[hbm:s4], [sflag:s16] =	dma.local [spmem:s17], $0x1400  }
0x150: {  	_ =	swait.ge [sflag:s14], $0x1400  }
0x151: {  	[sflag:s14] =	ssyncset.done $0x0  }
0x152: {  	[sflag:s14] =	ssyncadd.s32 $0xFFFFEC00  }
0x153: {  	[spmem:s17], [sflag:s16] =	dma.local [hbm:s8], $0x1400  }
0x154: {  	_ =	swait.ge [sflag:s14], $0x1400  }
0x155: {  	[sflag:s14] =	ssyncset.done $0x0  }
0x156: {  	[sflag:s14] =	ssyncadd.s32 $0xFFFFEC00  }
0x157: {  	s21 =	simm.s32 $0x0;
	[bflag:$0x0] =	sbarrier.arrive $0xFFFF  }
0x158: {  	[tilespmem:s19], [sflag:$0x1] =	stream.indirect.gather [hbm4b:s6+s18], $0x40, s21, s18, $0xb8;
	[tilespmem:$0x18E20] =	vst v63  }
0x159: {  	s15 =	simm.s32 $0x2710  }
0x15a: {  	[tilespmem:s20], [sflag:$0x3] =	stream.indirect.gather [hbm4b:s7+s18], $0x80, s15, s18, $0xb8;
	[tilespmem:$0x18E20] =	vst v63  }
.Ltmp9:
0x15b: {  	_ = 	snop;
	(pc) =	sbr.rel .LBB2_12-.Ltmp9, $4  }
0x15c: {  	s22 =	simm.s32 $0x6220  }
0x15d: {  	[tilespmem:s22], [sflag:$0x2] =	stream.indirect.gather [hbm4b:s6+s18], $0x40, s18, s18, $0xb8;
	[tilespmem:$0x18E20] =	vst v63  }
0x15e: {  	s23 =	simm.s32 $0x2760;
	s9 =	simm.s32 $0x9E20  }
0x15f: {  	[tilespmem:s9], [sflag:$0x4] =	stream.indirect.gather [hbm4b:s7+s18], $0x80, s23, s18, $0xb8;
	[tilespmem:$0x18E20] =	vst v63  }
.LBB2_20:
0x160: {  	s21 =	sadd.s32 $0x1, s21  }
0x161: {  	p0 =	sne.s32 s21, $0x3F  }
.Ltmp10:
0x162: {  	_ = 	snop;
	(pc) =	sbr.rel @!p0 .LBB2_21-.Ltmp10, $1  }
0x163: {  	_ =	sdelay $0x3  }
.LBB2_12:
0x164: {  	_ =	swait.ge [sflag:s24], $0x1400  }
0x165: {  	[sflag:s24] =	ssyncset.done $0x0  }
0x166: {  	[sflag:s24] =	ssyncadd.s32 $0xFFFFEC00  }
0x167: {  	_ =	swait.ge [sflag:s25], $0x2800  }
0x168: {  	p0 =	seq.s32 s21, $0x0;
	[sflag:s25] =	ssyncset.done $0x0  }
0x169: {  	s4 =	simm.s32 @!p0 $0x5;
	[sflag:s25] =	ssyncadd.s32 $0xFFFFD800  }
0x16a: {  	_ =	swait.ge @!p0 [sflag:s4], $0x1400  }
0x16b: {  	[sflag:s4] =	ssyncset.done @!p0 $0x0  }
0x16c: {  	s22 =	simm.s32 $0x7720;
	[sflag:s4] =	ssyncadd.s32 @!p0 $0xFFFFEC00  }
0x16d: {  	s10 =	simm.s32 $0x4EA0;
	v0 =	vld [tilespmem:s22+$0x80]  }
0x16e: {  	v1 =	vld [tilespmem:s10+$0x40];
	_ =	sdelay $0x1  }
0x16f: {  	v2 =	vld [tilespmem:s22+$0xC0];
	_ =	sdelay $0x2  }
0x170: {  	v0 =	vmul.f32 v1, v0;
	_ =	sdelay $0x1  }
0x171: {  	v3 =	vld [tilespmem:s22+$0xFFFFFF00];
	v0 =	vadd.f32 v0, v2  }
0x172: {  	v4 =	vld [tilespmem:s22+$0xFFFFFF40]  }
0x173: {  	s9 =	simm.s32 $0xC6A0;
	v6 =	vld [tilespmem:s10+$0xFFFFFFC0];
	v0 =	vmax.f32 v0, $0.0e+00  }
0x174: {  	v1 =	vld [tilespmem:s10+$0xFFFFFF80];
	[tilespmem:s9+$0x40] =	vst v0  }
0x175: {  	v0 =	vld [tilespmem:s22+$0x90]  }
0x176: {  	v5 =	vld [tilespmem:s10+$0x50]  }
0x177: {  	v2 =	vld [tilespmem:s22+$0xFFFFFF80]  }
0x178: {  	v7 =	vld [tilespmem:s22+$0xD0]  }
0x179: {  	v1 =	vmul.f32 v1, v3  }
0x17a: {  	v3 =	vld [tilespmem:s22+$0xFFFFFFC0]  }
0x17b: {  	v8 =	vld [tilespmem:s22+$0x0];
	v1 =	vadd.f32 v1, v4;
	v0 =	vmul.f32 v5, v0  }
0x17c: {  	v4 =	vld [tilespmem:s10+$0x0]  }
0x17d: {  	v2 =	vmul.f32 v6, v2;
	v1 =	vmax.f32 v1, $0.0e+00;
	v0 =	vadd.f32 v0, v7  }
0x17e: {  	[tilespmem:s9+$0xFFFFFF80] =	vst v1;
	v5 =	vld [tilespmem:s22+$0x40]  }
0x17f: {  	v1 =	vadd.f32 v2, v3;
	v2 =	vld [tilespmem:s22+$0xFFFFFF10];
	v0 =	vmax.f32 v0, $0.0e+00  }
0x180: {  	v3 =	vld [tilespmem:s10+$0xFFFFFF90];
	[tilespmem:s9+$0x50] =	vst v0  }
0x181: {  	v1 =	vmax.f32 v1, $0.0e+00;
	v0 =	vmul.f32 v4, v8;
	v4 =	vld [tilespmem:s22+$0xA0]  }
0x182: {  	[tilespmem:s9+$0xFFFFFFC0] =	vst v1;
	v1 =	vld [tilespmem:s10+$0x60]  }
0x183: {  	v7 =	vld [tilespmem:s10+$0xFFFFFFD0];
	v0 =	vadd.f32 v0, v5  }
0x184: {  	v6 =	vld [tilespmem:s22+$0xE0]  }
0x185: {  	v5 =	vld [tilespmem:s22+$0xFFFFFF90];
	v0 =	vmax.f32 v0, $0.0e+00  }
0x186: {  	[tilespmem:s9+$0x0] =	vst v0;
	v0 =	vld [tilespmem:s22+$0xFFFFFF50]  }
0x187: {  	v8 =	vld [tilespmem:s22+$0x10];
	v1 =	vmul.f32 v1, v4  }
0x188: {  	v4 =	vld [tilespmem:s10+$0x10]  }
0x189: {  	v2 =	vmul.f32 v3, v2;
	v3 =	vld [tilespmem:s22+$0xFFFFFFD0];
	v1 =	vadd.f32 v1, v6  }
0x18a: {  	v6 =	vld [tilespmem:s22+$0x50]  }
0x18b: {  	v0 =	vadd.f32 v2, v0;
	v1 =	vmax.f32 v1, $0.0e+00  }
0x18c: {  	v2 =	vmul.f32 v7, v5;
	[tilespmem:s9+$0x60] =	vst v1  }
0x18d: {  	v4 =	vmul.f32 v4, v8;
	v0 =	vmax.f32 v0, $0.0e+00;
	v1 =	vld [tilespmem:s22+$0xB0]  }
0x18e: {  	v2 =	vadd.f32 v2, v3;
	[tilespmem:s9+$0xFFFFFF90] =	vst v0;
	v0 =	vld [tilespmem:s10+$0x70]  }
0x18f: {  	v3 =	vadd.f32 v4, v6;
	v4 =	vld [tilespmem:s22+$0xF0]  }
0x190: {  	v5 =	vld [tilespmem:s22+$0xFFFFFF20];
	v2 =	vmax.f32 v2, $0.0e+00  }
0x191: {  	v6 =	vld [tilespmem:s10+$0xFFFFFFA0];
	[tilespmem:s9+$0xFFFFFFD0] =	vst v2  }
0x192: {  	v2 =	vmax.f32 v3, $0.0e+00;
	v7 =	vld [tilespmem:s22+$0xFFFFFFA0]  }
0x193: {  	[tilespmem:s9+$0x10] =	vst v2;
	v8 =	vld [tilespmem:s10+$0xFFFFFFE0];
	v2 =	vmul.f32 v0, v1  }
0x194: {  	v0 =	vld [tilespmem:s22+$0x20]  }
0x195: {  	v1 =	vld [tilespmem:s10+$0x20];
	v4 =	vadd.f32 v2, v4  }
0x196: {  	v2 =	vld [tilespmem:s22+$0xFFFFFF60]  }
0x197: {  	s11 =	sshll.u32 s21, $0x1;
	s15 =	simm.s32 $0x7920;
	v3 =	vld [tilespmem:s22+$0xFFFFFFE0];
	v9 =	vmax.f32 v4, $0.0e+00  }
0x198: {  	s13 =	simm.s32 $0x4EA0;
	s12 =	simm.s32 $0xC6A0;
	s4 =	simm.s32 $0x0;
	v5 =	vmul.f32 v6, v5;
	v6 =	vmul.f32 v8, v7;
	v4 =	vld [tilespmem:s22+$0x60];
	[tilespmem:s9+$0x70] =	vst v9  }
.LBB2_13:
0x199: {  	v7 =	vld [tilespmem:s15+$0x80];
	s10 =	sadd.s32 $0x100, s10  }
0x19a: {  	v8 =	vld [tilespmem:s10+$0x40];
	v0 =	vmul.f32 v1, v0  }
0x19b: {  	v1 =	vld [tilespmem:s10+$0xFFFFFF80];
	v2 =	vadd.f32 v5, v2  }
0x19c: {  	v5 =	vld [tilespmem:s15+$0xC0];
	v3 =	vadd.f32 v6, v3  }
0x19d: {  	s4 =	sadd.s32 $0x4, s4;
	v6 =	vld [tilespmem:s15+$0xFFFFFF80];
	v2 =	vmax.f32 v2, $0.0e+00;
	v0 =	vadd.f32 v0, v4  }
0x19e: {  	p1 =	slt.u32 s4, $0x4C;
	v4 =	vld [tilespmem:s10+$0xFFFFFFC0];
	[tilespmem:s9+$0xFFFFFFA0] =	vst v2;
	v2 =	vmax.f32 v3, $0.0e+00  }
0x19f: {  	v3 =	vld [tilespmem:s15+$0x0];
	v7 =	vmul.f32 v8, v7;
	[tilespmem:s9+$0xFFFFFFE0] =	vst v2;
	v0 =	vmax.f32 v0, $0.0e+00  }
0x1a0: {  	v2 =	vld [tilespmem:s10+$0x0];
	[tilespmem:s9+$0x20] =	vst v0  }
0x1a1: {  	v0 =	vld [tilespmem:s15+$0xFFFFFF00];
	v5 =	vadd.f32 v7, v5  }
0x1a2: {  	v7 =	vld [tilespmem:s15+$0xFFFFFF40]  }
0x1a3: {  	s9 =	sadd.s32 $0x100, s9;
	v8 =	vld [tilespmem:s15+$0xFFFFFFC0];
	v4 =	vmul.f32 v4, v6;
	v5 =	vmax.f32 v5, $0.0e+00  }
0x1a4: {  	v6 =	vld [tilespmem:s15+$0x40];
	[tilespmem:s9+$0x40] =	vst v5  }
0x1a5: {  	v2 =	vmul.f32 v2, v3;
	v3 =	vld [tilespmem:s15+$0x90]  }
0x1a6: {  	v0 =	vmul.f32 v1, v0;
	v1 =	vld [tilespmem:s10+$0x50]  }
0x1a7: {  	v5 =	vld [tilespmem:s22+$0xFFFFFF30]  }
0x1a8: {  	v0 =	vadd.f32 v0, v7;
	v4 =	vadd.f32 v4, v8;
	v7 =	vld [tilespmem:s15+$0xD0]  }
0x1a9: {  	v2 =	vadd.f32 v2, v6;
	v6 =	vld [tilespmem:s13+$0xFFFFFFB0]  }
0x1aa: {  	v0 =	vmax.f32 v0, $0.0e+00;
	v4 =	vmax.f32 v4, $0.0e+00;
	v8 =	vld [tilespmem:s22+$0xFFFFFFB0]  }
0x1ab: {  	[tilespmem:s9+$0xFFFFFF80] =	vst v0;
	v0 =	vmax.f32 v2, $0.0e+00;
	v1 =	vmul.f32 v1, v3;
	v2 =	vld [tilespmem:s13+$0xFFFFFFF0]  }
0x1ac: {  	v3 =	vld [tilespmem:s15+$0xFFFFFF10];
	[tilespmem:s9+$0xFFFFFFC0] =	vst v4  }
0x1ad: {  	v4 =	vld [tilespmem:s10+$0xFFFFFF90];
	[tilespmem:s9+$0x0] =	vst v0;
	v0 =	vadd.f32 v1, v7  }
0x1ae: {  	v1 =	vld [tilespmem:s15+$0xFFFFFF90];
	v5 =	vmul.f32 v6, v5  }
0x1af: {  	v6 =	vld [tilespmem:s10+$0xFFFFFFD0];
	v0 =	vmax.f32 v0, $0.0e+00  }
0x1b0: {  	v7 =	vld [tilespmem:s15+$0x10];
	[tilespmem:s9+$0x50] =	vst v0;
	v0 =	vmul.f32 v2, v8  }
0x1b1: {  	v2 =	vld [tilespmem:s15+$0xA0]  }
0x1b2: {  	v3 =	vmul.f32 v4, v3;
	v4 =	vld [tilespmem:s10+$0x60]  }
0x1b3: {  	v8 =	vld [tilespmem:s10+$0x10]  }
0x1b4: {  	v1 =	vmul.f32 v6, v1;
	v6 =	vld [tilespmem:s15+$0xE0]  }
0x1b5: {  	v9 =	vld [tilespmem:s15+$0xFFFFFF50]  }
0x1b6: {  	v10 =	vld [tilespmem:s15+$0xFFFFFFD0]  }
0x1b7: {  	v11 =	vld [tilespmem:s15+$0x50];
	v2 =	vmul.f32 v4, v2  }
0x1b8: {  	v4 =	vmul.f32 v8, v7;
	v7 =	vld [tilespmem:s22+$0x30]  }
0x1b9: {  	v2 =	vadd.f32 v2, v6;
	v6 =	vld [tilespmem:s13+$0x30];
	s13 =	smov.u32 s10  }
0x1ba: {  	v3 =	vadd.f32 v3, v9;
	v8 =	vld [tilespmem:s22+$0xFFFFFF70]  }
0x1bb: {  	v1 =	vadd.f32 v1, v10;
	v2 =	vmax.f32 v2, $0.0e+00;
	v9 =	vld [tilespmem:s22+$0xFFFFFFF0]  }
0x1bc: {  	v3 =	vmax.f32 v3, $0.0e+00;
	v4 =	vadd.f32 v4, v11;
	[tilespmem:s9+$0x60] =	vst v2;
	v2 =	vld [tilespmem:s22+$0x70];
	s22 =	smov.u32 s15  }
0x1bd: {  	[tilespmem:s9+$0xFFFFFF90] =	vst v3;
	v1 =	vmax.f32 v1, $0.0e+00;
	v3 =	vld [tilespmem:s15+$0xB0]  }
0x1be: {  	[tilespmem:s9+$0xFFFFFFD0] =	vst v1;
	v1 =	vmax.f32 v4, $0.0e+00;
	v4 =	vld [tilespmem:s10+$0x70];
	v6 =	vmul.f32 v6, v7  }
0x1bf: {  	v7 =	vld [tilespmem:s15+$0xFFFFFF20];
	[tilespmem:s9+$0x10] =	vst v1;
	v1 =	vadd.f32 v5, v8  }
0x1c0: {  	v5 =	vld [tilespmem:s15+$0xF0];
	v0 =	vadd.f32 v0, v9  }
0x1c1: {  	v8 =	vld [tilespmem:s10+$0xFFFFFFA0];
	v1 =	vmax.f32 v1, $0.0e+00;
	v2 =	vadd.f32 v6, v2  }
0x1c2: {  	v6 =	vld [tilespmem:s15+$0xFFFFFFA0];
	[tilespmem:s12+$0xFFFFFFB0] =	vst v1;
	v0 =	vmax.f32 v0, $0.0e+00  }
0x1c3: {  	v9 =	vld [tilespmem:s10+$0xFFFFFFE0];
	v3 =	vmul.f32 v4, v3;
	[tilespmem:s12+$0xFFFFFFF0] =	vst v0;
	v1 =	vmax.f32 v2, $0.0e+00  }
.Ltmp11:
0x1c4: {  	v0 =	vld [tilespmem:s15+$0x20];
	[tilespmem:s12+$0x30] =	vst v1;
	s12 =	smov.u32 s9;
	(pc) =	sbr.rel @p1 .LBB2_13-.Ltmp11, $4  }
0x1c5: {  	v1 =	vld [tilespmem:s10+$0x20];
	v4 =	vadd.f32 v3, v5  }
0x1c6: {  	v2 =	vld [tilespmem:s15+$0xFFFFFF60];
	v5 =	vmul.f32 v8, v7  }
0x1c7: {  	v3 =	vld [tilespmem:s15+$0xFFFFFFE0];
	v7 =	vmax.f32 v4, $0.0e+00  }
0x1c8: {  	s15 =	sadd.s32 $0x200, s15;
	v6 =	vmul.f32 v9, v6;
	v4 =	vld [tilespmem:s22+$0x60];
	[tilespmem:s9+$0x70] =	vst v7  }
0x1c9: {  	_ =	sdelay $0x1  }
0x1ca: {  	v2 =	vadd.f32 v5, v2;
	_ =	sdelay $0x1  }
0x1cb: {  	v2 =	vmax.f32 v2, $0.0e+00  }
0x1cc: {  	v0 =	vmul.f32 v1, v0;
	v55 =	vadd.f32 v6, v3;
	[tilespmem:s9+$0xFFFFFFA0] =	vst v2  }
0x1cd: {  	v2 =	vld [tilespmem:s22+$0xFFFFFF30]  }
0x1ce: {  	v0 =	vadd.f32 v0, v4;
	v1 =	vmax.f32 v55, $0.0e+00;
	v56 =	vld [tilespmem:s13+$0xFFFFFFB0]  }
0x1cf: {  	[tilespmem:s9+$0xFFFFFFE0] =	vst v1;
	v61 =	vld [tilespmem:s22+$0xFFFFFF70]  }
0x1d0: {  	v0 =	vmax.f32 v0, $0.0e+00;
	v57 =	vld [tilespmem:s22+$0xFFFFFFB0]  }
0x1d1: {  	[tilespmem:s9+$0x20] =	vst v0;
	v58 =	vld [tilespmem:s13+$0xFFFFFFF0]  }
0x1d2: {  	v59 =	vld [tilespmem:s22+$0x30]  }
0x1d3: {  	v60 =	vld [tilespmem:s13+$0x30]  }
0x1d4: {  	v7 =	vld [tilespmem:s22+$0xFFFFFFF0]  }
0x1d5: {  	v8 =	vld [tilespmem:s22+$0x70]  }
0x1d6: {  	v1 =	vmul.f32 v56, v2  }
0x1d7: {  	v0 =	vmul.f32 v58, v57  }
0x1d8: {  	p1 =	sne.s32 s21, $0x3E;
	v62 =	vmul.f32 v60, v59;
	v1 =	vadd.f32 v1, v61  }
.Ltmp12:
0x1d9: {  	v0 =	vadd.f32 v0, v7;
	(pc) =	sbr.rel @!p1 .LBB2_15-.Ltmp12, $4  }
0x1da: {  	v1 =	vmax.f32 v1, $0.0e+00;
	v2 =	vadd.f32 v62, v8  }
0x1db: {  	[tilespmem:s12+$0xFFFFFFB0] =	vst v1;
	v0 =	vmax.f32 v0, $0.0e+00  }
0x1dc: {  	[tilespmem:s12+$0xFFFFFFF0] =	vst v0;
	v63 =	vmax.f32 v2, $0.0e+00  }
0x1dd: {  	[tilespmem:s12+$0x30] =	vst v63  }
0x1de: {  	s22 =	smul.u32 $0xA0, s21  }
0x1df: {  	s9 =	smul.u32 $0x280, s21;
	_ =	sdelay $0x1  }
0x1e0: {  	s4 =	sadd.s32 $0xA0, s22;
	s23 =	sshra.s32 s9, $0x2  }
0x1e1: {  	[tilespmem:s19], [sflag:$0x1] =	stream.indirect.gather [hbm4b:s6+s18], $0x40, s4, s18, $0xb8;
	[tilespmem:$0x18E20] =	vst v63  }
0x1e2: {  	s4 =	sadd.s32 $0x2710, s23;
	s23 =	sor.u32 $0x1, s11  }
0x1e3: {  	p1 =	sgt.u32 s23, $0x7C  }
.Ltmp13:
0x1e4: {  	_ = 	snop;
	(pc) =	sbr.rel @p1 .LBB2_20-.Ltmp13, $4  }
0x1e5: {  	s15 =	sadd.s32 $0x27B0, s22  }
0x1e6: {  	[tilespmem:s20], [sflag:$0x3] =	stream.indirect.gather [hbm4b:s7+s18], $0x80, s15, s18, $0xb8;
	[tilespmem:$0x18E20] =	vst v63  }
0x1e7: {  	_ = 	snop  }
0x1e8: {  	[spmem:s3] =	stream.indirect.scatter.add.f32 [tilespmem:s28], [sflag:$0x5], $0x40, s4, s18, $0xb8;
	[tilespmem:$0x18E20] =	vst v63  }
0x1e9: {  	_ =	swait.ge [sflag:s31], $0x1400  }
0x1ea: {  	[sflag:s31] =	ssyncset.done $0x0  }
0x1eb: {  	[sflag:s31] =	ssyncadd.s32 $0xFFFFEC00  }
0x1ec: {  	_ =	swait.ge [sflag:s0], $0x2800  }
0x1ed: {  	[sflag:s0] =	ssyncset.done $0x0  }
0x1ee: {  	s4 =	simm.s32 @!p0 $0x6;
	[sflag:s0] =	ssyncadd.s32 $0xFFFFD800  }
0x1ef: {  	_ =	swait.ge @!p0 [sflag:s4], $0x1400  }
0x1f0: {  	[sflag:s4] =	ssyncset.done @!p0 $0x0  }
0x1f1: {  	s9 =	simm.s32 $0xA010;
	[sflag:s4] =	ssyncadd.s32 @!p0 $0xFFFFEC00  }
0x1f2: {  	s11 =	simm.s32 $0x6310;
	v0 =	vld [tilespmem:s9+$0xFFFFFF90]  }
0x1f3: {  	v1 =	vld [tilespmem:s11+$0xFFFFFFD0];
	_ =	sdelay $0x1  }
0x1f4: {  	v2 =	vld [tilespmem:s9+$0xFFFFFFD0];
	_ =	sdelay $0x2  }
0x1f5: {  	v0 =	vmul.f32 v1, v0;
	_ =	sdelay $0x1  }
0x1f6: {  	v3 =	vld [tilespmem:s9+$0xFFFFFE10];
	v0 =	vadd.f32 v0, v2  }
0x1f7: {  	v4 =	vld [tilespmem:s9+$0xFFFFFE50]  }
0x1f8: {  	s10 =	simm.s32 $0xDB10;
	v6 =	vld [tilespmem:s11+$0xFFFFFF50];
	v0 =	vmax.f32 v0, $0.0e+00  }
0x1f9: {  	v1 =	vld [tilespmem:s11+$0xFFFFFF10];
	[tilespmem:s10+$0xFFFFFFD0] =	vst v0  }
0x1fa: {  	v0 =	vld [tilespmem:s9+$0xFFFFFFA0]  }
0x1fb: {  	v5 =	vld [tilespmem:s11+$0xFFFFFFE0]  }
0x1fc: {  	v2 =	vld [tilespmem:s9+$0xFFFFFE90]  }
0x1fd: {  	v7 =	vld [tilespmem:s9+$0xFFFFFFE0]  }
0x1fe: {  	v1 =	vmul.f32 v1, v3  }
0x1ff: {  	v3 =	vld [tilespmem:s9+$0xFFFFFED0]  }
0x200: {  	v8 =	vld [tilespmem:s9+$0xFFFFFF10];
	v1 =	vadd.f32 v1, v4;
	v0 =	vmul.f32 v5, v0  }
0x201: {  	v4 =	vld [tilespmem:s11+$0xFFFFFF90]  }
0x202: {  	v2 =	vmul.f32 v6, v2;
	v1 =	vmax.f32 v1, $0.0e+00;
	v0 =	vadd.f32 v0, v7  }
0x203: {  	[tilespmem:s10+$0xFFFFFF10] =	vst v1;
	v5 =	vld [tilespmem:s9+$0xFFFFFF50]  }
0x204: {  	v1 =	vadd.f32 v2, v3;
	v2 =	vld [tilespmem:s9+$0xFFFFFE20];
	v0 =	vmax.f32 v0, $0.0e+00  }
0x205: {  	v3 =	vld [tilespmem:s11+$0xFFFFFF20];
	[tilespmem:s10+$0xFFFFFFE0] =	vst v0  }
0x206: {  	v1 =	vmax.f32 v1, $0.0e+00;
	v0 =	vmul.f32 v4, v8;
	v4 =	vld [tilespmem:s9+$0xFFFFFFB0]  }
0x207: {  	[tilespmem:s10+$0xFFFFFF50] =	vst v1;
	v1 =	vld [tilespmem:s11+$0xFFFFFFF0]  }
0x208: {  	v7 =	vld [tilespmem:s11+$0xFFFFFF60];
	v0 =	vadd.f32 v0, v5  }
0x209: {  	v6 =	vld [tilespmem:s9+$0xFFFFFFF0]  }
0x20a: {  	v5 =	vld [tilespmem:s9+$0xFFFFFEA0];
	v0 =	vmax.f32 v0, $0.0e+00  }
0x20b: {  	[tilespmem:s10+$0xFFFFFF90] =	vst v0;
	v0 =	vld [tilespmem:s9+$0xFFFFFE60]  }
0x20c: {  	v8 =	vld [tilespmem:s9+$0xFFFFFF20];
	v1 =	vmul.f32 v1, v4  }
0x20d: {  	v4 =	vld [tilespmem:s11+$0xFFFFFFA0]  }
0x20e: {  	v2 =	vmul.f32 v3, v2;
	v3 =	vld [tilespmem:s9+$0xFFFFFEE0];
	v1 =	vadd.f32 v1, v6  }
0x20f: {  	v6 =	vld [tilespmem:s9+$0xFFFFFF60]  }
0x210: {  	v0 =	vadd.f32 v2, v0;
	v1 =	vmax.f32 v1, $0.0e+00  }
0x211: {  	v2 =	vmul.f32 v7, v5;
	[tilespmem:s10+$0xFFFFFFF0] =	vst v1  }
0x212: {  	v4 =	vmul.f32 v4, v8;
	v0 =	vmax.f32 v0, $0.0e+00;
	v1 =	vld [tilespmem:s9+$0xFFFFFFC0]  }
0x213: {  	v2 =	vadd.f32 v2, v3;
	[tilespmem:s10+$0xFFFFFF20] =	vst v0;
	v0 =	vld [tilespmem:s11+$0x0]  }
0x214: {  	v3 =	vadd.f32 v4, v6;
	v4 =	vld [tilespmem:s9+$0x0]  }
0x215: {  	v5 =	vld [tilespmem:s9+$0xFFFFFE30];
	v2 =	vmax.f32 v2, $0.0e+00  }
0x216: {  	v6 =	vld [tilespmem:s11+$0xFFFFFF30];
	[tilespmem:s10+$0xFFFFFF60] =	vst v2  }
0x217: {  	v2 =	vmax.f32 v3, $0.0e+00;
	v7 =	vld [tilespmem:s9+$0xFFFFFEB0]  }
0x218: {  	[tilespmem:s10+$0xFFFFFFA0] =	vst v2;
	v8 =	vld [tilespmem:s11+$0xFFFFFF70];
	v2 =	vmul.f32 v0, v1  }
0x219: {  	v0 =	vld [tilespmem:s9+$0xFFFFFF30]  }
0x21a: {  	v1 =	vld [tilespmem:s11+$0xFFFFFFB0];
	v4 =	vadd.f32 v2, v4  }
0x21b: {  	v2 =	vld [tilespmem:s9+$0xFFFFFE70]  }
0x21c: {  	s15 =	simm.s32 $0xA210;
	v3 =	vld [tilespmem:s9+$0xFFFFFEF0];
	v9 =	vmax.f32 v4, $0.0e+00  }
0x21d: {  	s13 =	simm.s32 $0x6310;
	s12 =	simm.s32 $0xDB10;
	s4 =	simm.s32 $0x0;
	v5 =	vmul.f32 v6, v5;
	v6 =	vmul.f32 v8, v7;
	v4 =	vld [tilespmem:s9+$0xFFFFFF70];
	[tilespmem:s10+$0x0] =	vst v9  }
.LBB2_18:
0x21e: {  	v7 =	vld [tilespmem:s15+$0xFFFFFF90];
	s11 =	sadd.s32 $0x100, s11  }
0x21f: {  	v8 =	vld [tilespmem:s11+$0xFFFFFFD0];
	v0 =	vmul.f32 v1, v0  }
0x220: {  	v1 =	vld [tilespmem:s11+$0xFFFFFF10];
	v2 =	vadd.f32 v5, v2  }
0x221: {  	v5 =	vld [tilespmem:s15+$0xFFFFFFD0];
	v3 =	vadd.f32 v6, v3  }
0x222: {  	s4 =	sadd.s32 $0x4, s4;
	v6 =	vld [tilespmem:s15+$0xFFFFFE90];
	v2 =	vmax.f32 v2, $0.0e+00;
	v0 =	vadd.f32 v0, v4  }
0x223: {  	p0 =	slt.u32 s4, $0x4C;
	v4 =	vld [tilespmem:s11+$0xFFFFFF50];
	[tilespmem:s10+$0xFFFFFF30] =	vst v2;
	v2 =	vmax.f32 v3, $0.0e+00  }
0x224: {  	v3 =	vld [tilespmem:s15+$0xFFFFFF10];
	v7 =	vmul.f32 v8, v7;
	[tilespmem:s10+$0xFFFFFF70] =	vst v2;
	v0 =	vmax.f32 v0, $0.0e+00  }
0x225: {  	v2 =	vld [tilespmem:s11+$0xFFFFFF90];
	[tilespmem:s10+$0xFFFFFFB0] =	vst v0  }
0x226: {  	v0 =	vld [tilespmem:s15+$0xFFFFFE10];
	v5 =	vadd.f32 v7, v5  }
0x227: {  	v7 =	vld [tilespmem:s15+$0xFFFFFE50]  }
0x228: {  	s10 =	sadd.s32 $0x100, s10;
	v8 =	vld [tilespmem:s15+$0xFFFFFED0];
	v4 =	vmul.f32 v4, v6;
	v5 =	vmax.f32 v5, $0.0e+00  }
0x229: {  	v6 =	vld [tilespmem:s15+$0xFFFFFF50];
	[tilespmem:s10+$0xFFFFFFD0] =	vst v5  }
0x22a: {  	v2 =	vmul.f32 v2, v3;
	v3 =	vld [tilespmem:s15+$0xFFFFFFA0]  }
0x22b: {  	v0 =	vmul.f32 v1, v0;
	v1 =	vld [tilespmem:s11+$0xFFFFFFE0]  }
0x22c: {  	v5 =	vld [tilespmem:s9+$0xFFFFFE40]  }
0x22d: {  	v0 =	vadd.f32 v0, v7;
	v4 =	vadd.f32 v4, v8;
	v7 =	vld [tilespmem:s15+$0xFFFFFFE0]  }
0x22e: {  	v2 =	vadd.f32 v2, v6;
	v6 =	vld [tilespmem:s13+$0xFFFFFF40]  }
0x22f: {  	v0 =	vmax.f32 v0, $0.0e+00;
	v4 =	vmax.f32 v4, $0.0e+00;
	v8 =	vld [tilespmem:s9+$0xFFFFFEC0]  }
0x230: {  	[tilespmem:s10+$0xFFFFFF10] =	vst v0;
	v0 =	vmax.f32 v2, $0.0e+00;
	v1 =	vmul.f32 v1, v3;
	v2 =	vld [tilespmem:s13+$0xFFFFFF80]  }
0x231: {  	v3 =	vld [tilespmem:s15+$0xFFFFFE20];
	[tilespmem:s10+$0xFFFFFF50] =	vst v4  }
0x232: {  	v4 =	vld [tilespmem:s11+$0xFFFFFF20];
	[tilespmem:s10+$0xFFFFFF90] =	vst v0;
	v0 =	vadd.f32 v1, v7  }
0x233: {  	v1 =	vld [tilespmem:s15+$0xFFFFFEA0];
	v5 =	vmul.f32 v6, v5  }
0x234: {  	v6 =	vld [tilespmem:s11+$0xFFFFFF60];
	v0 =	vmax.f32 v0, $0.0e+00  }
0x235: {  	v7 =	vld [tilespmem:s15+$0xFFFFFF20];
	[tilespmem:s10+$0xFFFFFFE0] =	vst v0;
	v0 =	vmul.f32 v2, v8  }
0x236: {  	v2 =	vld [tilespmem:s15+$0xFFFFFFB0]  }
0x237: {  	v3 =	vmul.f32 v4, v3;
	v4 =	vld [tilespmem:s11+$0xFFFFFFF0]  }
0x238: {  	v8 =	vld [tilespmem:s11+$0xFFFFFFA0]  }
0x239: {  	v1 =	vmul.f32 v6, v1;
	v6 =	vld [tilespmem:s15+$0xFFFFFFF0]  }
0x23a: {  	v9 =	vld [tilespmem:s15+$0xFFFFFE60]  }
0x23b: {  	v10 =	vld [tilespmem:s15+$0xFFFFFEE0]  }
0x23c: {  	v11 =	vld [tilespmem:s15+$0xFFFFFF60];
	v2 =	vmul.f32 v4, v2  }
0x23d: {  	v4 =	vmul.f32 v8, v7;
	v7 =	vld [tilespmem:s9+$0xFFFFFF40]  }
0x23e: {  	v2 =	vadd.f32 v2, v6;
	v6 =	vld [tilespmem:s13+$0xFFFFFFC0];
	s13 =	smov.u32 s11  }
0x23f: {  	v3 =	vadd.f32 v3, v9;
	v8 =	vld [tilespmem:s9+$0xFFFFFE80]  }
0x240: {  	v1 =	vadd.f32 v1, v10;
	v2 =	vmax.f32 v2, $0.0e+00;
	v9 =	vld [tilespmem:s9+$0xFFFFFF00]  }
0x241: {  	v3 =	vmax.f32 v3, $0.0e+00;
	v4 =	vadd.f32 v4, v11;
	[tilespmem:s10+$0xFFFFFFF0] =	vst v2;
	v2 =	vld [tilespmem:s9+$0xFFFFFF80];
	s9 =	smov.u32 s15  }
0x242: {  	[tilespmem:s10+$0xFFFFFF20] =	vst v3;
	v1 =	vmax.f32 v1, $0.0e+00;
	v3 =	vld [tilespmem:s15+$0xFFFFFFC0]  }
0x243: {  	[tilespmem:s10+$0xFFFFFF60] =	vst v1;
	v1 =	vmax.f32 v4, $0.0e+00;
	v4 =	vld [tilespmem:s11+$0x0];
	v6 =	vmul.f32 v6, v7  }
0x244: {  	v7 =	vld [tilespmem:s15+$0xFFFFFE30];
	[tilespmem:s10+$0xFFFFFFA0] =	vst v1;
	v1 =	vadd.f32 v5, v8  }
0x245: {  	v5 =	vld [tilespmem:s15+$0x0];
	v0 =	vadd.f32 v0, v9  }
0x246: {  	v8 =	vld [tilespmem:s11+$0xFFFFFF30];
	v1 =	vmax.f32 v1, $0.0e+00;
	v2 =	vadd.f32 v6, v2  }
0x247: {  	v6 =	vld [tilespmem:s15+$0xFFFFFEB0];
	[tilespmem:s12+$0xFFFFFF40] =	vst v1;
	v0 =	vmax.f32 v0, $0.0e+00  }
0x248: {  	v9 =	vld [tilespmem:s11+$0xFFFFFF70];
	v3 =	vmul.f32 v4, v3;
	[tilespmem:s12+$0xFFFFFF80] =	vst v0;
	v1 =	vmax.f32 v2, $0.0e+00  }
.Ltmp14:
0x249: {  	v0 =	vld [tilespmem:s15+$0xFFFFFF30];
	[tilespmem:s12+$0xFFFFFFC0] =	vst v1;
	s12 =	smov.u32 s10;
	(pc) =	sbr.rel @p0 .LBB2_18-.Ltmp14, $4  }
0x24a: {  	v1 =	vld [tilespmem:s11+$0xFFFFFFB0];
	v4 =	vadd.f32 v3, v5  }
0x24b: {  	v2 =	vld [tilespmem:s15+$0xFFFFFE70];
	v5 =	vmul.f32 v8, v7  }
0x24c: {  	v3 =	vld [tilespmem:s15+$0xFFFFFEF0];
	v7 =	vmax.f32 v4, $0.0e+00  }
0x24d: {  	s15 =	sadd.s32 $0x200, s15;
	v6 =	vmul.f32 v9, v6;
	v4 =	vld [tilespmem:s9+$0xFFFFFF70];
	[tilespmem:s10+$0x0] =	vst v7  }
0x24e: {  	_ =	sdelay $0x1  }
0x24f: {  	v2 =	vadd.f32 v5, v2;
	_ =	sdelay $0x1  }
0x250: {  	v2 =	vmax.f32 v2, $0.0e+00  }
0x251: {  	v0 =	vmul.f32 v1, v0;
	v55 =	vadd.f32 v6, v3;
	[tilespmem:s10+$0xFFFFFF30] =	vst v2  }
0x252: {  	v2 =	vld [tilespmem:s9+$0xFFFFFE40]  }
0x253: {  	v0 =	vadd.f32 v0, v4;
	v1 =	vmax.f32 v55, $0.0e+00;
	v56 =	vld [tilespmem:s13+$0xFFFFFF40]  }
0x254: {  	[tilespmem:s10+$0xFFFFFF70] =	vst v1;
	v61 =	vld [tilespmem:s9+$0xFFFFFE80]  }
0x255: {  	v0 =	vmax.f32 v0, $0.0e+00;
	v57 =	vld [tilespmem:s9+$0xFFFFFEC0]  }
0x256: {  	[tilespmem:s10+$0xFFFFFFB0] =	vst v0;
	v58 =	vld [tilespmem:s13+$0xFFFFFF80]  }
0x257: {  	v59 =	vld [tilespmem:s9+$0xFFFFFF40]  }
0x258: {  	v60 =	vld [tilespmem:s13+$0xFFFFFFC0]  }
0x259: {  	v7 =	vld [tilespmem:s9+$0xFFFFFF00]  }
0x25a: {  	v8 =	vld [tilespmem:s9+$0xFFFFFF80]  }
0x25b: {  	v1 =	vmul.f32 v56, v2  }
0x25c: {  	v0 =	vmul.f32 v58, v57  }
0x25d: {  	v62 =	vmul.f32 v60, v59;
	v1 =	vadd.f32 v1, v61  }
0x25e: {  	v0 =	vadd.f32 v0, v7  }
0x25f: {  	v1 =	vmax.f32 v1, $0.0e+00;
	v2 =	vadd.f32 v62, v8  }
0x260: {  	[tilespmem:s12+$0xFFFFFF40] =	vst v1;
	v0 =	vmax.f32 v0, $0.0e+00  }
0x261: {  	p0 =	sgt.u32 s21, $0x3C;
	s11 =	smul.u32 $0x140, s23;
	[tilespmem:s12+$0xFFFFFF80] =	vst v0;
	v63 =	vmax.f32 v2, $0.0e+00  }
0x262: {  	s4 =	sadd.s32 @!p0 $0xF0, s22;
	s10 =	simm.s32 @!p0 $0x6220;
	s9 =	simm.s32 @!p0 $0x50;
	[tilespmem:s12+$0xFFFFFFC0] =	vst v63  }
0x263: {  	[tilespmem:s10], [sflag:$0x2] =	stream.indirect.gather @!p0 [hbm4b:s6+s9], $0x40, s4, s9, $0xb8;
	[tilespmem:$0x18E20] =	vst v63  }
.Ltmp15:
0x264: {  	_ = 	snop;
	(pc) =	sbr.rel .LBB2_20-.Ltmp15, $4  }
0x265: {  	s23 =	sshra.s32 s11, $0x2;
	s4 =	sadd.s32 @!p0 $0x2800, s22;
	s10 =	simm.s32 @!p0 $0x9E20  }
0x266: {  	[tilespmem:s10], [sflag:$0x4] =	stream.indirect.gather @!p0 [hbm4b:s7+s9], $0x80, s4, s9, $0xb8;
	[tilespmem:$0x18E20] =	vst v63  }
0x267: {  	s4 =	sadd.s32 $0x2710, s23  }
0x268: {  	[spmem:s3] =	stream.indirect.scatter.add.f32 [tilespmem:s2], [sflag:$0x6], $0x40, s4, s18, $0xb8;
	[tilespmem:$0x18E20] =	vst v63  }
.LBB2_22:
0x269: {  	_ =	sfence.sel $0x180000  }
0x26a: {  	[bflag:$0x0] =	sbarrier.arrive $0xFFFF  }
0x26b: {  	_ =	strace $0x9000004A  }
0x26c: {  	s0 =	stileid.u32;
	[bflag:$0x2] =	sbarrier.arrive $0xFFFF  }
0x26d: {  	p0 =	sne.s32 s0, $0x0;
	s0 =	rddreg [dreg:$0x3]  }
0x26e: {  	s0 =	sadd.s32 @!p0 $0x100000, s0  }
0x26f: {  	[sflag:s0] =	ssyncadd.tile.s32 @!p0 $0x1;
	_ =	shalt  }
.Lfunc_end2:
_tile_overlayer_lowered:
.L_overlay_start_2:
0x270: {  	(tag) =	ssettag $0x2  }
0x271: {  	s0 =	rddreg [dreg:$0x0];
	s2 =	stileid.u32  }
0x272: {  	s1 =	rddreg [dreg:$0x1];
	p0 =	sne.s32 s2, $0x0  }
0x273: {  	s3 =	rddreg [dreg:$0x2];
	[bflag:$0x3] =	sbarrier.arrive $0xFFFF;
	s2 =	simm.s32 @!p0 $0x1C07  }
0x274: {  	[timem:s3], [sflag:s2] =	dma.local @!p0 [hbm:s0], s1  }
0x275: {  	s0 =	simm.s32 @!p0 $0x7  }
0x276: {  	_ =	swait.ge @!p0 [sflag:s0], s1  }
0x277: {  	s1 =	ssub.s32 @!p0 $0x0, s1;
	[sflag:s0] =	ssyncset.done @!p0 $0x0  }
0x278: {  	[sflag:s0] =	ssyncadd.s32 @!p0 s1  }
0x279: {  	[bflag:$0x3] =	sbarrier.arrive $0xFFFF  }
0x27a: {  	_ =	shalt  }

// kernel: kernel.17.cloned.1.call-start
scs
__scs_entry_jumppad:
0x0: {  	(pc) =	sbr.rel $0x88, $3  }
0x1: {  	(tag) =	ssettag $0x0;
	lr =	simm.s32 $0x1  }
0x2: {  	[smem:$0x3F8C] =	sst lr;
	_ =	strace $0xD0000000  }
0x3: {  	_ = 	snop  }
0x4: {  	_ = 	snop  }
0x5: {  	_ = 	snop  }
0x6: {  	_ = 	snop  }
0x7: {  	_ = 	snop  }
__scs_overlays_trampoline_lowered:
0x8: {  	[smem:$0x3F9B] =	sst s0  }
0x9: {  	[smem:$0x3F9C] =	sst s1  }
0xa: {  	[smem:$0x3F9D] =	sst s2  }
0xb: {  	[smem:$0x3F9E] =	sst s3  }
0xc: {  	[smem:$0x3F9F] =	sst s4  }
0xd: {  	[smem:$0x3FA0] =	sst s5  }
0xe: {  	[smem:$0x3FA1] =	sst s6  }
0xf: {  	[smem:$0x3FA2] =	sst s7  }
0x10: {  	[smem:$0x3FA3] =	sst s8  }
0x11: {  	[smem:$0x3FA4] =	sst s9;
	s0 =	simm.s32 @!p0 $0x0  }
0x12: {  	s1 =	sld [smem:$0x3F8A];
	s0 =	simm.s32 @p0 $0x1  }
0x13: {  	[smem:$0x3FA5] =	sst s0;
	s0 =	simm.s32 @!p1 $0x0  }
0x14: {  	s2 =	sld [smem:$0x3F89];
	s0 =	simm.s32 @p1 $0x1  }
0x15: {  	[smem:$0x3FA6] =	sst s0;
	s0 =	simm.s32 @!p2 $0x0  }
0x16: {  	s3 =	sld [smem:$0x3FDB];
	s0 =	simm.s32 @p2 $0x1  }
0x17: {  	s4 =	simm.s32 $0x1BF5;
	[smem:$0x3FA8] =	sst s0  }
0x18: {  	s0 =	sld [smem:$0x3F8B];
	_ =	swait.ge [sflag:s4], $0x0  }
0x19: {  	s7 =	sld [smem:$0x3F8C]  }
0x1a: {  	s8 =	sadd.s32 $0xFFFFE003, lr  }
0x1b: {  	s9 =	sadd.s32 $0xFFFFFEF7, lr;
	s5 =	simm.s32 $0xFFFFFFFF;
	p2 =	slt.u32 s8, $0xFFFFF086  }
0x1c: {  	p1 =	slt.u32 s9, $0xF7A;
	s5 =	simm.s32 @!p2 $0x0  }
0x1d: {  	s5 =	simm.s32 @p1 $0x1;
	p0 =	seq.s32 s7, s2  }
0x1e: {  	s7 =	smul.u32 @!p0 $0xF7A, s2;
	p2 =	seq.s32 @!p0 s5, $0x0  }
0x1f: {  	s9 =	smul.u32 $0xF7A, s1;
	s8 =	simm.s32 @!p0 $0x1BF5;
	p2 =	por !p2, p0  }
0x20: {  	[sflag:s8] =	ssyncset.s32 @!p0 $0xFFFFF086;
	s6 =	sadd.s32 @!p0 s3, s7;
	s7 =	simm.s32 @!p0 $0x108  }
0x21: {  	s3 =	sadd.s32 s3, s9;
	s6 =	sadd.s32 @!p0 $0x88, s6;
	s7 =	simm.s32 @p2 $0x1082  }
0x22: {  	[simem:s7], [sflag:s8] =	dma.local @!p0 [hbm:s6], $0xF7A  }
0x23: {  	s9 =	sor.u32 $0xD0000000, s2;
	s6 =	simm.s32 $0x108;
	_ =	swait.ge @!p0 [sflag:s8], $0x0  }
0x24: {  	s3 =	sadd.s32 $0x88, s3;
	s6 =	simm.s32 @!p1 $0x1082;
	[sflag:s4] =	ssyncset.s32 $0xFFFFF086  }
0x25: {  	[simem:s6], [sflag:s4] =	dma.local [hbm:s3], $0xF7A  }
0x26: {  	[smem:$0x3F8C] =	sst s1;
	(tag) =	ssettag s2;
	_ =	strace s9  }
0x27: {  	s1 =	sld [smem:$0x3F9C]  }
0x28: {  	s2 =	sld [smem:$0x3F9D]  }
0x29: {  	s4 =	sld [smem:$0x3F9F]  }
0x2a: {  	p0 =	seq.s32 s5, $0x0;
	s5 =	sld [smem:$0x3FA0]  }
0x2b: {  	s6 =	sld [smem:$0x3FA1]  }
0x2c: {  	s7 =	sld [smem:$0x3FA2]  }
0x2d: {  	s3 =	simm.s32 $0x108;
	s8 =	sld [smem:$0x3FA3]  }
0x2e: {  	s3 =	simm.s32 @!p0 $0x1082;
	s9 =	sld [smem:$0x3FA4]  }
0x2f: {  	lr =	sadd.s32 s0, s3;
	s0 =	sld [smem:$0x3F9B]  }
0x30: {  	s3 =	sld [smem:$0x3F9E]  }
0x31: {  	[smem:$0x3FA7] =	sst s10  }
0x32: {  	s10 =	sld [smem:$0x3FA5];
	_ =	sdelay $0x3  }
0x33: {  	p0 =	seq.s32 s10, $0x1;
	s10 =	sld [smem:$0x3FA7];
	_ =	sdelay $0x3  }
0x34: {  	[smem:$0x3FA7] =	sst s10  }
0x35: {  	s10 =	sld [smem:$0x3FA6];
	_ =	sdelay $0x3  }
0x36: {  	p1 =	seq.s32 s10, $0x1;
	s10 =	sld [smem:$0x3FA7];
	_ =	sdelay $0x3  }
0x37: {  	[smem:$0x3FA7] =	sst s10  }
0x38: {  	s10 =	sld [smem:$0x3FA8]  }
0x39: {  	_ = 	snop;
	(pc) =	sbr.ind lr, $3  }
0x3a: {  	_ = 	snop  }
0x3b: {  	_ = 	snop  }
0x3c: {  	p2 =	seq.s32 s10, $0x1;
	s10 =	sld [smem:$0x3FA7]  }
0x3d: {  	_ =	shalt  }
0x3e: {  	_ =	shalt  }
0x3f: {  	_ =	shalt  }
0x40: {  	_ =	shalt  }
0x41: {  	_ =	shalt  }
0x42: {  	_ =	shalt  }
0x43: {  	_ =	shalt  }
0x44: {  	_ =	shalt  }
0x45: {  	_ =	shalt  }
0x46: {  	_ =	shalt  }
0x47: {  	_ =	shalt  }
0x48: {  	_ =	shalt  }
0x49: {  	_ =	shalt  }
0x4a: {  	_ =	shalt  }
0x4b: {  	_ =	shalt  }
0x4c: {  	_ =	shalt  }
0x4d: {  	_ =	shalt  }
0x4e: {  	_ =	shalt  }
0x4f: {  	_ =	shalt  }
0x50: {  	_ =	shalt  }
0x51: {  	_ =	shalt  }
0x52: {  	_ =	shalt  }
0x53: {  	_ =	shalt  }
0x54: {  	_ =	shalt  }
0x55: {  	_ =	shalt  }
0x56: {  	_ =	shalt  }
0x57: {  	_ =	shalt  }
0x58: {  	_ =	shalt  }
0x59: {  	_ =	shalt  }
0x5a: {  	_ =	shalt  }
0x5b: {  	_ =	shalt  }
0x5c: {  	_ =	shalt  }
0x5d: {  	_ =	shalt  }
0x5e: {  	_ =	shalt  }
0x5f: {  	_ =	shalt  }
0x60: {  	_ =	shalt  }
0x61: {  	_ =	shalt  }
0x62: {  	_ =	shalt  }
0x63: {  	_ =	shalt  }
0x64: {  	_ =	shalt  }
0x65: {  	_ =	shalt  }
0x66: {  	_ =	shalt  }
0x67: {  	_ =	shalt  }
0x68: {  	_ =	shalt  }
0x69: {  	_ =	shalt  }
0x6a: {  	_ =	shalt  }
0x6b: {  	_ =	shalt  }
0x6c: {  	_ =	shalt  }
0x6d: {  	_ =	shalt  }
0x6e: {  	_ =	shalt  }
0x6f: {  	_ =	shalt  }
0x70: {  	_ =	shalt  }
0x71: {  	_ =	shalt  }
0x72: {  	_ =	shalt  }
0x73: {  	_ =	shalt  }
0x74: {  	_ =	shalt  }
0x75: {  	_ =	shalt  }
0x76: {  	_ =	shalt  }
0x77: {  	_ =	shalt  }
0x78: {  	_ =	shalt  }
0x79: {  	_ =	shalt  }
0x7a: {  	_ =	shalt  }
0x7b: {  	_ =	shalt  }
0x7c: {  	_ =	shalt  }
0x7d: {  	_ =	shalt  }
0x7e: {  	_ =	shalt  }
0x7f: {  	_ =	shalt  }
0x80: {  	_ =	shalt  }
0x81: {  	_ =	shalt  }
0x82: {  	_ =	shalt  }
0x83: {  	_ =	shalt  }
0x84: {  	_ =	shalt  }
0x85: {  	_ =	shalt  }
0x86: {  	_ =	shalt  }
0x87: {  	_ =	shalt  }
.Lfunc_end0:
.L_simem_size_0:
called_computation.2_lowered:
.L_overlay_start_0:
0x88: {  	s2 =	sld [smem:$0x3FD9]  }
0x89: {  	s3 =	sld [smem:$0x3FFE];
	_ =	sdelay $0x1  }
0x8a: {  	s1 =	srdreg.scid  }
0x8b: {  	s0 =	sand.u32 $0x1, s1  }
0x8c: {  	s17 =	sshll.u32 s0, $0xA;
	s2 =	sadd.s32 s3, s2  }
0x8d: {  	s2 =	sadd.s32 s2, s17  }
0x8e: {  	[smem:$0x3FB3] =	sst s2  }
0x8f: {  	_ = 	snop  }
0x90: {  	s2 =	sld [smem:$0x3FD0];
	(tm) =	ssettm $0x1  }
0x91: {  	s18 =	sld [smem:$0x3FFB];
	_ =	sdelay $0x3  }
0x92: {  	_ =	strace s18  }
0x93: {  	s3 =	sld [smem:$0x3FFC];
	_ =	sdelay $0x3  }
0x94: {  	_ =	strace s3  }
0x95: {  	s3 =	sld [smem:$0x3FFD];
	_ =	sdelay $0x3  }
0x96: {  	_ =	strace s3  }
0x97: {  	_ =	strace $0x8FFFFFFF  }
0x98: {  	s19 =	sld [smem:$0x3FDB];
	_ =	sdelay $0x1  }
0x99: {  	s4 =	simm.s32 $_scs_section_size  }
0x9a: {  	s5 =	simm.s32 $_size__tile_overlayer_lowered;
	s6 =	simm.s32 $_tile_overlayer_lowered  }
0x9b: {  	s22 =	simm.s32 $0x1BFF;
	s21 =	sshll.u32 s6, $0x1;
	s3 =	sadd.s32 s4, s19  }
0x9c: {  	s7 =	simm.s32 $0x0;
	s20 =	sshll.u32 s5, $0x1;
	s5 =	sadd.s32 s21, s3  }
0x9d: {  	[timem:s7], [sflag:s22] =	dma.local [hbm:s5], s20  }
0x9e: {  	_ =	swait.ge [sflag:s22], s20  }
0x9f: {  	s4 =	ssub.s32 $0x0, s20;
	[sflag:s22] =	ssyncset.done $0x0  }
0xa0: {  	[sflag:s22] =	ssyncadd.s32 s4;
	_ =	sdelay $0x1  }
0xa1: {  	s23 =	simm.s32 $0x1B8B  }
0xa2: {  	_ =	swait.ge [sflag:s23], $0x1  }
0xa3: {  	[sflag:s23] =	ssyncset.done $0x0  }
0xa4: {  	s25 =	simm.s32 $0x1B8E;
	s24 =	sld [smem:$0x3FFE];
	[sflag:s23] =	ssyncadd.s32 $0xFFFFFFFF  }
0xa5: {  	s26 =	simm.s32 $execute0_lowered;
	[smem:$0x3FD2] =	sst s25  }
0xa6: {  	s5 =	sshll.u32 s26, $0x1;
	_ =	strace $0x8000004C;
	[dreg:$0x1] =	wrdreg $0xFFFFFFFF  }
0xa7: {  	s28 =	simm.s32 $_size_execute0_lowered;
	s3 =	sadd.s32 s3, s5;
	[dreg:$0x0] =	wrdreg $0x0  }
0xa8: {  	s5 =	sshll.u32 s28, $0x1;
	[dreg:$0x2] =	wrdreg s3  }
0xa9: {  	[dreg:$0x3] =	wrdreg s5  }
0xaa: {  	[dreg:$0x4] =	wrdreg $0xC0  }
0xab: {  	_ =	task [dreg:s7], $0x5FFFF  }
0xac: {  	[dreg:$0x1] =	wrdreg $0xFFFFFFFF  }
0xad: {  	[dreg:$0x0] =	wrdreg $0x60  }
0xae: {  	[dreg:$0x2] =	wrdreg s2  }
0xaf: {  	[dreg:$0x3] =	wrdreg s24  }
0xb0: {  	[dreg:$0x4] =	wrdreg $0x9E200  }
0xb1: {  	[dreg:$0x5] =	wrdreg $0x9  }
0xb2: {  	_ =	task.clear_ibuf [dreg:s7], $0x6FFFF;
	_ =	strace $0x9000004C  }
0xb3: {  	s29 =	simm.s32 $0x9;
	_ =	strace $0x8000004E  }
0xb4: {  	_ =	swait.ge [sflag:s29], $0x1  }
0xb5: {  	[sflag:s29] =	ssyncadd.s32 $0xFFFFFFFF  }
0xb6: {  	_ =	strace $0x9000004E  }
0xb7: {  	_ =	sfence  }
0xb8: {  	s30 =	sld [smem:$0x0];
	_ =	sdelay $0x2  }
0xb9: {  	s31 =	sshll.u32 s1, $0xD;
	s1 =	sshrl.u32 s1, $0x2  }
0xba: {  	s3 =	sand.u32 $0x4000, s31;
	s1 =	sadd.s32 s1, s30  }
0xbb: {  	s0 =	sor.u32 s3, s0;
	s1 =	sshll.u32 s1, $0x11  }
0xbc: {  	s0 =	sor.u32 s1, s0  }
0xbd: {  	s0 =	sadd.s32 $0x8F2B, s0  }
0xbe: {  	[sflag:s0] =	ssyncadd.remote.s32 $0x1  }
0xbf: {  	_ =	sfence.sel $0xFFFF  }
0xc0: {  	[dreg:$0x0] =	wrdreg $0xFFFFFFFF;
	(pc) =	sbr.abs _section_cstart, $3  }
0xc1: {  	[dreg:$0x1] =	wrdreg $0xFFFFFFFF  }
0xc2: {  	_ =	task.clear_ibuf [dreg:s7], $0x2FFFF;
	_ =	strace $0x9FFFFFFF  }
0xc3: {  	(tm) =	ssettm $0x7FFFFFFF  }
tec
execute0_lowered:
.L_overlay_start_1:
0x0: {  	(tag) =	ssettag $0x1  }
0x1: {  	s2 =	rddreg [dreg:$0x0]  }
0x2: {  	s6 =	rddreg [dreg:$0x1]  }
0x3: {  	s0 =	srdreg.scid;
	s3 =	rddreg [dreg:$0x2]  }
0x4: {  	s1 =	stileid.u32;
	s4 =	simm.s32 $0x0;
	s14 =	simm.s32 $0x50  }
0x5: {  	s15 =	simm.s32 $0x4E20;
	s16 =	simm.s32 $0x1;
	s17 =	simm.s32 $0x7620  }
0x6: {  	s18 =	simm.s32 $0x2;
	s19 =	simm.s32 $0x2760;
	s20 =	simm.s32 $0x3  }
0x7: {  	s21 =	simm.s32 $0xA0;
	s22 =	simm.s32 $0x4;
	s23 =	simm.s32 $0x0  }
0x8: {  	s5 =	sand.u32 $0x1, s0;
	s0 =	rddreg [dreg:$0x3];
	s8 =	smul.u32 $0x14000, s1  }
0x9: {  	[smem:$0x7FF] =	sst s4;
	s31 =	sshll.u32 s1, $0x6;
	s7 =	sshll.u32 s5, $0x4  }
0xa: {  	s9 =	smul.u32 $0x140000, s5;
	_ =	strace $0x8000004D;
	s7 =	sor.u32 s1, s7  }
0xb: {  	s29 =	ssub.s32 $0x2, s5;
	s5 =	sadd.s32 $0x54600, s6;
	s7 =	smul.u32 $0x4E2, s7  }
0xc: {  	s30 =	sshrl.u32 s29, $0x1;
	s13 =	sadd.s32 s8, s3;
	s9 =	sadd.s32 s8, s9  }
0xd: {  	s12 =	ssub.s32 s29, s30;
	s28 =	sshrl.u32 s9, $0x3;
	s10 =	sadd.s32 s7, s6  }
0xe: {  	s11 =	sadd.s32 s28, s6;
	s6 =	sor.u32 $0x1C05, s31;
	s7 =	sadd.s32 $0x85A00, s10  }
0xf: {  	s8 =	sadd.s32 $0x7BC00, s10;
	s9 =	sadd.s32 $0x8F800, s11;
	s10 =	smax.u32 s12, $0x1  }
0x10: {  	s11 =	sshrl.u32 s13, $0x3;
	s12 =	simm.s32 $0x5;
	s13 =	simm.s32 $0x2710  }
.LBB2_1:
0x11: {  	[spmem:s11], [sflag:s6] =	dma.local [hbm:s5], $0x2800  }
0x12: {  	_ =	swait.ge [sflag:s12], $0x2800  }
0x13: {  	[sflag:s12] =	ssyncset.done $0x0  }
0x14: {  	[sflag:s12] =	ssyncadd.s32 $0xFFFFD800  }
0x15: {  	[tilespmem:s4], [sflag:$0x5] =	stream.linear.gather [hbm4b:s7+s4], $0x2710, $0x38;
	[tilespmem:$0x1DE20] =	vst v63  }
0x16: {  	_ =	swait.ge [sflag:s12], $0x2710  }
0x17: {  	[sflag:s12] =	ssyncset.done $0x0  }
0x18: {  	[sflag:s12] =	ssyncadd.s32 $0xFFFFD8F0  }
0x19: {  	[tilespmem:s13], [sflag:$0x5] =	stream.linear.gather [hbm4b:s8+s4], $0x2710, $0x38;
	[tilespmem:$0x1DE20] =	vst v63  }
0x1a: {  	_ =	swait.ge [sflag:s12], $0x2710  }
0x1b: {  	[sflag:s12] =	ssyncset.done $0x0  }
0x1c: {  	[sflag:s12] =	ssyncadd.s32 $0xFFFFD8F0  }
0x1d: {  	[bflag:$0x0] =	sbarrier.arrive $0xFFFF  }
0x1e: {  	[tilespmem:s15], [sflag:$0x1] =	stream.indirect.gather [hbm4b:s2+s14], $0x80, s4, s14, $0xb8;
	[tilespmem:$0x1DE20] =	vst v63  }
0x1f: {  	_ =	swait.ge [sflag:s16], $0x2800  }
0x20: {  	[sflag:s16] =	ssyncset.done $0x0  }
0x21: {  	[sflag:s16] =	ssyncadd.s32 $0xFFFFD800  }
0x22: {  	[spmem:s3] =	stream.indirect.scatter.add.f32 [tilespmem:s15], [sflag:$0x3], $0x80, s13, s14, $0xb8;
	[tilespmem:$0x1DE20] =	vst v63  }
0x23: {  	_ = 	snop  }
0x24: {  	[tilespmem:s17], [sflag:$0x2] =	stream.indirect.gather [hbm4b:s2+s14], $0x80, s14, s14, $0xb8;
	[tilespmem:$0x1DE20] =	vst v63  }
0x25: {  	_ =	swait.ge [sflag:s18], $0x2800  }
0x26: {  	[sflag:s18] =	ssyncset.done $0x0  }
0x27: {  	[sflag:s18] =	ssyncadd.s32 $0xFFFFD800  }
0x28: {  	[spmem:s3] =	stream.indirect.scatter.add.f32 [tilespmem:s17], [sflag:$0x4], $0x80, s19, s14, $0xb8;
	[tilespmem:$0x1DE20] =	vst v63  }
0x29: {  	_ =	swait.ge [sflag:s20], $0x2800  }
0x2a: {  	[sflag:s20] =	ssyncset.done $0x0  }
0x2b: {  	[sflag:s20] =	ssyncadd.s32 $0xFFFFD800  }
0x2c: {  	[tilespmem:s15], [sflag:$0x1] =	stream.indirect.gather [hbm4b:s2+s14], $0x80, s21, s14, $0xb8;
	[tilespmem:$0x1DE20] =	vst v63  }
0x2d: {  	_ =	swait.ge [sflag:s16], $0x2800  }
0x2e: {  	[sflag:s16] =	ssyncset.done $0x0  }
0x2f: {  	s24 =	simm.s32 $0x27B0;
	[sflag:s16] =	ssyncadd.s32 $0xFFFFD800  }
0x30: {  	[spmem:s3] =	stream.indirect.scatter.add.f32 [tilespmem:s15], [sflag:$0x3], $0x80, s24, s14, $0xb8;
	[tilespmem:$0x1DE20] =	vst v63  }
0x31: {  	_ =	swait.ge [sflag:s22], $0x2800  }
0x32: {  	[sflag:s22] =	ssyncset.done $0x0  }
0x33: {  	s30 =	simm.s32 $0xF0;
	[sflag:s22] =	ssyncadd.s32 $0xFFFFD800  }
0x34: {  	[tilespmem:s17], [sflag:$0x2] =	stream.indirect.gather [hbm4b:s2+s14], $0x80, s30, s14, $0xb8;
	[tilespmem:$0x1DE20] =	vst v63  }
0x35: {  	_ =	swait.ge [sflag:s18], $0x2800  }
0x36: {  	[sflag:s18] =	ssyncset.done $0x0  }
0x37: {  	s31 =	simm.s32 $0x2800;
	[sflag:s18] =	ssyncadd.s32 $0xFFFFD800  }
0x38: {  	[spmem:s3] =	stream.indirect.scatter.add.f32 [tilespmem:s17], [sflag:$0x4], $0x80, s31, s14, $0xb8;
	[tilespmem:$0x1DE20] =	vst v63  }
0x39: {  	_ =	swait.ge [sflag:s20], $0x2800  }
0x3a: {  	[sflag:s20] =	ssyncset.done $0x0  }
0x3b: {  	s25 =	simm.s32 $0x140;
	s24 =	simm.s32 $0xFFFF6A00;
	[sflag:s20] =	ssyncadd.s32 $0xFFFFD800  }
.LBB2_2:
0x3c: {  	[tilespmem:s15], [sflag:$0x1] =	stream.indirect.gather [hbm4b:s2+s14], $0x80, s25, s14, $0xb8;
	[tilespmem:$0x1DE20] =	vst v63  }
0x3d: {  	s25 =	smov.u32 s24;
	s24 =	sadd.s32 $0x280, s24;
	_ =	swait.ge [sflag:s16], $0x2800  }
0x3e: {  	s25 =	sshra.s32 s25, $0x2;
	p0 =	sne.s32 s24, $0x0;
	[sflag:s16] =	ssyncset.done $0x0  }
0x3f: {  	s26 =	sadd.s32 $0x4DD0, s25;
	[sflag:s16] =	ssyncadd.s32 $0xFFFFD800  }
0x40: {  	[spmem:s3] =	stream.indirect.scatter.add.f32 [tilespmem:s15], [sflag:$0x3], $0x80, s26, s14, $0xb8;
	[tilespmem:$0x1DE20] =	vst v63  }
0x41: {  	_ =	swait.ge [sflag:s22], $0x2800  }
0x42: {  	[sflag:s22] =	ssyncset.done $0x0  }
0x43: {  	s26 =	sadd.s32 $0x2710, s25;
	[sflag:s22] =	ssyncadd.s32 $0xFFFFD800  }
0x44: {  	[tilespmem:s17], [sflag:$0x2] =	stream.indirect.gather [hbm4b:s2+s14], $0x80, s26, s14, $0xb8;
	[tilespmem:$0x1DE20] =	vst v63  }
0x45: {  	_ =	swait.ge [sflag:s18], $0x2800  }
0x46: {  	[sflag:s18] =	ssyncset.done $0x0  }
.Ltmp0:
0x47: {  	s26 =	sadd.s32 $0x4E20, s25;
	[sflag:s18] =	ssyncadd.s32 $0xFFFFD800;
	(pc) =	sbr.rel @p0 .LBB2_2-.Ltmp0, $4  }
0x48: {  	[spmem:s3] =	stream.indirect.scatter.add.f32 [tilespmem:s17], [sflag:$0x4], $0x80, s26, s14, $0xb8;
	[tilespmem:$0x1DE20] =	vst v63  }
0x49: {  	_ =	swait.ge [sflag:s20], $0x2800  }
0x4a: {  	[sflag:s20] =	ssyncset.done $0x0  }
0x4b: {  	s25 =	sadd.s32 $0x2760, s25;
	[sflag:s20] =	ssyncadd.s32 $0xFFFFD800  }
0x4c: {  	[tilespmem:s15], [sflag:$0x1] =	stream.indirect.gather [hbm4b:s2+s14], $0x80, s25, s14, $0xb8;
	[tilespmem:$0x1DE20] =	vst v63  }
0x4d: {  	_ =	swait.ge [sflag:s16], $0x2800  }
0x4e: {  	s24 =	sshra.s32 s24, $0x2;
	[sflag:s16] =	ssyncset.done $0x0  }
0x4f: {  	s24 =	sadd.s32 $0x4DD0, s24;
	[sflag:s16] =	ssyncadd.s32 $0xFFFFD800  }
0x50: {  	[spmem:s3] =	stream.indirect.scatter.add.f32 [tilespmem:s15], [sflag:$0x3], $0x80, s24, s14, $0xb8;
	[tilespmem:$0x1DE20] =	vst v63  }
0x51: {  	_ =	swait.ge [sflag:s20], $0x2800  }
0x52: {  	[sflag:s20] =	ssyncset.done $0x0  }
0x53: {  	[sflag:s20] =	ssyncadd.s32 $0xFFFFD800  }
0x54: {  	_ =	swait.ge [sflag:s22], $0x2800  }
0x55: {  	s23 =	sadd.s32 $0x1, s23;
	[sflag:s22] =	ssyncset.done $0x0  }
0x56: {  	p0 =	sne.s32 s23, s10;
	[sflag:s22] =	ssyncadd.s32 $0xFFFFD800  }
.Ltmp1:
0x57: {  	[bflag:$0x0] =	sbarrier.arrive $0xFFFF;
	(pc) =	sbr.rel @p0 .LBB2_1-.Ltmp1, $4  }
0x58: {  	[hbm:s9], [sflag:s6] =	dma.local [spmem:s11], $0x2800  }
0x59: {  	_ =	swait.ge [sflag:s12], $0x2800  }
0x5a: {  	[sflag:s12] =	ssyncset.done $0x0  }
0x5b: {  	[sflag:s12] =	ssyncadd.s32 $0xFFFFD800  }
0x5c: {  	_ =	sfence.sel $0x180000  }
0x5d: {  	[bflag:$0x0] =	sbarrier.arrive $0xFFFF  }
0x5e: {  	p0 =	sne.s32 s1, $0x0;
	_ =	strace $0x9000004D  }
0x5f: {  	s0 =	sadd.s32 @!p0 $0x100000, s0;
	[bflag:$0x2] =	sbarrier.arrive $0xFFFF  }
0x60: {  	[sflag:s0] =	ssyncadd.tile.s32 @!p0 $0x1;
	_ =	shalt  }
.Lfunc_end2:
_tile_overlayer_lowered:
.L_overlay_start_2:
0x61: {  	(tag) =	ssettag $0x2  }
0x62: {  	s0 =	rddreg [dreg:$0x0];
	s2 =	stileid.u32  }
0x63: {  	s1 =	rddreg [dreg:$0x1];
	p0 =	sne.s32 s2, $0x0  }
0x64: {  	s3 =	rddreg [dreg:$0x2];
	[bflag:$0x3] =	sbarrier.arrive $0xFFFF;
	s2 =	simm.s32 @!p0 $0x1C05  }
0x65: {  	[timem:s3], [sflag:s2] =	dma.local @!p0 [hbm:s0], s1  }
0x66: {  	s0 =	simm.s32 @!p0 $0x5  }
0x67: {  	_ =	swait.ge @!p0 [sflag:s0], s1  }
0x68: {  	s1 =	ssub.s32 @!p0 $0x0, s1;
	[sflag:s0] =	ssyncset.done @!p0 $0x0  }
0x69: {  	[sflag:s0] =	ssyncadd.s32 @!p0 s1  }
0x6a: {  	[bflag:$0x3] =	sbarrier.arrive $0xFFFF  }
0x6b: {  	_ =	shalt  }

</sc_bundles>
